<compile_context>
chip_gen: v7x
topology: tpu7x:2x2x1
jax: 0.10.2.dev20260603
libtpu: 0.0.44.dev20260713+nightly
codegen_flags: <defaults>
</compile_context>

<pallas_src>
import jax
import jax.numpy as jnp
from jax import lax
from jax.experimental import pallas as pl
from jax.experimental.pallas import tpu as pltpu
from jax.experimental.pallas import tpu_sc as plsc

B = 16384
C = 1000
NWORKERS = 32
ROWS_PER_W = B // NWORKERS
RB = 32
NBLK = ROWS_PER_W // RB
NPAIR = NBLK // 2
NFULL = 62
TAIL_OFF = C - 16
NEG = float("-inf")


def _sc_topk_body(logits_hbm, negs_hbm, buf0, buf1, negsbuf, sem0, sem1):
    lanes = lax.iota(jnp.int32, 16)
    wid = lax.axis_index("s") * 2 + lax.axis_index("c")
    row0 = wid * ROWS_PER_W

    def merge2(a, b):
        m = jnp.maximum(a, lax.rev(b, (0,)))
        return jnp.sort(m)

    def compute_block(buf, base):
        def rowfn(r, rc):
            stack = [None] * 7
            for i in range(NFULL + 1):
                if i < NFULL:
                    c = buf[r, pl.ds(16 * i, 16)]
                else:
                    c = jnp.where(lanes >= 8, buf[r, pl.ds(TAIL_OFF, 16)], NEG)
                cur = jnp.sort(c)
                k = 0
                while stack[k] is not None:
                    cur = merge2(stack[k], cur)
                    stack[k] = None
                    k += 1
                stack[k] = cur
            t16 = None
            for s in stack:
                if s is not None:
                    t16 = s if t16 is None else merge2(t16, s)
            negsbuf[pl.ds(r * 16, 16)] = t16
            return rc

        lax.fori_loop(0, RB, rowfn, 0)
        pltpu.sync_copy(negsbuf, negs_hbm.at[pl.ds(base * 16, RB * 16)])

    def copy_in(bi, buf, sem):
        base = row0 + bi * RB
        return pltpu.async_copy(logits_hbm.at[pl.ds(base, RB)], buf, sem)

    def wait_in(bi, buf, sem):
        base = row0 + bi * RB
        pltpu.make_async_copy(logits_hbm.at[pl.ds(base, RB)], buf, sem).wait()

    copy_in(0, buf0, sem0)

    def pair(pi, carry):
        bi0 = 2 * pi
        wait_in(bi0, buf0, sem0)
        copy_in(bi0 + 1, buf1, sem1)
        compute_block(buf0, row0 + bi0 * RB)
        wait_in(bi0 + 1, buf1, sem1)

        @pl.when(pi + 1 < NPAIR)
        def _():
            copy_in(bi0 + 2, buf0, sem0)

        compute_block(buf1, row0 + (bi0 + 1) * RB)
        return carry

    lax.fori_loop(0, NPAIR, pair, 0)


_sc_topk = pl.kernel(
    _sc_topk_body,
    out_type=jax.ShapeDtypeStruct((B * 16,), jnp.float32),
    mesh=plsc.VectorSubcoreMesh(core_axis_name="c", subcore_axis_name="s"),
    compiler_params=pltpu.CompilerParams(needs_layout_passes=False),
    scratch_types=[
        pltpu.VMEM((RB, C), jnp.float32),
        pltpu.VMEM((RB, C), jnp.float32),
        pltpu.VMEM((RB * 16,), jnp.float32),
        pltpu.SemaphoreType.DMA,
        pltpu.SemaphoreType.DMA,
    ],
)

POS_BLK = 1024
POS_GRID = B // POS_BLK


def _tc_pos_body(logits_ref, tgt_ref, out_ref):
    x = logits_ref[...]
    t = tgt_ref[...]
    col = lax.broadcasted_iota(jnp.int32, (POS_BLK, C), 1)
    out_ref[...] = jnp.max(jnp.where(col == t, x, NEG), axis=1, keepdims=True)


_tc_pos = pl.pallas_call(
    _tc_pos_body,
    grid=(POS_GRID,),
    in_specs=[
        pl.BlockSpec((POS_BLK, C), lambda i: (i, 0)),
        pl.BlockSpec((POS_BLK, 1), lambda i: (i, 0)),
    ],
    out_specs=pl.BlockSpec((POS_BLK, 1), lambda i: (i, 0)),
    out_shape=jax.ShapeDtypeStruct((B, 1), jnp.float32),
)

LB = 2048
LGRID = B // LB


def _tc_loss_body(negs_ref, pos_ref, out_ref):
    i = pl.program_id(0)
    t2 = negs_ref[...]
    p = pos_ref[...][:, 0]
    t16 = t2[:, 0]
    t15 = t2[:, 15]
    t14 = t2[:, 14]
    d9 = t2[:, 6]
    cnt_gt = jnp.sum((t2 > p[:, None]).astype(jnp.float32), axis=1)
    removal = p >= t16
    top1 = jnp.where(removal & (cnt_gt == 0.0), t14, t15)
    m = jnp.maximum(p, top1)
    lane = lax.broadcasted_iota(jnp.int32, (LB, 16), 1)
    e = jnp.where(lane >= 6, jnp.exp(10.0 * (t2 - m[:, None])), 0.0)
    sum10 = jnp.sum(e, axis=1)
    ep = jnp.exp(10.0 * (p - m))
    s = jnp.where(removal & (cnt_gt <= 9.0),
                  sum10,
                  sum10 - jnp.exp(10.0 * (d9 - m)) + ep)
    part = jnp.sum(jnp.log(s) + 10.0 * (m - p)) * (1.0 / B)
    part2d = jnp.full((1, 1), part, jnp.float32)

    @pl.when(i == 0)
    def _():
        out_ref[...] = part2d

    @pl.when(i > 0)
    def _():
        out_ref[...] += part2d


_tc_loss = pl.pallas_call(
    _tc_loss_body,
    grid=(LGRID,),
    in_specs=[
        pl.BlockSpec((LB, 16), lambda i: (i, 0)),
        pl.BlockSpec((LB, 1), lambda i: (i, 0)),
    ],
    out_specs=pl.BlockSpec((1, 1), lambda i: (0, 0)),
    out_shape=jax.ShapeDtypeStruct((1, 1), jnp.float32),
)


@jax.jit
def kernel(logits, targets):
    negs_flat = _sc_topk(logits)
    pos = _tc_pos(logits, targets.astype(jnp.int32).reshape(B, 1))
    loss = _tc_loss(negs_flat.reshape(B, 16), pos)
    return loss[0, 0]

# --- scband reference (transcript-rebuilt; emitter-appended) ---
"""Pipeline reference for scband-mmcl-78950088835454 (READ-ONLY COPY).

The authoritative reference and input builder live on the scoring server;
editing this copy changes nothing except your own understanding.
"""

import jax, jax.numpy as jnp
import numpy as np

DELTA = 5.0
R = 0.01


def setup_inputs(seed: int = 0) -> dict:
    key = jax.random.key(seed)
    k1, k2 = jax.random.split(key)
    logits = jax.random.normal(k1, (16384, 1000), dtype=jnp.float32)
    targets = jax.random.randint(k2, (16384,), 0, 1000)
    return {"logits": logits, "targets": targets}


def _mmcl(logits, targets):
    # multi_targets is None path: exactly one positive per row (one-hot of targets).
    B, C = logits.shape
    # neg_num = r * (#negatives per row) = r * (C - 1), truncated to int; same for all rows.
    K = int(R * (C - 1))
    # argsort of detached logits, descending
    argidx = jnp.argsort(-jax.lax.stop_gradient(logits), axis=1)

    def row_loss(logit, target, arg):
        # candidates: top K+1 sorted indices; at most one of them is the positive
        cand = arg[: K + 1]
        valid = cand != target
        # stable sort pushes the (at most one) positive index to the end,
        # preserving descending-logit order among negatives
        order = jnp.argsort(jnp.logical_not(valid))
        hn = cand[order][:K]
        pos_logit = logit[target]
        hn_logits = logit[hn]
        # hard_neg_logit = [positive, hard negatives]; cross_entropy(10*row, target=0)
        row = jnp.concatenate([pos_logit[None], hn_logits]) * 10.0
        return jax.nn.logsumexp(row) - row[0]

    losses = jax.vmap(row_loss)(logits, targets, argidx)
    return jnp.mean(losses)


def reference(logits, targets):
    return _mmcl(logits, targets)

if __name__ == "__main__":
    import jax
    _d = setup_inputs()
    print(jax.jit(kernel)(*tuple(_d.values())))

</pallas_src>

<mosaic_0001>
#map = affine_map<(d0, d1) -> (0, 0)>
#map1 = affine_map<(d0, d1) -> (0)>
module attributes {stable_mosaic.version = 14 : i64} {
  func.func @_sc_topk_body(%arg0: i32, %arg1: i32, %arg2: memref<16384x1000xf32, #tpu.memory_space<hbm>>, %arg3: memref<262144xf32, #tpu.memory_space<hbm>>, %arg4: memref<32x1000xf32, #tpu.memory_space<vmem>>, %arg5: memref<32x1000xf32, #tpu.memory_space<vmem>>, %arg6: memref<512xf32, #tpu.memory_space<vmem>>, %arg7: memref<!tpu.dma_semaphore, #tpu.memory_space<semaphore_mem>>, %arg8: memref<!tpu.dma_semaphore, #tpu.memory_space<semaphore_mem>>) attributes {dimension_semantics = [#tpu.dimension_semantics<core_parallel>, #tpu.dimension_semantics<subcore_parallel>], iteration_bounds = array<i64: 2, 16>, scalar_prefetch = 0 : i64, scratch_operands = 5 : i64, tpu.core_type = #tpu.core_type<sc_vector_subcore>, window_params = [{transform_indices = #map}, {transform_indices = #map1}]} {
    %iota3A = tpu.iota {dimensions = array<i32: 0>} : vector<16xi32>
    %mul3A = arith.constant 2 : i32
    %mul3A_0 = arith.muli %arg1, %mul3A : i32
    %add3A = arith.addi %mul3A_0, %arg0 : i32
    %mul3A_1 = arith.constant 512 : i32
    %mul3A_2 = arith.muli %add3A, %mul3A_1 : i32
    %add3A_3 = arith.constant 0 : i32
    %add3A_4 = arith.addi %mul3A_2, %add3A_3 : i32
    %dma_start3A = arith.constant 0 : i32
    %dma_start3A_5 = tpu.memref_slice %arg2[%add3A_4, %dma_start3A] : memref<16384x1000xf32, #tpu.memory_space<hbm>> -> memref<32x1000xf32, #tpu.memory_space<hbm>>
    %dma_start3A_6 = arith.constant 0 : i32
    %dma_start3A_7 = tpu.memref_slice %arg2[%add3A_4, %dma_start3A_6] : memref<16384x1000xf32, #tpu.memory_space<hbm>> -> memref<32x1000xf32, #tpu.memory_space<hbm>>
    tpu.enqueue_dma source(%dma_start3A_7 : memref<32x1000xf32, #tpu.memory_space<hbm>>) target(%arg4 : memref<32x1000xf32, #tpu.memory_space<vmem>>) target_semaphore(%arg7 : memref<!tpu.dma_semaphore, #tpu.memory_space<semaphore_mem>>)
    %scan3A = arith.constant 0 : i32
    %scan3A_8 = arith.constant 0 : i32
    %scan3A_9 = arith.constant 8 : i32
    %scan3A_10 = arith.addi %scan3A_8, %scan3A_9 : i32
    %scan3A_11 = arith.constant 1 : i32
    scf.for %scan3A_13 = %scan3A_8 to %scan3A_10 step %scan3A_11  : i32 {
      %mul3A_14 = arith.constant 2 : i32
      %mul3A_15 = arith.muli %mul3A_14, %scan3A_13 : i32
      %mul3A_16 = arith.constant 32 : i32
      %mul3A_17 = arith.muli %mul3A_15, %mul3A_16 : i32
      %add3A_18 = arith.addi %mul3A_2, %mul3A_17 : i32
      %dma_wait3A = arith.constant 0 : i32
      %dma_wait3A_19 = tpu.memref_slice %arg2[%add3A_18, %dma_wait3A] : memref<16384x1000xf32, #tpu.memory_space<hbm>> -> memref<32x1000xf32, #tpu.memory_space<hbm>>
      %dma_wait3A_20 = arith.constant 0 : i32
      %dma_wait3A_21 = tpu.memref_slice %arg2[%add3A_18, %dma_wait3A_20] : memref<16384x1000xf32, #tpu.memory_space<hbm>> -> memref<32x1000xf32, #tpu.memory_space<hbm>>
      tpu.wait_dma2 semaphore(%arg7 : memref<!tpu.dma_semaphore, #tpu.memory_space<semaphore_mem>>) src(%dma_wait3A_21 : memref<32x1000xf32, #tpu.memory_space<hbm>>) dst(%arg4 : memref<32x1000xf32, #tpu.memory_space<vmem>>)
      %add3A_22 = arith.constant 1 : i32
      %add3A_23 = arith.addi %mul3A_15, %add3A_22 : i32
      %mul3A_24 = arith.constant 32 : i32
      %mul3A_25 = arith.muli %add3A_23, %mul3A_24 : i32
      %add3A_26 = arith.addi %mul3A_2, %mul3A_25 : i32
      %dma_start3A_27 = arith.constant 0 : i32
      %dma_start3A_28 = tpu.memref_slice %arg2[%add3A_26, %dma_start3A_27] : memref<16384x1000xf32, #tpu.memory_space<hbm>> -> memref<32x1000xf32, #tpu.memory_space<hbm>>
      %dma_start3A_29 = arith.constant 0 : i32
      %dma_start3A_30 = tpu.memref_slice %arg2[%add3A_26, %dma_start3A_29] : memref<16384x1000xf32, #tpu.memory_space<hbm>> -> memref<32x1000xf32, #tpu.memory_space<hbm>>
      tpu.enqueue_dma source(%dma_start3A_30 : memref<32x1000xf32, #tpu.memory_space<hbm>>) target(%arg5 : memref<32x1000xf32, #tpu.memory_space<vmem>>) target_semaphore(%arg8 : memref<!tpu.dma_semaphore, #tpu.memory_space<semaphore_mem>>)
      %mul3A_31 = arith.constant 32 : i32
      %mul3A_32 = arith.muli %mul3A_15, %mul3A_31 : i32
      %add3A_33 = arith.addi %mul3A_2, %mul3A_32 : i32
      %scan3A_34 = arith.constant 0 : i32
      %scan3A_35 = arith.constant 0 : i32
      %scan3A_36 = arith.constant 32 : i32
      %scan3A_37 = arith.addi %scan3A_35, %scan3A_36 : i32
      %scan3A_38 = arith.constant 1 : i32
      scf.for %scan3A_68 = %scan3A_35 to %scan3A_37 step %scan3A_38  : i32 {
        %get3A = arith.index_cast %scan3A_68 : i32 to index
        %get3A_69 = arith.constant 0 : index
        %get3A_70 = tpu.vector_load %arg4[%get3A, %get3A_69] {strides = array<i32>} : memref<32x1000xf32, #tpu.memory_space<vmem>>, vector<16xf32>,
        %sort3A = arith.constant dense<true> : vector<16xi1>
        %sort3A_71, %sort3A_72, %sort3A_73 = tpu.sort %get3A_70, %get3A_70 masked %sort3A : (vector<16xf32>, vector<16xf32>, vector<16xi1>) -> (vector<16xi1>, vector<16xf32>, vector<16xf32>)
        %get3A_74 = arith.index_cast %scan3A_68 : i32 to index
        %get3A_75 = arith.constant 16 : index
        %get3A_76 = tpu.vector_load %arg4[%get3A_74, %get3A_75] {strides = array<i32>} : memref<32x1000xf32, #tpu.memory_space<vmem>>, vector<16xf32>,
        %sort3A_77 = arith.constant dense<true> : vector<16xi1>
        %sort3A_78, %sort3A_79, %sort3A_80 = tpu.sort %get3A_76, %get3A_76 masked %sort3A_77 : (vector<16xf32>, vector<16xf32>, vector<16xi1>) -> (vector<16xi1>, vector<16xf32>, vector<16xf32>)
        %rev3A = arith.constant 15 : i32
        %rev3A_81 = vector.broadcast %rev3A : i32 to vector<16xi32>
        %rev3A_82 = tpu.iota {dimensions = array<i32: 0>} : vector<16xi32>
        %rev3A_83 = arith.subi %rev3A_81, %rev3A_82 : vector<16xi32>
        %rev3A_84 = tpu.dynamic_gather %sort3A_79[%rev3A_83] in [0] : vector<16xf32>, vector<16xi32> -> vector<16xf32>
        %max3A = arith.maximumf %sort3A_72, %rev3A_84 : vector<16xf32>
        %sort3A_85 = arith.constant dense<true> : vector<16xi1>
        %sort3A_86, %sort3A_87, %sort3A_88 = tpu.sort %max3A, %max3A masked %sort3A_85 : (vector<16xf32>, vector<16xf32>, vector<16xi1>) -> (vector<16xi1>, vector<16xf32>, vector<16xf32>)
        %get3A_89 = arith.index_cast %scan3A_68 : i32 to index
        %get3A_90 = arith.constant 32 : index
        %get3A_91 = tpu.vector_load %arg4[%get3A_89, %get3A_90] {strides = array<i32>} : memref<32x1000xf32, #tpu.memory_space<vmem>>, vector<16xf32>,
        %sort3A_92 = arith.constant dense<true> : vector<16xi1>
        %sort3A_93, %sort3A_94, %sort3A_95 = tpu.sort %get3A_91, %get3A_91 masked %sort3A_92 : (vector<16xf32>, vector<16xf32>, vector<16xi1>) -> (vector<16xi1>, vector<16xf32>, vector<16xf32>)
        %get3A_96 = arith.index_cast %scan3A_68 : i32 to index
        %get3A_97 = arith.constant 48 : index
        %get3A_98 = tpu.vector_load %arg4[%get3A_96, %get3A_97] {strides = array<i32>} : memref<32x1000xf32, #tpu.memory_space<vmem>>, vector<16xf32>,
        %sort3A_99 = arith.constant dense<true> : vector<16xi1>
        %sort3A_100, %sort3A_101, %sort3A_102 = tpu.sort %get3A_98, %get3A_98 masked %sort3A_99 : (vector<16xf32>, vector<16xf32>, vector<16xi1>) -> (vector<16xi1>, vector<16xf32>, vector<16xf32>)
        %rev3A_103 = arith.constant 15 : i32
        %rev3A_104 = vector.broadcast %rev3A_103 : i32 to vector<16xi32>
        %rev3A_105 = tpu.iota {dimensions = array<i32: 0>} : vector<16xi32>
        %rev3A_106 = arith.subi %rev3A_104, %rev3A_105 : vector<16xi32>
        %rev3A_107 = tpu.dynamic_gather %sort3A_101[%rev3A_106] in [0] : vector<16xf32>, vector<16xi32> -> vector<16xf32>
        %max3A_108 = arith.maximumf %sort3A_94, %rev3A_107 : vector<16xf32>
        %sort3A_109 = arith.constant dense<true> : vector<16xi1>
        %sort3A_110, %sort3A_111, %sort3A_112 = tpu.sort %max3A_108, %max3A_108 masked %sort3A_109 : (vector<16xf32>, vector<16xf32>, vector<16xi1>) -> (vector<16xi1>, vector<16xf32>, vector<16xf32>)
        %rev3A_113 = arith.constant 15 : i32
        %rev3A_114 = vector.broadcast %rev3A_113 : i32 to vector<16xi32>
        %rev3A_115 = tpu.iota {dimensions = array<i32: 0>} : vector<16xi32>
        %rev3A_116 = arith.subi %rev3A_114, %rev3A_115 : vector<16xi32>
        %rev3A_117 = tpu.dynamic_gather %sort3A_111[%rev3A_116] in [0] : vector<16xf32>, vector<16xi32> -> vector<16xf32>
        %max3A_118 = arith.maximumf %sort3A_87, %rev3A_117 : vector<16xf32>
        %sort3A_119 = arith.constant dense<true> : vector<16xi1>
        %sort3A_120, %sort3A_121, %sort3A_122 = tpu.sort %max3A_118, %max3A_118 masked %sort3A_119 : (vector<16xf32>, vector<16xf32>, vector<16xi1>) -> (vector<16xi1>, vector<16xf32>, vector<16xf32>)
        %get3A_123 = arith.index_cast %scan3A_68 : i32 to index
        %get3A_124 = arith.constant 64 : index
        %get3A_125 = tpu.vector_load %arg4[%get3A_123, %get3A_124] {strides = array<i32>} : memref<32x1000xf32, #tpu.memory_space<vmem>>, vector<16xf32>,
        %sort3A_126 = arith.constant dense<true> : vector<16xi1>
        %sort3A_127, %sort3A_128, %sort3A_129 = tpu.sort %get3A_125, %get3A_125 masked %sort3A_126 : (vector<16xf32>, vector<16xf32>, vector<16xi1>) -> (vector<16xi1>, vector<16xf32>, vector<16xf32>)
        %get3A_130 = arith.index_cast %scan3A_68 : i32 to index
        %get3A_131 = arith.constant 80 : index
        %get3A_132 = tpu.vector_load %arg4[%get3A_130, %get3A_131] {strides = array<i32>} : memref<32x1000xf32, #tpu.memory_space<vmem>>, vector<16xf32>,
        %sort3A_133 = arith.constant dense<true> : vector<16xi1>
        %sort3A_134, %sort3A_135, %sort3A_136 = tpu.sort %get3A_132, %get3A_132 masked %sort3A_133 : (vector<16xf32>, vector<16xf32>, vector<16xi1>) -> (vector<16xi1>, vector<16xf32>, vector<16xf32>)
        %rev3A_137 = arith.constant 15 : i32
        %rev3A_138 = vector.broadcast %rev3A_137 : i32 to vector<16xi32>
        %rev3A_139 = tpu.iota {dimensions = array<i32: 0>} : vector<16xi32>
        %rev3A_140 = arith.subi %rev3A_138, %rev3A_139 : vector<16xi32>
        %rev3A_141 = tpu.dynamic_gather %sort3A_135[%rev3A_140] in [0] : vector<16xf32>, vector<16xi32> -> vector<16xf32>
        %max3A_142 = arith.maximumf %sort3A_128, %rev3A_141 : vector<16xf32>
        %sort3A_143 = arith.constant dense<true> : vector<16xi1>
        %sort3A_144, %sort3A_145, %sort3A_146 = tpu.sort %max3A_142, %max3A_142 masked %sort3A_143 : (vector<16xf32>, vector<16xf32>, vector<16xi1>) -> (vector<16xi1>, vector<16xf32>, vector<16xf32>)
        %get3A_147 = arith.index_cast %scan3A_68 : i32 to index
        %get3A_148 = arith.constant 96 : index
        %get3A_149 = tpu.vector_load %arg4[%get3A_147, %get3A_148] {strides = array<i32>} : memref<32x1000xf32, #tpu.memory_space<vmem>>, vector<16xf32>,
        %sort3A_150 = arith.constant dense<true> : vector<16xi1>
        %sort3A_151, %sort3A_152, %sort3A_153 = tpu.sort %get3A_149, %get3A_149 masked %sort3A_150 : (vector<16xf32>, vector<16xf32>, vector<16xi1>) -> (vector<16xi1>, vector<16xf32>, vector<16xf32>)
        %get3A_154 = arith.index_cast %scan3A_68 : i32 to index
        %get3A_155 = arith.constant 112 : index
        %get3A_156 = tpu.vector_load %arg4[%get3A_154, %get3A_155] {strides = array<i32>} : memref<32x1000xf32, #tpu.memory_space<vmem>>, vector<16xf32>,
        %sort3A_157 = arith.constant dense<true> : vector<16xi1>
        %sort3A_158, %sort3A_159, %sort3A_160 = tpu.sort %get3A_156, %get3A_156 masked %sort3A_157 : (vector<16xf32>, vector<16xf32>, vector<16xi1>) -> (vector<16xi1>, vector<16xf32>, vector<16xf32>)
        %rev3A_161 = arith.constant 15 : i32
        %rev3A_162 = vector.broadcast %rev3A_161 : i32 to vector<16xi32>
        %rev3A_163 = tpu.iota {dimensions = array<i32: 0>} : vector<16xi32>
        %rev3A_164 = arith.subi %rev3A_162, %rev3A_163 : vector<16xi32>
        %rev3A_165 = tpu.dynamic_gather %sort3A_159[%rev3A_164] in [0] : vector<16xf32>, vector<16xi32> -> vector<16xf32>
        %max3A_166 = arith.maximumf %sort3A_152, %rev3A_165 : vector<16xf32>
        %sort3A_167 = arith.constant dense<true> : vector<16xi1>
        %sort3A_168, %sort3A_169, %sort3A_170 = tpu.sort %max3A_166, %max3A_166 masked %sort3A_167 : (vector<16xf32>, vector<16xf32>, vector<16xi1>) -> (vector<16xi1>, vector<16xf32>, vector<16xf32>)
        %rev3A_171 = arith.constant 15 : i32
        %rev3A_172 = vector.broadcast %rev3A_171 : i32 to vector<16xi32>
        %rev3A_173 = tpu.iota {dimensions = array<i32: 0>} : vector<16xi32>
        %rev3A_174 = arith.subi %rev3A_172, %rev3A_173 : vector<16xi32>
        %rev3A_175 = tpu.dynamic_gather %sort3A_169[%rev3A_174] in [0] : vector<16xf32>, vector<16xi32> -> vector<16xf32>
        %max3A_176 = arith.maximumf %sort3A_145, %rev3A_175 : vector<16xf32>
        %sort3A_177 = arith.constant dense<true> : vector<16xi1>
        %sort3A_178, %sort3A_179, %sort3A_180 = tpu.sort %max3A_176, %max3A_176 masked %sort3A_177 : (vector<16xf32>, vector<16xf32>, vector<16xi1>) -> (vector<16xi1>, vector<16xf32>, vector<16xf32>)
        %rev3A_181 = arith.constant 15 : i32
        %rev3A_182 = vector.broadcast %rev3A_181 : i32 to vector<16xi32>
        %rev3A_183 = tpu.iota {dimensions = array<i32: 0>} : vector<16xi32>
        %rev3A_184 = arith.subi %rev3A_182, %rev3A_183 : vector<16xi32>
        %rev3A_185 = tpu.dynamic_gather %sort3A_179[%rev3A_184] in [0] : vector<16xf32>, vector<16xi32> -> vector<16xf32>
        %max3A_186 = arith.maximumf %sort3A_121, %rev3A_185 : vector<16xf32>
        %sort3A_187 = arith.constant dense<true> : vector<16xi1>
        %sort3A_188, %sort3A_189, %sort3A_190 = tpu.sort %max3A_186, %max3A_186 masked %sort3A_187 : (vector<16xf32>, vector<16xf32>, vector<16xi1>) -> (vector<16xi1>, vector<16xf32>, vector<16xf32>)
        %get3A_191 = arith.index_cast %scan3A_68 : i32 to index
        %get3A_192 = arith.constant 128 : index
        %get3A_193 = tpu.vector_load %arg4[%get3A_191, %get3A_192] {strides = array<i32>} : memref<32x1000xf32, #tpu.memory_space<vmem>>, vector<16xf32>,
        %sort3A_194 = arith.constant dense<true> : vector<16xi1>
        %sort3A_195, %sort3A_196, %sort3A_197 = tpu.sort %get3A_193, %get3A_193 masked %sort3A_194 : (vector<16xf32>, vector<16xf32>, vector<16xi1>) -> (vector<16xi1>, vector<16xf32>, vector<16xf32>)
        %get3A_198 = arith.index_cast %scan3A_68 : i32 to index
        %get3A_199 = arith.constant 144 : index
        %get3A_200 = tpu.vector_load %arg4[%get3A_198, %get3A_199] {strides = array<i32>} : memref<32x1000xf32, #tpu.memory_space<vmem>>, vector<16xf32>,
        %sort3A_201 = arith.constant dense<true> : vector<16xi1>
        %sort3A_202, %sort3A_203, %sort3A_204 = tpu.sort %get3A_200, %get3A_200 masked %sort3A_201 : (vector<16xf32>, vector<16xf32>, vector<16xi1>) -> (vector<16xi1>, vector<16xf32>, vector<16xf32>)
        %rev3A_205 = arith.constant 15 : i32
        %rev3A_206 = vector.broadcast %rev3A_205 : i32 to vector<16xi32>
        %rev3A_207 = tpu.iota {dimensions = array<i32: 0>} : vector<16xi32>
        %rev3A_208 = arith.subi %rev3A_206, %rev3A_207 : vector<16xi32>
        %rev3A_209 = tpu.dynamic_gather %sort3A_203[%rev3A_208] in [0] : vector<16xf32>, vector<16xi32> -> vector<16xf32>
        %max3A_210 = arith.maximumf %sort3A_196, %rev3A_209 : vector<16xf32>
        %sort3A_211 = arith.constant dense<true> : vector<16xi1>
        %sort3A_212, %sort3A_213, %sort3A_214 = tpu.sort %max3A_210, %max3A_210 masked %sort3A_211 : (vector<16xf32>, vector<16xf32>, vector<16xi1>) -> (vector<16xi1>, vector<16xf32>, vector<16xf32>)
        %get3A_215 = arith.index_cast %scan3A_68 : i32 to index
        %get3A_216 = arith.constant 160 : index
        %get3A_217 = tpu.vector_load %arg4[%get3A_215, %get3A_216] {strides = array<i32>} : memref<32x1000xf32, #tpu.memory_space<vmem>>, vector<16xf32>,
        %sort3A_218 = arith.constant dense<true> : vector<16xi1>
        %sort3A_219, %sort3A_220, %sort3A_221 = tpu.sort %get3A_217, %get3A_217 masked %sort3A_218 : (vector<16xf32>, vector<16xf32>, vector<16xi1>) -> (vector<16xi1>, vector<16xf32>, vector<16xf32>)
        %get3A_222 = arith.index_cast %scan3A_68 : i32 to index
        %get3A_223 = arith.constant 176 : index
        %get3A_224 = tpu.vector_load %arg4[%get3A_222, %get3A_223] {strides = array<i32>} : memref<32x1000xf32, #tpu.memory_space<vmem>>, vector<16xf32>,
        %sort3A_225 = arith.constant dense<true> : vector<16xi1>
        %sort3A_226, %sort3A_227, %sort3A_228 = tpu.sort %get3A_224, %get3A_224 masked %sort3A_225 : (vector<16xf32>, vector<16xf32>, vector<16xi1>) -> (vector<16xi1>, vector<16xf32>, vector<16xf32>)
        %rev3A_229 = arith.constant 15 : i32
        %rev3A_230 = vector.broadcast %rev3A_229 : i32 to vector<16xi32>
        %rev3A_231 = tpu.iota {dimensions = array<i32: 0>} : vector<16xi32>
        %rev3A_232 = arith.subi %rev3A_230, %rev3A_231 : vector<16xi32>
        %rev3A_233 = tpu.dynamic_gather %sort3A_227[%rev3A_232] in [0] : vector<16xf32>, vector<16xi32> -> vector<16xf32>
        %max3A_234 = arith.maximumf %sort3A_220, %rev3A_233 : vector<16xf32>
        %sort3A_235 = arith.constant dense<true> : vector<16xi1>
        %sort3A_236, %sort3A_237, %sort3A_238 = tpu.sort %max3A_234, %max3A_234 masked %sort3A_235 : (vector<16xf32>, vector<16xf32>, vector<16xi1>) -> (vector<16xi1>, vector<16xf32>, vector<16xf32>)
        %rev3A_239 = arith.constant 15 : i32
        %rev3A_240 = vector.broadcast %rev3A_239 : i32 to vector<16xi32>
        %rev3A_241 = tpu.iota {dimensions = array<i32: 0>} : vector<16xi32>
        %rev3A_242 = arith.subi %rev3A_240, %rev3A_241 : vector<16xi32>
        %rev3A_243 = tpu.dynamic_gather %sort3A_237[%rev3A_242] in [0] : vector<16xf32>, vector<16xi32> -> vector<16xf32>
        %max3A_244 = arith.maximumf %sort3A_213, %rev3A_243 : vector<16xf32>
        %sort3A_245 = arith.constant dense<true> : vector<16xi1>
        %sort3A_246, %sort3A_247, %sort3A_248 = tpu.sort %max3A_244, %max3A_244 masked %sort3A_245 : (vector<16xf32>, vector<16xf32>, vector<16xi1>) -> (vector<16xi1>, vector<16xf32>, vector<16xf32>)
        %get3A_249 = arith.index_cast %scan3A_68 : i32 to index
        %get3A_250 = arith.constant 192 : index
        %get3A_251 = tpu.vector_load %arg4[%get3A_249, %get3A_250] {strides = array<i32>} : memref<32x1000xf32, #tpu.memory_space<vmem>>, vector<16xf32>,
        %sort3A_252 = arith.constant dense<true> : vector<16xi1>
        %sort3A_253, %sort3A_254, %sort3A_255 = tpu.sort %get3A_251, %get3A_251 masked %sort3A_252 : (vector<16xf32>, vector<16xf32>, vector<16xi1>) -> (vector<16xi1>, vector<16xf32>, vector<16xf32>)
        %get3A_256 = arith.index_cast %scan3A_68 : i32 to index
        %get3A_257 = arith.constant 208 : index
        %get3A_258 = tpu.vector_load %arg4[%get3A_256, %get3A_257] {strides = array<i32>} : memref<32x1000xf32, #tpu.memory_space<vmem>>, vector<16xf32>,
        %sort3A_259 = arith.constant dense<true> : vector<16xi1>
        %sort3A_260, %sort3A_261, %sort3A_262 = tpu.sort %get3A_258, %get3A_258 masked %sort3A_259 : (vector<16xf32>, vector<16xf32>, vector<16xi1>) -> (vector<16xi1>, vector<16xf32>, vector<16xf32>)
        %rev3A_263 = arith.constant 15 : i32
        %rev3A_264 = vector.broadcast %rev3A_263 : i32 to vector<16xi32>
        %rev3A_265 = tpu.iota {dimensions = array<i32: 0>} : vector<16xi32>
        %rev3A_266 = arith.subi %rev3A_264, %rev3A_265 : vector<16xi32>
        %rev3A_267 = tpu.dynamic_gather %sort3A_261[%rev3A_266] in [0] : vector<16xf32>, vector<16xi32> -> vector<16xf32>
        %max3A_268 = arith.maximumf %sort3A_254, %rev3A_267 : vector<16xf32>
        %sort3A_269 = arith.constant dense<true> : vector<16xi1>
        %sort3A_270, %sort3A_271, %sort3A_272 = tpu.sort %max3A_268, %max3A_268 masked %sort3A_269 : (vector<16xf32>, vector<16xf32>, vector<16xi1>) -> (vector<16xi1>, vector<16xf32>, vector<16xf32>)
        %get3A_273 = arith.index_cast %scan3A_68 : i32 to index
        %get3A_274 = arith.constant 224 : index
        %get3A_275 = tpu.vector_load %arg4[%get3A_273, %get3A_274] {strides = array<i32>} : memref<32x1000xf32, #tpu.memory_space<vmem>>, vector<16xf32>,
        %sort3A_276 = arith.constant dense<true> : vector<16xi1>
        %sort3A_277, %sort3A_278, %sort3A_279 = tpu.sort %get3A_275, %get3A_275 masked %sort3A_276 : (vector<16xf32>, vector<16xf32>, vector<16xi1>) -> (vector<16xi1>, vector<16xf32>, vector<16xf32>)
        %get3A_280 = arith.index_cast %scan3A_68 : i32 to index
        %get3A_281 = arith.constant 240 : index
        %get3A_282 = tpu.vector_load %arg4[%get3A_280, %get3A_281] {strides = array<i32>} : memref<32x1000xf32, #tpu.memory_space<vmem>>, vector<16xf32>,
        %sort3A_283 = arith.constant dense<true> : vector<16xi1>
        %sort3A_284, %sort3A_285, %sort3A_286 = tpu.sort %get3A_282, %get3A_282 masked %sort3A_283 : (vector<16xf32>, vector<16xf32>, vector<16xi1>) -> (vector<16xi1>, vector<16xf32>, vector<16xf32>)
        %rev3A_287 = arith.constant 15 : i32
        %rev3A_288 = vector.broadcast %rev3A_287 : i32 to vector<16xi32>
        %rev3A_289 = tpu.iota {dimensions = array<i32: 0>} : vector<16xi32>
        %rev3A_290 = arith.subi %rev3A_288, %rev3A_289 : vector<16xi32>
        %rev3A_291 = tpu.dynamic_gather %sort3A_285[%rev3A_290] in [0] : vector<16xf32>, vector<16xi32> -> vector<16xf32>
        %max3A_292 = arith.maximumf %sort3A_278, %rev3A_291 : vector<16xf32>
        %sort3A_293 = arith.constant dense<true> : vector<16xi1>
        %sort3A_294, %sort3A_295, %sort3A_296 = tpu.sort %max3A_292, %max3A_292 masked %sort3A_293 : (vector<16xf32>, vector<16xf32>, vector<16xi1>) -> (vector<16xi1>, vector<16xf32>, vector<16xf32>)
        %rev3A_297 = arith.constant 15 : i32
        %rev3A_298 = vector.broadcast %rev3A_297 : i32 to vector<16xi32>
        %rev3A_299 = tpu.iota {dimensions = array<i32: 0>} : vector<16xi32>
        %rev3A_300 = arith.subi %rev3A_298, %rev3A_299 : vector<16xi32>
        %rev3A_301 = tpu.dynamic_gather %sort3A_295[%rev3A_300] in [0] : vector<16xf32>, vector<16xi32> -> vector<16xf32>
        %max3A_302 = arith.maximumf %sort3A_271, %rev3A_301 : vector<16xf32>
        %sort3A_303 = arith.constant dense<true> : vector<16xi1>
        %sort3A_304, %sort3A_305, %sort3A_306 = tpu.sort %max3A_302, %max3A_302 masked %sort3A_303 : (vector<16xf32>, vector<16xf32>, vector<16xi1>) -> (vector<16xi1>, vector<16xf32>, vector<16xf32>)
        %rev3A_307 = arith.constant 15 : i32
        %rev3A_308 = vector.broadcast %rev3A_307 : i32 to vector<16xi32>
        %rev3A_309 = tpu.iota {dimensions = array<i32: 0>} : vector<16xi32>
        %rev3A_310 = arith.subi %rev3A_308, %rev3A_309 : vector<16xi32>
        %rev3A_311 = tpu.dynamic_gather %sort3A_305[%rev3A_310] in [0] : vector<16xf32>, vector<16xi32> -> vector<16xf32>
        %max3A_312 = arith.maximumf %sort3A_247, %rev3A_311 : vector<16xf32>
        %sort3A_313 = arith.constant dense<true> : vector<16xi1>
        %sort3A_314, %sort3A_315, %sort3A_316 = tpu.sort %max3A_312, %max3A_312 masked %sort3A_313 : (vector<16xf32>, vector<16xf32>, vector<16xi1>) -> (vector<16xi1>, vector<16xf32>, vector<16xf32>)
        %rev3A_317 = arith.constant 15 : i32
        %rev3A_318 = vector.broadcast %rev3A_317 : i32 to vector<16xi32>
        %rev3A_319 = tpu.iota {dimensions = array<i32: 0>} : vector<16xi32>
        %rev3A_320 = arith.subi %rev3A_318, %rev3A_319 : vector<16xi32>
        %rev3A_321 = tpu.dynamic_gather %sort3A_315[%rev3A_320] in [0] : vector<16xf32>, vector<16xi32> -> vector<16xf32>
        %max3A_322 = arith.maximumf %sort3A_189, %rev3A_321 : vector<16xf32>
        %sort3A_323 = arith.constant dense<true> : vector<16xi1>
        %sort3A_324, %sort3A_325, %sort3A_326 = tpu.sort %max3A_322, %max3A_322 masked %sort3A_323 : (vector<16xf32>, vector<16xf32>, vector<16xi1>) -> (vector<16xi1>, vector<16xf32>, vector<16xf32>)
        %get3A_327 = arith.index_cast %scan3A_68 : i32 to index
        %get3A_328 = arith.constant 256 : index
        %get3A_329 = tpu.vector_load %arg4[%get3A_327, %get3A_328] {strides = array<i32>} : memref<32x1000xf32, #tpu.memory_space<vmem>>, vector<16xf32>,
        %sort3A_330 = arith.constant dense<true> : vector<16xi1>
        %sort3A_331, %sort3A_332, %sort3A_333 = tpu.sort %get3A_329, %get3A_329 masked %sort3A_330 : (vector<16xf32>, vector<16xf32>, vector<16xi1>) -> (vector<16xi1>, vector<16xf32>, vector<16xf32>)
        %get3A_334 = arith.index_cast %scan3A_68 : i32 to index
        %get3A_335 = arith.constant 272 : index
        %get3A_336 = tpu.vector_load %arg4[%get3A_334, %get3A_335] {strides = array<i32>} : memref<32x1000xf32, #tpu.memory_space<vmem>>, vector<16xf32>,
        %sort3A_337 = arith.constant dense<true> : vector<16xi1>
        %sort3A_338, %sort3A_339, %sort3A_340 = tpu.sort %get3A_336, %get3A_336 masked %sort3A_337 : (vector<16xf32>, vector<16xf32>, vector<16xi1>) -> (vector<16xi1>, vector<16xf32>, vector<16xf32>)
        %rev3A_341 = arith.constant 15 : i32
        %rev3A_342 = vector.broadcast %rev3A_341 : i32 to vector<16xi32>
        %rev3A_343 = tpu.iota {dimensions = array<i32: 0>} : vector<16xi32>
        %rev3A_344 = arith.subi %rev3A_342, %rev3A_343 : vector<16xi32>
        %rev3A_345 = tpu.dynamic_gather %sort3A_339[%rev3A_344] in [0] : vector<16xf32>, vector<16xi32> -> vector<16xf32>
        %max3A_346 = arith.maximumf %sort3A_332, %rev3A_345 : vector<16xf32>
        %sort3A_347 = arith.constant dense<true> : vector<16xi1>
        %sort3A_348, %sort3A_349, %sort3A_350 = tpu.sort %max3A_346, %max3A_346 masked %sort3A_347 : (vector<16xf32>, vector<16xf32>, vector<16xi1>) -> (vector<16xi1>, vector<16xf32>, vector<16xf32>)
        %get3A_351 = arith.index_cast %scan3A_68 : i32 to index
        %get3A_352 = arith.constant 288 : index
        %get3A_353 = tpu.vector_load %arg4[%get3A_351, %get3A_352] {strides = array<i32>} : memref<32x1000xf32, #tpu.memory_space<vmem>>, vector<16xf32>,
        %sort3A_354 = arith.constant dense<true> : vector<16xi1>
        %sort3A_355, %sort3A_356, %sort3A_357 = tpu.sort %get3A_353, %get3A_353 masked %sort3A_354 : (vector<16xf32>, vector<16xf32>, vector<16xi1>) -> (vector<16xi1>, vector<16xf32>, vector<16xf32>)
        %get3A_358 = arith.index_cast %scan3A_68 : i32 to index
        %get3A_359 = arith.constant 304 : index
        %get3A_360 = tpu.vector_load %arg4[%get3A_358, %get3A_359] {strides = array<i32>} : memref<32x1000xf32, #tpu.memory_space<vmem>>, vector<16xf32>,
        %sort3A_361 = arith.constant dense<true> : vector<16xi1>
        %sort3A_362, %sort3A_363, %sort3A_364 = tpu.sort %get3A_360, %get3A_360 masked %sort3A_361 : (vector<16xf32>, vector<16xf32>, vector<16xi1>) -> (vector<16xi1>, vector<16xf32>, vector<16xf32>)
        %rev3A_365 = arith.constant 15 : i32
        %rev3A_366 = vector.broadcast %rev3A_365 : i32 to vector<16xi32>
        %rev3A_367 = tpu.iota {dimensions = array<i32: 0>} : vector<16xi32>
        %rev3A_368 = arith.subi %rev3A_366, %rev3A_367 : vector<16xi32>
        %rev3A_369 = tpu.dynamic_gather %sort3A_363[%rev3A_368] in [0] : vector<16xf32>, vector<16xi32> -> vector<16xf32>
        %max3A_370 = arith.maximumf %sort3A_356, %rev3A_369 : vector<16xf32>
        %sort3A_371 = arith.constant dense<true> : vector<16xi1>
        %sort3A_372, %sort3A_373, %sort3A_374 = tpu.sort %max3A_370, %max3A_370 masked %sort3A_371 : (vector<16xf32>, vector<16xf32>, vector<16xi1>) -> (vector<16xi1>, vector<16xf32>, vector<16xf32>)
        %rev3A_375 = arith.constant 15 : i32
        %rev3A_376 = vector.broadcast %rev3A_375 : i32 to vector<16xi32>
        %rev3A_377 = tpu.iota {dimensions = array<i32: 0>} : vector<16xi32>
        %rev3A_378 = arith.subi %rev3A_376, %rev3A_377 : vector<16xi32>
        %rev3A_379 = tpu.dynamic_gather %sort3A_373[%rev3A_378] in [0] : vector<16xf32>, vector<16xi32> -> vector<16xf32>
        %max3A_380 = arith.maximumf %sort3A_349, %rev3A_379 : vector<16xf32>
        %sort3A_381 = arith.constant dense<true> : vector<16xi1>
        %sort3A_382, %sort3A_383, %sort3A_384 = tpu.sort %max3A_380, %max3A_380 masked %sort3A_381 : (vector<16xf32>, vector<16xf32>, vector<16xi1>) -> (vector<16xi1>, vector<16xf32>, vector<16xf32>)
        %get3A_385 = arith.index_cast %scan3A_68 : i32 to index
        %get3A_386 = arith.constant 320 : index
        %get3A_387 = tpu.vector_load %arg4[%get3A_385, %get3A_386] {strides = array<i32>} : memref<32x1000xf32, #tpu.memory_space<vmem>>, vector<16xf32>,
        %sort3A_388 = arith.constant dense<true> : vector<16xi1>
        %sort3A_389, %sort3A_390, %sort3A_391 = tpu.sort %get3A_387, %get3A_387 masked %sort3A_388 : (vector<16xf32>, vector<16xf32>, vector<16xi1>) -> (vector<16xi1>, vector<16xf32>, vector<16xf32>)
        %get3A_392 = arith.index_cast %scan3A_68 : i32 to index
        %get3A_393 = arith.constant 336 : index
        %get3A_394 = tpu.vector_load %arg4[%get3A_392, %get3A_393] {strides = array<i32>} : memref<32x1000xf32, #tpu.memory_space<vmem>>, vector<16xf32>,
        %sort3A_395 = arith.constant dense<true> : vector<16xi1>
        %sort3A_396, %sort3A_397, %sort3A_398 = tpu.sort %get3A_394, %get3A_394 masked %sort3A_395 : (vector<16xf32>, vector<16xf32>, vector<16xi1>) -> (vector<16xi1>, vector<16xf32>, vector<16xf32>)
        %rev3A_399 = arith.constant 15 : i32
        %rev3A_400 = vector.broadcast %rev3A_399 : i32 to vector<16xi32>
        %rev3A_401 = tpu.iota {dimensions = array<i32: 0>} : vector<16xi32>
        %rev3A_402 = arith.subi %rev3A_400, %rev3A_401 : vector<16xi32>
        %rev3A_403 = tpu.dynamic_gather %sort3A_397[%rev3A_402] in [0] : vector<16xf32>, vector<16xi32> -> vector<16xf32>
        %max3A_404 = arith.maximumf %sort3A_390, %rev3A_403 : vector<16xf32>
        %sort3A_405 = arith.constant dense<true> : vector<16xi1>
        %sort3A_406, %sort3A_407, %sort3A_408 = tpu.sort %max3A_404, %max3A_404 masked %sort3A_405 : (vector<16xf32>, vector<16xf32>, vector<16xi1>) -> (vector<16xi1>, vector<16xf32>, vector<16xf32>)
        %get3A_409 = arith.index_cast %scan3A_68 : i32 to index
        %get3A_410 = arith.constant 352 : index
        %get3A_411 = tpu.vector_load %arg4[%get3A_409, %get3A_410] {strides = array<i32>} : memref<32x1000xf32, #tpu.memory_space<vmem>>, vector<16xf32>,
        %sort3A_412 = arith.constant dense<true> : vector<16xi1>
        %sort3A_413, %sort3A_414, %sort3A_415 = tpu.sort %get3A_411, %get3A_411 masked %sort3A_412 : (vector<16xf32>, vector<16xf32>, vector<16xi1>) -> (vector<16xi1>, vector<16xf32>, vector<16xf32>)
        %get3A_416 = arith.index_cast %scan3A_68 : i32 to index
        %get3A_417 = arith.constant 368 : index
        %get3A_418 = tpu.vector_load %arg4[%get3A_416, %get3A_417] {strides = array<i32>} : memref<32x1000xf32, #tpu.memory_space<vmem>>, vector<16xf32>,
        %sort3A_419 = arith.constant dense<true> : vector<16xi1>
        %sort3A_420, %sort3A_421, %sort3A_422 = tpu.sort %get3A_418, %get3A_418 masked %sort3A_419 : (vector<16xf32>, vector<16xf32>, vector<16xi1>) -> (vector<16xi1>, vector<16xf32>, vector<16xf32>)
        %rev3A_423 = arith.constant 15 : i32
        %rev3A_424 = vector.broadcast %rev3A_423 : i32 to vector<16xi32>
        %rev3A_425 = tpu.iota {dimensions = array<i32: 0>} : vector<16xi32>
        %rev3A_426 = arith.subi %rev3A_424, %rev3A_425 : vector<16xi32>
        %rev3A_427 = tpu.dynamic_gather %sort3A_421[%rev3A_426] in [0] : vector<16xf32>, vector<16xi32> -> vector<16xf32>
        %max3A_428 = arith.maximumf %sort3A_414, %rev3A_427 : vector<16xf32>
        %sort3A_429 = arith.constant dense<true> : vector<16xi1>
        %sort3A_430, %sort3A_431, %sort3A_432 = tpu.sort %max3A_428, %max3A_428 masked %sort3A_429 : (vector<16xf32>, vector<16xf32>, vector<16xi1>) -> (vector<16xi1>, vector<16xf32>, vector<16xf32>)
        %rev3A_433 = arith.constant 15 : i32
        %rev3A_434 = vector.broadcast %rev3A_433 : i32 to vector<16xi32>
        %rev3A_435 = tpu.iota {dimensions = array<i32: 0>} : vector<16xi32>
        %rev3A_436 = arith.subi %rev3A_434, %rev3A_435 : vector<16xi32>
        %rev3A_437 = tpu.dynamic_gather %sort3A_431[%rev3A_436] in [0] : vector<16xf32>, vector<16xi32> -> vector<16xf32>
        %max3A_438 = arith.maximumf %sort3A_407, %rev3A_437 : vector<16xf32>
        %sort3A_439 = arith.constant dense<true> : vector<16xi1>
        %sort3A_440, %sort3A_441, %sort3A_442 = tpu.sort %max3A_438, %max3A_438 masked %sort3A_439 : (vector<16xf32>, vector<16xf32>, vector<16xi1>) -> (vector<16xi1>, vector<16xf32>, vector<16xf32>)
        %rev3A_443 = arith.constant 15 : i32
        %rev3A_444 = vector.broadcast %rev3A_443 : i32 to vector<16xi32>
        %rev3A_445 = tpu.iota {dimensions = array<i32: 0>} : vector<16xi32>
        %rev3A_446 = arith.subi %rev3A_444, %rev3A_445 : vector<16xi32>
        %rev3A_447 = tpu.dynamic_gather %sort3A_441[%rev3A_446] in [0] : vector<16xf32>, vector<16xi32> -> vector<16xf32>
        %max3A_448 = arith.maximumf %sort3A_383, %rev3A_447 : vector<16xf32>
        %sort3A_449 = arith.constant dense<true> : vector<16xi1>
        %sort3A_450, %sort3A_451, %sort3A_452 = tpu.sort %max3A_448, %max3A_448 masked %sort3A_449 : (vector<16xf32>, vector<16xf32>, vector<16xi1>) -> (vector<16xi1>, vector<16xf32>, vector<16xf32>)
        %get3A_453 = arith.index_cast %scan3A_68 : i32 to index
        %get3A_454 = arith.constant 384 : index
        %get3A_455 = tpu.vector_load %arg4[%get3A_453, %get3A_454] {strides = array<i32>} : memref<32x1000xf32, #tpu.memory_space<vmem>>, vector<16xf32>,
        %sort3A_456 = arith.constant dense<true> : vector<16xi1>
        %sort3A_457, %sort3A_458, %sort3A_459 = tpu.sort %get3A_455, %get3A_455 masked %sort3A_456 : (vector<16xf32>, vector<16xf32>, vector<16xi1>) -> (vector<16xi1>, vector<16xf32>, vector<16xf32>)
        %get3A_460 = arith.index_cast %scan3A_68 : i32 to index
        %get3A_461 = arith.constant 400 : index
        %get3A_462 = tpu.vector_load %arg4[%get3A_460, %get3A_461] {strides = array<i32>} : memref<32x1000xf32, #tpu.memory_space<vmem>>, vector<16xf32>,
        %sort3A_463 = arith.constant dense<true> : vector<16xi1>
        %sort3A_464, %sort3A_465, %sort3A_466 = tpu.sort %get3A_462, %get3A_462 masked %sort3A_463 : (vector<16xf32>, vector<16xf32>, vector<16xi1>) -> (vector<16xi1>, vector<16xf32>, vector<16xf32>)
        %rev3A_467 = arith.constant 15 : i32
        %rev3A_468 = vector.broadcast %rev3A_467 : i32 to vector<16xi32>
        %rev3A_469 = tpu.iota {dimensions = array<i32: 0>} : vector<16xi32>
        %rev3A_470 = arith.subi %rev3A_468, %rev3A_469 : vector<16xi32>
        %rev3A_471 = tpu.dynamic_gather %sort3A_465[%rev3A_470] in [0] : vector<16xf32>, vector<16xi32> -> vector<16xf32>
        %max3A_472 = arith.maximumf %sort3A_458, %rev3A_471 : vector<16xf32>
        %sort3A_473 = arith.constant dense<true> : vector<16xi1>
        %sort3A_474, %sort3A_475, %sort3A_476 = tpu.sort %max3A_472, %max3A_472 masked %sort3A_473 : (vector<16xf32>, vector<16xf32>, vector<16xi1>) -> (vector<16xi1>, vector<16xf32>, vector<16xf32>)
        %get3A_477 = arith.index_cast %scan3A_68 : i32 to index
        %get3A_478 = arith.constant 416 : index
        %get3A_479 = tpu.vector_load %arg4[%get3A_477, %get3A_478] {strides = array<i32>} : memref<32x1000xf32, #tpu.memory_space<vmem>>, vector<16xf32>,
        %sort3A_480 = arith.constant dense<true> : vector<16xi1>
        %sort3A_481, %sort3A_482, %sort3A_483 = tpu.sort %get3A_479, %get3A_479 masked %sort3A_480 : (vector<16xf32>, vector<16xf32>, vector<16xi1>) -> (vector<16xi1>, vector<16xf32>, vector<16xf32>)
        %get3A_484 = arith.index_cast %scan3A_68 : i32 to index
        %get3A_485 = arith.constant 432 : index
        %get3A_486 = tpu.vector_load %arg4[%get3A_484, %get3A_485] {strides = array<i32>} : memref<32x1000xf32, #tpu.memory_space<vmem>>, vector<16xf32>,
        %sort3A_487 = arith.constant dense<true> : vector<16xi1>
        %sort3A_488, %sort3A_489, %sort3A_490 = tpu.sort %get3A_486, %get3A_486 masked %sort3A_487 : (vector<16xf32>, vector<16xf32>, vector<16xi1>) -> (vector<16xi1>, vector<16xf32>, vector<16xf32>)
        %rev3A_491 = arith.constant 15 : i32
        %rev3A_492 = vector.broadcast %rev3A_491 : i32 to vector<16xi32>
        %rev3A_493 = tpu.iota {dimensions = array<i32: 0>} : vector<16xi32>
        %rev3A_494 = arith.subi %rev3A_492, %rev3A_493 : vector<16xi32>
        %rev3A_495 = tpu.dynamic_gather %sort3A_489[%rev3A_494] in [0] : vector<16xf32>, vector<16xi32> -> vector<16xf32>
        %max3A_496 = arith.maximumf %sort3A_482, %rev3A_495 : vector<16xf32>
        %sort3A_497 = arith.constant dense<true> : vector<16xi1>
        %sort3A_498, %sort3A_499, %sort3A_500 = tpu.sort %max3A_496, %max3A_496 masked %sort3A_497 : (vector<16xf32>, vector<16xf32>, vector<16xi1>) -> (vector<16xi1>, vector<16xf32>, vector<16xf32>)
        %rev3A_501 = arith.constant 15 : i32
        %rev3A_502 = vector.broadcast %rev3A_501 : i32 to vector<16xi32>
        %rev3A_503 = tpu.iota {dimensions = array<i32: 0>} : vector<16xi32>
        %rev3A_504 = arith.subi %rev3A_502, %rev3A_503 : vector<16xi32>
        %rev3A_505 = tpu.dynamic_gather %sort3A_499[%rev3A_504] in [0] : vector<16xf32>, vector<16xi32> -> vector<16xf32>
        %max3A_506 = arith.maximumf %sort3A_475, %rev3A_505 : vector<16xf32>
        %sort3A_507 = arith.constant dense<true> : vector<16xi1>
        %sort3A_508, %sort3A_509, %sort3A_510 = tpu.sort %max3A_506, %max3A_506 masked %sort3A_507 : (vector<16xf32>, vector<16xf32>, vector<16xi1>) -> (vector<16xi1>, vector<16xf32>, vector<16xf32>)
        %get3A_511 = arith.index_cast %scan3A_68 : i32 to index
        %get3A_512 = arith.constant 448 : index
        %get3A_513 = tpu.vector_load %arg4[%get3A_511, %get3A_512] {strides = array<i32>} : memref<32x1000xf32, #tpu.memory_space<vmem>>, vector<16xf32>,
        %sort3A_514 = arith.constant dense<true> : vector<16xi1>
        %sort3A_515, %sort3A_516, %sort3A_517 = tpu.sort %get3A_513, %get3A_513 masked %sort3A_514 : (vector<16xf32>, vector<16xf32>, vector<16xi1>) -> (vector<16xi1>, vector<16xf32>, vector<16xf32>)
        %get3A_518 = arith.index_cast %scan3A_68 : i32 to index
        %get3A_519 = arith.constant 464 : index
        %get3A_520 = tpu.vector_load %arg4[%get3A_518, %get3A_519] {strides = array<i32>} : memref<32x1000xf32, #tpu.memory_space<vmem>>, vector<16xf32>,
        %sort3A_521 = arith.constant dense<true> : vector<16xi1>
        %sort3A_522, %sort3A_523, %sort3A_524 = tpu.sort %get3A_520, %get3A_520 masked %sort3A_521 : (vector<16xf32>, vector<16xf32>, vector<16xi1>) -> (vector<16xi1>, vector<16xf32>, vector<16xf32>)
        %rev3A_525 = arith.constant 15 : i32
        %rev3A_526 = vector.broadcast %rev3A_525 : i32 to vector<16xi32>
        %rev3A_527 = tpu.iota {dimensions = array<i32: 0>} : vector<16xi32>
        %rev3A_528 = arith.subi %rev3A_526, %rev3A_527 : vector<16xi32>
        %rev3A_529 = tpu.dynamic_gather %sort3A_523[%rev3A_528] in [0] : vector<16xf32>, vector<16xi32> -> vector<16xf32>
        %max3A_530 = arith.maximumf %sort3A_516, %rev3A_529 : vector<16xf32>
        %sort3A_531 = arith.constant dense<true> : vector<16xi1>
        %sort3A_532, %sort3A_533, %sort3A_534 = tpu.sort %max3A_530, %max3A_530 masked %sort3A_531 : (vector<16xf32>, vector<16xf32>, vector<16xi1>) -> (vector<16xi1>, vector<16xf32>, vector<16xf32>)
        %get3A_535 = arith.index_cast %scan3A_68 : i32 to index
        %get3A_536 = arith.constant 480 : index
        %get3A_537 = tpu.vector_load %arg4[%get3A_535, %get3A_536] {strides = array<i32>} : memref<32x1000xf32, #tpu.memory_space<vmem>>, vector<16xf32>,
        %sort3A_538 = arith.constant dense<true> : vector<16xi1>
        %sort3A_539, %sort3A_540, %sort3A_541 = tpu.sort %get3A_537, %get3A_537 masked %sort3A_538 : (vector<16xf32>, vector<16xf32>, vector<16xi1>) -> (vector<16xi1>, vector<16xf32>, vector<16xf32>)
        %get3A_542 = arith.index_cast %scan3A_68 : i32 to index
        %get3A_543 = arith.constant 496 : index
        %get3A_544 = tpu.vector_load %arg4[%get3A_542, %get3A_543] {strides = array<i32>} : memref<32x1000xf32, #tpu.memory_space<vmem>>, vector<16xf32>,
        %sort3A_545 = arith.constant dense<true> : vector<16xi1>
        %sort3A_546, %sort3A_547, %sort3A_548 = tpu.sort %get3A_544, %get3A_544 masked %sort3A_545 : (vector<16xf32>, vector<16xf32>, vector<16xi1>) -> (vector<16xi1>, vector<16xf32>, vector<16xf32>)
        %rev3A_549 = arith.constant 15 : i32
        %rev3A_550 = vector.broadcast %rev3A_549 : i32 to vector<16xi32>
        %rev3A_551 = tpu.iota {dimensions = array<i32: 0>} : vector<16xi32>
        %rev3A_552 = arith.subi %rev3A_550, %rev3A_551 : vector<16xi32>
        %rev3A_553 = tpu.dynamic_gather %sort3A_547[%rev3A_552] in [0] : vector<16xf32>, vector<16xi32> -> vector<16xf32>
        %max3A_554 = arith.maximumf %sort3A_540, %rev3A_553 : vector<16xf32>
        %sort3A_555 = arith.constant dense<true> : vector<16xi1>
        %sort3A_556, %sort3A_557, %sort3A_558 = tpu.sort %max3A_554, %max3A_554 masked %sort3A_555 : (vector<16xf32>, vector<16xf32>, vector<16xi1>) -> (vector<16xi1>, vector<16xf32>, vector<16xf32>)
        %rev3A_559 = arith.constant 15 : i32
        %rev3A_560 = vector.broadcast %rev3A_559 : i32 to vector<16xi32>
        %rev3A_561 = tpu.iota {dimensions = array<i32: 0>} : vector<16xi32>
        %rev3A_562 = arith.subi %rev3A_560, %rev3A_561 : vector<16xi32>
        %rev3A_563 = tpu.dynamic_gather %sort3A_557[%rev3A_562] in [0] : vector<16xf32>, vector<16xi32> -> vector<16xf32>
        %max3A_564 = arith.maximumf %sort3A_533, %rev3A_563 : vector<16xf32>
        %sort3A_565 = arith.constant dense<true> : vector<16xi1>
        %sort3A_566, %sort3A_567, %sort3A_568 = tpu.sort %max3A_564, %max3A_564 masked %sort3A_565 : (vector<16xf32>, vector<16xf32>, vector<16xi1>) -> (vector<16xi1>, vector<16xf32>, vector<16xf32>)
        %rev3A_569 = arith.constant 15 : i32
        %rev3A_570 = vector.broadcast %rev3A_569 : i32 to vector<16xi32>
        %rev3A_571 = tpu.iota {dimensions = array<i32: 0>} : vector<16xi32>
        %rev3A_572 = arith.subi %rev3A_570, %rev3A_571 : vector<16xi32>
        %rev3A_573 = tpu.dynamic_gather %sort3A_567[%rev3A_572] in [0] : vector<16xf32>, vector<16xi32> -> vector<16xf32>
        %max3A_574 = arith.maximumf %sort3A_509, %rev3A_573 : vector<16xf32>
        %sort3A_575 = arith.constant dense<true> : vector<16xi1>
        %sort3A_576, %sort3A_577, %sort3A_578 = tpu.sort %max3A_574, %max3A_574 masked %sort3A_575 : (vector<16xf32>, vector<16xf32>, vector<16xi1>) -> (vector<16xi1>, vector<16xf32>, vector<16xf32>)
        %rev3A_579 = arith.constant 15 : i32
        %rev3A_580 = vector.broadcast %rev3A_579 : i32 to vector<16xi32>
        %rev3A_581 = tpu.iota {dimensions = array<i32: 0>} : vector<16xi32>
        %rev3A_582 = arith.subi %rev3A_580, %rev3A_581 : vector<16xi32>
        %rev3A_583 = tpu.dynamic_gather %sort3A_577[%rev3A_582] in [0] : vector<16xf32>, vector<16xi32> -> vector<16xf32>
        %max3A_584 = arith.maximumf %sort3A_451, %rev3A_583 : vector<16xf32>
        %sort3A_585 = arith.constant dense<true> : vector<16xi1>
        %sort3A_586, %sort3A_587, %sort3A_588 = tpu.sort %max3A_584, %max3A_584 masked %sort3A_585 : (vector<16xf32>, vector<16xf32>, vector<16xi1>) -> (vector<16xi1>, vector<16xf32>, vector<16xf32>)
        %rev3A_589 = arith.constant 15 : i32
        %rev3A_590 = vector.broadcast %rev3A_589 : i32 to vector<16xi32>
        %rev3A_591 = tpu.iota {dimensions = array<i32: 0>} : vector<16xi32>
        %rev3A_592 = arith.subi %rev3A_590, %rev3A_591 : vector<16xi32>
        %rev3A_593 = tpu.dynamic_gather %sort3A_587[%rev3A_592] in [0] : vector<16xf32>, vector<16xi32> -> vector<16xf32>
        %max3A_594 = arith.maximumf %sort3A_325, %rev3A_593 : vector<16xf32>
        %sort3A_595 = arith.constant dense<true> : vector<16xi1>
        %sort3A_596, %sort3A_597, %sort3A_598 = tpu.sort %max3A_594, %max3A_594 masked %sort3A_595 : (vector<16xf32>, vector<16xf32>, vector<16xi1>) -> (vector<16xi1>, vector<16xf32>, vector<16xf32>)
        %get3A_599 = arith.index_cast %scan3A_68 : i32 to index
        %get3A_600 = arith.constant 512 : index
        %get3A_601 = tpu.vector_load %arg4[%get3A_599, %get3A_600] {strides = array<i32>} : memref<32x1000xf32, #tpu.memory_space<vmem>>, vector<16xf32>,
        %sort3A_602 = arith.constant dense<true> : vector<16xi1>
        %sort3A_603, %sort3A_604, %sort3A_605 = tpu.sort %get3A_601, %get3A_601 masked %sort3A_602 : (vector<16xf32>, vector<16xf32>, vector<16xi1>) -> (vector<16xi1>, vector<16xf32>, vector<16xf32>)
        %get3A_606 = arith.index_cast %scan3A_68 : i32 to index
        %get3A_607 = arith.constant 528 : index
        %get3A_608 = tpu.vector_load %arg4[%get3A_606, %get3A_607] {strides = array<i32>} : memref<32x1000xf32, #tpu.memory_space<vmem>>, vector<16xf32>,
        %sort3A_609 = arith.constant dense<true> : vector<16xi1>
        %sort3A_610, %sort3A_611, %sort3A_612 = tpu.sort %get3A_608, %get3A_608 masked %sort3A_609 : (vector<16xf32>, vector<16xf32>, vector<16xi1>) -> (vector<16xi1>, vector<16xf32>, vector<16xf32>)
        %rev3A_613 = arith.constant 15 : i32
        %rev3A_614 = vector.broadcast %rev3A_613 : i32 to vector<16xi32>
        %rev3A_615 = tpu.iota {dimensions = array<i32: 0>} : vector<16xi32>
        %rev3A_616 = arith.subi %rev3A_614, %rev3A_615 : vector<16xi32>
        %rev3A_617 = tpu.dynamic_gather %sort3A_611[%rev3A_616] in [0] : vector<16xf32>, vector<16xi32> -> vector<16xf32>
        %max3A_618 = arith.maximumf %sort3A_604, %rev3A_617 : vector<16xf32>
        %sort3A_619 = arith.constant dense<true> : vector<16xi1>
        %sort3A_620, %sort3A_621, %sort3A_622 = tpu.sort %max3A_618, %max3A_618 masked %sort3A_619 : (vector<16xf32>, vector<16xf32>, vector<16xi1>) -> (vector<16xi1>, vector<16xf32>, vector<16xf32>)
        %get3A_623 = arith.index_cast %scan3A_68 : i32 to index
        %get3A_624 = arith.constant 544 : index
        %get3A_625 = tpu.vector_load %arg4[%get3A_623, %get3A_624] {strides = array<i32>} : memref<32x1000xf32, #tpu.memory_space<vmem>>, vector<16xf32>,
        %sort3A_626 = arith.constant dense<true> : vector<16xi1>
        %sort3A_627, %sort3A_628, %sort3A_629 = tpu.sort %get3A_625, %get3A_625 masked %sort3A_626 : (vector<16xf32>, vector<16xf32>, vector<16xi1>) -> (vector<16xi1>, vector<16xf32>, vector<16xf32>)
        %get3A_630 = arith.index_cast %scan3A_68 : i32 to index
        %get3A_631 = arith.constant 560 : index
        %get3A_632 = tpu.vector_load %arg4[%get3A_630, %get3A_631] {strides = array<i32>} : memref<32x1000xf32, #tpu.memory_space<vmem>>, vector<16xf32>,
        %sort3A_633 = arith.constant dense<true> : vector<16xi1>
        %sort3A_634, %sort3A_635, %sort3A_636 = tpu.sort %get3A_632, %get3A_632 masked %sort3A_633 : (vector<16xf32>, vector<16xf32>, vector<16xi1>) -> (vector<16xi1>, vector<16xf32>, vector<16xf32>)
        %rev3A_637 = arith.constant 15 : i32
        %rev3A_638 = vector.broadcast %rev3A_637 : i32 to vector<16xi32>
        %rev3A_639 = tpu.iota {dimensions = array<i32: 0>} : vector<16xi32>
        %rev3A_640 = arith.subi %rev3A_638, %rev3A_639 : vector<16xi32>
        %rev3A_641 = tpu.dynamic_gather %sort3A_635[%rev3A_640] in [0] : vector<16xf32>, vector<16xi32> -> vector<16xf32>
        %max3A_642 = arith.maximumf %sort3A_628, %rev3A_641 : vector<16xf32>
        %sort3A_643 = arith.constant dense<true> : vector<16xi1>
        %sort3A_644, %sort3A_645, %sort3A_646 = tpu.sort %max3A_642, %max3A_642 masked %sort3A_643 : (vector<16xf32>, vector<16xf32>, vector<16xi1>) -> (vector<16xi1>, vector<16xf32>, vector<16xf32>)
        %rev3A_647 = arith.constant 15 : i32
        %rev3A_648 = vector.broadcast %rev3A_647 : i32 to vector<16xi32>
        %rev3A_649 = tpu.iota {dimensions = array<i32: 0>} : vector<16xi32>
        %rev3A_650 = arith.subi %rev3A_648, %rev3A_649 : vector<16xi32>
        %rev3A_651 = tpu.dynamic_gather %sort3A_645[%rev3A_650] in [0] : vector<16xf32>, vector<16xi32> -> vector<16xf32>
        %max3A_652 = arith.maximumf %sort3A_621, %rev3A_651 : vector<16xf32>
        %sort3A_653 = arith.constant dense<true> : vector<16xi1>
        %sort3A_654, %sort3A_655, %sort3A_656 = tpu.sort %max3A_652, %max3A_652 masked %sort3A_653 : (vector<16xf32>, vector<16xf32>, vector<16xi1>) -> (vector<16xi1>, vector<16xf32>, vector<16xf32>)
        %get3A_657 = arith.index_cast %scan3A_68 : i32 to index
        %get3A_658 = arith.constant 576 : index
        %get3A_659 = tpu.vector_load %arg4[%get3A_657, %get3A_658] {strides = array<i32>} : memref<32x1000xf32, #tpu.memory_space<vmem>>, vector<16xf32>,
        %sort3A_660 = arith.constant dense<true> : vector<16xi1>
        %sort3A_661, %sort3A_662, %sort3A_663 = tpu.sort %get3A_659, %get3A_659 masked %sort3A_660 : (vector<16xf32>, vector<16xf32>, vector<16xi1>) -> (vector<16xi1>, vector<16xf32>, vector<16xf32>)
        %get3A_664 = arith.index_cast %scan3A_68 : i32 to index
        %get3A_665 = arith.constant 592 : index
        %get3A_666 = tpu.vector_load %arg4[%get3A_664, %get3A_665] {strides = array<i32>} : memref<32x1000xf32, #tpu.memory_space<vmem>>, vector<16xf32>,
        %sort3A_667 = arith.constant dense<true> : vector<16xi1>
        %sort3A_668, %sort3A_669, %sort3A_670 = tpu.sort %get3A_666, %get3A_666 masked %sort3A_667 : (vector<16xf32>, vector<16xf32>, vector<16xi1>) -> (vector<16xi1>, vector<16xf32>, vector<16xf32>)
        %rev3A_671 = arith.constant 15 : i32
        %rev3A_672 = vector.broadcast %rev3A_671 : i32 to vector<16xi32>
        %rev3A_673 = tpu.iota {dimensions = array<i32: 0>} : vector<16xi32>
        %rev3A_674 = arith.subi %rev3A_672, %rev3A_673 : vector<16xi32>
        %rev3A_675 = tpu.dynamic_gather %sort3A_669[%rev3A_674] in [0] : vector<16xf32>, vector<16xi32> -> vector<16xf32>
        %max3A_676 = arith.maximumf %sort3A_662, %rev3A_675 : vector<16xf32>
        %sort3A_677 = arith.constant dense<true> : vector<16xi1>
        %sort3A_678, %sort3A_679, %sort3A_680 = tpu.sort %max3A_676, %max3A_676 masked %sort3A_677 : (vector<16xf32>, vector<16xf32>, vector<16xi1>) -> (vector<16xi1>, vector<16xf32>, vector<16xf32>)
        %get3A_681 = arith.index_cast %scan3A_68 : i32 to index
        %get3A_682 = arith.constant 608 : index
        %get3A_683 = tpu.vector_load %arg4[%get3A_681, %get3A_682] {strides = array<i32>} : memref<32x1000xf32, #tpu.memory_space<vmem>>, vector<16xf32>,
        %sort3A_684 = arith.constant dense<true> : vector<16xi1>
        %sort3A_685, %sort3A_686, %sort3A_687 = tpu.sort %get3A_683, %get3A_683 masked %sort3A_684 : (vector<16xf32>, vector<16xf32>, vector<16xi1>) -> (vector<16xi1>, vector<16xf32>, vector<16xf32>)
        %get3A_688 = arith.index_cast %scan3A_68 : i32 to index
        %get3A_689 = arith.constant 624 : index
        %get3A_690 = tpu.vector_load %arg4[%get3A_688, %get3A_689] {strides = array<i32>} : memref<32x1000xf32, #tpu.memory_space<vmem>>, vector<16xf32>,
        %sort3A_691 = arith.constant dense<true> : vector<16xi1>
        %sort3A_692, %sort3A_693, %sort3A_694 = tpu.sort %get3A_690, %get3A_690 masked %sort3A_691 : (vector<16xf32>, vector<16xf32>, vector<16xi1>) -> (vector<16xi1>, vector<16xf32>, vector<16xf32>)
        %rev3A_695 = arith.constant 15 : i32
        %rev3A_696 = vector.broadcast %rev3A_695 : i32 to vector<16xi32>
        %rev3A_697 = tpu.iota {dimensions = array<i32: 0>} : vector<16xi32>
        %rev3A_698 = arith.subi %rev3A_696, %rev3A_697 : vector<16xi32>
        %rev3A_699 = tpu.dynamic_gather %sort3A_693[%rev3A_698] in [0] : vector<16xf32>, vector<16xi32> -> vector<16xf32>
        %max3A_700 = arith.maximumf %sort3A_686, %rev3A_699 : vector<16xf32>
        %sort3A_701 = arith.constant dense<true> : vector<16xi1>
        %sort3A_702, %sort3A_703, %sort3A_704 = tpu.sort %max3A_700, %max3A_700 masked %sort3A_701 : (vector<16xf32>, vector<16xf32>, vector<16xi1>) -> (vector<16xi1>, vector<16xf32>, vector<16xf32>)
        %rev3A_705 = arith.constant 15 : i32
        %rev3A_706 = vector.broadcast %rev3A_705 : i32 to vector<16xi32>
        %rev3A_707 = tpu.iota {dimensions = array<i32: 0>} : vector<16xi32>
        %rev3A_708 = arith.subi %rev3A_706, %rev3A_707 : vector<16xi32>
        %rev3A_709 = tpu.dynamic_gather %sort3A_703[%rev3A_708] in [0] : vector<16xf32>, vector<16xi32> -> vector<16xf32>
        %max3A_710 = arith.maximumf %sort3A_679, %rev3A_709 : vector<16xf32>
        %sort3A_711 = arith.constant dense<true> : vector<16xi1>
        %sort3A_712, %sort3A_713, %sort3A_714 = tpu.sort %max3A_710, %max3A_710 masked %sort3A_711 : (vector<16xf32>, vector<16xf32>, vector<16xi1>) -> (vector<16xi1>, vector<16xf32>, vector<16xf32>)
        %rev3A_715 = arith.constant 15 : i32
        %rev3A_716 = vector.broadcast %rev3A_715 : i32 to vector<16xi32>
        %rev3A_717 = tpu.iota {dimensions = array<i32: 0>} : vector<16xi32>
        %rev3A_718 = arith.subi %rev3A_716, %rev3A_717 : vector<16xi32>
        %rev3A_719 = tpu.dynamic_gather %sort3A_713[%rev3A_718] in [0] : vector<16xf32>, vector<16xi32> -> vector<16xf32>
        %max3A_720 = arith.maximumf %sort3A_655, %rev3A_719 : vector<16xf32>
        %sort3A_721 = arith.constant dense<true> : vector<16xi1>
        %sort3A_722, %sort3A_723, %sort3A_724 = tpu.sort %max3A_720, %max3A_720 masked %sort3A_721 : (vector<16xf32>, vector<16xf32>, vector<16xi1>) -> (vector<16xi1>, vector<16xf32>, vector<16xf32>)
        %get3A_725 = arith.index_cast %scan3A_68 : i32 to index
        %get3A_726 = arith.constant 640 : index
        %get3A_727 = tpu.vector_load %arg4[%get3A_725, %get3A_726] {strides = array<i32>} : memref<32x1000xf32, #tpu.memory_space<vmem>>, vector<16xf32>,
        %sort3A_728 = arith.constant dense<true> : vector<16xi1>
        %sort3A_729, %sort3A_730, %sort3A_731 = tpu.sort %get3A_727, %get3A_727 masked %sort3A_728 : (vector<16xf32>, vector<16xf32>, vector<16xi1>) -> (vector<16xi1>, vector<16xf32>, vector<16xf32>)
        %get3A_732 = arith.index_cast %scan3A_68 : i32 to index
        %get3A_733 = arith.constant 656 : index
        %get3A_734 = tpu.vector_load %arg4[%get3A_732, %get3A_733] {strides = array<i32>} : memref<32x1000xf32, #tpu.memory_space<vmem>>, vector<16xf32>,
        %sort3A_735 = arith.constant dense<true> : vector<16xi1>
        %sort3A_736, %sort3A_737, %sort3A_738 = tpu.sort %get3A_734, %get3A_734 masked %sort3A_735 : (vector<16xf32>, vector<16xf32>, vector<16xi1>) -> (vector<16xi1>, vector<16xf32>, vector<16xf32>)
        %rev3A_739 = arith.constant 15 : i32
        %rev3A_740 = vector.broadcast %rev3A_739 : i32 to vector<16xi32>
        %rev3A_741 = tpu.iota {dimensions = array<i32: 0>} : vector<16xi32>
        %rev3A_742 = arith.subi %rev3A_740, %rev3A_741 : vector<16xi32>
        %rev3A_743 = tpu.dynamic_gather %sort3A_737[%rev3A_742] in [0] : vector<16xf32>, vector<16xi32> -> vector<16xf32>
        %max3A_744 = arith.maximumf %sort3A_730, %rev3A_743 : vector<16xf32>
        %sort3A_745 = arith.constant dense<true> : vector<16xi1>
        %sort3A_746, %sort3A_747, %sort3A_748 = tpu.sort %max3A_744, %max3A_744 masked %sort3A_745 : (vector<16xf32>, vector<16xf32>, vector<16xi1>) -> (vector<16xi1>, vector<16xf32>, vector<16xf32>)
        %get3A_749 = arith.index_cast %scan3A_68 : i32 to index
        %get3A_750 = arith.constant 672 : index
        %get3A_751 = tpu.vector_load %arg4[%get3A_749, %get3A_750] {strides = array<i32>} : memref<32x1000xf32, #tpu.memory_space<vmem>>, vector<16xf32>,
        %sort3A_752 = arith.constant dense<true> : vector<16xi1>
        %sort3A_753, %sort3A_754, %sort3A_755 = tpu.sort %get3A_751, %get3A_751 masked %sort3A_752 : (vector<16xf32>, vector<16xf32>, vector<16xi1>) -> (vector<16xi1>, vector<16xf32>, vector<16xf32>)
        %get3A_756 = arith.index_cast %scan3A_68 : i32 to index
        %get3A_757 = arith.constant 688 : index
        %get3A_758 = tpu.vector_load %arg4[%get3A_756, %get3A_757] {strides = array<i32>} : memref<32x1000xf32, #tpu.memory_space<vmem>>, vector<16xf32>,
        %sort3A_759 = arith.constant dense<true> : vector<16xi1>
        %sort3A_760, %sort3A_761, %sort3A_762 = tpu.sort %get3A_758, %get3A_758 masked %sort3A_759 : (vector<16xf32>, vector<16xf32>, vector<16xi1>) -> (vector<16xi1>, vector<16xf32>, vector<16xf32>)
        %rev3A_763 = arith.constant 15 : i32
        %rev3A_764 = vector.broadcast %rev3A_763 : i32 to vector<16xi32>
        %rev3A_765 = tpu.iota {dimensions = array<i32: 0>} : vector<16xi32>
        %rev3A_766 = arith.subi %rev3A_764, %rev3A_765 : vector<16xi32>
        %rev3A_767 = tpu.dynamic_gather %sort3A_761[%rev3A_766] in [0] : vector<16xf32>, vector<16xi32> -> vector<16xf32>
        %max3A_768 = arith.maximumf %sort3A_754, %rev3A_767 : vector<16xf32>
        %sort3A_769 = arith.constant dense<true> : vector<16xi1>
        %sort3A_770, %sort3A_771, %sort3A_772 = tpu.sort %max3A_768, %max3A_768 masked %sort3A_769 : (vector<16xf32>, vector<16xf32>, vector<16xi1>) -> (vector<16xi1>, vector<16xf32>, vector<16xf32>)
        %rev3A_773 = arith.constant 15 : i32
        %rev3A_774 = vector.broadcast %rev3A_773 : i32 to vector<16xi32>
        %rev3A_775 = tpu.iota {dimensions = array<i32: 0>} : vector<16xi32>
        %rev3A_776 = arith.subi %rev3A_774, %rev3A_775 : vector<16xi32>
        %rev3A_777 = tpu.dynamic_gather %sort3A_771[%rev3A_776] in [0] : vector<16xf32>, vector<16xi32> -> vector<16xf32>
        %max3A_778 = arith.maximumf %sort3A_747, %rev3A_777 : vector<16xf32>
        %sort3A_779 = arith.constant dense<true> : vector<16xi1>
        %sort3A_780, %sort3A_781, %sort3A_782 = tpu.sort %max3A_778, %max3A_778 masked %sort3A_779 : (vector<16xf32>, vector<16xf32>, vector<16xi1>) -> (vector<16xi1>, vector<16xf32>, vector<16xf32>)
        %get3A_783 = arith.index_cast %scan3A_68 : i32 to index
        %get3A_784 = arith.constant 704 : index
        %get3A_785 = tpu.vector_load %arg4[%get3A_783, %get3A_784] {strides = array<i32>} : memref<32x1000xf32, #tpu.memory_space<vmem>>, vector<16xf32>,
        %sort3A_786 = arith.constant dense<true> : vector<16xi1>
        %sort3A_787, %sort3A_788, %sort3A_789 = tpu.sort %get3A_785, %get3A_785 masked %sort3A_786 : (vector<16xf32>, vector<16xf32>, vector<16xi1>) -> (vector<16xi1>, vector<16xf32>, vector<16xf32>)
        %get3A_790 = arith.index_cast %scan3A_68 : i32 to index
        %get3A_791 = arith.constant 720 : index
        %get3A_792 = tpu.vector_load %arg4[%get3A_790, %get3A_791] {strides = array<i32>} : memref<32x1000xf32, #tpu.memory_space<vmem>>, vector<16xf32>,
        %sort3A_793 = arith.constant dense<true> : vector<16xi1>
        %sort3A_794, %sort3A_795, %sort3A_796 = tpu.sort %get3A_792, %get3A_792 masked %sort3A_793 : (vector<16xf32>, vector<16xf32>, vector<16xi1>) -> (vector<16xi1>, vector<16xf32>, vector<16xf32>)
        %rev3A_797 = arith.constant 15 : i32
        %rev3A_798 = vector.broadcast %rev3A_797 : i32 to vector<16xi32>
        %rev3A_799 = tpu.iota {dimensions = array<i32: 0>} : vector<16xi32>
        %rev3A_800 = arith.subi %rev3A_798, %rev3A_799 : vector<16xi32>
        %rev3A_801 = tpu.dynamic_gather %sort3A_795[%rev3A_800] in [0] : vector<16xf32>, vector<16xi32> -> vector<16xf32>
        %max3A_802 = arith.maximumf %sort3A_788, %rev3A_801 : vector<16xf32>
        %sort3A_803 = arith.constant dense<true> : vector<16xi1>
        %sort3A_804, %sort3A_805, %sort3A_806 = tpu.sort %max3A_802, %max3A_802 masked %sort3A_803 : (vector<16xf32>, vector<16xf32>, vector<16xi1>) -> (vector<16xi1>, vector<16xf32>, vector<16xf32>)
        %get3A_807 = arith.index_cast %scan3A_68 : i32 to index
        %get3A_808 = arith.constant 736 : index
        %get3A_809 = tpu.vector_load %arg4[%get3A_807, %get3A_808] {strides = array<i32>} : memref<32x1000xf32, #tpu.memory_space<vmem>>, vector<16xf32>,
        %sort3A_810 = arith.constant dense<true> : vector<16xi1>
        %sort3A_811, %sort3A_812, %sort3A_813 = tpu.sort %get3A_809, %get3A_809 masked %sort3A_810 : (vector<16xf32>, vector<16xf32>, vector<16xi1>) -> (vector<16xi1>, vector<16xf32>, vector<16xf32>)
        %get3A_814 = arith.index_cast %scan3A_68 : i32 to index
        %get3A_815 = arith.constant 752 : index
        %get3A_816 = tpu.vector_load %arg4[%get3A_814, %get3A_815] {strides = array<i32>} : memref<32x1000xf32, #tpu.memory_space<vmem>>, vector<16xf32>,
        %sort3A_817 = arith.constant dense<true> : vector<16xi1>
        %sort3A_818, %sort3A_819, %sort3A_820 = tpu.sort %get3A_816, %get3A_816 masked %sort3A_817 : (vector<16xf32>, vector<16xf32>, vector<16xi1>) -> (vector<16xi1>, vector<16xf32>, vector<16xf32>)
        %rev3A_821 = arith.constant 15 : i32
        %rev3A_822 = vector.broadcast %rev3A_821 : i32 to vector<16xi32>
        %rev3A_823 = tpu.iota {dimensions = array<i32: 0>} : vector<16xi32>
        %rev3A_824 = arith.subi %rev3A_822, %rev3A_823 : vector<16xi32>
        %rev3A_825 = tpu.dynamic_gather %sort3A_819[%rev3A_824] in [0] : vector<16xf32>, vector<16xi32> -> vector<16xf32>
        %max3A_826 = arith.maximumf %sort3A_812, %rev3A_825 : vector<16xf32>
        %sort3A_827 = arith.constant dense<true> : vector<16xi1>
        %sort3A_828, %sort3A_829, %sort3A_830 = tpu.sort %max3A_826, %max3A_826 masked %sort3A_827 : (vector<16xf32>, vector<16xf32>, vector<16xi1>) -> (vector<16xi1>, vector<16xf32>, vector<16xf32>)
        %rev3A_831 = arith.constant 15 : i32
        %rev3A_832 = vector.broadcast %rev3A_831 : i32 to vector<16xi32>
        %rev3A_833 = tpu.iota {dimensions = array<i32: 0>} : vector<16xi32>
        %rev3A_834 = arith.subi %rev3A_832, %rev3A_833 : vector<16xi32>
        %rev3A_835 = tpu.dynamic_gather %sort3A_829[%rev3A_834] in [0] : vector<16xf32>, vector<16xi32> -> vector<16xf32>
        %max3A_836 = arith.maximumf %sort3A_805, %rev3A_835 : vector<16xf32>
        %sort3A_837 = arith.constant dense<true> : vector<16xi1>
        %sort3A_838, %sort3A_839, %sort3A_840 = tpu.sort %max3A_836, %max3A_836 masked %sort3A_837 : (vector<16xf32>, vector<16xf32>, vector<16xi1>) -> (vector<16xi1>, vector<16xf32>, vector<16xf32>)
        %rev3A_841 = arith.constant 15 : i32
        %rev3A_842 = vector.broadcast %rev3A_841 : i32 to vector<16xi32>
        %rev3A_843 = tpu.iota {dimensions = array<i32: 0>} : vector<16xi32>
        %rev3A_844 = arith.subi %rev3A_842, %rev3A_843 : vector<16xi32>
        %rev3A_845 = tpu.dynamic_gather %sort3A_839[%rev3A_844] in [0] : vector<16xf32>, vector<16xi32> -> vector<16xf32>
        %max3A_846 = arith.maximumf %sort3A_781, %rev3A_845 : vector<16xf32>
        %sort3A_847 = arith.constant dense<true> : vector<16xi1>
        %sort3A_848, %sort3A_849, %sort3A_850 = tpu.sort %max3A_846, %max3A_846 masked %sort3A_847 : (vector<16xf32>, vector<16xf32>, vector<16xi1>) -> (vector<16xi1>, vector<16xf32>, vector<16xf32>)
        %rev3A_851 = arith.constant 15 : i32
        %rev3A_852 = vector.broadcast %rev3A_851 : i32 to vector<16xi32>
        %rev3A_853 = tpu.iota {dimensions = array<i32: 0>} : vector<16xi32>
        %rev3A_854 = arith.subi %rev3A_852, %rev3A_853 : vector<16xi32>
        %rev3A_855 = tpu.dynamic_gather %sort3A_849[%rev3A_854] in [0] : vector<16xf32>, vector<16xi32> -> vector<16xf32>
        %max3A_856 = arith.maximumf %sort3A_723, %rev3A_855 : vector<16xf32>
        %sort3A_857 = arith.constant dense<true> : vector<16xi1>
        %sort3A_858, %sort3A_859, %sort3A_860 = tpu.sort %max3A_856, %max3A_856 masked %sort3A_857 : (vector<16xf32>, vector<16xf32>, vector<16xi1>) -> (vector<16xi1>, vector<16xf32>, vector<16xf32>)
        %get3A_861 = arith.index_cast %scan3A_68 : i32 to index
        %get3A_862 = arith.constant 768 : index
        %get3A_863 = tpu.vector_load %arg4[%get3A_861, %get3A_862] {strides = array<i32>} : memref<32x1000xf32, #tpu.memory_space<vmem>>, vector<16xf32>,
        %sort3A_864 = arith.constant dense<true> : vector<16xi1>
        %sort3A_865, %sort3A_866, %sort3A_867 = tpu.sort %get3A_863, %get3A_863 masked %sort3A_864 : (vector<16xf32>, vector<16xf32>, vector<16xi1>) -> (vector<16xi1>, vector<16xf32>, vector<16xf32>)
        %get3A_868 = arith.index_cast %scan3A_68 : i32 to index
        %get3A_869 = arith.constant 784 : index
        %get3A_870 = tpu.vector_load %arg4[%get3A_868, %get3A_869] {strides = array<i32>} : memref<32x1000xf32, #tpu.memory_space<vmem>>, vector<16xf32>,
        %sort3A_871 = arith.constant dense<true> : vector<16xi1>
        %sort3A_872, %sort3A_873, %sort3A_874 = tpu.sort %get3A_870, %get3A_870 masked %sort3A_871 : (vector<16xf32>, vector<16xf32>, vector<16xi1>) -> (vector<16xi1>, vector<16xf32>, vector<16xf32>)
        %rev3A_875 = arith.constant 15 : i32
        %rev3A_876 = vector.broadcast %rev3A_875 : i32 to vector<16xi32>
        %rev3A_877 = tpu.iota {dimensions = array<i32: 0>} : vector<16xi32>
        %rev3A_878 = arith.subi %rev3A_876, %rev3A_877 : vector<16xi32>
        %rev3A_879 = tpu.dynamic_gather %sort3A_873[%rev3A_878] in [0] : vector<16xf32>, vector<16xi32> -> vector<16xf32>
        %max3A_880 = arith.maximumf %sort3A_866, %rev3A_879 : vector<16xf32>
        %sort3A_881 = arith.constant dense<true> : vector<16xi1>
        %sort3A_882, %sort3A_883, %sort3A_884 = tpu.sort %max3A_880, %max3A_880 masked %sort3A_881 : (vector<16xf32>, vector<16xf32>, vector<16xi1>) -> (vector<16xi1>, vector<16xf32>, vector<16xf32>)
        %get3A_885 = arith.index_cast %scan3A_68 : i32 to index
        %get3A_886 = arith.constant 800 : index
        %get3A_887 = tpu.vector_load %arg4[%get3A_885, %get3A_886] {strides = array<i32>} : memref<32x1000xf32, #tpu.memory_space<vmem>>, vector<16xf32>,
        %sort3A_888 = arith.constant dense<true> : vector<16xi1>
        %sort3A_889, %sort3A_890, %sort3A_891 = tpu.sort %get3A_887, %get3A_887 masked %sort3A_888 : (vector<16xf32>, vector<16xf32>, vector<16xi1>) -> (vector<16xi1>, vector<16xf32>, vector<16xf32>)
        %get3A_892 = arith.index_cast %scan3A_68 : i32 to index
        %get3A_893 = arith.constant 816 : index
        %get3A_894 = tpu.vector_load %arg4[%get3A_892, %get3A_893] {strides = array<i32>} : memref<32x1000xf32, #tpu.memory_space<vmem>>, vector<16xf32>,
        %sort3A_895 = arith.constant dense<true> : vector<16xi1>
        %sort3A_896, %sort3A_897, %sort3A_898 = tpu.sort %get3A_894, %get3A_894 masked %sort3A_895 : (vector<16xf32>, vector<16xf32>, vector<16xi1>) -> (vector<16xi1>, vector<16xf32>, vector<16xf32>)
        %rev3A_899 = arith.constant 15 : i32
        %rev3A_900 = vector.broadcast %rev3A_899 : i32 to vector<16xi32>
        %rev3A_901 = tpu.iota {dimensions = array<i32: 0>} : vector<16xi32>
        %rev3A_902 = arith.subi %rev3A_900, %rev3A_901 : vector<16xi32>
        %rev3A_903 = tpu.dynamic_gather %sort3A_897[%rev3A_902] in [0] : vector<16xf32>, vector<16xi32> -> vector<16xf32>
        %max3A_904 = arith.maximumf %sort3A_890, %rev3A_903 : vector<16xf32>
        %sort3A_905 = arith.constant dense<true> : vector<16xi1>
        %sort3A_906, %sort3A_907, %sort3A_908 = tpu.sort %max3A_904, %max3A_904 masked %sort3A_905 : (vector<16xf32>, vector<16xf32>, vector<16xi1>) -> (vector<16xi1>, vector<16xf32>, vector<16xf32>)
        %rev3A_909 = arith.constant 15 : i32
        %rev3A_910 = vector.broadcast %rev3A_909 : i32 to vector<16xi32>
        %rev3A_911 = tpu.iota {dimensions = array<i32: 0>} : vector<16xi32>
        %rev3A_912 = arith.subi %rev3A_910, %rev3A_911 : vector<16xi32>
        %rev3A_913 = tpu.dynamic_gather %sort3A_907[%rev3A_912] in [0] : vector<16xf32>, vector<16xi32> -> vector<16xf32>
        %max3A_914 = arith.maximumf %sort3A_883, %rev3A_913 : vector<16xf32>
        %sort3A_915 = arith.constant dense<true> : vector<16xi1>
        %sort3A_916, %sort3A_917, %sort3A_918 = tpu.sort %max3A_914, %max3A_914 masked %sort3A_915 : (vector<16xf32>, vector<16xf32>, vector<16xi1>) -> (vector<16xi1>, vector<16xf32>, vector<16xf32>)
        %get3A_919 = arith.index_cast %scan3A_68 : i32 to index
        %get3A_920 = arith.constant 832 : index
        %get3A_921 = tpu.vector_load %arg4[%get3A_919, %get3A_920] {strides = array<i32>} : memref<32x1000xf32, #tpu.memory_space<vmem>>, vector<16xf32>,
        %sort3A_922 = arith.constant dense<true> : vector<16xi1>
        %sort3A_923, %sort3A_924, %sort3A_925 = tpu.sort %get3A_921, %get3A_921 masked %sort3A_922 : (vector<16xf32>, vector<16xf32>, vector<16xi1>) -> (vector<16xi1>, vector<16xf32>, vector<16xf32>)
        %get3A_926 = arith.index_cast %scan3A_68 : i32 to index
        %get3A_927 = arith.constant 848 : index
        %get3A_928 = tpu.vector_load %arg4[%get3A_926, %get3A_927] {strides = array<i32>} : memref<32x1000xf32, #tpu.memory_space<vmem>>, vector<16xf32>,
        %sort3A_929 = arith.constant dense<true> : vector<16xi1>
        %sort3A_930, %sort3A_931, %sort3A_932 = tpu.sort %get3A_928, %get3A_928 masked %sort3A_929 : (vector<16xf32>, vector<16xf32>, vector<16xi1>) -> (vector<16xi1>, vector<16xf32>, vector<16xf32>)
        %rev3A_933 = arith.constant 15 : i32
        %rev3A_934 = vector.broadcast %rev3A_933 : i32 to vector<16xi32>
        %rev3A_935 = tpu.iota {dimensions = array<i32: 0>} : vector<16xi32>
        %rev3A_936 = arith.subi %rev3A_934, %rev3A_935 : vector<16xi32>
        %rev3A_937 = tpu.dynamic_gather %sort3A_931[%rev3A_936] in [0] : vector<16xf32>, vector<16xi32> -> vector<16xf32>
        %max3A_938 = arith.maximumf %sort3A_924, %rev3A_937 : vector<16xf32>
        %sort3A_939 = arith.constant dense<true> : vector<16xi1>
        %sort3A_940, %sort3A_941, %sort3A_942 = tpu.sort %max3A_938, %max3A_938 masked %sort3A_939 : (vector<16xf32>, vector<16xf32>, vector<16xi1>) -> (vector<16xi1>, vector<16xf32>, vector<16xf32>)
        %get3A_943 = arith.index_cast %scan3A_68 : i32 to index
        %get3A_944 = arith.constant 864 : index
        %get3A_945 = tpu.vector_load %arg4[%get3A_943, %get3A_944] {strides = array<i32>} : memref<32x1000xf32, #tpu.memory_space<vmem>>, vector<16xf32>,
        %sort3A_946 = arith.constant dense<true> : vector<16xi1>
        %sort3A_947, %sort3A_948, %sort3A_949 = tpu.sort %get3A_945, %get3A_945 masked %sort3A_946 : (vector<16xf32>, vector<16xf32>, vector<16xi1>) -> (vector<16xi1>, vector<16xf32>, vector<16xf32>)
        %get3A_950 = arith.index_cast %scan3A_68 : i32 to index
        %get3A_951 = arith.constant 880 : index
        %get3A_952 = tpu.vector_load %arg4[%get3A_950, %get3A_951] {strides = array<i32>} : memref<32x1000xf32, #tpu.memory_space<vmem>>, vector<16xf32>,
        %sort3A_953 = arith.constant dense<true> : vector<16xi1>
        %sort3A_954, %sort3A_955, %sort3A_956 = tpu.sort %get3A_952, %get3A_952 masked %sort3A_953 : (vector<16xf32>, vector<16xf32>, vector<16xi1>) -> (vector<16xi1>, vector<16xf32>, vector<16xf32>)
        %rev3A_957 = arith.constant 15 : i32
        %rev3A_958 = vector.broadcast %rev3A_957 : i32 to vector<16xi32>
        %rev3A_959 = tpu.iota {dimensions = array<i32: 0>} : vector<16xi32>
        %rev3A_960 = arith.subi %rev3A_958, %rev3A_959 : vector<16xi32>
        %rev3A_961 = tpu.dynamic_gather %sort3A_955[%rev3A_960] in [0] : vector<16xf32>, vector<16xi32> -> vector<16xf32>
        %max3A_962 = arith.maximumf %sort3A_948, %rev3A_961 : vector<16xf32>
        %sort3A_963 = arith.constant dense<true> : vector<16xi1>
        %sort3A_964, %sort3A_965, %sort3A_966 = tpu.sort %max3A_962, %max3A_962 masked %sort3A_963 : (vector<16xf32>, vector<16xf32>, vector<16xi1>) -> (vector<16xi1>, vector<16xf32>, vector<16xf32>)
        %rev3A_967 = arith.constant 15 : i32
        %rev3A_968 = vector.broadcast %rev3A_967 : i32 to vector<16xi32>
        %rev3A_969 = tpu.iota {dimensions = array<i32: 0>} : vector<16xi32>
        %rev3A_970 = arith.subi %rev3A_968, %rev3A_969 : vector<16xi32>
        %rev3A_971 = tpu.dynamic_gather %sort3A_965[%rev3A_970] in [0] : vector<16xf32>, vector<16xi32> -> vector<16xf32>
        %max3A_972 = arith.maximumf %sort3A_941, %rev3A_971 : vector<16xf32>
        %sort3A_973 = arith.constant dense<true> : vector<16xi1>
        %sort3A_974, %sort3A_975, %sort3A_976 = tpu.sort %max3A_972, %max3A_972 masked %sort3A_973 : (vector<16xf32>, vector<16xf32>, vector<16xi1>) -> (vector<16xi1>, vector<16xf32>, vector<16xf32>)
        %rev3A_977 = arith.constant 15 : i32
        %rev3A_978 = vector.broadcast %rev3A_977 : i32 to vector<16xi32>
        %rev3A_979 = tpu.iota {dimensions = array<i32: 0>} : vector<16xi32>
        %rev3A_980 = arith.subi %rev3A_978, %rev3A_979 : vector<16xi32>
        %rev3A_981 = tpu.dynamic_gather %sort3A_975[%rev3A_980] in [0] : vector<16xf32>, vector<16xi32> -> vector<16xf32>
        %max3A_982 = arith.maximumf %sort3A_917, %rev3A_981 : vector<16xf32>
        %sort3A_983 = arith.constant dense<true> : vector<16xi1>
        %sort3A_984, %sort3A_985, %sort3A_986 = tpu.sort %max3A_982, %max3A_982 masked %sort3A_983 : (vector<16xf32>, vector<16xf32>, vector<16xi1>) -> (vector<16xi1>, vector<16xf32>, vector<16xf32>)
        %get3A_987 = arith.index_cast %scan3A_68 : i32 to index
        %get3A_988 = arith.constant 896 : index
        %get3A_989 = tpu.vector_load %arg4[%get3A_987, %get3A_988] {strides = array<i32>} : memref<32x1000xf32, #tpu.memory_space<vmem>>, vector<16xf32>,
        %sort3A_990 = arith.constant dense<true> : vector<16xi1>
        %sort3A_991, %sort3A_992, %sort3A_993 = tpu.sort %get3A_989, %get3A_989 masked %sort3A_990 : (vector<16xf32>, vector<16xf32>, vector<16xi1>) -> (vector<16xi1>, vector<16xf32>, vector<16xf32>)
        %get3A_994 = arith.index_cast %scan3A_68 : i32 to index
        %get3A_995 = arith.constant 912 : index
        %get3A_996 = tpu.vector_load %arg4[%get3A_994, %get3A_995] {strides = array<i32>} : memref<32x1000xf32, #tpu.memory_space<vmem>>, vector<16xf32>,
        %sort3A_997 = arith.constant dense<true> : vector<16xi1>
        %sort3A_998, %sort3A_999, %sort3A_1000 = tpu.sort %get3A_996, %get3A_996 masked %sort3A_997 : (vector<16xf32>, vector<16xf32>, vector<16xi1>) -> (vector<16xi1>, vector<16xf32>, vector<16xf32>)
        %rev3A_1001 = arith.constant 15 : i32
        %rev3A_1002 = vector.broadcast %rev3A_1001 : i32 to vector<16xi32>
        %rev3A_1003 = tpu.iota {dimensions = array<i32: 0>} : vector<16xi32>
        %rev3A_1004 = arith.subi %rev3A_1002, %rev3A_1003 : vector<16xi32>
        %rev3A_1005 = tpu.dynamic_gather %sort3A_999[%rev3A_1004] in [0] : vector<16xf32>, vector<16xi32> -> vector<16xf32>
        %max3A_1006 = arith.maximumf %sort3A_992, %rev3A_1005 : vector<16xf32>
        %sort3A_1007 = arith.constant dense<true> : vector<16xi1>
        %sort3A_1008, %sort3A_1009, %sort3A_1010 = tpu.sort %max3A_1006, %max3A_1006 masked %sort3A_1007 : (vector<16xf32>, vector<16xf32>, vector<16xi1>) -> (vector<16xi1>, vector<16xf32>, vector<16xf32>)
        %get3A_1011 = arith.index_cast %scan3A_68 : i32 to index
        %get3A_1012 = arith.constant 928 : index
        %get3A_1013 = tpu.vector_load %arg4[%get3A_1011, %get3A_1012] {strides = array<i32>} : memref<32x1000xf32, #tpu.memory_space<vmem>>, vector<16xf32>,
        %sort3A_1014 = arith.constant dense<true> : vector<16xi1>
        %sort3A_1015, %sort3A_1016, %sort3A_1017 = tpu.sort %get3A_1013, %get3A_1013 masked %sort3A_1014 : (vector<16xf32>, vector<16xf32>, vector<16xi1>) -> (vector<16xi1>, vector<16xf32>, vector<16xf32>)
        %get3A_1018 = arith.index_cast %scan3A_68 : i32 to index
        %get3A_1019 = arith.constant 944 : index
        %get3A_1020 = tpu.vector_load %arg4[%get3A_1018, %get3A_1019] {strides = array<i32>} : memref<32x1000xf32, #tpu.memory_space<vmem>>, vector<16xf32>,
        %sort3A_1021 = arith.constant dense<true> : vector<16xi1>
        %sort3A_1022, %sort3A_1023, %sort3A_1024 = tpu.sort %get3A_1020, %get3A_1020 masked %sort3A_1021 : (vector<16xf32>, vector<16xf32>, vector<16xi1>) -> (vector<16xi1>, vector<16xf32>, vector<16xf32>)
        %rev3A_1025 = arith.constant 15 : i32
        %rev3A_1026 = vector.broadcast %rev3A_1025 : i32 to vector<16xi32>
        %rev3A_1027 = tpu.iota {dimensions = array<i32: 0>} : vector<16xi32>
        %rev3A_1028 = arith.subi %rev3A_1026, %rev3A_1027 : vector<16xi32>
        %rev3A_1029 = tpu.dynamic_gather %sort3A_1023[%rev3A_1028] in [0] : vector<16xf32>, vector<16xi32> -> vector<16xf32>
        %max3A_1030 = arith.maximumf %sort3A_1016, %rev3A_1029 : vector<16xf32>
        %sort3A_1031 = arith.constant dense<true> : vector<16xi1>
        %sort3A_1032, %sort3A_1033, %sort3A_1034 = tpu.sort %max3A_1030, %max3A_1030 masked %sort3A_1031 : (vector<16xf32>, vector<16xf32>, vector<16xi1>) -> (vector<16xi1>, vector<16xf32>, vector<16xf32>)
        %rev3A_1035 = arith.constant 15 : i32
        %rev3A_1036 = vector.broadcast %rev3A_1035 : i32 to vector<16xi32>
        %rev3A_1037 = tpu.iota {dimensions = array<i32: 0>} : vector<16xi32>
        %rev3A_1038 = arith.subi %rev3A_1036, %rev3A_1037 : vector<16xi32>
        %rev3A_1039 = tpu.dynamic_gather %sort3A_1033[%rev3A_1038] in [0] : vector<16xf32>, vector<16xi32> -> vector<16xf32>
        %max3A_1040 = arith.maximumf %sort3A_1009, %rev3A_1039 : vector<16xf32>
        %sort3A_1041 = arith.constant dense<true> : vector<16xi1>
        %sort3A_1042, %sort3A_1043, %sort3A_1044 = tpu.sort %max3A_1040, %max3A_1040 masked %sort3A_1041 : (vector<16xf32>, vector<16xf32>, vector<16xi1>) -> (vector<16xi1>, vector<16xf32>, vector<16xf32>)
        %get3A_1045 = arith.index_cast %scan3A_68 : i32 to index
        %get3A_1046 = arith.constant 960 : index
        %get3A_1047 = tpu.vector_load %arg4[%get3A_1045, %get3A_1046] {strides = array<i32>} : memref<32x1000xf32, #tpu.memory_space<vmem>>, vector<16xf32>,
        %sort3A_1048 = arith.constant dense<true> : vector<16xi1>
        %sort3A_1049, %sort3A_1050, %sort3A_1051 = tpu.sort %get3A_1047, %get3A_1047 masked %sort3A_1048 : (vector<16xf32>, vector<16xf32>, vector<16xi1>) -> (vector<16xi1>, vector<16xf32>, vector<16xf32>)
        %get3A_1052 = arith.index_cast %scan3A_68 : i32 to index
        %get3A_1053 = arith.constant 976 : index
        %get3A_1054 = tpu.vector_load %arg4[%get3A_1052, %get3A_1053] {strides = array<i32>} : memref<32x1000xf32, #tpu.memory_space<vmem>>, vector<16xf32>,
        %sort3A_1055 = arith.constant dense<true> : vector<16xi1>
        %sort3A_1056, %sort3A_1057, %sort3A_1058 = tpu.sort %get3A_1054, %get3A_1054 masked %sort3A_1055 : (vector<16xf32>, vector<16xf32>, vector<16xi1>) -> (vector<16xi1>, vector<16xf32>, vector<16xf32>)
        %rev3A_1059 = arith.constant 15 : i32
        %rev3A_1060 = vector.broadcast %rev3A_1059 : i32 to vector<16xi32>
        %rev3A_1061 = tpu.iota {dimensions = array<i32: 0>} : vector<16xi32>
        %rev3A_1062 = arith.subi %rev3A_1060, %rev3A_1061 : vector<16xi32>
        %rev3A_1063 = tpu.dynamic_gather %sort3A_1057[%rev3A_1062] in [0] : vector<16xf32>, vector<16xi32> -> vector<16xf32>
        %max3A_1064 = arith.maximumf %sort3A_1050, %rev3A_1063 : vector<16xf32>
        %sort3A_1065 = arith.constant dense<true> : vector<16xi1>
        %sort3A_1066, %sort3A_1067, %sort3A_1068 = tpu.sort %max3A_1064, %max3A_1064 masked %sort3A_1065 : (vector<16xf32>, vector<16xf32>, vector<16xi1>) -> (vector<16xi1>, vector<16xf32>, vector<16xf32>)
        %ge3A = arith.constant 8 : i32
        %ge3A_1069 = vector.broadcast %ge3A : i32 to vector<16xi32>
        %ge3A_1070 = arith.cmpi sge, %iota3A, %ge3A_1069 : vector<16xi32>
        %get3A_1071 = arith.index_cast %scan3A_68 : i32 to index
        %get3A_1072 = arith.constant 984 : index
        %get3A_1073 = tpu.vector_load %arg4[%get3A_1071, %get3A_1072] {strides = array<i32>} : memref<32x1000xf32, #tpu.memory_space<vmem>>, vector<16xf32>,
        %jit3A = arith.constant 0xFF800000 : f32
        %broadcast_in_dim3A = vector.broadcast %jit3A : f32 to vector<16xf32>
        %select_n3A = arith.select %ge3A_1070, %get3A_1073, %broadcast_in_dim3A : vector<16xi1>, vector<16xf32>
        %sort3A_1074 = arith.constant dense<true> : vector<16xi1>
        %sort3A_1075, %sort3A_1076, %sort3A_1077 = tpu.sort %select_n3A, %select_n3A masked %sort3A_1074 : (vector<16xf32>, vector<16xf32>, vector<16xi1>) -> (vector<16xi1>, vector<16xf32>, vector<16xf32>)
        %rev3A_1078 = arith.constant 15 : i32
        %rev3A_1079 = vector.broadcast %rev3A_1078 : i32 to vector<16xi32>
        %rev3A_1080 = tpu.iota {dimensions = array<i32: 0>} : vector<16xi32>
        %rev3A_1081 = arith.subi %rev3A_1079, %rev3A_1080 : vector<16xi32>
        %rev3A_1082 = tpu.dynamic_gather %sort3A_1067[%rev3A_1081] in [0] : vector<16xf32>, vector<16xi32> -> vector<16xf32>
        %max3A_1083 = arith.maximumf %sort3A_1076, %rev3A_1082 : vector<16xf32>
        %sort3A_1084 = arith.constant dense<true> : vector<16xi1>
        %sort3A_1085, %sort3A_1086, %sort3A_1087 = tpu.sort %max3A_1083, %max3A_1083 masked %sort3A_1084 : (vector<16xf32>, vector<16xf32>, vector<16xi1>) -> (vector<16xi1>, vector<16xf32>, vector<16xf32>)
        %rev3A_1088 = arith.constant 15 : i32
        %rev3A_1089 = vector.broadcast %rev3A_1088 : i32 to vector<16xi32>
        %rev3A_1090 = tpu.iota {dimensions = array<i32: 0>} : vector<16xi32>
        %rev3A_1091 = arith.subi %rev3A_1089, %rev3A_1090 : vector<16xi32>
        %rev3A_1092 = tpu.dynamic_gather %sort3A_1043[%rev3A_1091] in [0] : vector<16xf32>, vector<16xi32> -> vector<16xf32>
        %max3A_1093 = arith.maximumf %sort3A_1086, %rev3A_1092 : vector<16xf32>
        %sort3A_1094 = arith.constant dense<true> : vector<16xi1>
        %sort3A_1095, %sort3A_1096, %sort3A_1097 = tpu.sort %max3A_1093, %max3A_1093 masked %sort3A_1094 : (vector<16xf32>, vector<16xf32>, vector<16xi1>) -> (vector<16xi1>, vector<16xf32>, vector<16xf32>)
        %rev3A_1098 = arith.constant 15 : i32
        %rev3A_1099 = vector.broadcast %rev3A_1098 : i32 to vector<16xi32>
        %rev3A_1100 = tpu.iota {dimensions = array<i32: 0>} : vector<16xi32>
        %rev3A_1101 = arith.subi %rev3A_1099, %rev3A_1100 : vector<16xi32>
        %rev3A_1102 = tpu.dynamic_gather %sort3A_985[%rev3A_1101] in [0] : vector<16xf32>, vector<16xi32> -> vector<16xf32>
        %max3A_1103 = arith.maximumf %sort3A_1096, %rev3A_1102 : vector<16xf32>
        %sort3A_1104 = arith.constant dense<true> : vector<16xi1>
        %sort3A_1105, %sort3A_1106, %sort3A_1107 = tpu.sort %max3A_1103, %max3A_1103 masked %sort3A_1104 : (vector<16xf32>, vector<16xf32>, vector<16xi1>) -> (vector<16xi1>, vector<16xf32>, vector<16xf32>)
        %rev3A_1108 = arith.constant 15 : i32
        %rev3A_1109 = vector.broadcast %rev3A_1108 : i32 to vector<16xi32>
        %rev3A_1110 = tpu.iota {dimensions = array<i32: 0>} : vector<16xi32>
        %rev3A_1111 = arith.subi %rev3A_1109, %rev3A_1110 : vector<16xi32>
        %rev3A_1112 = tpu.dynamic_gather %sort3A_859[%rev3A_1111] in [0] : vector<16xf32>, vector<16xi32> -> vector<16xf32>
        %max3A_1113 = arith.maximumf %sort3A_1106, %rev3A_1112 : vector<16xf32>
        %sort3A_1114 = arith.constant dense<true> : vector<16xi1>
        %sort3A_1115, %sort3A_1116, %sort3A_1117 = tpu.sort %max3A_1113, %max3A_1113 masked %sort3A_1114 : (vector<16xf32>, vector<16xf32>, vector<16xi1>) -> (vector<16xi1>, vector<16xf32>, vector<16xf32>)
        %rev3A_1118 = arith.constant 15 : i32
        %rev3A_1119 = vector.broadcast %rev3A_1118 : i32 to vector<16xi32>
        %rev3A_1120 = tpu.iota {dimensions = array<i32: 0>} : vector<16xi32>
        %rev3A_1121 = arith.subi %rev3A_1119, %rev3A_1120 : vector<16xi32>
        %rev3A_1122 = tpu.dynamic_gather %sort3A_597[%rev3A_1121] in [0] : vector<16xf32>, vector<16xi32> -> vector<16xf32>
        %max3A_1123 = arith.maximumf %sort3A_1116, %rev3A_1122 : vector<16xf32>
        %sort3A_1124 = arith.constant dense<true> : vector<16xi1>
        %sort3A_1125, %sort3A_1126, %sort3A_1127 = tpu.sort %max3A_1123, %max3A_1123 masked %sort3A_1124 : (vector<16xf32>, vector<16xf32>, vector<16xi1>) -> (vector<16xi1>, vector<16xf32>, vector<16xf32>)
        %mul3A_1128 = arith.constant 16 : i32
        %mul3A_1129 = arith.muli %scan3A_68, %mul3A_1128 : i32
        %swap3A = arith.index_cast %mul3A_1129 : i32 to index
        %swap3A_1130 = tpu.vector_load %arg6[%swap3A] {strides = array<i32>} : memref<512xf32, #tpu.memory_space<vmem>>, vector<16xf32>,
        tpu.vector_store %arg6[%swap3A], %sort3A_1126 {strides = array<i32>} : memref<512xf32, #tpu.memory_space<vmem>>, vector<16xf32>,
      }
      %scan3A_39 = arith.constant 32 : i32
      %mul3A_40 = arith.constant 16 : i32
      %mul3A_41 = arith.muli %add3A_33, %mul3A_40 : i32
      "tpu.region"() ({
        %run_scoped3A = tpu.sem_alloc : memref<!tpu.dma_semaphore, #tpu.memory_space<semaphore_mem>>
        %dma_start3A_68 = tpu.memref_slice %arg3[%mul3A_41] : memref<262144xf32, #tpu.memory_space<hbm>> -> memref<512xf32, #tpu.memory_space<hbm>>
        %dma_start3A_69 = tpu.memref_slice %arg3[%mul3A_41] : memref<262144xf32, #tpu.memory_space<hbm>> -> memref<512xf32, #tpu.memory_space<hbm>>
        tpu.enqueue_dma source(%arg6 : memref<512xf32, #tpu.memory_space<vmem>>) target(%dma_start3A_69 : memref<512xf32, #tpu.memory_space<hbm>>) target_semaphore(%run_scoped3A : memref<!tpu.dma_semaphore, #tpu.memory_space<semaphore_mem>>)
        %dma_wait3A_70 = tpu.memref_slice %arg3[%mul3A_41] : memref<262144xf32, #tpu.memory_space<hbm>> -> memref<512xf32, #tpu.memory_space<hbm>>
        %dma_wait3A_71 = tpu.memref_slice %arg3[%mul3A_41] : memref<262144xf32, #tpu.memory_space<hbm>> -> memref<512xf32, #tpu.memory_space<hbm>>
        tpu.wait_dma2 semaphore(%run_scoped3A : memref<!tpu.dma_semaphore, #tpu.memory_space<semaphore_mem>>) src(%arg6 : memref<512xf32, #tpu.memory_space<vmem>>) dst(%dma_wait3A_71 : memref<512xf32, #tpu.memory_space<hbm>>)
        tpu.yield
      }) : () -> ()
      %add3A_42 = arith.constant 1 : i32
      %add3A_43 = arith.addi %mul3A_15, %add3A_42 : i32
      %mul3A_44 = arith.constant 32 : i32
      %mul3A_45 = arith.muli %add3A_43, %mul3A_44 : i32
      %add3A_46 = arith.addi %mul3A_2, %mul3A_45 : i32
      %dma_wait3A_47 = arith.constant 0 : i32
      %dma_wait3A_48 = tpu.memref_slice %arg2[%add3A_46, %dma_wait3A_47] : memref<16384x1000xf32, #tpu.memory_space<hbm>> -> memref<32x1000xf32, #tpu.memory_space<hbm>>
      %dma_wait3A_49 = arith.constant 0 : i32
      %dma_wait3A_50 = tpu.memref_slice %arg2[%add3A_46, %dma_wait3A_49] : memref<16384x1000xf32, #tpu.memory_space<hbm>> -> memref<32x1000xf32, #tpu.memory_space<hbm>>
      tpu.wait_dma2 semaphore(%arg8 : memref<!tpu.dma_semaphore, #tpu.memory_space<semaphore_mem>>) src(%dma_wait3A_50 : memref<32x1000xf32, #tpu.memory_space<hbm>>) dst(%arg5 : memref<32x1000xf32, #tpu.memory_space<vmem>>)
      %add3A_51 = arith.constant 1 : i32
      %add3A_52 = arith.addi %scan3A_13, %add3A_51 : i32
      %lt3A = arith.constant 8 : i32
      %lt3A_53 = arith.cmpi slt, %add3A_52, %lt3A : i32
      %convert_element_type3A = arith.extui %lt3A_53 : i1 to i32
      %cond3A = arith.constant 0 : i32
      %cond3A_54 = arith.cmpi ne, %convert_element_type3A, %cond3A : i32
      scf.if %cond3A_54 {
        %add3A_68 = arith.constant 2 : i32
        %add3A_69 = arith.addi %mul3A_15, %add3A_68 : i32
        %mul3A_70 = arith.constant 32 : i32
        %mul3A_71 = arith.muli %add3A_69, %mul3A_70 : i32
        %add3A_72 = arith.addi %mul3A_2, %mul3A_71 : i32
        %dma_start3A_73 = arith.constant 0 : i32
        %dma_start3A_74 = tpu.memref_slice %arg2[%add3A_72, %dma_start3A_73] : memref<16384x1000xf32, #tpu.memory_space<hbm>> -> memref<32x1000xf32, #tpu.memory_space<hbm>>
        %dma_start3A_75 = arith.constant 0 : i32
        %dma_start3A_76 = tpu.memref_slice %arg2[%add3A_72, %dma_start3A_75] : memref<16384x1000xf32, #tpu.memory_space<hbm>> -> memref<32x1000xf32, #tpu.memory_space<hbm>>
        tpu.enqueue_dma source(%dma_start3A_76 : memref<32x1000xf32, #tpu.memory_space<hbm>>) target(%arg4 : memref<32x1000xf32, #tpu.memory_space<vmem>>) target_semaphore(%arg7 : memref<!tpu.dma_semaphore, #tpu.memory_space<semaphore_mem>>)
      } else {
      }
      %add3A_55 = arith.constant 1 : i32
      %add3A_56 = arith.addi %mul3A_15, %add3A_55 : i32
      %mul3A_57 = arith.constant 32 : i32
      %mul3A_58 = arith.muli %add3A_56, %mul3A_57 : i32
      %add3A_59 = arith.addi %mul3A_2, %mul3A_58 : i32
      %scan3A_60 = arith.constant 0 : i32
      %scan3A_61 = arith.constant 0 : i32
      %scan3A_62 = arith.constant 32 : i32
      %scan3A_63 = arith.addi %scan3A_61, %scan3A_62 : i32
      %scan3A_64 = arith.constant 1 : i32
      scf.for %scan3A_68 = %scan3A_61 to %scan3A_63 step %scan3A_64  : i32 {
        %get3A = arith.index_cast %scan3A_68 : i32 to index
        %get3A_69 = arith.constant 0 : index
        %get3A_70 = tpu.vector_load %arg5[%get3A, %get3A_69] {strides = array<i32>} : memref<32x1000xf32, #tpu.memory_space<vmem>>, vector<16xf32>,
        %sort3A = arith.constant dense<true> : vector<16xi1>
        %sort3A_71, %sort3A_72, %sort3A_73 = tpu.sort %get3A_70, %get3A_70 masked %sort3A : (vector<16xf32>, vector<16xf32>, vector<16xi1>) -> (vector<16xi1>, vector<16xf32>, vector<16xf32>)
        %get3A_74 = arith.index_cast %scan3A_68 : i32 to index
        %get3A_75 = arith.constant 16 : index
        %get3A_76 = tpu.vector_load %arg5[%get3A_74, %get3A_75] {strides = array<i32>} : memref<32x1000xf32, #tpu.memory_space<vmem>>, vector<16xf32>,
        %sort3A_77 = arith.constant dense<true> : vector<16xi1>
        %sort3A_78, %sort3A_79, %sort3A_80 = tpu.sort %get3A_76, %get3A_76 masked %sort3A_77 : (vector<16xf32>, vector<16xf32>, vector<16xi1>) -> (vector<16xi1>, vector<16xf32>, vector<16xf32>)
        %rev3A = arith.constant 15 : i32
        %rev3A_81 = vector.broadcast %rev3A : i32 to vector<16xi32>
        %rev3A_82 = tpu.iota {dimensions = array<i32: 0>} : vector<16xi32>
        %rev3A_83 = arith.subi %rev3A_81, %rev3A_82 : vector<16xi32>
        %rev3A_84 = tpu.dynamic_gather %sort3A_79[%rev3A_83] in [0] : vector<16xf32>, vector<16xi32> -> vector<16xf32>
        %max3A = arith.maximumf %sort3A_72, %rev3A_84 : vector<16xf32>
        %sort3A_85 = arith.constant dense<true> : vector<16xi1>
        %sort3A_86, %sort3A_87, %sort3A_88 = tpu.sort %max3A, %max3A masked %sort3A_85 : (vector<16xf32>, vector<16xf32>, vector<16xi1>) -> (vector<16xi1>, vector<16xf32>, vector<16xf32>)
        %get3A_89 = arith.index_cast %scan3A_68 : i32 to index
        %get3A_90 = arith.constant 32 : index
        %get3A_91 = tpu.vector_load %arg5[%get3A_89, %get3A_90] {strides = array<i32>} : memref<32x1000xf32, #tpu.memory_space<vmem>>, vector<16xf32>,
        %sort3A_92 = arith.constant dense<true> : vector<16xi1>
        %sort3A_93, %sort3A_94, %sort3A_95 = tpu.sort %get3A_91, %get3A_91 masked %sort3A_92 : (vector<16xf32>, vector<16xf32>, vector<16xi1>) -> (vector<16xi1>, vector<16xf32>, vector<16xf32>)
        %get3A_96 = arith.index_cast %scan3A_68 : i32 to index
        %get3A_97 = arith.constant 48 : index
        %get3A_98 = tpu.vector_load %arg5[%get3A_96, %get3A_97] {strides = array<i32>} : memref<32x1000xf32, #tpu.memory_space<vmem>>, vector<16xf32>,
        %sort3A_99 = arith.constant dense<true> : vector<16xi1>
        %sort3A_100, %sort3A_101, %sort3A_102 = tpu.sort %get3A_98, %get3A_98 masked %sort3A_99 : (vector<16xf32>, vector<16xf32>, vector<16xi1>) -> (vector<16xi1>, vector<16xf32>, vector<16xf32>)
        %rev3A_103 = arith.constant 15 : i32
        %rev3A_104 = vector.broadcast %rev3A_103 : i32 to vector<16xi32>
        %rev3A_105 = tpu.iota {dimensions = array<i32: 0>} : vector<16xi32>
        %rev3A_106 = arith.subi %rev3A_104, %rev3A_105 : vector<16xi32>
        %rev3A_107 = tpu.dynamic_gather %sort3A_101[%rev3A_106] in [0] : vector<16xf32>, vector<16xi32> -> vector<16xf32>
        %max3A_108 = arith.maximumf %sort3A_94, %rev3A_107 : vector<16xf32>
        %sort3A_109 = arith.constant dense<true> : vector<16xi1>
        %sort3A_110, %sort3A_111, %sort3A_112 = tpu.sort %max3A_108, %max3A_108 masked %sort3A_109 : (vector<16xf32>, vector<16xf32>, vector<16xi1>) -> (vector<16xi1>, vector<16xf32>, vector<16xf32>)
        %rev3A_113 = arith.constant 15 : i32
        %rev3A_114 = vector.broadcast %rev3A_113 : i32 to vector<16xi32>
        %rev3A_115 = tpu.iota {dimensions = array<i32: 0>} : vector<16xi32>
        %rev3A_116 = arith.subi %rev3A_114, %rev3A_115 : vector<16xi32>
        %rev3A_117 = tpu.dynamic_gather %sort3A_111[%rev3A_116] in [0] : vector<16xf32>, vector<16xi32> -> vector<16xf32>
        %max3A_118 = arith.maximumf %sort3A_87, %rev3A_117 : vector<16xf32>
        %sort3A_119 = arith.constant dense<true> : vector<16xi1>
        %sort3A_120, %sort3A_121, %sort3A_122 = tpu.sort %max3A_118, %max3A_118 masked %sort3A_119 : (vector<16xf32>, vector<16xf32>, vector<16xi1>) -> (vector<16xi1>, vector<16xf32>, vector<16xf32>)
        %get3A_123 = arith.index_cast %scan3A_68 : i32 to index
        %get3A_124 = arith.constant 64 : index
        %get3A_125 = tpu.vector_load %arg5[%get3A_123, %get3A_124] {strides = array<i32>} : memref<32x1000xf32, #tpu.memory_space<vmem>>, vector<16xf32>,
        %sort3A_126 = arith.constant dense<true> : vector<16xi1>
        %sort3A_127, %sort3A_128, %sort3A_129 = tpu.sort %get3A_125, %get3A_125 masked %sort3A_126 : (vector<16xf32>, vector<16xf32>, vector<16xi1>) -> (vector<16xi1>, vector<16xf32>, vector<16xf32>)
        %get3A_130 = arith.index_cast %scan3A_68 : i32 to index
        %get3A_131 = arith.constant 80 : index
        %get3A_132 = tpu.vector_load %arg5[%get3A_130, %get3A_131] {strides = array<i32>} : memref<32x1000xf32, #tpu.memory_space<vmem>>, vector<16xf32>,
        %sort3A_133 = arith.constant dense<true> : vector<16xi1>
        %sort3A_134, %sort3A_135, %sort3A_136 = tpu.sort %get3A_132, %get3A_132 masked %sort3A_133 : (vector<16xf32>, vector<16xf32>, vector<16xi1>) -> (vector<16xi1>, vector<16xf32>, vector<16xf32>)
        %rev3A_137 = arith.constant 15 : i32
        %rev3A_138 = vector.broadcast %rev3A_137 : i32 to vector<16xi32>
        %rev3A_139 = tpu.iota {dimensions = array<i32: 0>} : vector<16xi32>
        %rev3A_140 = arith.subi %rev3A_138, %rev3A_139 : vector<16xi32>
        %rev3A_141 = tpu.dynamic_gather %sort3A_135[%rev3A_140] in [0] : vector<16xf32>, vector<16xi32> -> vector<16xf32>
        %max3A_142 = arith.maximumf %sort3A_128, %rev3A_141 : vector<16xf32>
        %sort3A_143 = arith.constant dense<true> : vector<16xi1>
        %sort3A_144, %sort3A_145, %sort3A_146 = tpu.sort %max3A_142, %max3A_142 masked %sort3A_143 : (vector<16xf32>, vector<16xf32>, vector<16xi1>) -> (vector<16xi1>, vector<16xf32>, vector<16xf32>)
        %get3A_147 = arith.index_cast %scan3A_68 : i32 to index
        %get3A_148 = arith.constant 96 : index
        %get3A_149 = tpu.vector_load %arg5[%get3A_147, %get3A_148] {strides = array<i32>} : memref<32x1000xf32, #tpu.memory_space<vmem>>, vector<16xf32>,
        %sort3A_150 = arith.constant dense<true> : vector<16xi1>
        %sort3A_151, %sort3A_152, %sort3A_153 = tpu.sort %get3A_149, %get3A_149 masked %sort3A_150 : (vector<16xf32>, vector<16xf32>, vector<16xi1>) -> (vector<16xi1>, vector<16xf32>, vector<16xf32>)
        %get3A_154 = arith.index_cast %scan3A_68 : i32 to index
        %get3A_155 = arith.constant 112 : index
        %get3A_156 = tpu.vector_load %arg5[%get3A_154, %get3A_155] {strides = array<i32>} : memref<32x1000xf32, #tpu.memory_space<vmem>>, vector<16xf32>,
        %sort3A_157 = arith.constant dense<true> : vector<16xi1>
        %sort3A_158, %sort3A_159, %sort3A_160 = tpu.sort %get3A_156, %get3A_156 masked %sort3A_157 : (vector<16xf32>, vector<16xf32>, vector<16xi1>) -> (vector<16xi1>, vector<16xf32>, vector<16xf32>)
        %rev3A_161 = arith.constant 15 : i32
        %rev3A_162 = vector.broadcast %rev3A_161 : i32 to vector<16xi32>
        %rev3A_163 = tpu.iota {dimensions = array<i32: 0>} : vector<16xi32>
        %rev3A_164 = arith.subi %rev3A_162, %rev3A_163 : vector<16xi32>
        %rev3A_165 = tpu.dynamic_gather %sort3A_159[%rev3A_164] in [0] : vector<16xf32>, vector<16xi32> -> vector<16xf32>
        %max3A_166 = arith.maximumf %sort3A_152, %rev3A_165 : vector<16xf32>
        %sort3A_167 = arith.constant dense<true> : vector<16xi1>
        %sort3A_168, %sort3A_169, %sort3A_170 = tpu.sort %max3A_166, %max3A_166 masked %sort3A_167 : (vector<16xf32>, vector<16xf32>, vector<16xi1>) -> (vector<16xi1>, vector<16xf32>, vector<16xf32>)
        %rev3A_171 = arith.constant 15 : i32
        %rev3A_172 = vector.broadcast %rev3A_171 : i32 to vector<16xi32>
        %rev3A_173 = tpu.iota {dimensions = array<i32: 0>} : vector<16xi32>
        %rev3A_174 = arith.subi %rev3A_172, %rev3A_173 : vector<16xi32>
        %rev3A_175 = tpu.dynamic_gather %sort3A_169[%rev3A_174] in [0] : vector<16xf32>, vector<16xi32> -> vector<16xf32>
        %max3A_176 = arith.maximumf %sort3A_145, %rev3A_175 : vector<16xf32>
        %sort3A_177 = arith.constant dense<true> : vector<16xi1>
        %sort3A_178, %sort3A_179, %sort3A_180 = tpu.sort %max3A_176, %max3A_176 masked %sort3A_177 : (vector<16xf32>, vector<16xf32>, vector<16xi1>) -> (vector<16xi1>, vector<16xf32>, vector<16xf32>)
        %rev3A_181 = arith.constant 15 : i32
        %rev3A_182 = vector.broadcast %rev3A_181 : i32 to vector<16xi32>
        %rev3A_183 = tpu.iota {dimensions = array<i32: 0>} : vector<16xi32>
        %rev3A_184 = arith.subi %rev3A_182, %rev3A_183 : vector<16xi32>
        %rev3A_185 = tpu.dynamic_gather %sort3A_179[%rev3A_184] in [0] : vector<16xf32>, vector<16xi32> -> vector<16xf32>
        %max3A_186 = arith.maximumf %sort3A_121, %rev3A_185 : vector<16xf32>
        %sort3A_187 = arith.constant dense<true> : vector<16xi1>
        %sort3A_188, %sort3A_189, %sort3A_190 = tpu.sort %max3A_186, %max3A_186 masked %sort3A_187 : (vector<16xf32>, vector<16xf32>, vector<16xi1>) -> (vector<16xi1>, vector<16xf32>, vector<16xf32>)
        %get3A_191 = arith.index_cast %scan3A_68 : i32 to index
        %get3A_192 = arith.constant 128 : index
        %get3A_193 = tpu.vector_load %arg5[%get3A_191, %get3A_192] {strides = array<i32>} : memref<32x1000xf32, #tpu.memory_space<vmem>>, vector<16xf32>,
        %sort3A_194 = arith.constant dense<true> : vector<16xi1>
        %sort3A_195, %sort3A_196, %sort3A_197 = tpu.sort %get3A_193, %get3A_193 masked %sort3A_194 : (vector<16xf32>, vector<16xf32>, vector<16xi1>) -> (vector<16xi1>, vector<16xf32>, vector<16xf32>)
        %get3A_198 = arith.index_cast %scan3A_68 : i32 to index
        %get3A_199 = arith.constant 144 : index
        %get3A_200 = tpu.vector_load %arg5[%get3A_198, %get3A_199] {strides = array<i32>} : memref<32x1000xf32, #tpu.memory_space<vmem>>, vector<16xf32>,
        %sort3A_201 = arith.constant dense<true> : vector<16xi1>
        %sort3A_202, %sort3A_203, %sort3A_204 = tpu.sort %get3A_200, %get3A_200 masked %sort3A_201 : (vector<16xf32>, vector<16xf32>, vector<16xi1>) -> (vector<16xi1>, vector<16xf32>, vector<16xf32>)
        %rev3A_205 = arith.constant 15 : i32
        %rev3A_206 = vector.broadcast %rev3A_205 : i32 to vector<16xi32>
        %rev3A_207 = tpu.iota {dimensions = array<i32: 0>} : vector<16xi32>
        %rev3A_208 = arith.subi %rev3A_206, %rev3A_207 : vector<16xi32>
        %rev3A_209 = tpu.dynamic_gather %sort3A_203[%rev3A_208] in [0] : vector<16xf32>, vector<16xi32> -> vector<16xf32>
        %max3A_210 = arith.maximumf %sort3A_196, %rev3A_209 : vector<16xf32>
        %sort3A_211 = arith.constant dense<true> : vector<16xi1>
        %sort3A_212, %sort3A_213, %sort3A_214 = tpu.sort %max3A_210, %max3A_210 masked %sort3A_211 : (vector<16xf32>, vector<16xf32>, vector<16xi1>) -> (vector<16xi1>, vector<16xf32>, vector<16xf32>)
        %get3A_215 = arith.index_cast %scan3A_68 : i32 to index
        %get3A_216 = arith.constant 160 : index
        %get3A_217 = tpu.vector_load %arg5[%get3A_215, %get3A_216] {strides = array<i32>} : memref<32x1000xf32, #tpu.memory_space<vmem>>, vector<16xf32>,
        %sort3A_218 = arith.constant dense<true> : vector<16xi1>
        %sort3A_219, %sort3A_220, %sort3A_221 = tpu.sort %get3A_217, %get3A_217 masked %sort3A_218 : (vector<16xf32>, vector<16xf32>, vector<16xi1>) -> (vector<16xi1>, vector<16xf32>, vector<16xf32>)
        %get3A_222 = arith.index_cast %scan3A_68 : i32 to index
        %get3A_223 = arith.constant 176 : index
        %get3A_224 = tpu.vector_load %arg5[%get3A_222, %get3A_223] {strides = array<i32>} : memref<32x1000xf32, #tpu.memory_space<vmem>>, vector<16xf32>,
        %sort3A_225 = arith.constant dense<true> : vector<16xi1>
        %sort3A_226, %sort3A_227, %sort3A_228 = tpu.sort %get3A_224, %get3A_224 masked %sort3A_225 : (vector<16xf32>, vector<16xf32>, vector<16xi1>) -> (vector<16xi1>, vector<16xf32>, vector<16xf32>)
        %rev3A_229 = arith.constant 15 : i32
        %rev3A_230 = vector.broadcast %rev3A_229 : i32 to vector<16xi32>
        %rev3A_231 = tpu.iota {dimensions = array<i32: 0>} : vector<16xi32>
        %rev3A_232 = arith.subi %rev3A_230, %rev3A_231 : vector<16xi32>
        %rev3A_233 = tpu.dynamic_gather %sort3A_227[%rev3A_232] in [0] : vector<16xf32>, vector<16xi32> -> vector<16xf32>
        %max3A_234 = arith.maximumf %sort3A_220, %rev3A_233 : vector<16xf32>
        %sort3A_235 = arith.constant dense<true> : vector<16xi1>
        %sort3A_236, %sort3A_237, %sort3A_238 = tpu.sort %max3A_234, %max3A_234 masked %sort3A_235 : (vector<16xf32>, vector<16xf32>, vector<16xi1>) -> (vector<16xi1>, vector<16xf32>, vector<16xf32>)
        %rev3A_239 = arith.constant 15 : i32
        %rev3A_240 = vector.broadcast %rev3A_239 : i32 to vector<16xi32>
        %rev3A_241 = tpu.iota {dimensions = array<i32: 0>} : vector<16xi32>
        %rev3A_242 = arith.subi %rev3A_240, %rev3A_241 : vector<16xi32>
        %rev3A_243 = tpu.dynamic_gather %sort3A_237[%rev3A_242] in [0] : vector<16xf32>, vector<16xi32> -> vector<16xf32>
        %max3A_244 = arith.maximumf %sort3A_213, %rev3A_243 : vector<16xf32>
        %sort3A_245 = arith.constant dense<true> : vector<16xi1>
        %sort3A_246, %sort3A_247, %sort3A_248 = tpu.sort %max3A_244, %max3A_244 masked %sort3A_245 : (vector<16xf32>, vector<16xf32>, vector<16xi1>) -> (vector<16xi1>, vector<16xf32>, vector<16xf32>)
        %get3A_249 = arith.index_cast %scan3A_68 : i32 to index
        %get3A_250 = arith.constant 192 : index
        %get3A_251 = tpu.vector_load %arg5[%get3A_249, %get3A_250] {strides = array<i32>} : memref<32x1000xf32, #tpu.memory_space<vmem>>, vector<16xf32>,
        %sort3A_252 = arith.constant dense<true> : vector<16xi1>
        %sort3A_253, %sort3A_254, %sort3A_255 = tpu.sort %get3A_251, %get3A_251 masked %sort3A_252 : (vector<16xf32>, vector<16xf32>, vector<16xi1>) -> (vector<16xi1>, vector<16xf32>, vector<16xf32>)
        %get3A_256 = arith.index_cast %scan3A_68 : i32 to index
        %get3A_257 = arith.constant 208 : index
        %get3A_258 = tpu.vector_load %arg5[%get3A_256, %get3A_257] {strides = array<i32>} : memref<32x1000xf32, #tpu.memory_space<vmem>>, vector<16xf32>,
        %sort3A_259 = arith.constant dense<true> : vector<16xi1>
        %sort3A_260, %sort3A_261, %sort3A_262 = tpu.sort %get3A_258, %get3A_258 masked %sort3A_259 : (vector<16xf32>, vector<16xf32>, vector<16xi1>) -> (vector<16xi1>, vector<16xf32>, vector<16xf32>)
        %rev3A_263 = arith.constant 15 : i32
        %rev3A_264 = vector.broadcast %rev3A_263 : i32 to vector<16xi32>
        %rev3A_265 = tpu.iota {dimensions = array<i32: 0>} : vector<16xi32>
        %rev3A_266 = arith.subi %rev3A_264, %rev3A_265 : vector<16xi32>
        %rev3A_267 = tpu.dynamic_gather %sort3A_261[%rev3A_266] in [0] : vector<16xf32>, vector<16xi32> -> vector<16xf32>
        %max3A_268 = arith.maximumf %sort3A_254, %rev3A_267 : vector<16xf32>
        %sort3A_269 = arith.constant dense<true> : vector<16xi1>
        %sort3A_270, %sort3A_271, %sort3A_272 = tpu.sort %max3A_268, %max3A_268 masked %sort3A_269 : (vector<16xf32>, vector<16xf32>, vector<16xi1>) -> (vector<16xi1>, vector<16xf32>, vector<16xf32>)
        %get3A_273 = arith.index_cast %scan3A_68 : i32 to index
        %get3A_274 = arith.constant 224 : index
        %get3A_275 = tpu.vector_load %arg5[%get3A_273, %get3A_274] {strides = array<i32>} : memref<32x1000xf32, #tpu.memory_space<vmem>>, vector<16xf32>,
        %sort3A_276 = arith.constant dense<true> : vector<16xi1>
        %sort3A_277, %sort3A_278, %sort3A_279 = tpu.sort %get3A_275, %get3A_275 masked %sort3A_276 : (vector<16xf32>, vector<16xf32>, vector<16xi1>) -> (vector<16xi1>, vector<16xf32>, vector<16xf32>)
        %get3A_280 = arith.index_cast %scan3A_68 : i32 to index
        %get3A_281 = arith.constant 240 : index
        %get3A_282 = tpu.vector_load %arg5[%get3A_280, %get3A_281] {strides = array<i32>} : memref<32x1000xf32, #tpu.memory_space<vmem>>, vector<16xf32>,
        %sort3A_283 = arith.constant dense<true> : vector<16xi1>
        %sort3A_284, %sort3A_285, %sort3A_286 = tpu.sort %get3A_282, %get3A_282 masked %sort3A_283 : (vector<16xf32>, vector<16xf32>, vector<16xi1>) -> (vector<16xi1>, vector<16xf32>, vector<16xf32>)
        %rev3A_287 = arith.constant 15 : i32
        %rev3A_288 = vector.broadcast %rev3A_287 : i32 to vector<16xi32>
        %rev3A_289 = tpu.iota {dimensions = array<i32: 0>} : vector<16xi32>
        %rev3A_290 = arith.subi %rev3A_288, %rev3A_289 : vector<16xi32>
        %rev3A_291 = tpu.dynamic_gather %sort3A_285[%rev3A_290] in [0] : vector<16xf32>, vector<16xi32> -> vector<16xf32>
        %max3A_292 = arith.maximumf %sort3A_278, %rev3A_291 : vector<16xf32>
        %sort3A_293 = arith.constant dense<true> : vector<16xi1>
        %sort3A_294, %sort3A_295, %sort3A_296 = tpu.sort %max3A_292, %max3A_292 masked %sort3A_293 : (vector<16xf32>, vector<16xf32>, vector<16xi1>) -> (vector<16xi1>, vector<16xf32>, vector<16xf32>)
        %rev3A_297 = arith.constant 15 : i32
        %rev3A_298 = vector.broadcast %rev3A_297 : i32 to vector<16xi32>
        %rev3A_299 = tpu.iota {dimensions = array<i32: 0>} : vector<16xi32>
        %rev3A_300 = arith.subi %rev3A_298, %rev3A_299 : vector<16xi32>
        %rev3A_301 = tpu.dynamic_gather %sort3A_295[%rev3A_300] in [0] : vector<16xf32>, vector<16xi32> -> vector<16xf32>
        %max3A_302 = arith.maximumf %sort3A_271, %rev3A_301 : vector<16xf32>
        %sort3A_303 = arith.constant dense<true> : vector<16xi1>
        %sort3A_304, %sort3A_305, %sort3A_306 = tpu.sort %max3A_302, %max3A_302 masked %sort3A_303 : (vector<16xf32>, vector<16xf32>, vector<16xi1>) -> (vector<16xi1>, vector<16xf32>, vector<16xf32>)
        %rev3A_307 = arith.constant 15 : i32
        %rev3A_308 = vector.broadcast %rev3A_307 : i32 to vector<16xi32>
        %rev3A_309 = tpu.iota {dimensions = array<i32: 0>} : vector<16xi32>
        %rev3A_310 = arith.subi %rev3A_308, %rev3A_309 : vector<16xi32>
        %rev3A_311 = tpu.dynamic_gather %sort3A_305[%rev3A_310] in [0] : vector<16xf32>, vector<16xi32> -> vector<16xf32>
        %max3A_312 = arith.maximumf %sort3A_247, %rev3A_311 : vector<16xf32>
        %sort3A_313 = arith.constant dense<true> : vector<16xi1>
        %sort3A_314, %sort3A_315, %sort3A_316 = tpu.sort %max3A_312, %max3A_312 masked %sort3A_313 : (vector<16xf32>, vector<16xf32>, vector<16xi1>) -> (vector<16xi1>, vector<16xf32>, vector<16xf32>)
        %rev3A_317 = arith.constant 15 : i32
        %rev3A_318 = vector.broadcast %rev3A_317 : i32 to vector<16xi32>
        %rev3A_319 = tpu.iota {dimensions = array<i32: 0>} : vector<16xi32>
        %rev3A_320 = arith.subi %rev3A_318, %rev3A_319 : vector<16xi32>
        %rev3A_321 = tpu.dynamic_gather %sort3A_315[%rev3A_320] in [0] : vector<16xf32>, vector<16xi32> -> vector<16xf32>
        %max3A_322 = arith.maximumf %sort3A_189, %rev3A_321 : vector<16xf32>
        %sort3A_323 = arith.constant dense<true> : vector<16xi1>
        %sort3A_324, %sort3A_325, %sort3A_326 = tpu.sort %max3A_322, %max3A_322 masked %sort3A_323 : (vector<16xf32>, vector<16xf32>, vector<16xi1>) -> (vector<16xi1>, vector<16xf32>, vector<16xf32>)
        %get3A_327 = arith.index_cast %scan3A_68 : i32 to index
        %get3A_328 = arith.constant 256 : index
        %get3A_329 = tpu.vector_load %arg5[%get3A_327, %get3A_328] {strides = array<i32>} : memref<32x1000xf32, #tpu.memory_space<vmem>>, vector<16xf32>,
        %sort3A_330 = arith.constant dense<true> : vector<16xi1>
        %sort3A_331, %sort3A_332, %sort3A_333 = tpu.sort %get3A_329, %get3A_329 masked %sort3A_330 : (vector<16xf32>, vector<16xf32>, vector<16xi1>) -> (vector<16xi1>, vector<16xf32>, vector<16xf32>)
        %get3A_334 = arith.index_cast %scan3A_68 : i32 to index
        %get3A_335 = arith.constant 272 : index
        %get3A_336 = tpu.vector_load %arg5[%get3A_334, %get3A_335] {strides = array<i32>} : memref<32x1000xf32, #tpu.memory_space<vmem>>, vector<16xf32>,
        %sort3A_337 = arith.constant dense<true> : vector<16xi1>
        %sort3A_338, %sort3A_339, %sort3A_340 = tpu.sort %get3A_336, %get3A_336 masked %sort3A_337 : (vector<16xf32>, vector<16xf32>, vector<16xi1>) -> (vector<16xi1>, vector<16xf32>, vector<16xf32>)
        %rev3A_341 = arith.constant 15 : i32
        %rev3A_342 = vector.broadcast %rev3A_341 : i32 to vector<16xi32>
        %rev3A_343 = tpu.iota {dimensions = array<i32: 0>} : vector<16xi32>
        %rev3A_344 = arith.subi %rev3A_342, %rev3A_343 : vector<16xi32>
        %rev3A_345 = tpu.dynamic_gather %sort3A_339[%rev3A_344] in [0] : vector<16xf32>, vector<16xi32> -> vector<16xf32>
        %max3A_346 = arith.maximumf %sort3A_332, %rev3A_345 : vector<16xf32>
        %sort3A_347 = arith.constant dense<true> : vector<16xi1>
        %sort3A_348, %sort3A_349, %sort3A_350 = tpu.sort %max3A_346, %max3A_346 masked %sort3A_347 : (vector<16xf32>, vector<16xf32>, vector<16xi1>) -> (vector<16xi1>, vector<16xf32>, vector<16xf32>)
        %get3A_351 = arith.index_cast %scan3A_68 : i32 to index
        %get3A_352 = arith.constant 288 : index
        %get3A_353 = tpu.vector_load %arg5[%get3A_351, %get3A_352] {strides = array<i32>} : memref<32x1000xf32, #tpu.memory_space<vmem>>, vector<16xf32>,
        %sort3A_354 = arith.constant dense<true> : vector<16xi1>
        %sort3A_355, %sort3A_356, %sort3A_357 = tpu.sort %get3A_353, %get3A_353 masked %sort3A_354 : (vector<16xf32>, vector<16xf32>, vector<16xi1>) -> (vector<16xi1>, vector<16xf32>, vector<16xf32>)
        %get3A_358 = arith.index_cast %scan3A_68 : i32 to index
        %get3A_359 = arith.constant 304 : index
        %get3A_360 = tpu.vector_load %arg5[%get3A_358, %get3A_359] {strides = array<i32>} : memref<32x1000xf32, #tpu.memory_space<vmem>>, vector<16xf32>,
        %sort3A_361 = arith.constant dense<true> : vector<16xi1>
        %sort3A_362, %sort3A_363, %sort3A_364 = tpu.sort %get3A_360, %get3A_360 masked %sort3A_361 : (vector<16xf32>, vector<16xf32>, vector<16xi1>) -> (vector<16xi1>, vector<16xf32>, vector<16xf32>)
        %rev3A_365 = arith.constant 15 : i32
        %rev3A_366 = vector.broadcast %rev3A_365 : i32 to vector<16xi32>
        %rev3A_367 = tpu.iota {dimensions = array<i32: 0>} : vector<16xi32>
        %rev3A_368 = arith.subi %rev3A_366, %rev3A_367 : vector<16xi32>
        %rev3A_369 = tpu.dynamic_gather %sort3A_363[%rev3A_368] in [0] : vector<16xf32>, vector<16xi32> -> vector<16xf32>
        %max3A_370 = arith.maximumf %sort3A_356, %rev3A_369 : vector<16xf32>
        %sort3A_371 = arith.constant dense<true> : vector<16xi1>
        %sort3A_372, %sort3A_373, %sort3A_374 = tpu.sort %max3A_370, %max3A_370 masked %sort3A_371 : (vector<16xf32>, vector<16xf32>, vector<16xi1>) -> (vector<16xi1>, vector<16xf32>, vector<16xf32>)
        %rev3A_375 = arith.constant 15 : i32
        %rev3A_376 = vector.broadcast %rev3A_375 : i32 to vector<16xi32>
        %rev3A_377 = tpu.iota {dimensions = array<i32: 0>} : vector<16xi32>
        %rev3A_378 = arith.subi %rev3A_376, %rev3A_377 : vector<16xi32>
        %rev3A_379 = tpu.dynamic_gather %sort3A_373[%rev3A_378] in [0] : vector<16xf32>, vector<16xi32> -> vector<16xf32>
        %max3A_380 = arith.maximumf %sort3A_349, %rev3A_379 : vector<16xf32>
        %sort3A_381 = arith.constant dense<true> : vector<16xi1>
        %sort3A_382, %sort3A_383, %sort3A_384 = tpu.sort %max3A_380, %max3A_380 masked %sort3A_381 : (vector<16xf32>, vector<16xf32>, vector<16xi1>) -> (vector<16xi1>, vector<16xf32>, vector<16xf32>)
        %get3A_385 = arith.index_cast %scan3A_68 : i32 to index
        %get3A_386 = arith.constant 320 : index
        %get3A_387 = tpu.vector_load %arg5[%get3A_385, %get3A_386] {strides = array<i32>} : memref<32x1000xf32, #tpu.memory_space<vmem>>, vector<16xf32>,
        %sort3A_388 = arith.constant dense<true> : vector<16xi1>
        %sort3A_389, %sort3A_390, %sort3A_391 = tpu.sort %get3A_387, %get3A_387 masked %sort3A_388 : (vector<16xf32>, vector<16xf32>, vector<16xi1>) -> (vector<16xi1>, vector<16xf32>, vector<16xf32>)
        %get3A_392 = arith.index_cast %scan3A_68 : i32 to index
        %get3A_393 = arith.constant 336 : index
        %get3A_394 = tpu.vector_load %arg5[%get3A_392, %get3A_393] {strides = array<i32>} : memref<32x1000xf32, #tpu.memory_space<vmem>>, vector<16xf32>,
        %sort3A_395 = arith.constant dense<true> : vector<16xi1>
        %sort3A_396, %sort3A_397, %sort3A_398 = tpu.sort %get3A_394, %get3A_394 masked %sort3A_395 : (vector<16xf32>, vector<16xf32>, vector<16xi1>) -> (vector<16xi1>, vector<16xf32>, vector<16xf32>)
        %rev3A_399 = arith.constant 15 : i32
        %rev3A_400 = vector.broadcast %rev3A_399 : i32 to vector<16xi32>
        %rev3A_401 = tpu.iota {dimensions = array<i32: 0>} : vector<16xi32>
        %rev3A_402 = arith.subi %rev3A_400, %rev3A_401 : vector<16xi32>
        %rev3A_403 = tpu.dynamic_gather %sort3A_397[%rev3A_402] in [0] : vector<16xf32>, vector<16xi32> -> vector<16xf32>
        %max3A_404 = arith.maximumf %sort3A_390, %rev3A_403 : vector<16xf32>
        %sort3A_405 = arith.constant dense<true> : vector<16xi1>
        %sort3A_406, %sort3A_407, %sort3A_408 = tpu.sort %max3A_404, %max3A_404 masked %sort3A_405 : (vector<16xf32>, vector<16xf32>, vector<16xi1>) -> (vector<16xi1>, vector<16xf32>, vector<16xf32>)
        %get3A_409 = arith.index_cast %scan3A_68 : i32 to index
        %get3A_410 = arith.constant 352 : index
        %get3A_411 = tpu.vector_load %arg5[%get3A_409, %get3A_410] {strides = array<i32>} : memref<32x1000xf32, #tpu.memory_space<vmem>>, vector<16xf32>,
        %sort3A_412 = arith.constant dense<true> : vector<16xi1>
        %sort3A_413, %sort3A_414, %sort3A_415 = tpu.sort %get3A_411, %get3A_411 masked %sort3A_412 : (vector<16xf32>, vector<16xf32>, vector<16xi1>) -> (vector<16xi1>, vector<16xf32>, vector<16xf32>)
        %get3A_416 = arith.index_cast %scan3A_68 : i32 to index
        %get3A_417 = arith.constant 368 : index
        %get3A_418 = tpu.vector_load %arg5[%get3A_416, %get3A_417] {strides = array<i32>} : memref<32x1000xf32, #tpu.memory_space<vmem>>, vector<16xf32>,
        %sort3A_419 = arith.constant dense<true> : vector<16xi1>
        %sort3A_420, %sort3A_421, %sort3A_422 = tpu.sort %get3A_418, %get3A_418 masked %sort3A_419 : (vector<16xf32>, vector<16xf32>, vector<16xi1>) -> (vector<16xi1>, vector<16xf32>, vector<16xf32>)
        %rev3A_423 = arith.constant 15 : i32
        %rev3A_424 = vector.broadcast %rev3A_423 : i32 to vector<16xi32>
        %rev3A_425 = tpu.iota {dimensions = array<i32: 0>} : vector<16xi32>
        %rev3A_426 = arith.subi %rev3A_424, %rev3A_425 : vector<16xi32>
        %rev3A_427 = tpu.dynamic_gather %sort3A_421[%rev3A_426] in [0] : vector<16xf32>, vector<16xi32> -> vector<16xf32>
        %max3A_428 = arith.maximumf %sort3A_414, %rev3A_427 : vector<16xf32>
        %sort3A_429 = arith.constant dense<true> : vector<16xi1>
        %sort3A_430, %sort3A_431, %sort3A_432 = tpu.sort %max3A_428, %max3A_428 masked %sort3A_429 : (vector<16xf32>, vector<16xf32>, vector<16xi1>) -> (vector<16xi1>, vector<16xf32>, vector<16xf32>)
        %rev3A_433 = arith.constant 15 : i32
        %rev3A_434 = vector.broadcast %rev3A_433 : i32 to vector<16xi32>
        %rev3A_435 = tpu.iota {dimensions = array<i32: 0>} : vector<16xi32>
        %rev3A_436 = arith.subi %rev3A_434, %rev3A_435 : vector<16xi32>
        %rev3A_437 = tpu.dynamic_gather %sort3A_431[%rev3A_436] in [0] : vector<16xf32>, vector<16xi32> -> vector<16xf32>
        %max3A_438 = arith.maximumf %sort3A_407, %rev3A_437 : vector<16xf32>
        %sort3A_439 = arith.constant dense<true> : vector<16xi1>
        %sort3A_440, %sort3A_441, %sort3A_442 = tpu.sort %max3A_438, %max3A_438 masked %sort3A_439 : (vector<16xf32>, vector<16xf32>, vector<16xi1>) -> (vector<16xi1>, vector<16xf32>, vector<16xf32>)
        %rev3A_443 = arith.constant 15 : i32
        %rev3A_444 = vector.broadcast %rev3A_443 : i32 to vector<16xi32>
        %rev3A_445 = tpu.iota {dimensions = array<i32: 0>} : vector<16xi32>
        %rev3A_446 = arith.subi %rev3A_444, %rev3A_445 : vector<16xi32>
        %rev3A_447 = tpu.dynamic_gather %sort3A_441[%rev3A_446] in [0] : vector<16xf32>, vector<16xi32> -> vector<16xf32>
        %max3A_448 = arith.maximumf %sort3A_383, %rev3A_447 : vector<16xf32>
        %sort3A_449 = arith.constant dense<true> : vector<16xi1>
        %sort3A_450, %sort3A_451, %sort3A_452 = tpu.sort %max3A_448, %max3A_448 masked %sort3A_449 : (vector<16xf32>, vector<16xf32>, vector<16xi1>) -> (vector<16xi1>, vector<16xf32>, vector<16xf32>)
        %get3A_453 = arith.index_cast %scan3A_68 : i32 to index
        %get3A_454 = arith.constant 384 : index
        %get3A_455 = tpu.vector_load %arg5[%get3A_453, %get3A_454] {strides = array<i32>} : memref<32x1000xf32, #tpu.memory_space<vmem>>, vector<16xf32>,
        %sort3A_456 = arith.constant dense<true> : vector<16xi1>
        %sort3A_457, %sort3A_458, %sort3A_459 = tpu.sort %get3A_455, %get3A_455 masked %sort3A_456 : (vector<16xf32>, vector<16xf32>, vector<16xi1>) -> (vector<16xi1>, vector<16xf32>, vector<16xf32>)
        %get3A_460 = arith.index_cast %scan3A_68 : i32 to index
        %get3A_461 = arith.constant 400 : index
        %get3A_462 = tpu.vector_load %arg5[%get3A_460, %get3A_461] {strides = array<i32>} : memref<32x1000xf32, #tpu.memory_space<vmem>>, vector<16xf32>,
        %sort3A_463 = arith.constant dense<true> : vector<16xi1>
        %sort3A_464, %sort3A_465, %sort3A_466 = tpu.sort %get3A_462, %get3A_462 masked %sort3A_463 : (vector<16xf32>, vector<16xf32>, vector<16xi1>) -> (vector<16xi1>, vector<16xf32>, vector<16xf32>)
        %rev3A_467 = arith.constant 15 : i32
        %rev3A_468 = vector.broadcast %rev3A_467 : i32 to vector<16xi32>
        %rev3A_469 = tpu.iota {dimensions = array<i32: 0>} : vector<16xi32>
        %rev3A_470 = arith.subi %rev3A_468, %rev3A_469 : vector<16xi32>
        %rev3A_471 = tpu.dynamic_gather %sort3A_465[%rev3A_470] in [0] : vector<16xf32>, vector<16xi32> -> vector<16xf32>
        %max3A_472 = arith.maximumf %sort3A_458, %rev3A_471 : vector<16xf32>
        %sort3A_473 = arith.constant dense<true> : vector<16xi1>
        %sort3A_474, %sort3A_475, %sort3A_476 = tpu.sort %max3A_472, %max3A_472 masked %sort3A_473 : (vector<16xf32>, vector<16xf32>, vector<16xi1>) -> (vector<16xi1>, vector<16xf32>, vector<16xf32>)
        %get3A_477 = arith.index_cast %scan3A_68 : i32 to index
        %get3A_478 = arith.constant 416 : index
        %get3A_479 = tpu.vector_load %arg5[%get3A_477, %get3A_478] {strides = array<i32>} : memref<32x1000xf32, #tpu.memory_space<vmem>>, vector<16xf32>,
        %sort3A_480 = arith.constant dense<true> : vector<16xi1>
        %sort3A_481, %sort3A_482, %sort3A_483 = tpu.sort %get3A_479, %get3A_479 masked %sort3A_480 : (vector<16xf32>, vector<16xf32>, vector<16xi1>) -> (vector<16xi1>, vector<16xf32>, vector<16xf32>)
        %get3A_484 = arith.index_cast %scan3A_68 : i32 to index
        %get3A_485 = arith.constant 432 : index
        %get3A_486 = tpu.vector_load %arg5[%get3A_484, %get3A_485] {strides = array<i32>} : memref<32x1000xf32, #tpu.memory_space<vmem>>, vector<16xf32>,
        %sort3A_487 = arith.constant dense<true> : vector<16xi1>
        %sort3A_488, %sort3A_489, %sort3A_490 = tpu.sort %get3A_486, %get3A_486 masked %sort3A_487 : (vector<16xf32>, vector<16xf32>, vector<16xi1>) -> (vector<16xi1>, vector<16xf32>, vector<16xf32>)
        %rev3A_491 = arith.constant 15 : i32
        %rev3A_492 = vector.broadcast %rev3A_491 : i32 to vector<16xi32>
        %rev3A_493 = tpu.iota {dimensions = array<i32: 0>} : vector<16xi32>
        %rev3A_494 = arith.subi %rev3A_492, %rev3A_493 : vector<16xi32>
        %rev3A_495 = tpu.dynamic_gather %sort3A_489[%rev3A_494] in [0] : vector<16xf32>, vector<16xi32> -> vector<16xf32>
        %max3A_496 = arith.maximumf %sort3A_482, %rev3A_495 : vector<16xf32>
        %sort3A_497 = arith.constant dense<true> : vector<16xi1>
        %sort3A_498, %sort3A_499, %sort3A_500 = tpu.sort %max3A_496, %max3A_496 masked %sort3A_497 : (vector<16xf32>, vector<16xf32>, vector<16xi1>) -> (vector<16xi1>, vector<16xf32>, vector<16xf32>)
        %rev3A_501 = arith.constant 15 : i32
        %rev3A_502 = vector.broadcast %rev3A_501 : i32 to vector<16xi32>
        %rev3A_503 = tpu.iota {dimensions = array<i32: 0>} : vector<16xi32>
        %rev3A_504 = arith.subi %rev3A_502, %rev3A_503 : vector<16xi32>
        %rev3A_505 = tpu.dynamic_gather %sort3A_499[%rev3A_504] in [0] : vector<16xf32>, vector<16xi32> -> vector<16xf32>
        %max3A_506 = arith.maximumf %sort3A_475, %rev3A_505 : vector<16xf32>
        %sort3A_507 = arith.constant dense<true> : vector<16xi1>
        %sort3A_508, %sort3A_509, %sort3A_510 = tpu.sort %max3A_506, %max3A_506 masked %sort3A_507 : (vector<16xf32>, vector<16xf32>, vector<16xi1>) -> (vector<16xi1>, vector<16xf32>, vector<16xf32>)
        %get3A_511 = arith.index_cast %scan3A_68 : i32 to index
        %get3A_512 = arith.constant 448 : index
        %get3A_513 = tpu.vector_load %arg5[%get3A_511, %get3A_512] {strides = array<i32>} : memref<32x1000xf32, #tpu.memory_space<vmem>>, vector<16xf32>,
        %sort3A_514 = arith.constant dense<true> : vector<16xi1>
        %sort3A_515, %sort3A_516, %sort3A_517 = tpu.sort %get3A_513, %get3A_513 masked %sort3A_514 : (vector<16xf32>, vector<16xf32>, vector<16xi1>) -> (vector<16xi1>, vector<16xf32>, vector<16xf32>)
        %get3A_518 = arith.index_cast %scan3A_68 : i32 to index
        %get3A_519 = arith.constant 464 : index
        %get3A_520 = tpu.vector_load %arg5[%get3A_518, %get3A_519] {strides = array<i32>} : memref<32x1000xf32, #tpu.memory_space<vmem>>, vector<16xf32>,
        %sort3A_521 = arith.constant dense<true> : vector<16xi1>
        %sort3A_522, %sort3A_523, %sort3A_524 = tpu.sort %get3A_520, %get3A_520 masked %sort3A_521 : (vector<16xf32>, vector<16xf32>, vector<16xi1>) -> (vector<16xi1>, vector<16xf32>, vector<16xf32>)
        %rev3A_525 = arith.constant 15 : i32
        %rev3A_526 = vector.broadcast %rev3A_525 : i32 to vector<16xi32>
        %rev3A_527 = tpu.iota {dimensions = array<i32: 0>} : vector<16xi32>
        %rev3A_528 = arith.subi %rev3A_526, %rev3A_527 : vector<16xi32>
        %rev3A_529 = tpu.dynamic_gather %sort3A_523[%rev3A_528] in [0] : vector<16xf32>, vector<16xi32> -> vector<16xf32>
        %max3A_530 = arith.maximumf %sort3A_516, %rev3A_529 : vector<16xf32>
        %sort3A_531 = arith.constant dense<true> : vector<16xi1>
        %sort3A_532, %sort3A_533, %sort3A_534 = tpu.sort %max3A_530, %max3A_530 masked %sort3A_531 : (vector<16xf32>, vector<16xf32>, vector<16xi1>) -> (vector<16xi1>, vector<16xf32>, vector<16xf32>)
        %get3A_535 = arith.index_cast %scan3A_68 : i32 to index
        %get3A_536 = arith.constant 480 : index
        %get3A_537 = tpu.vector_load %arg5[%get3A_535, %get3A_536] {strides = array<i32>} : memref<32x1000xf32, #tpu.memory_space<vmem>>, vector<16xf32>,
        %sort3A_538 = arith.constant dense<true> : vector<16xi1>
        %sort3A_539, %sort3A_540, %sort3A_541 = tpu.sort %get3A_537, %get3A_537 masked %sort3A_538 : (vector<16xf32>, vector<16xf32>, vector<16xi1>) -> (vector<16xi1>, vector<16xf32>, vector<16xf32>)
        %get3A_542 = arith.index_cast %scan3A_68 : i32 to index
        %get3A_543 = arith.constant 496 : index
        %get3A_544 = tpu.vector_load %arg5[%get3A_542, %get3A_543] {strides = array<i32>} : memref<32x1000xf32, #tpu.memory_space<vmem>>, vector<16xf32>,
        %sort3A_545 = arith.constant dense<true> : vector<16xi1>
        %sort3A_546, %sort3A_547, %sort3A_548 = tpu.sort %get3A_544, %get3A_544 masked %sort3A_545 : (vector<16xf32>, vector<16xf32>, vector<16xi1>) -> (vector<16xi1>, vector<16xf32>, vector<16xf32>)
        %rev3A_549 = arith.constant 15 : i32
        %rev3A_550 = vector.broadcast %rev3A_549 : i32 to vector<16xi32>
        %rev3A_551 = tpu.iota {dimensions = array<i32: 0>} : vector<16xi32>
        %rev3A_552 = arith.subi %rev3A_550, %rev3A_551 : vector<16xi32>
        %rev3A_553 = tpu.dynamic_gather %sort3A_547[%rev3A_552] in [0] : vector<16xf32>, vector<16xi32> -> vector<16xf32>
        %max3A_554 = arith.maximumf %sort3A_540, %rev3A_553 : vector<16xf32>
        %sort3A_555 = arith.constant dense<true> : vector<16xi1>
        %sort3A_556, %sort3A_557, %sort3A_558 = tpu.sort %max3A_554, %max3A_554 masked %sort3A_555 : (vector<16xf32>, vector<16xf32>, vector<16xi1>) -> (vector<16xi1>, vector<16xf32>, vector<16xf32>)
        %rev3A_559 = arith.constant 15 : i32
        %rev3A_560 = vector.broadcast %rev3A_559 : i32 to vector<16xi32>
        %rev3A_561 = tpu.iota {dimensions = array<i32: 0>} : vector<16xi32>
        %rev3A_562 = arith.subi %rev3A_560, %rev3A_561 : vector<16xi32>
        %rev3A_563 = tpu.dynamic_gather %sort3A_557[%rev3A_562] in [0] : vector<16xf32>, vector<16xi32> -> vector<16xf32>
        %max3A_564 = arith.maximumf %sort3A_533, %rev3A_563 : vector<16xf32>
        %sort3A_565 = arith.constant dense<true> : vector<16xi1>
        %sort3A_566, %sort3A_567, %sort3A_568 = tpu.sort %max3A_564, %max3A_564 masked %sort3A_565 : (vector<16xf32>, vector<16xf32>, vector<16xi1>) -> (vector<16xi1>, vector<16xf32>, vector<16xf32>)
        %rev3A_569 = arith.constant 15 : i32
        %rev3A_570 = vector.broadcast %rev3A_569 : i32 to vector<16xi32>
        %rev3A_571 = tpu.iota {dimensions = array<i32: 0>} : vector<16xi32>
        %rev3A_572 = arith.subi %rev3A_570, %rev3A_571 : vector<16xi32>
        %rev3A_573 = tpu.dynamic_gather %sort3A_567[%rev3A_572] in [0] : vector<16xf32>, vector<16xi32> -> vector<16xf32>
        %max3A_574 = arith.maximumf %sort3A_509, %rev3A_573 : vector<16xf32>
        %sort3A_575 = arith.constant dense<true> : vector<16xi1>
        %sort3A_576, %sort3A_577, %sort3A_578 = tpu.sort %max3A_574, %max3A_574 masked %sort3A_575 : (vector<16xf32>, vector<16xf32>, vector<16xi1>) -> (vector<16xi1>, vector<16xf32>, vector<16xf32>)
        %rev3A_579 = arith.constant 15 : i32
        %rev3A_580 = vector.broadcast %rev3A_579 : i32 to vector<16xi32>
        %rev3A_581 = tpu.iota {dimensions = array<i32: 0>} : vector<16xi32>
        %rev3A_582 = arith.subi %rev3A_580, %rev3A_581 : vector<16xi32>
        %rev3A_583 = tpu.dynamic_gather %sort3A_577[%rev3A_582] in [0] : vector<16xf32>, vector<16xi32> -> vector<16xf32>
        %max3A_584 = arith.maximumf %sort3A_451, %rev3A_583 : vector<16xf32>
        %sort3A_585 = arith.constant dense<true> : vector<16xi1>
        %sort3A_586, %sort3A_587, %sort3A_588 = tpu.sort %max3A_584, %max3A_584 masked %sort3A_585 : (vector<16xf32>, vector<16xf32>, vector<16xi1>) -> (vector<16xi1>, vector<16xf32>, vector<16xf32>)
        %rev3A_589 = arith.constant 15 : i32
        %rev3A_590 = vector.broadcast %rev3A_589 : i32 to vector<16xi32>
        %rev3A_591 = tpu.iota {dimensions = array<i32: 0>} : vector<16xi32>
        %rev3A_592 = arith.subi %rev3A_590, %rev3A_591 : vector<16xi32>
        %rev3A_593 = tpu.dynamic_gather %sort3A_587[%rev3A_592] in [0] : vector<16xf32>, vector<16xi32> -> vector<16xf32>
        %max3A_594 = arith.maximumf %sort3A_325, %rev3A_593 : vector<16xf32>
        %sort3A_595 = arith.constant dense<true> : vector<16xi1>
        %sort3A_596, %sort3A_597, %sort3A_598 = tpu.sort %max3A_594, %max3A_594 masked %sort3A_595 : (vector<16xf32>, vector<16xf32>, vector<16xi1>) -> (vector<16xi1>, vector<16xf32>, vector<16xf32>)
        %get3A_599 = arith.index_cast %scan3A_68 : i32 to index
        %get3A_600 = arith.constant 512 : index
        %get3A_601 = tpu.vector_load %arg5[%get3A_599, %get3A_600] {strides = array<i32>} : memref<32x1000xf32, #tpu.memory_space<vmem>>, vector<16xf32>,
        %sort3A_602 = arith.constant dense<true> : vector<16xi1>
        %sort3A_603, %sort3A_604, %sort3A_605 = tpu.sort %get3A_601, %get3A_601 masked %sort3A_602 : (vector<16xf32>, vector<16xf32>, vector<16xi1>) -> (vector<16xi1>, vector<16xf32>, vector<16xf32>)
        %get3A_606 = arith.index_cast %scan3A_68 : i32 to index
        %get3A_607 = arith.constant 528 : index
        %get3A_608 = tpu.vector_load %arg5[%get3A_606, %get3A_607] {strides = array<i32>} : memref<32x1000xf32, #tpu.memory_space<vmem>>, vector<16xf32>,
        %sort3A_609 = arith.constant dense<true> : vector<16xi1>
        %sort3A_610, %sort3A_611, %sort3A_612 = tpu.sort %get3A_608, %get3A_608 masked %sort3A_609 : (vector<16xf32>, vector<16xf32>, vector<16xi1>) -> (vector<16xi1>, vector<16xf32>, vector<16xf32>)
        %rev3A_613 = arith.constant 15 : i32
        %rev3A_614 = vector.broadcast %rev3A_613 : i32 to vector<16xi32>
        %rev3A_615 = tpu.iota {dimensions = array<i32: 0>} : vector<16xi32>
        %rev3A_616 = arith.subi %rev3A_614, %rev3A_615 : vector<16xi32>
        %rev3A_617 = tpu.dynamic_gather %sort3A_611[%rev3A_616] in [0] : vector<16xf32>, vector<16xi32> -> vector<16xf32>
        %max3A_618 = arith.maximumf %sort3A_604, %rev3A_617 : vector<16xf32>
        %sort3A_619 = arith.constant dense<true> : vector<16xi1>
        %sort3A_620, %sort3A_621, %sort3A_622 = tpu.sort %max3A_618, %max3A_618 masked %sort3A_619 : (vector<16xf32>, vector<16xf32>, vector<16xi1>) -> (vector<16xi1>, vector<16xf32>, vector<16xf32>)
        %get3A_623 = arith.index_cast %scan3A_68 : i32 to index
        %get3A_624 = arith.constant 544 : index
        %get3A_625 = tpu.vector_load %arg5[%get3A_623, %get3A_624] {strides = array<i32>} : memref<32x1000xf32, #tpu.memory_space<vmem>>, vector<16xf32>,
        %sort3A_626 = arith.constant dense<true> : vector<16xi1>
        %sort3A_627, %sort3A_628, %sort3A_629 = tpu.sort %get3A_625, %get3A_625 masked %sort3A_626 : (vector<16xf32>, vector<16xf32>, vector<16xi1>) -> (vector<16xi1>, vector<16xf32>, vector<16xf32>)
        %get3A_630 = arith.index_cast %scan3A_68 : i32 to index
        %get3A_631 = arith.constant 560 : index
        %get3A_632 = tpu.vector_load %arg5[%get3A_630, %get3A_631] {strides = array<i32>} : memref<32x1000xf32, #tpu.memory_space<vmem>>, vector<16xf32>,
        %sort3A_633 = arith.constant dense<true> : vector<16xi1>
        %sort3A_634, %sort3A_635, %sort3A_636 = tpu.sort %get3A_632, %get3A_632 masked %sort3A_633 : (vector<16xf32>, vector<16xf32>, vector<16xi1>) -> (vector<16xi1>, vector<16xf32>, vector<16xf32>)
        %rev3A_637 = arith.constant 15 : i32
        %rev3A_638 = vector.broadcast %rev3A_637 : i32 to vector<16xi32>
        %rev3A_639 = tpu.iota {dimensions = array<i32: 0>} : vector<16xi32>
        %rev3A_640 = arith.subi %rev3A_638, %rev3A_639 : vector<16xi32>
        %rev3A_641 = tpu.dynamic_gather %sort3A_635[%rev3A_640] in [0] : vector<16xf32>, vector<16xi32> -> vector<16xf32>
        %max3A_642 = arith.maximumf %sort3A_628, %rev3A_641 : vector<16xf32>
        %sort3A_643 = arith.constant dense<true> : vector<16xi1>
        %sort3A_644, %sort3A_645, %sort3A_646 = tpu.sort %max3A_642, %max3A_642 masked %sort3A_643 : (vector<16xf32>, vector<16xf32>, vector<16xi1>) -> (vector<16xi1>, vector<16xf32>, vector<16xf32>)
        %rev3A_647 = arith.constant 15 : i32
        %rev3A_648 = vector.broadcast %rev3A_647 : i32 to vector<16xi32>
        %rev3A_649 = tpu.iota {dimensions = array<i32: 0>} : vector<16xi32>
        %rev3A_650 = arith.subi %rev3A_648, %rev3A_649 : vector<16xi32>
        %rev3A_651 = tpu.dynamic_gather %sort3A_645[%rev3A_650] in [0] : vector<16xf32>, vector<16xi32> -> vector<16xf32>
        %max3A_652 = arith.maximumf %sort3A_621, %rev3A_651 : vector<16xf32>
        %sort3A_653 = arith.constant dense<true> : vector<16xi1>
        %sort3A_654, %sort3A_655, %sort3A_656 = tpu.sort %max3A_652, %max3A_652 masked %sort3A_653 : (vector<16xf32>, vector<16xf32>, vector<16xi1>) -> (vector<16xi1>, vector<16xf32>, vector<16xf32>)
        %get3A_657 = arith.index_cast %scan3A_68 : i32 to index
        %get3A_658 = arith.constant 576 : index
        %get3A_659 = tpu.vector_load %arg5[%get3A_657, %get3A_658] {strides = array<i32>} : memref<32x1000xf32, #tpu.memory_space<vmem>>, vector<16xf32>,
        %sort3A_660 = arith.constant dense<true> : vector<16xi1>
        %sort3A_661, %sort3A_662, %sort3A_663 = tpu.sort %get3A_659, %get3A_659 masked %sort3A_660 : (vector<16xf32>, vector<16xf32>, vector<16xi1>) -> (vector<16xi1>, vector<16xf32>, vector<16xf32>)
        %get3A_664 = arith.index_cast %scan3A_68 : i32 to index
        %get3A_665 = arith.constant 592 : index
        %get3A_666 = tpu.vector_load %arg5[%get3A_664, %get3A_665] {strides = array<i32>} : memref<32x1000xf32, #tpu.memory_space<vmem>>, vector<16xf32>,
        %sort3A_667 = arith.constant dense<true> : vector<16xi1>
        %sort3A_668, %sort3A_669, %sort3A_670 = tpu.sort %get3A_666, %get3A_666 masked %sort3A_667 : (vector<16xf32>, vector<16xf32>, vector<16xi1>) -> (vector<16xi1>, vector<16xf32>, vector<16xf32>)
        %rev3A_671 = arith.constant 15 : i32
        %rev3A_672 = vector.broadcast %rev3A_671 : i32 to vector<16xi32>
        %rev3A_673 = tpu.iota {dimensions = array<i32: 0>} : vector<16xi32>
        %rev3A_674 = arith.subi %rev3A_672, %rev3A_673 : vector<16xi32>
        %rev3A_675 = tpu.dynamic_gather %sort3A_669[%rev3A_674] in [0] : vector<16xf32>, vector<16xi32> -> vector<16xf32>
        %max3A_676 = arith.maximumf %sort3A_662, %rev3A_675 : vector<16xf32>
        %sort3A_677 = arith.constant dense<true> : vector<16xi1>
        %sort3A_678, %sort3A_679, %sort3A_680 = tpu.sort %max3A_676, %max3A_676 masked %sort3A_677 : (vector<16xf32>, vector<16xf32>, vector<16xi1>) -> (vector<16xi1>, vector<16xf32>, vector<16xf32>)
        %get3A_681 = arith.index_cast %scan3A_68 : i32 to index
        %get3A_682 = arith.constant 608 : index
        %get3A_683 = tpu.vector_load %arg5[%get3A_681, %get3A_682] {strides = array<i32>} : memref<32x1000xf32, #tpu.memory_space<vmem>>, vector<16xf32>,
        %sort3A_684 = arith.constant dense<true> : vector<16xi1>
        %sort3A_685, %sort3A_686, %sort3A_687 = tpu.sort %get3A_683, %get3A_683 masked %sort3A_684 : (vector<16xf32>, vector<16xf32>, vector<16xi1>) -> (vector<16xi1>, vector<16xf32>, vector<16xf32>)
        %get3A_688 = arith.index_cast %scan3A_68 : i32 to index
        %get3A_689 = arith.constant 624 : index
        %get3A_690 = tpu.vector_load %arg5[%get3A_688, %get3A_689] {strides = array<i32>} : memref<32x1000xf32, #tpu.memory_space<vmem>>, vector<16xf32>,
        %sort3A_691 = arith.constant dense<true> : vector<16xi1>
        %sort3A_692, %sort3A_693, %sort3A_694 = tpu.sort %get3A_690, %get3A_690 masked %sort3A_691 : (vector<16xf32>, vector<16xf32>, vector<16xi1>) -> (vector<16xi1>, vector<16xf32>, vector<16xf32>)
        %rev3A_695 = arith.constant 15 : i32
        %rev3A_696 = vector.broadcast %rev3A_695 : i32 to vector<16xi32>
        %rev3A_697 = tpu.iota {dimensions = array<i32: 0>} : vector<16xi32>
        %rev3A_698 = arith.subi %rev3A_696, %rev3A_697 : vector<16xi32>
        %rev3A_699 = tpu.dynamic_gather %sort3A_693[%rev3A_698] in [0] : vector<16xf32>, vector<16xi32> -> vector<16xf32>
        %max3A_700 = arith.maximumf %sort3A_686, %rev3A_699 : vector<16xf32>
        %sort3A_701 = arith.constant dense<true> : vector<16xi1>
        %sort3A_702, %sort3A_703, %sort3A_704 = tpu.sort %max3A_700, %max3A_700 masked %sort3A_701 : (vector<16xf32>, vector<16xf32>, vector<16xi1>) -> (vector<16xi1>, vector<16xf32>, vector<16xf32>)
        %rev3A_705 = arith.constant 15 : i32
        %rev3A_706 = vector.broadcast %rev3A_705 : i32 to vector<16xi32>
        %rev3A_707 = tpu.iota {dimensions = array<i32: 0>} : vector<16xi32>
        %rev3A_708 = arith.subi %rev3A_706, %rev3A_707 : vector<16xi32>
        %rev3A_709 = tpu.dynamic_gather %sort3A_703[%rev3A_708] in [0] : vector<16xf32>, vector<16xi32> -> vector<16xf32>
        %max3A_710 = arith.maximumf %sort3A_679, %rev3A_709 : vector<16xf32>
        %sort3A_711 = arith.constant dense<true> : vector<16xi1>
        %sort3A_712, %sort3A_713, %sort3A_714 = tpu.sort %max3A_710, %max3A_710 masked %sort3A_711 : (vector<16xf32>, vector<16xf32>, vector<16xi1>) -> (vector<16xi1>, vector<16xf32>, vector<16xf32>)
        %rev3A_715 = arith.constant 15 : i32
        %rev3A_716 = vector.broadcast %rev3A_715 : i32 to vector<16xi32>
        %rev3A_717 = tpu.iota {dimensions = array<i32: 0>} : vector<16xi32>
        %rev3A_718 = arith.subi %rev3A_716, %rev3A_717 : vector<16xi32>
        %rev3A_719 = tpu.dynamic_gather %sort3A_713[%rev3A_718] in [0] : vector<16xf32>, vector<16xi32> -> vector<16xf32>
        %max3A_720 = arith.maximumf %sort3A_655, %rev3A_719 : vector<16xf32>
        %sort3A_721 = arith.constant dense<true> : vector<16xi1>
        %sort3A_722, %sort3A_723, %sort3A_724 = tpu.sort %max3A_720, %max3A_720 masked %sort3A_721 : (vector<16xf32>, vector<16xf32>, vector<16xi1>) -> (vector<16xi1>, vector<16xf32>, vector<16xf32>)
        %get3A_725 = arith.index_cast %scan3A_68 : i32 to index
        %get3A_726 = arith.constant 640 : index
        %get3A_727 = tpu.vector_load %arg5[%get3A_725, %get3A_726] {strides = array<i32>} : memref<32x1000xf32, #tpu.memory_space<vmem>>, vector<16xf32>,
        %sort3A_728 = arith.constant dense<true> : vector<16xi1>
        %sort3A_729, %sort3A_730, %sort3A_731 = tpu.sort %get3A_727, %get3A_727 masked %sort3A_728 : (vector<16xf32>, vector<16xf32>, vector<16xi1>) -> (vector<16xi1>, vector<16xf32>, vector<16xf32>)
        %get3A_732 = arith.index_cast %scan3A_68 : i32 to index
        %get3A_733 = arith.constant 656 : index
        %get3A_734 = tpu.vector_load %arg5[%get3A_732, %get3A_733] {strides = array<i32>} : memref<32x1000xf32, #tpu.memory_space<vmem>>, vector<16xf32>,
        %sort3A_735 = arith.constant dense<true> : vector<16xi1>
        %sort3A_736, %sort3A_737, %sort3A_738 = tpu.sort %get3A_734, %get3A_734 masked %sort3A_735 : (vector<16xf32>, vector<16xf32>, vector<16xi1>) -> (vector<16xi1>, vector<16xf32>, vector<16xf32>)
        %rev3A_739 = arith.constant 15 : i32
        %rev3A_740 = vector.broadcast %rev3A_739 : i32 to vector<16xi32>
        %rev3A_741 = tpu.iota {dimensions = array<i32: 0>} : vector<16xi32>
        %rev3A_742 = arith.subi %rev3A_740, %rev3A_741 : vector<16xi32>
        %rev3A_743 = tpu.dynamic_gather %sort3A_737[%rev3A_742] in [0] : vector<16xf32>, vector<16xi32> -> vector<16xf32>
        %max3A_744 = arith.maximumf %sort3A_730, %rev3A_743 : vector<16xf32>
        %sort3A_745 = arith.constant dense<true> : vector<16xi1>
        %sort3A_746, %sort3A_747, %sort3A_748 = tpu.sort %max3A_744, %max3A_744 masked %sort3A_745 : (vector<16xf32>, vector<16xf32>, vector<16xi1>) -> (vector<16xi1>, vector<16xf32>, vector<16xf32>)
        %get3A_749 = arith.index_cast %scan3A_68 : i32 to index
        %get3A_750 = arith.constant 672 : index
        %get3A_751 = tpu.vector_load %arg5[%get3A_749, %get3A_750] {strides = array<i32>} : memref<32x1000xf32, #tpu.memory_space<vmem>>, vector<16xf32>,
        %sort3A_752 = arith.constant dense<true> : vector<16xi1>
        %sort3A_753, %sort3A_754, %sort3A_755 = tpu.sort %get3A_751, %get3A_751 masked %sort3A_752 : (vector<16xf32>, vector<16xf32>, vector<16xi1>) -> (vector<16xi1>, vector<16xf32>, vector<16xf32>)
        %get3A_756 = arith.index_cast %scan3A_68 : i32 to index
        %get3A_757 = arith.constant 688 : index
        %get3A_758 = tpu.vector_load %arg5[%get3A_756, %get3A_757] {strides = array<i32>} : memref<32x1000xf32, #tpu.memory_space<vmem>>, vector<16xf32>,
        %sort3A_759 = arith.constant dense<true> : vector<16xi1>
        %sort3A_760, %sort3A_761, %sort3A_762 = tpu.sort %get3A_758, %get3A_758 masked %sort3A_759 : (vector<16xf32>, vector<16xf32>, vector<16xi1>) -> (vector<16xi1>, vector<16xf32>, vector<16xf32>)
        %rev3A_763 = arith.constant 15 : i32
        %rev3A_764 = vector.broadcast %rev3A_763 : i32 to vector<16xi32>
        %rev3A_765 = tpu.iota {dimensions = array<i32: 0>} : vector<16xi32>
        %rev3A_766 = arith.subi %rev3A_764, %rev3A_765 : vector<16xi32>
        %rev3A_767 = tpu.dynamic_gather %sort3A_761[%rev3A_766] in [0] : vector<16xf32>, vector<16xi32> -> vector<16xf32>
        %max3A_768 = arith.maximumf %sort3A_754, %rev3A_767 : vector<16xf32>
        %sort3A_769 = arith.constant dense<true> : vector<16xi1>
        %sort3A_770, %sort3A_771, %sort3A_772 = tpu.sort %max3A_768, %max3A_768 masked %sort3A_769 : (vector<16xf32>, vector<16xf32>, vector<16xi1>) -> (vector<16xi1>, vector<16xf32>, vector<16xf32>)
        %rev3A_773 = arith.constant 15 : i32
        %rev3A_774 = vector.broadcast %rev3A_773 : i32 to vector<16xi32>
        %rev3A_775 = tpu.iota {dimensions = array<i32: 0>} : vector<16xi32>
        %rev3A_776 = arith.subi %rev3A_774, %rev3A_775 : vector<16xi32>
        %rev3A_777 = tpu.dynamic_gather %sort3A_771[%rev3A_776] in [0] : vector<16xf32>, vector<16xi32> -> vector<16xf32>
        %max3A_778 = arith.maximumf %sort3A_747, %rev3A_777 : vector<16xf32>
        %sort3A_779 = arith.constant dense<true> : vector<16xi1>
        %sort3A_780, %sort3A_781, %sort3A_782 = tpu.sort %max3A_778, %max3A_778 masked %sort3A_779 : (vector<16xf32>, vector<16xf32>, vector<16xi1>) -> (vector<16xi1>, vector<16xf32>, vector<16xf32>)
        %get3A_783 = arith.index_cast %scan3A_68 : i32 to index
        %get3A_784 = arith.constant 704 : index
        %get3A_785 = tpu.vector_load %arg5[%get3A_783, %get3A_784] {strides = array<i32>} : memref<32x1000xf32, #tpu.memory_space<vmem>>, vector<16xf32>,
        %sort3A_786 = arith.constant dense<true> : vector<16xi1>
        %sort3A_787, %sort3A_788, %sort3A_789 = tpu.sort %get3A_785, %get3A_785 masked %sort3A_786 : (vector<16xf32>, vector<16xf32>, vector<16xi1>) -> (vector<16xi1>, vector<16xf32>, vector<16xf32>)
        %get3A_790 = arith.index_cast %scan3A_68 : i32 to index
        %get3A_791 = arith.constant 720 : index
        %get3A_792 = tpu.vector_load %arg5[%get3A_790, %get3A_791] {strides = array<i32>} : memref<32x1000xf32, #tpu.memory_space<vmem>>, vector<16xf32>,
        %sort3A_793 = arith.constant dense<true> : vector<16xi1>
        %sort3A_794, %sort3A_795, %sort3A_796 = tpu.sort %get3A_792, %get3A_792 masked %sort3A_793 : (vector<16xf32>, vector<16xf32>, vector<16xi1>) -> (vector<16xi1>, vector<16xf32>, vector<16xf32>)
        %rev3A_797 = arith.constant 15 : i32
        %rev3A_798 = vector.broadcast %rev3A_797 : i32 to vector<16xi32>
        %rev3A_799 = tpu.iota {dimensions = array<i32: 0>} : vector<16xi32>
        %rev3A_800 = arith.subi %rev3A_798, %rev3A_799 : vector<16xi32>
        %rev3A_801 = tpu.dynamic_gather %sort3A_795[%rev3A_800] in [0] : vector<16xf32>, vector<16xi32> -> vector<16xf32>
        %max3A_802 = arith.maximumf %sort3A_788, %rev3A_801 : vector<16xf32>
        %sort3A_803 = arith.constant dense<true> : vector<16xi1>
        %sort3A_804, %sort3A_805, %sort3A_806 = tpu.sort %max3A_802, %max3A_802 masked %sort3A_803 : (vector<16xf32>, vector<16xf32>, vector<16xi1>) -> (vector<16xi1>, vector<16xf32>, vector<16xf32>)
        %get3A_807 = arith.index_cast %scan3A_68 : i32 to index
        %get3A_808 = arith.constant 736 : index
        %get3A_809 = tpu.vector_load %arg5[%get3A_807, %get3A_808] {strides = array<i32>} : memref<32x1000xf32, #tpu.memory_space<vmem>>, vector<16xf32>,
        %sort3A_810 = arith.constant dense<true> : vector<16xi1>
        %sort3A_811, %sort3A_812, %sort3A_813 = tpu.sort %get3A_809, %get3A_809 masked %sort3A_810 : (vector<16xf32>, vector<16xf32>, vector<16xi1>) -> (vector<16xi1>, vector<16xf32>, vector<16xf32>)
        %get3A_814 = arith.index_cast %scan3A_68 : i32 to index
        %get3A_815 = arith.constant 752 : index
        %get3A_816 = tpu.vector_load %arg5[%get3A_814, %get3A_815] {strides = array<i32>} : memref<32x1000xf32, #tpu.memory_space<vmem>>, vector<16xf32>,
        %sort3A_817 = arith.constant dense<true> : vector<16xi1>
        %sort3A_818, %sort3A_819, %sort3A_820 = tpu.sort %get3A_816, %get3A_816 masked %sort3A_817 : (vector<16xf32>, vector<16xf32>, vector<16xi1>) -> (vector<16xi1>, vector<16xf32>, vector<16xf32>)
        %rev3A_821 = arith.constant 15 : i32
        %rev3A_822 = vector.broadcast %rev3A_821 : i32 to vector<16xi32>
        %rev3A_823 = tpu.iota {dimensions = array<i32: 0>} : vector<16xi32>
        %rev3A_824 = arith.subi %rev3A_822, %rev3A_823 : vector<16xi32>
        %rev3A_825 = tpu.dynamic_gather %sort3A_819[%rev3A_824] in [0] : vector<16xf32>, vector<16xi32> -> vector<16xf32>
        %max3A_826 = arith.maximumf %sort3A_812, %rev3A_825 : vector<16xf32>
        %sort3A_827 = arith.constant dense<true> : vector<16xi1>
        %sort3A_828, %sort3A_829, %sort3A_830 = tpu.sort %max3A_826, %max3A_826 masked %sort3A_827 : (vector<16xf32>, vector<16xf32>, vector<16xi1>) -> (vector<16xi1>, vector<16xf32>, vector<16xf32>)
        %rev3A_831 = arith.constant 15 : i32
        %rev3A_832 = vector.broadcast %rev3A_831 : i32 to vector<16xi32>
        %rev3A_833 = tpu.iota {dimensions = array<i32: 0>} : vector<16xi32>
        %rev3A_834 = arith.subi %rev3A_832, %rev3A_833 : vector<16xi32>
        %rev3A_835 = tpu.dynamic_gather %sort3A_829[%rev3A_834] in [0] : vector<16xf32>, vector<16xi32> -> vector<16xf32>
        %max3A_836 = arith.maximumf %sort3A_805, %rev3A_835 : vector<16xf32>
        %sort3A_837 = arith.constant dense<true> : vector<16xi1>
        %sort3A_838, %sort3A_839, %sort3A_840 = tpu.sort %max3A_836, %max3A_836 masked %sort3A_837 : (vector<16xf32>, vector<16xf32>, vector<16xi1>) -> (vector<16xi1>, vector<16xf32>, vector<16xf32>)
        %rev3A_841 = arith.constant 15 : i32
        %rev3A_842 = vector.broadcast %rev3A_841 : i32 to vector<16xi32>
        %rev3A_843 = tpu.iota {dimensions = array<i32: 0>} : vector<16xi32>
        %rev3A_844 = arith.subi %rev3A_842, %rev3A_843 : vector<16xi32>
        %rev3A_845 = tpu.dynamic_gather %sort3A_839[%rev3A_844] in [0] : vector<16xf32>, vector<16xi32> -> vector<16xf32>
        %max3A_846 = arith.maximumf %sort3A_781, %rev3A_845 : vector<16xf32>
        %sort3A_847 = arith.constant dense<true> : vector<16xi1>
        %sort3A_848, %sort3A_849, %sort3A_850 = tpu.sort %max3A_846, %max3A_846 masked %sort3A_847 : (vector<16xf32>, vector<16xf32>, vector<16xi1>) -> (vector<16xi1>, vector<16xf32>, vector<16xf32>)
        %rev3A_851 = arith.constant 15 : i32
        %rev3A_852 = vector.broadcast %rev3A_851 : i32 to vector<16xi32>
        %rev3A_853 = tpu.iota {dimensions = array<i32: 0>} : vector<16xi32>
        %rev3A_854 = arith.subi %rev3A_852, %rev3A_853 : vector<16xi32>
        %rev3A_855 = tpu.dynamic_gather %sort3A_849[%rev3A_854] in [0] : vector<16xf32>, vector<16xi32> -> vector<16xf32>
        %max3A_856 = arith.maximumf %sort3A_723, %rev3A_855 : vector<16xf32>
        %sort3A_857 = arith.constant dense<true> : vector<16xi1>
        %sort3A_858, %sort3A_859, %sort3A_860 = tpu.sort %max3A_856, %max3A_856 masked %sort3A_857 : (vector<16xf32>, vector<16xf32>, vector<16xi1>) -> (vector<16xi1>, vector<16xf32>, vector<16xf32>)
        %get3A_861 = arith.index_cast %scan3A_68 : i32 to index
        %get3A_862 = arith.constant 768 : index
        %get3A_863 = tpu.vector_load %arg5[%get3A_861, %get3A_862] {strides = array<i32>} : memref<32x1000xf32, #tpu.memory_space<vmem>>, vector<16xf32>,
        %sort3A_864 = arith.constant dense<true> : vector<16xi1>
        %sort3A_865, %sort3A_866, %sort3A_867 = tpu.sort %get3A_863, %get3A_863 masked %sort3A_864 : (vector<16xf32>, vector<16xf32>, vector<16xi1>) -> (vector<16xi1>, vector<16xf32>, vector<16xf32>)
        %get3A_868 = arith.index_cast %scan3A_68 : i32 to index
        %get3A_869 = arith.constant 784 : index
        %get3A_870 = tpu.vector_load %arg5[%get3A_868, %get3A_869] {strides = array<i32>} : memref<32x1000xf32, #tpu.memory_space<vmem>>, vector<16xf32>,
        %sort3A_871 = arith.constant dense<true> : vector<16xi1>
        %sort3A_872, %sort3A_873, %sort3A_874 = tpu.sort %get3A_870, %get3A_870 masked %sort3A_871 : (vector<16xf32>, vector<16xf32>, vector<16xi1>) -> (vector<16xi1>, vector<16xf32>, vector<16xf32>)
        %rev3A_875 = arith.constant 15 : i32
        %rev3A_876 = vector.broadcast %rev3A_875 : i32 to vector<16xi32>
        %rev3A_877 = tpu.iota {dimensions = array<i32: 0>} : vector<16xi32>
        %rev3A_878 = arith.subi %rev3A_876, %rev3A_877 : vector<16xi32>
        %rev3A_879 = tpu.dynamic_gather %sort3A_873[%rev3A_878] in [0] : vector<16xf32>, vector<16xi32> -> vector<16xf32>
        %max3A_880 = arith.maximumf %sort3A_866, %rev3A_879 : vector<16xf32>
        %sort3A_881 = arith.constant dense<true> : vector<16xi1>
        %sort3A_882, %sort3A_883, %sort3A_884 = tpu.sort %max3A_880, %max3A_880 masked %sort3A_881 : (vector<16xf32>, vector<16xf32>, vector<16xi1>) -> (vector<16xi1>, vector<16xf32>, vector<16xf32>)
        %get3A_885 = arith.index_cast %scan3A_68 : i32 to index
        %get3A_886 = arith.constant 800 : index
        %get3A_887 = tpu.vector_load %arg5[%get3A_885, %get3A_886] {strides = array<i32>} : memref<32x1000xf32, #tpu.memory_space<vmem>>, vector<16xf32>,
        %sort3A_888 = arith.constant dense<true> : vector<16xi1>
        %sort3A_889, %sort3A_890, %sort3A_891 = tpu.sort %get3A_887, %get3A_887 masked %sort3A_888 : (vector<16xf32>, vector<16xf32>, vector<16xi1>) -> (vector<16xi1>, vector<16xf32>, vector<16xf32>)
        %get3A_892 = arith.index_cast %scan3A_68 : i32 to index
        %get3A_893 = arith.constant 816 : index
        %get3A_894 = tpu.vector_load %arg5[%get3A_892, %get3A_893] {strides = array<i32>} : memref<32x1000xf32, #tpu.memory_space<vmem>>, vector<16xf32>,
        %sort3A_895 = arith.constant dense<true> : vector<16xi1>
        %sort3A_896, %sort3A_897, %sort3A_898 = tpu.sort %get3A_894, %get3A_894 masked %sort3A_895 : (vector<16xf32>, vector<16xf32>, vector<16xi1>) -> (vector<16xi1>, vector<16xf32>, vector<16xf32>)
        %rev3A_899 = arith.constant 15 : i32
        %rev3A_900 = vector.broadcast %rev3A_899 : i32 to vector<16xi32>
        %rev3A_901 = tpu.iota {dimensions = array<i32: 0>} : vector<16xi32>
        %rev3A_902 = arith.subi %rev3A_900, %rev3A_901 : vector<16xi32>
        %rev3A_903 = tpu.dynamic_gather %sort3A_897[%rev3A_902] in [0] : vector<16xf32>, vector<16xi32> -> vector<16xf32>
        %max3A_904 = arith.maximumf %sort3A_890, %rev3A_903 : vector<16xf32>
        %sort3A_905 = arith.constant dense<true> : vector<16xi1>
        %sort3A_906, %sort3A_907, %sort3A_908 = tpu.sort %max3A_904, %max3A_904 masked %sort3A_905 : (vector<16xf32>, vector<16xf32>, vector<16xi1>) -> (vector<16xi1>, vector<16xf32>, vector<16xf32>)
        %rev3A_909 = arith.constant 15 : i32
        %rev3A_910 = vector.broadcast %rev3A_909 : i32 to vector<16xi32>
        %rev3A_911 = tpu.iota {dimensions = array<i32: 0>} : vector<16xi32>
        %rev3A_912 = arith.subi %rev3A_910, %rev3A_911 : vector<16xi32>
        %rev3A_913 = tpu.dynamic_gather %sort3A_907[%rev3A_912] in [0] : vector<16xf32>, vector<16xi32> -> vector<16xf32>
        %max3A_914 = arith.maximumf %sort3A_883, %rev3A_913 : vector<16xf32>
        %sort3A_915 = arith.constant dense<true> : vector<16xi1>
        %sort3A_916, %sort3A_917, %sort3A_918 = tpu.sort %max3A_914, %max3A_914 masked %sort3A_915 : (vector<16xf32>, vector<16xf32>, vector<16xi1>) -> (vector<16xi1>, vector<16xf32>, vector<16xf32>)
        %get3A_919 = arith.index_cast %scan3A_68 : i32 to index
        %get3A_920 = arith.constant 832 : index
        %get3A_921 = tpu.vector_load %arg5[%get3A_919, %get3A_920] {strides = array<i32>} : memref<32x1000xf32, #tpu.memory_space<vmem>>, vector<16xf32>,
        %sort3A_922 = arith.constant dense<true> : vector<16xi1>
        %sort3A_923, %sort3A_924, %sort3A_925 = tpu.sort %get3A_921, %get3A_921 masked %sort3A_922 : (vector<16xf32>, vector<16xf32>, vector<16xi1>) -> (vector<16xi1>, vector<16xf32>, vector<16xf32>)
        %get3A_926 = arith.index_cast %scan3A_68 : i32 to index
        %get3A_927 = arith.constant 848 : index
        %get3A_928 = tpu.vector_load %arg5[%get3A_926, %get3A_927] {strides = array<i32>} : memref<32x1000xf32, #tpu.memory_space<vmem>>, vector<16xf32>,
        %sort3A_929 = arith.constant dense<true> : vector<16xi1>
        %sort3A_930, %sort3A_931, %sort3A_932 = tpu.sort %get3A_928, %get3A_928 masked %sort3A_929 : (vector<16xf32>, vector<16xf32>, vector<16xi1>) -> (vector<16xi1>, vector<16xf32>, vector<16xf32>)
        %rev3A_933 = arith.constant 15 : i32
        %rev3A_934 = vector.broadcast %rev3A_933 : i32 to vector<16xi32>
        %rev3A_935 = tpu.iota {dimensions = array<i32: 0>} : vector<16xi32>
        %rev3A_936 = arith.subi %rev3A_934, %rev3A_935 : vector<16xi32>
        %rev3A_937 = tpu.dynamic_gather %sort3A_931[%rev3A_936] in [0] : vector<16xf32>, vector<16xi32> -> vector<16xf32>
        %max3A_938 = arith.maximumf %sort3A_924, %rev3A_937 : vector<16xf32>
        %sort3A_939 = arith.constant dense<true> : vector<16xi1>
        %sort3A_940, %sort3A_941, %sort3A_942 = tpu.sort %max3A_938, %max3A_938 masked %sort3A_939 : (vector<16xf32>, vector<16xf32>, vector<16xi1>) -> (vector<16xi1>, vector<16xf32>, vector<16xf32>)
        %get3A_943 = arith.index_cast %scan3A_68 : i32 to index
        %get3A_944 = arith.constant 864 : index
        %get3A_945 = tpu.vector_load %arg5[%get3A_943, %get3A_944] {strides = array<i32>} : memref<32x1000xf32, #tpu.memory_space<vmem>>, vector<16xf32>,
        %sort3A_946 = arith.constant dense<true> : vector<16xi1>
        %sort3A_947, %sort3A_948, %sort3A_949 = tpu.sort %get3A_945, %get3A_945 masked %sort3A_946 : (vector<16xf32>, vector<16xf32>, vector<16xi1>) -> (vector<16xi1>, vector<16xf32>, vector<16xf32>)
        %get3A_950 = arith.index_cast %scan3A_68 : i32 to index
        %get3A_951 = arith.constant 880 : index
        %get3A_952 = tpu.vector_load %arg5[%get3A_950, %get3A_951] {strides = array<i32>} : memref<32x1000xf32, #tpu.memory_space<vmem>>, vector<16xf32>,
        %sort3A_953 = arith.constant dense<true> : vector<16xi1>
        %sort3A_954, %sort3A_955, %sort3A_956 = tpu.sort %get3A_952, %get3A_952 masked %sort3A_953 : (vector<16xf32>, vector<16xf32>, vector<16xi1>) -> (vector<16xi1>, vector<16xf32>, vector<16xf32>)
        %rev3A_957 = arith.constant 15 : i32
        %rev3A_958 = vector.broadcast %rev3A_957 : i32 to vector<16xi32>
        %rev3A_959 = tpu.iota {dimensions = array<i32: 0>} : vector<16xi32>
        %rev3A_960 = arith.subi %rev3A_958, %rev3A_959 : vector<16xi32>
        %rev3A_961 = tpu.dynamic_gather %sort3A_955[%rev3A_960] in [0] : vector<16xf32>, vector<16xi32> -> vector<16xf32>
        %max3A_962 = arith.maximumf %sort3A_948, %rev3A_961 : vector<16xf32>
        %sort3A_963 = arith.constant dense<true> : vector<16xi1>
        %sort3A_964, %sort3A_965, %sort3A_966 = tpu.sort %max3A_962, %max3A_962 masked %sort3A_963 : (vector<16xf32>, vector<16xf32>, vector<16xi1>) -> (vector<16xi1>, vector<16xf32>, vector<16xf32>)
        %rev3A_967 = arith.constant 15 : i32
        %rev3A_968 = vector.broadcast %rev3A_967 : i32 to vector<16xi32>
        %rev3A_969 = tpu.iota {dimensions = array<i32: 0>} : vector<16xi32>
        %rev3A_970 = arith.subi %rev3A_968, %rev3A_969 : vector<16xi32>
        %rev3A_971 = tpu.dynamic_gather %sort3A_965[%rev3A_970] in [0] : vector<16xf32>, vector<16xi32> -> vector<16xf32>
        %max3A_972 = arith.maximumf %sort3A_941, %rev3A_971 : vector<16xf32>
        %sort3A_973 = arith.constant dense<true> : vector<16xi1>
        %sort3A_974, %sort3A_975, %sort3A_976 = tpu.sort %max3A_972, %max3A_972 masked %sort3A_973 : (vector<16xf32>, vector<16xf32>, vector<16xi1>) -> (vector<16xi1>, vector<16xf32>, vector<16xf32>)
        %rev3A_977 = arith.constant 15 : i32
        %rev3A_978 = vector.broadcast %rev3A_977 : i32 to vector<16xi32>
        %rev3A_979 = tpu.iota {dimensions = array<i32: 0>} : vector<16xi32>
        %rev3A_980 = arith.subi %rev3A_978, %rev3A_979 : vector<16xi32>
        %rev3A_981 = tpu.dynamic_gather %sort3A_975[%rev3A_980] in [0] : vector<16xf32>, vector<16xi32> -> vector<16xf32>
        %max3A_982 = arith.maximumf %sort3A_917, %rev3A_981 : vector<16xf32>
        %sort3A_983 = arith.constant dense<true> : vector<16xi1>
        %sort3A_984, %sort3A_985, %sort3A_986 = tpu.sort %max3A_982, %max3A_982 masked %sort3A_983 : (vector<16xf32>, vector<16xf32>, vector<16xi1>) -> (vector<16xi1>, vector<16xf32>, vector<16xf32>)
        %get3A_987 = arith.index_cast %scan3A_68 : i32 to index
        %get3A_988 = arith.constant 896 : index
        %get3A_989 = tpu.vector_load %arg5[%get3A_987, %get3A_988] {strides = array<i32>} : memref<32x1000xf32, #tpu.memory_space<vmem>>, vector<16xf32>,
        %sort3A_990 = arith.constant dense<true> : vector<16xi1>
        %sort3A_991, %sort3A_992, %sort3A_993 = tpu.sort %get3A_989, %get3A_989 masked %sort3A_990 : (vector<16xf32>, vector<16xf32>, vector<16xi1>) -> (vector<16xi1>, vector<16xf32>, vector<16xf32>)
        %get3A_994 = arith.index_cast %scan3A_68 : i32 to index
        %get3A_995 = arith.constant 912 : index
        %get3A_996 = tpu.vector_load %arg5[%get3A_994, %get3A_995] {strides = array<i32>} : memref<32x1000xf32, #tpu.memory_space<vmem>>, vector<16xf32>,
        %sort3A_997 = arith.constant dense<true> : vector<16xi1>
        %sort3A_998, %sort3A_999, %sort3A_1000 = tpu.sort %get3A_996, %get3A_996 masked %sort3A_997 : (vector<16xf32>, vector<16xf32>, vector<16xi1>) -> (vector<16xi1>, vector<16xf32>, vector<16xf32>)
        %rev3A_1001 = arith.constant 15 : i32
        %rev3A_1002 = vector.broadcast %rev3A_1001 : i32 to vector<16xi32>
        %rev3A_1003 = tpu.iota {dimensions = array<i32: 0>} : vector<16xi32>
        %rev3A_1004 = arith.subi %rev3A_1002, %rev3A_1003 : vector<16xi32>
        %rev3A_1005 = tpu.dynamic_gather %sort3A_999[%rev3A_1004] in [0] : vector<16xf32>, vector<16xi32> -> vector<16xf32>
        %max3A_1006 = arith.maximumf %sort3A_992, %rev3A_1005 : vector<16xf32>
        %sort3A_1007 = arith.constant dense<true> : vector<16xi1>
        %sort3A_1008, %sort3A_1009, %sort3A_1010 = tpu.sort %max3A_1006, %max3A_1006 masked %sort3A_1007 : (vector<16xf32>, vector<16xf32>, vector<16xi1>) -> (vector<16xi1>, vector<16xf32>, vector<16xf32>)
        %get3A_1011 = arith.index_cast %scan3A_68 : i32 to index
        %get3A_1012 = arith.constant 928 : index
        %get3A_1013 = tpu.vector_load %arg5[%get3A_1011, %get3A_1012] {strides = array<i32>} : memref<32x1000xf32, #tpu.memory_space<vmem>>, vector<16xf32>,
        %sort3A_1014 = arith.constant dense<true> : vector<16xi1>
        %sort3A_1015, %sort3A_1016, %sort3A_1017 = tpu.sort %get3A_1013, %get3A_1013 masked %sort3A_1014 : (vector<16xf32>, vector<16xf32>, vector<16xi1>) -> (vector<16xi1>, vector<16xf32>, vector<16xf32>)
        %get3A_1018 = arith.index_cast %scan3A_68 : i32 to index
        %get3A_1019 = arith.constant 944 : index
        %get3A_1020 = tpu.vector_load %arg5[%get3A_1018, %get3A_1019] {strides = array<i32>} : memref<32x1000xf32, #tpu.memory_space<vmem>>, vector<16xf32>,
        %sort3A_1021 = arith.constant dense<true> : vector<16xi1>
        %sort3A_1022, %sort3A_1023, %sort3A_1024 = tpu.sort %get3A_1020, %get3A_1020 masked %sort3A_1021 : (vector<16xf32>, vector<16xf32>, vector<16xi1>) -> (vector<16xi1>, vector<16xf32>, vector<16xf32>)
        %rev3A_1025 = arith.constant 15 : i32
        %rev3A_1026 = vector.broadcast %rev3A_1025 : i32 to vector<16xi32>
        %rev3A_1027 = tpu.iota {dimensions = array<i32: 0>} : vector<16xi32>
        %rev3A_1028 = arith.subi %rev3A_1026, %rev3A_1027 : vector<16xi32>
        %rev3A_1029 = tpu.dynamic_gather %sort3A_1023[%rev3A_1028] in [0] : vector<16xf32>, vector<16xi32> -> vector<16xf32>
        %max3A_1030 = arith.maximumf %sort3A_1016, %rev3A_1029 : vector<16xf32>
        %sort3A_1031 = arith.constant dense<true> : vector<16xi1>
        %sort3A_1032, %sort3A_1033, %sort3A_1034 = tpu.sort %max3A_1030, %max3A_1030 masked %sort3A_1031 : (vector<16xf32>, vector<16xf32>, vector<16xi1>) -> (vector<16xi1>, vector<16xf32>, vector<16xf32>)
        %rev3A_1035 = arith.constant 15 : i32
        %rev3A_1036 = vector.broadcast %rev3A_1035 : i32 to vector<16xi32>
        %rev3A_1037 = tpu.iota {dimensions = array<i32: 0>} : vector<16xi32>
        %rev3A_1038 = arith.subi %rev3A_1036, %rev3A_1037 : vector<16xi32>
        %rev3A_1039 = tpu.dynamic_gather %sort3A_1033[%rev3A_1038] in [0] : vector<16xf32>, vector<16xi32> -> vector<16xf32>
        %max3A_1040 = arith.maximumf %sort3A_1009, %rev3A_1039 : vector<16xf32>
        %sort3A_1041 = arith.constant dense<true> : vector<16xi1>
        %sort3A_1042, %sort3A_1043, %sort3A_1044 = tpu.sort %max3A_1040, %max3A_1040 masked %sort3A_1041 : (vector<16xf32>, vector<16xf32>, vector<16xi1>) -> (vector<16xi1>, vector<16xf32>, vector<16xf32>)
        %get3A_1045 = arith.index_cast %scan3A_68 : i32 to index
        %get3A_1046 = arith.constant 960 : index
        %get3A_1047 = tpu.vector_load %arg5[%get3A_1045, %get3A_1046] {strides = array<i32>} : memref<32x1000xf32, #tpu.memory_space<vmem>>, vector<16xf32>,
        %sort3A_1048 = arith.constant dense<true> : vector<16xi1>
        %sort3A_1049, %sort3A_1050, %sort3A_1051 = tpu.sort %get3A_1047, %get3A_1047 masked %sort3A_1048 : (vector<16xf32>, vector<16xf32>, vector<16xi1>) -> (vector<16xi1>, vector<16xf32>, vector<16xf32>)
        %get3A_1052 = arith.index_cast %scan3A_68 : i32 to index
        %get3A_1053 = arith.constant 976 : index
        %get3A_1054 = tpu.vector_load %arg5[%get3A_1052, %get3A_1053] {strides = array<i32>} : memref<32x1000xf32, #tpu.memory_space<vmem>>, vector<16xf32>,
        %sort3A_1055 = arith.constant dense<true> : vector<16xi1>
        %sort3A_1056, %sort3A_1057, %sort3A_1058 = tpu.sort %get3A_1054, %get3A_1054 masked %sort3A_1055 : (vector<16xf32>, vector<16xf32>, vector<16xi1>) -> (vector<16xi1>, vector<16xf32>, vector<16xf32>)
        %rev3A_1059 = arith.constant 15 : i32
        %rev3A_1060 = vector.broadcast %rev3A_1059 : i32 to vector<16xi32>
        %rev3A_1061 = tpu.iota {dimensions = array<i32: 0>} : vector<16xi32>
        %rev3A_1062 = arith.subi %rev3A_1060, %rev3A_1061 : vector<16xi32>
        %rev3A_1063 = tpu.dynamic_gather %sort3A_1057[%rev3A_1062] in [0] : vector<16xf32>, vector<16xi32> -> vector<16xf32>
        %max3A_1064 = arith.maximumf %sort3A_1050, %rev3A_1063 : vector<16xf32>
        %sort3A_1065 = arith.constant dense<true> : vector<16xi1>
        %sort3A_1066, %sort3A_1067, %sort3A_1068 = tpu.sort %max3A_1064, %max3A_1064 masked %sort3A_1065 : (vector<16xf32>, vector<16xf32>, vector<16xi1>) -> (vector<16xi1>, vector<16xf32>, vector<16xf32>)
        %ge3A = arith.constant 8 : i32
        %ge3A_1069 = vector.broadcast %ge3A : i32 to vector<16xi32>
        %ge3A_1070 = arith.cmpi sge, %iota3A, %ge3A_1069 : vector<16xi32>
        %get3A_1071 = arith.index_cast %scan3A_68 : i32 to index
        %get3A_1072 = arith.constant 984 : index
        %get3A_1073 = tpu.vector_load %arg5[%get3A_1071, %get3A_1072] {strides = array<i32>} : memref<32x1000xf32, #tpu.memory_space<vmem>>, vector<16xf32>,
        %jit3A = arith.constant 0xFF800000 : f32
        %broadcast_in_dim3A = vector.broadcast %jit3A : f32 to vector<16xf32>
        %select_n3A = arith.select %ge3A_1070, %get3A_1073, %broadcast_in_dim3A : vector<16xi1>, vector<16xf32>
        %sort3A_1074 = arith.constant dense<true> : vector<16xi1>
        %sort3A_1075, %sort3A_1076, %sort3A_1077 = tpu.sort %select_n3A, %select_n3A masked %sort3A_1074 : (vector<16xf32>, vector<16xf32>, vector<16xi1>) -> (vector<16xi1>, vector<16xf32>, vector<16xf32>)
        %rev3A_1078 = arith.constant 15 : i32
        %rev3A_1079 = vector.broadcast %rev3A_1078 : i32 to vector<16xi32>
        %rev3A_1080 = tpu.iota {dimensions = array<i32: 0>} : vector<16xi32>
        %rev3A_1081 = arith.subi %rev3A_1079, %rev3A_1080 : vector<16xi32>
        %rev3A_1082 = tpu.dynamic_gather %sort3A_1067[%rev3A_1081] in [0] : vector<16xf32>, vector<16xi32> -> vector<16xf32>
        %max3A_1083 = arith.maximumf %sort3A_1076, %rev3A_1082 : vector<16xf32>
        %sort3A_1084 = arith.constant dense<true> : vector<16xi1>
        %sort3A_1085, %sort3A_1086, %sort3A_1087 = tpu.sort %max3A_1083, %max3A_1083 masked %sort3A_1084 : (vector<16xf32>, vector<16xf32>, vector<16xi1>) -> (vector<16xi1>, vector<16xf32>, vector<16xf32>)
        %rev3A_1088 = arith.constant 15 : i32
        %rev3A_1089 = vector.broadcast %rev3A_1088 : i32 to vector<16xi32>
        %rev3A_1090 = tpu.iota {dimensions = array<i32: 0>} : vector<16xi32>
        %rev3A_1091 = arith.subi %rev3A_1089, %rev3A_1090 : vector<16xi32>
        %rev3A_1092 = tpu.dynamic_gather %sort3A_1043[%rev3A_1091] in [0] : vector<16xf32>, vector<16xi32> -> vector<16xf32>
        %max3A_1093 = arith.maximumf %sort3A_1086, %rev3A_1092 : vector<16xf32>
        %sort3A_1094 = arith.constant dense<true> : vector<16xi1>
        %sort3A_1095, %sort3A_1096, %sort3A_1097 = tpu.sort %max3A_1093, %max3A_1093 masked %sort3A_1094 : (vector<16xf32>, vector<16xf32>, vector<16xi1>) -> (vector<16xi1>, vector<16xf32>, vector<16xf32>)
        %rev3A_1098 = arith.constant 15 : i32
        %rev3A_1099 = vector.broadcast %rev3A_1098 : i32 to vector<16xi32>
        %rev3A_1100 = tpu.iota {dimensions = array<i32: 0>} : vector<16xi32>
        %rev3A_1101 = arith.subi %rev3A_1099, %rev3A_1100 : vector<16xi32>
        %rev3A_1102 = tpu.dynamic_gather %sort3A_985[%rev3A_1101] in [0] : vector<16xf32>, vector<16xi32> -> vector<16xf32>
        %max3A_1103 = arith.maximumf %sort3A_1096, %rev3A_1102 : vector<16xf32>
        %sort3A_1104 = arith.constant dense<true> : vector<16xi1>
        %sort3A_1105, %sort3A_1106, %sort3A_1107 = tpu.sort %max3A_1103, %max3A_1103 masked %sort3A_1104 : (vector<16xf32>, vector<16xf32>, vector<16xi1>) -> (vector<16xi1>, vector<16xf32>, vector<16xf32>)
        %rev3A_1108 = arith.constant 15 : i32
        %rev3A_1109 = vector.broadcast %rev3A_1108 : i32 to vector<16xi32>
        %rev3A_1110 = tpu.iota {dimensions = array<i32: 0>} : vector<16xi32>
        %rev3A_1111 = arith.subi %rev3A_1109, %rev3A_1110 : vector<16xi32>
        %rev3A_1112 = tpu.dynamic_gather %sort3A_859[%rev3A_1111] in [0] : vector<16xf32>, vector<16xi32> -> vector<16xf32>
        %max3A_1113 = arith.maximumf %sort3A_1106, %rev3A_1112 : vector<16xf32>
        %sort3A_1114 = arith.constant dense<true> : vector<16xi1>
        %sort3A_1115, %sort3A_1116, %sort3A_1117 = tpu.sort %max3A_1113, %max3A_1113 masked %sort3A_1114 : (vector<16xf32>, vector<16xf32>, vector<16xi1>) -> (vector<16xi1>, vector<16xf32>, vector<16xf32>)
        %rev3A_1118 = arith.constant 15 : i32
        %rev3A_1119 = vector.broadcast %rev3A_1118 : i32 to vector<16xi32>
        %rev3A_1120 = tpu.iota {dimensions = array<i32: 0>} : vector<16xi32>
        %rev3A_1121 = arith.subi %rev3A_1119, %rev3A_1120 : vector<16xi32>
        %rev3A_1122 = tpu.dynamic_gather %sort3A_597[%rev3A_1121] in [0] : vector<16xf32>, vector<16xi32> -> vector<16xf32>
        %max3A_1123 = arith.maximumf %sort3A_1116, %rev3A_1122 : vector<16xf32>
        %sort3A_1124 = arith.constant dense<true> : vector<16xi1>
        %sort3A_1125, %sort3A_1126, %sort3A_1127 = tpu.sort %max3A_1123, %max3A_1123 masked %sort3A_1124 : (vector<16xf32>, vector<16xf32>, vector<16xi1>) -> (vector<16xi1>, vector<16xf32>, vector<16xf32>)
        %mul3A_1128 = arith.constant 16 : i32
        %mul3A_1129 = arith.muli %scan3A_68, %mul3A_1128 : i32
        %swap3A = arith.index_cast %mul3A_1129 : i32 to index
        %swap3A_1130 = tpu.vector_load %arg6[%swap3A] {strides = array<i32>} : memref<512xf32, #tpu.memory_space<vmem>>, vector<16xf32>,
        tpu.vector_store %arg6[%swap3A], %sort3A_1126 {strides = array<i32>} : memref<512xf32, #tpu.memory_space<vmem>>, vector<16xf32>,
      }
      %scan3A_65 = arith.constant 32 : i32
      %mul3A_66 = arith.constant 16 : i32
      %mul3A_67 = arith.muli %add3A_59, %mul3A_66 : i32
      "tpu.region"() ({
        %run_scoped3A = tpu.sem_alloc : memref<!tpu.dma_semaphore, #tpu.memory_space<semaphore_mem>>
        %dma_start3A_68 = tpu.memref_slice %arg3[%mul3A_67] : memref<262144xf32, #tpu.memory_space<hbm>> -> memref<512xf32, #tpu.memory_space<hbm>>
        %dma_start3A_69 = tpu.memref_slice %arg3[%mul3A_67] : memref<262144xf32, #tpu.memory_space<hbm>> -> memref<512xf32, #tpu.memory_space<hbm>>
        tpu.enqueue_dma source(%arg6 : memref<512xf32, #tpu.memory_space<vmem>>) target(%dma_start3A_69 : memref<512xf32, #tpu.memory_space<hbm>>) target_semaphore(%run_scoped3A : memref<!tpu.dma_semaphore, #tpu.memory_space<semaphore_mem>>)
        %dma_wait3A_70 = tpu.memref_slice %arg3[%mul3A_67] : memref<262144xf32, #tpu.memory_space<hbm>> -> memref<512xf32, #tpu.memory_space<hbm>>
        %dma_wait3A_71 = tpu.memref_slice %arg3[%mul3A_67] : memref<262144xf32, #tpu.memory_space<hbm>> -> memref<512xf32, #tpu.memory_space<hbm>>
        tpu.wait_dma2 semaphore(%run_scoped3A : memref<!tpu.dma_semaphore, #tpu.memory_space<semaphore_mem>>) src(%arg6 : memref<512xf32, #tpu.memory_space<vmem>>) dst(%dma_wait3A_71 : memref<512xf32, #tpu.memory_space<hbm>>)
        tpu.yield
      }) : () -> ()
    }
    %scan3A_12 = arith.constant 8 : i32
    return
  }
}

module attributes {stable_mosaic.version = 14 : i64} {
  func.func @_tc_pos_body(%arg0: i32, %arg1: memref<1024x1000xf32, #tpu.memory_space<vmem>>, %arg2: memref<1024x1xi32, #tpu.memory_space<vmem>>, %arg3: memref<1024x1xf32, #tpu.memory_space<vmem>>) attributes {dimension_semantics = [#tpu.dimension_semantics<arbitrary>], iteration_bounds = array<i64: 16>, scalar_prefetch = 0 : i64, scratch_operands = 0 : i64, tpu.core_type = #tpu.core_type<tc>, window_params = [{transform_indices = @transform_0, window_bounds = array<i64: 1024, 1000>}, {transform_indices = @transform_1, window_bounds = array<i64: 1024, 1>}, {transform_indices = @transform_2, window_bounds = array<i64: 1024, 1>}]} {
    %get3A = arith.constant 0 : index
    %get3A_0 = arith.constant 0 : index
    %get3A_1 = vector.load %arg1[%get3A, %get3A_0] : memref<1024x1000xf32, #tpu.memory_space<vmem>>, vector<1024x1000xf32>
    %get3A_2 = arith.constant 0 : index
    %get3A_3 = arith.constant 0 : index
    %get3A_4 = vector.load %arg2[%get3A_2, %get3A_3] : memref<1024x1xi32, #tpu.memory_space<vmem>>, vector<1024x1xi32>
    %iota3A = tpu.iota {dimensions = array<i32: 1>} : vector<1024x1000xi32>
    %eq3A = vector.broadcast %get3A_4 : vector<1024x1xi32> to vector<1024x1000xi32>
    %eq3A_5 = arith.cmpi eq, %iota3A, %eq3A : vector<1024x1000xi32>
    %jit3A = arith.constant 0xFF800000 : f32
    %broadcast_in_dim3A = vector.broadcast %jit3A : f32 to vector<1024x1000xf32>
    %select_n3A = arith.select %eq3A_5, %get3A_1, %broadcast_in_dim3A : vector<1024x1000xi1>, vector<1024x1000xf32>
    %reduce_max3A = arith.constant dense<0xFF800000> : vector<1024xf32>
    %reduce_max3A_6 = vector.multi_reduction <maximumf>, %select_n3A, %reduce_max3A [1] : vector<1024x1000xf32> to vector<1024xf32>
    %broadcast_in_dim3A_7 = vector.shape_cast %reduce_max3A_6 : vector<1024xf32> to vector<1024x1xf32>
    %swap3A = arith.constant 0 : index
    %swap3A_8 = arith.constant 0 : index
    %swap3A_9 = vector.load %arg3[%swap3A, %swap3A_8] : memref<1024x1xf32, #tpu.memory_space<vmem>>, vector<1024x1xf32>
    tpu.vector_store %arg3[%swap3A, %swap3A_8], %broadcast_in_dim3A_7 {strides = array<i32>} : memref<1024x1xf32, #tpu.memory_space<vmem>>, vector<1024x1xf32>,
    return
  }
  func.func @transform_0(%arg0: i32) -> (i32, i32) {
    %c0_i32 = arith.constant 0 : i32
    %c0_i32_0 = arith.constant 0 : i32
    return %arg0, %c0_i32 : i32, i32
  }
  func.func @transform_1(%arg0: i32) -> (i32, i32) {
    %c0_i32 = arith.constant 0 : i32
    %c0_i32_0 = arith.constant 0 : i32
    return %arg0, %c0_i32 : i32, i32
  }
  func.func @transform_2(%arg0: i32) -> (i32, i32) {
    %c0_i32 = arith.constant 0 : i32
    %c0_i32_0 = arith.constant 0 : i32
    return %arg0, %c0_i32 : i32, i32
  }
}

module attributes {stable_mosaic.version = 14 : i64} {
  func.func @_tc_loss_body(%arg0: i32, %arg1: memref<2048x16xf32, #tpu.memory_space<vmem>>, %arg2: memref<2048x1xf32, #tpu.memory_space<vmem>>, %arg3: memref<1x1xf32, #tpu.memory_space<vmem>>) attributes {dimension_semantics = [#tpu.dimension_semantics<arbitrary>], iteration_bounds = array<i64: 8>, scalar_prefetch = 0 : i64, scratch_operands = 0 : i64, tpu.core_type = #tpu.core_type<tc>, window_params = [{transform_indices = @transform_0, window_bounds = array<i64: 2048, 16>}, {transform_indices = @transform_1, window_bounds = array<i64: 2048, 1>}, {pipeline_mode = #tpu.pipeline_mode<synchronous>, transform_indices = @transform_2, window_bounds = array<i64: 1, 1>}]} {
    %get3A = arith.constant 0 : index
    %get3A_0 = arith.constant 0 : index
    %get3A_1 = vector.load %arg1[%get3A, %get3A_0] : memref<2048x16xf32, #tpu.memory_space<vmem>>, vector<2048x16xf32>
    %get3A_2 = arith.constant 0 : index
    %get3A_3 = arith.constant 0 : index
    %get3A_4 = vector.load %arg2[%get3A_2, %get3A_3] : memref<2048x1xf32, #tpu.memory_space<vmem>>, vector<2048x1xf32>
    %squeeze3A = vector.shape_cast %get3A_4 : vector<2048x1xf32> to vector<2048xf32>
    %slice3A = vector.extract_strided_slice %get3A_1 {offsets = [0, 0], sizes = [2048, 1], strides = [1, 1]} : vector<2048x16xf32> to vector<2048x1xf32>
    %squeeze3A_5 = vector.shape_cast %slice3A : vector<2048x1xf32> to vector<2048xf32>
    %slice3A_6 = vector.extract_strided_slice %get3A_1 {offsets = [0, 15], sizes = [2048, 1], strides = [1, 1]} : vector<2048x16xf32> to vector<2048x1xf32>
    %squeeze3A_7 = vector.shape_cast %slice3A_6 : vector<2048x1xf32> to vector<2048xf32>
    %slice3A_8 = vector.extract_strided_slice %get3A_1 {offsets = [0, 14], sizes = [2048, 1], strides = [1, 1]} : vector<2048x16xf32> to vector<2048x1xf32>
    %squeeze3A_9 = vector.shape_cast %slice3A_8 : vector<2048x1xf32> to vector<2048xf32>
    %slice3A_10 = vector.extract_strided_slice %get3A_1 {offsets = [0, 6], sizes = [2048, 1], strides = [1, 1]} : vector<2048x16xf32> to vector<2048x1xf32>
    %squeeze3A_11 = vector.shape_cast %slice3A_10 : vector<2048x1xf32> to vector<2048xf32>
    %broadcast_in_dim3A = vector.shape_cast %squeeze3A : vector<2048xf32> to vector<2048x1xf32>
    %gt3A = vector.broadcast %broadcast_in_dim3A : vector<2048x1xf32> to vector<2048x16xf32>
    %gt3A_12 = arith.cmpf ogt, %get3A_1, %gt3A : vector<2048x16xf32>
    %convert_element_type3A = arith.extui %gt3A_12 : vector<2048x16xi1> to vector<2048x16xi32>
    %convert_element_type3A_13 = arith.sitofp %convert_element_type3A : vector<2048x16xi32> to vector<2048x16xf32>
    %reduce_sum3A = arith.constant dense<0.000000e+00> : vector<2048xf32>
    %reduce_sum3A_14 = vector.multi_reduction <add>, %convert_element_type3A_13, %reduce_sum3A [1] : vector<2048x16xf32> to vector<2048xf32>
    %ge3A = arith.cmpf oge, %squeeze3A, %squeeze3A_5 : vector<2048xf32>
    %eq3A = arith.constant 0.000000e+00 : f32
    %eq3A_15 = vector.broadcast %eq3A : f32 to vector<2048xf32>
    %eq3A_16 = arith.cmpf oeq, %reduce_sum3A_14, %eq3A_15 : vector<2048xf32>
    %and3A = arith.andi %ge3A, %eq3A_16 : vector<2048xi1>
    %select_n3A = arith.select %and3A, %squeeze3A_9, %squeeze3A_7 : vector<2048xi1>, vector<2048xf32>
    %max3A = arith.maximumf %squeeze3A, %select_n3A : vector<2048xf32>
    %iota3A = tpu.iota {dimensions = array<i32: 1>} : vector<2048x16xi32>
    %ge3A_17 = arith.constant 6 : i32
    %ge3A_18 = vector.broadcast %ge3A_17 : i32 to vector<2048x16xi32>
    %ge3A_19 = arith.cmpi sge, %iota3A, %ge3A_18 : vector<2048x16xi32>
    %broadcast_in_dim3A_20 = vector.shape_cast %max3A : vector<2048xf32> to vector<2048x1xf32>
    %sub3A = vector.broadcast %broadcast_in_dim3A_20 : vector<2048x1xf32> to vector<2048x16xf32>
    %sub3A_21 = arith.subf %get3A_1, %sub3A : vector<2048x16xf32>
    %mul3A = arith.constant 1.000000e+01 : f32
    %mul3A_22 = vector.broadcast %mul3A : f32 to vector<2048x16xf32>
    %mul3A_23 = arith.mulf %mul3A_22, %sub3A_21 : vector<2048x16xf32>
    %exp3A = math.exp %mul3A_23 : vector<2048x16xf32>
    %jit3A = arith.constant 0.000000e+00 : f32
    %broadcast_in_dim3A_24 = vector.broadcast %jit3A : f32 to vector<2048x16xf32>
    %select_n3A_25 = arith.select %ge3A_19, %exp3A, %broadcast_in_dim3A_24 : vector<2048x16xi1>, vector<2048x16xf32>
    %reduce_sum3A_26 = arith.constant dense<0.000000e+00> : vector<2048xf32>
    %reduce_sum3A_27 = vector.multi_reduction <add>, %select_n3A_25, %reduce_sum3A_26 [1] : vector<2048x16xf32> to vector<2048xf32>
    %sub3A_28 = arith.subf %squeeze3A, %max3A : vector<2048xf32>
    %mul3A_29 = arith.constant 1.000000e+01 : f32
    %mul3A_30 = vector.broadcast %mul3A_29 : f32 to vector<2048xf32>
    %mul3A_31 = arith.mulf %mul3A_30, %sub3A_28 : vector<2048xf32>
    %exp3A_32 = math.exp %mul3A_31 : vector<2048xf32>
    %le3A = arith.constant 9.000000e+00 : f32
    %le3A_33 = vector.broadcast %le3A : f32 to vector<2048xf32>
    %le3A_34 = arith.cmpf ole, %reduce_sum3A_14, %le3A_33 : vector<2048xf32>
    %and3A_35 = arith.andi %ge3A, %le3A_34 : vector<2048xi1>
    %sub3A_36 = arith.subf %squeeze3A_11, %max3A : vector<2048xf32>
    %mul3A_37 = arith.constant 1.000000e+01 : f32
    %mul3A_38 = vector.broadcast %mul3A_37 : f32 to vector<2048xf32>
    %mul3A_39 = arith.mulf %mul3A_38, %sub3A_36 : vector<2048xf32>
    %exp3A_40 = math.exp %mul3A_39 : vector<2048xf32>
    %sub3A_41 = arith.subf %reduce_sum3A_27, %exp3A_40 : vector<2048xf32>
    %add3A = arith.addf %sub3A_41, %exp3A_32 : vector<2048xf32>
    %select_n3A_42 = arith.select %and3A_35, %reduce_sum3A_27, %add3A : vector<2048xi1>, vector<2048xf32>
    %log3A = math.log %select_n3A_42 : vector<2048xf32>
    %sub3A_43 = arith.subf %max3A, %squeeze3A : vector<2048xf32>
    %mul3A_44 = arith.constant 1.000000e+01 : f32
    %mul3A_45 = vector.broadcast %mul3A_44 : f32 to vector<2048xf32>
    %mul3A_46 = arith.mulf %mul3A_45, %sub3A_43 : vector<2048xf32>
    %add3A_47 = arith.addf %log3A, %mul3A_46 : vector<2048xf32>
    %reduce_sum3A_48 = vector.shape_cast %add3A_47 : vector<2048xf32> to vector<1x2048xf32>
    %reduce_sum3A_49 = arith.constant dense<0.000000e+00> : vector<1xf32>
    %reduce_sum3A_50 = vector.multi_reduction <add>, %reduce_sum3A_48, %reduce_sum3A_49 [1] : vector<1x2048xf32> to vector<1xf32>
    %reduce_sum3A_51 = vector.shape_cast %reduce_sum3A_50 : vector<1xf32> to vector<1x1xf32>
    %reduce_sum3A_52 = vector.extract %reduce_sum3A_51[0, 0] : f32 from vector<1x1xf32>
    %mul3A_53 = arith.constant 6.10351563E-5 : f32
    %mul3A_54 = arith.mulf %reduce_sum3A_52, %mul3A_53 : f32
    %broadcast_in_dim3A_55 = vector.broadcast %mul3A_54 : f32 to vector<1x1xf32>
    %eq3A_56 = arith.constant 0 : i32
    %eq3A_57 = arith.cmpi eq, %arg0, %eq3A_56 : i32
    %convert_element_type3A_58 = arith.extui %eq3A_57 : i1 to i32
    %cond3A = arith.constant 0 : i32
    %cond3A_59 = arith.cmpi ne, %convert_element_type3A_58, %cond3A : i32
    scf.if %cond3A_59 {
      %swap3A = arith.constant 0 : index
      %swap3A_65 = arith.constant 0 : index
      %swap3A_66 = vector.load %arg3[%swap3A, %swap3A_65] : memref<1x1xf32, #tpu.memory_space<vmem>>, vector<1x1xf32>
      tpu.vector_store %arg3[%swap3A, %swap3A_65], %broadcast_in_dim3A_55 {strides = array<i32>} : memref<1x1xf32, #tpu.memory_space<vmem>>, vector<1x1xf32>,
    } else {
    }
    %gt3A_60 = arith.constant 0 : i32
    %gt3A_61 = arith.cmpi sgt, %arg0, %gt3A_60 : i32
    %convert_element_type3A_62 = arith.extui %gt3A_61 : i1 to i32
    %cond3A_63 = arith.constant 0 : i32
    %cond3A_64 = arith.cmpi ne, %convert_element_type3A_62, %cond3A_63 : i32
    scf.if %cond3A_64 {
      %get3A_65 = arith.constant 0 : index
      %get3A_66 = arith.constant 0 : index
      %get3A_67 = vector.load %arg3[%get3A_65, %get3A_66] : memref<1x1xf32, #tpu.memory_space<vmem>>, vector<1x1xf32>
      %add3A_68 = arith.addf %get3A_67, %broadcast_in_dim3A_55 : vector<1x1xf32>
      %swap3A = arith.constant 0 : index
      %swap3A_69 = arith.constant 0 : index
      %swap3A_70 = vector.load %arg3[%swap3A, %swap3A_69] : memref<1x1xf32, #tpu.memory_space<vmem>>, vector<1x1xf32>
      tpu.vector_store %arg3[%swap3A, %swap3A_69], %add3A_68 {strides = array<i32>} : memref<1x1xf32, #tpu.memory_space<vmem>>, vector<1x1xf32>,
    } else {
    }
    return
  }
  func.func @transform_0(%arg0: i32) -> (i32, i32) {
    %c0_i32 = arith.constant 0 : i32
    %c0_i32_0 = arith.constant 0 : i32
    return %arg0, %c0_i32 : i32, i32
  }
  func.func @transform_1(%arg0: i32) -> (i32, i32) {
    %c0_i32 = arith.constant 0 : i32
    %c0_i32_0 = arith.constant 0 : i32
    return %arg0, %c0_i32 : i32, i32
  }
  func.func @transform_2(%arg0: i32) -> (i32, i32) {
    %c0_i32 = arith.constant 0 : i32
    %c0_i32_0 = arith.constant 0 : i32
    %c0_i32_1 = arith.constant 0 : i32
    return %c0_i32, %c0_i32_0 : i32, i32
  }
}

</mosaic_0001>

<sc_bundles>
// kernel: kernel.5.cloned.1.call-start
scs
__scs_entry_jumppad:
0x0: {  	(pc) =	sbr.rel $0x88, $3  }
0x1: {  	(tag) =	ssettag $0x0;
	lr =	simm.s32 $0x1  }
0x2: {  	[smem:$0x3F9F] =	sst lr;
	_ =	strace $0xD0000000  }
0x3: {  	_ = 	snop  }
0x4: {  	_ = 	snop  }
0x5: {  	_ = 	snop  }
0x6: {  	_ = 	snop  }
0x7: {  	_ = 	snop  }
__scs_overlays_trampoline_lowered:
0x8: {  	[smem:$0x3FAE] =	sst s0  }
0x9: {  	[smem:$0x3FAF] =	sst s1  }
0xa: {  	[smem:$0x3FB0] =	sst s2  }
0xb: {  	[smem:$0x3FB1] =	sst s3  }
0xc: {  	[smem:$0x3FB2] =	sst s4  }
0xd: {  	[smem:$0x3FB3] =	sst s5  }
0xe: {  	[smem:$0x3FB4] =	sst s6  }
0xf: {  	[smem:$0x3FB5] =	sst s7  }
0x10: {  	[smem:$0x3FB6] =	sst s8  }
0x11: {  	[smem:$0x3FB7] =	sst s9;
	s0 =	simm.s32 @!p0 $0x0  }
0x12: {  	s1 =	sld [smem:$0x3F9D];
	s0 =	simm.s32 @p0 $0x1  }
0x13: {  	[smem:$0x3FB8] =	sst s0;
	s0 =	simm.s32 @!p1 $0x0  }
0x14: {  	s2 =	sld [smem:$0x3F9C];
	s0 =	simm.s32 @p1 $0x1  }
0x15: {  	[smem:$0x3FB9] =	sst s0;
	s0 =	simm.s32 @!p2 $0x0  }
0x16: {  	s3 =	sld [smem:$0x3FDB];
	s0 =	simm.s32 @p2 $0x1  }
0x17: {  	s4 =	simm.s32 $0x1BF5;
	[smem:$0x3FBB] =	sst s0  }
0x18: {  	s0 =	sld [smem:$0x3F9E];
	_ =	swait.ge [sflag:s4], $0x0  }
0x19: {  	s7 =	sld [smem:$0x3F9F]  }
0x1a: {  	s8 =	sadd.s32 $0xFFFFE003, lr  }
0x1b: {  	s9 =	sadd.s32 $0xFFFFFEF7, lr;
	s5 =	simm.s32 $0xFFFFFFFF;
	p2 =	slt.u32 s8, $0xFFFFF086  }
0x1c: {  	p1 =	slt.u32 s9, $0xF7A;
	s5 =	simm.s32 @!p2 $0x0  }
0x1d: {  	s5 =	simm.s32 @p1 $0x1;
	p0 =	seq.s32 s7, s2  }
0x1e: {  	s7 =	smul.u32 @!p0 $0xF7A, s2;
	p2 =	seq.s32 @!p0 s5, $0x0  }
0x1f: {  	s9 =	smul.u32 $0xF7A, s1;
	s8 =	simm.s32 @!p0 $0x1BF5;
	p2 =	por !p2, p0  }
0x20: {  	[sflag:s8] =	ssyncset.s32 @!p0 $0xFFFFF086;
	s6 =	sadd.s32 @!p0 s3, s7;
	s7 =	simm.s32 @!p0 $0x108  }
0x21: {  	s3 =	sadd.s32 s3, s9;
	s6 =	sadd.s32 @!p0 $0x88, s6;
	s7 =	simm.s32 @p2 $0x1082  }
0x22: {  	[simem:s7], [sflag:s8] =	dma.local @!p0 [hbm:s6], $0xF7A  }
0x23: {  	s9 =	sor.u32 $0xD0000000, s2;
	s6 =	simm.s32 $0x108;
	_ =	swait.ge @!p0 [sflag:s8], $0x0  }
0x24: {  	s3 =	sadd.s32 $0x88, s3;
	s6 =	simm.s32 @!p1 $0x1082;
	[sflag:s4] =	ssyncset.s32 $0xFFFFF086  }
0x25: {  	[simem:s6], [sflag:s4] =	dma.local [hbm:s3], $0xF7A  }
0x26: {  	[smem:$0x3F9F] =	sst s1;
	(tag) =	ssettag s2;
	_ =	strace s9  }
0x27: {  	s1 =	sld [smem:$0x3FAF]  }
0x28: {  	s2 =	sld [smem:$0x3FB0]  }
0x29: {  	s4 =	sld [smem:$0x3FB2]  }
0x2a: {  	p0 =	seq.s32 s5, $0x0;
	s5 =	sld [smem:$0x3FB3]  }
0x2b: {  	s6 =	sld [smem:$0x3FB4]  }
0x2c: {  	s7 =	sld [smem:$0x3FB5]  }
0x2d: {  	s3 =	simm.s32 $0x108;
	s8 =	sld [smem:$0x3FB6]  }
0x2e: {  	s3 =	simm.s32 @!p0 $0x1082;
	s9 =	sld [smem:$0x3FB7]  }
0x2f: {  	lr =	sadd.s32 s0, s3;
	s0 =	sld [smem:$0x3FAE]  }
0x30: {  	s3 =	sld [smem:$0x3FB1]  }
0x31: {  	[smem:$0x3FBA] =	sst s10  }
0x32: {  	s10 =	sld [smem:$0x3FB8];
	_ =	sdelay $0x3  }
0x33: {  	p0 =	seq.s32 s10, $0x1;
	s10 =	sld [smem:$0x3FBA];
	_ =	sdelay $0x3  }
0x34: {  	[smem:$0x3FBA] =	sst s10  }
0x35: {  	s10 =	sld [smem:$0x3FB9];
	_ =	sdelay $0x3  }
0x36: {  	p1 =	seq.s32 s10, $0x1;
	s10 =	sld [smem:$0x3FBA];
	_ =	sdelay $0x3  }
0x37: {  	[smem:$0x3FBA] =	sst s10  }
0x38: {  	s10 =	sld [smem:$0x3FBB]  }
0x39: {  	_ = 	snop;
	(pc) =	sbr.ind lr, $3  }
0x3a: {  	_ = 	snop  }
0x3b: {  	_ = 	snop  }
0x3c: {  	p2 =	seq.s32 s10, $0x1;
	s10 =	sld [smem:$0x3FBA]  }
0x3d: {  	_ =	shalt  }
0x3e: {  	_ =	shalt  }
0x3f: {  	_ =	shalt  }
0x40: {  	_ =	shalt  }
0x41: {  	_ =	shalt  }
0x42: {  	_ =	shalt  }
0x43: {  	_ =	shalt  }
0x44: {  	_ =	shalt  }
0x45: {  	_ =	shalt  }
0x46: {  	_ =	shalt  }
0x47: {  	_ =	shalt  }
0x48: {  	_ =	shalt  }
0x49: {  	_ =	shalt  }
0x4a: {  	_ =	shalt  }
0x4b: {  	_ =	shalt  }
0x4c: {  	_ =	shalt  }
0x4d: {  	_ =	shalt  }
0x4e: {  	_ =	shalt  }
0x4f: {  	_ =	shalt  }
0x50: {  	_ =	shalt  }
0x51: {  	_ =	shalt  }
0x52: {  	_ =	shalt  }
0x53: {  	_ =	shalt  }
0x54: {  	_ =	shalt  }
0x55: {  	_ =	shalt  }
0x56: {  	_ =	shalt  }
0x57: {  	_ =	shalt  }
0x58: {  	_ =	shalt  }
0x59: {  	_ =	shalt  }
0x5a: {  	_ =	shalt  }
0x5b: {  	_ =	shalt  }
0x5c: {  	_ =	shalt  }
0x5d: {  	_ =	shalt  }
0x5e: {  	_ =	shalt  }
0x5f: {  	_ =	shalt  }
0x60: {  	_ =	shalt  }
0x61: {  	_ =	shalt  }
0x62: {  	_ =	shalt  }
0x63: {  	_ =	shalt  }
0x64: {  	_ =	shalt  }
0x65: {  	_ =	shalt  }
0x66: {  	_ =	shalt  }
0x67: {  	_ =	shalt  }
0x68: {  	_ =	shalt  }
0x69: {  	_ =	shalt  }
0x6a: {  	_ =	shalt  }
0x6b: {  	_ =	shalt  }
0x6c: {  	_ =	shalt  }
0x6d: {  	_ =	shalt  }
0x6e: {  	_ =	shalt  }
0x6f: {  	_ =	shalt  }
0x70: {  	_ =	shalt  }
0x71: {  	_ =	shalt  }
0x72: {  	_ =	shalt  }
0x73: {  	_ =	shalt  }
0x74: {  	_ =	shalt  }
0x75: {  	_ =	shalt  }
0x76: {  	_ =	shalt  }
0x77: {  	_ =	shalt  }
0x78: {  	_ =	shalt  }
0x79: {  	_ =	shalt  }
0x7a: {  	_ =	shalt  }
0x7b: {  	_ =	shalt  }
0x7c: {  	_ =	shalt  }
0x7d: {  	_ =	shalt  }
0x7e: {  	_ =	shalt  }
0x7f: {  	_ =	shalt  }
0x80: {  	_ =	shalt  }
0x81: {  	_ =	shalt  }
0x82: {  	_ =	shalt  }
0x83: {  	_ =	shalt  }
0x84: {  	_ =	shalt  }
0x85: {  	_ =	shalt  }
0x86: {  	_ =	shalt  }
0x87: {  	_ =	shalt  }
.Lfunc_end0:
.L_simem_size_0:
called_computation_lowered:
.L_overlay_start_0:
0x88: {  	s2 =	sld [smem:$0x3FD9]  }
0x89: {  	s3 =	sld [smem:$0x3FFE];
	_ =	sdelay $0x1  }
0x8a: {  	s1 =	srdreg.scid  }
0x8b: {  	s0 =	sand.u32 $0x1, s1  }
0x8c: {  	s16 =	sshll.u32 s0, $0xA;
	s2 =	sadd.s32 s3, s2  }
0x8d: {  	s2 =	sadd.s32 s2, s16  }
0x8e: {  	[smem:$0x3FC6] =	sst s2  }
0x8f: {  	_ = 	snop  }
0x90: {  	(tm) =	ssettm $0x1  }
0x91: {  	s17 =	sld [smem:$0x3FFB];
	_ =	sdelay $0x3  }
0x92: {  	_ =	strace s17  }
0x93: {  	s2 =	sld [smem:$0x3FFC];
	_ =	sdelay $0x3  }
0x94: {  	_ =	strace s2  }
0x95: {  	s2 =	sld [smem:$0x3FFD];
	_ =	sdelay $0x3  }
0x96: {  	_ =	strace s2  }
0x97: {  	_ =	strace $0x8FFFFFFF  }
0x98: {  	s18 =	sld [smem:$0x3FDB];
	_ =	sdelay $0x1  }
0x99: {  	s19 =	simm.s32 $_scs_section_size  }
0x9a: {  	s4 =	simm.s32 $_size__tile_overlayer_lowered;
	s5 =	simm.s32 $_tile_overlayer_lowered  }
0x9b: {  	s22 =	simm.s32 $0x1BFF;
	s21 =	sshll.u32 s5, $0x1;
	s2 =	sadd.s32 s19, s18  }
0x9c: {  	s6 =	simm.s32 $0x0;
	s20 =	sshll.u32 s4, $0x1;
	s4 =	sadd.s32 s21, s2  }
0x9d: {  	[timem:s6], [sflag:s22] =	dma.local [hbm:s4], s20  }
0x9e: {  	_ =	swait.ge [sflag:s22], s20  }
0x9f: {  	s3 =	ssub.s32 $0x0, s20;
	[sflag:s22] =	ssyncset.done $0x0  }
0xa0: {  	[sflag:s22] =	ssyncadd.s32 s3;
	_ =	sdelay $0x1  }
0xa1: {  	s23 =	simm.s32 $0x1B8B  }
0xa2: {  	_ =	swait.ge [sflag:s23], $0x1  }
0xa3: {  	[sflag:s23] =	ssyncset.done $0x0  }
0xa4: {  	s25 =	simm.s32 $0x1B8E;
	s24 =	sld [smem:$0x3FFE];
	[sflag:s23] =	ssyncadd.s32 $0xFFFFFFFF  }
0xa5: {  	s26 =	simm.s32 $execute0_lowered;
	[smem:$0x3FD2] =	sst s25  }
0xa6: {  	s4 =	sshll.u32 s26, $0x1;
	_ =	strace $0x80000046;
	[dreg:$0x1] =	wrdreg $0xFFFFFFFF  }
0xa7: {  	s28 =	simm.s32 $_size_execute0_lowered;
	s2 =	sadd.s32 s2, s4;
	[dreg:$0x0] =	wrdreg $0x0  }
0xa8: {  	s4 =	sshll.u32 s28, $0x1;
	[dreg:$0x2] =	wrdreg s2  }
0xa9: {  	[dreg:$0x3] =	wrdreg s4  }
0xaa: {  	[dreg:$0x4] =	wrdreg $0xC0  }
0xab: {  	_ =	task [dreg:s6], $0x5FFFF  }
0xac: {  	[dreg:$0x1] =	wrdreg $0xFFFFFFFF  }
0xad: {  	[dreg:$0x0] =	wrdreg $0x60  }
0xae: {  	[dreg:$0x2] =	wrdreg s24  }
0xaf: {  	[dreg:$0x3] =	wrdreg $0x9  }
0xb0: {  	_ =	task.clear_ibuf [dreg:s6], $0x4FFFF;
	_ =	strace $0x90000046  }
0xb1: {  	s29 =	simm.s32 $0x9;
	_ =	strace $0x80000048  }
0xb2: {  	_ =	swait.ge [sflag:s29], $0x1  }
0xb3: {  	[sflag:s29] =	ssyncadd.s32 $0xFFFFFFFF  }
0xb4: {  	_ =	strace $0x90000048  }
0xb5: {  	_ =	sfence  }
0xb6: {  	s30 =	sld [smem:$0x0];
	_ =	sdelay $0x2  }
0xb7: {  	s31 =	sshll.u32 s1, $0xD;
	s1 =	sshrl.u32 s1, $0x2  }
0xb8: {  	s3 =	sand.u32 $0x4000, s31;
	s1 =	sadd.s32 s1, s30  }
0xb9: {  	s0 =	sor.u32 s3, s0;
	s1 =	sshll.u32 s1, $0x11  }
0xba: {  	s0 =	sor.u32 s1, s0  }
0xbb: {  	s0 =	sadd.s32 $0x8F2B, s0  }
0xbc: {  	[sflag:s0] =	ssyncadd.remote.s32 $0x1  }
0xbd: {  	_ =	sfence.sel $0xFFFF  }
0xbe: {  	[dreg:$0x0] =	wrdreg $0xFFFFFFFF;
	(pc) =	sbr.abs _section_cstart, $3  }
0xbf: {  	[dreg:$0x1] =	wrdreg $0xFFFFFFFF  }
0xc0: {  	_ =	task.clear_ibuf [dreg:s6], $0x2FFFF;
	_ =	strace $0x9FFFFFFF  }
0xc1: {  	(tm) =	ssettm $0x7FFFFFFF  }
tec
execute0_lowered:
.L_overlay_start_1:
0x0: {  	(tag) =	ssettag $0x1  }
0x1: {  	s4 =	rddreg [dreg:$0x0]  }
0x2: {  	s0 =	rddreg [dreg:$0x1]  }
0x3: {  	s2 =	simm.s32 $0x0;
	s3 =	srdreg.scid;
	s1 =	stileid.u32  }
0x4: {  	s11 =	simm.s32 $0x8000;
	s12 =	simm.s32 $0x10000;
	s13 =	simm.s32 $0x3  }
0x5: {  	s14 =	simm.s32 $0x2;
	s15 =	simm.s32 $0x0;
	[smem:$0x7FF] =	sst s2  }
0x6: {  	s5 =	sand.u32 $0x1, s3;
	s3 =	sadd.s32 $0x600, s4;
	s6 =	sshll.u32 s1, $0xA  }
0x7: {  	s4 =	sadd.s32 $0x200600, s4;
	s7 =	sshll.u32 s5, $0x9;
	s5 =	ssub.s32 $0x2, s5  }
0x8: {  	v0 =	vlaneseq.u32;
	_ =	strace $0x80000047;
	s9 =	sor.u32 s7, s6;
	s31 =	sshrl.u32 s5, $0x1  }
0x9: {  	v0 =	vmul.u32 $0xFFFFFFFF, v0;
	s7 =	sshll.u32 s9, $0x7;
	s8 =	sshll.u32 s9, $0x1;
	s10 =	ssub.s32 s5, s31  }
0xa: {  	s5 =	sadd.s32 s3, s7;
	s6 =	sadd.s32 s4, s8;
	s7 =	sor.u32 $0x40, s9  }
0xb: {  	vm0 =	vmmov $0xff;
	v0 =	vadd.s32 $0xF, v0;
	s8 =	smax.u32 s10, $0x1;
	s9 =	sor.u32 $0x20, s9;
	s10 =	simm.s32 $0x1  }
.LBB2_1:
0xc: {  	[tilespmem:s2], [sflag:$0x1] =	stream.linear.gather [hbm4b:s5+s2], $0x8000, $0x38;
	[tilespmem:$0x10200] =	vst v63  }
0xd: {  	s17 =	simm.s32 $0x0  }
.LBB2_2:
0xe: {  	s18 =	sshll.u32 s17, $0x6  }
0xf: {  	_ =	swait.ge [sflag:s10], $0x8000;
	s16 =	sor.u32 s9, s18  }
0x10: {  	s20 =	simm.s32 $0x0;
	[sflag:s10] =	ssyncset.done $0x0;
	s19 =	sshll.u32 s16, $0x7  }
0x11: {  	s25 =	sand.u32 $0x7, s20;
	[sflag:s10] =	ssyncadd.s32 $0xFFFF8000;
	s19 =	sadd.s32 s3, s19  }
0x12: {  	[tilespmem:s11], [sflag:$0x2] =	stream.linear.gather [hbm4b:s19+s20], $0x8000, $0x38;
	[tilespmem:$0x10200] =	vst v63  }
0x13: {  	s19 =	sshll.u32 s25, $0x7  }
0x14: {  	s19 =	sadd.s32 $0x0, s19  }
0x15: {  	s21 =	sor.u32 $0x1C50, s19  }
0x16: {  	s22 =	sor.u32 $0x1C10, s19;
	v1 =	vld [tilespmem:s21+$0x0]  }
0x17: {  	s26 =	sor.u32 $0x1C40, s19;
	v2 =	vld [tilespmem:s22+$0x0]  }
0x18: {  	s28 =	sor.u32 $0x1C00, s19;
	v3 =	vld [tilespmem:s26+$0x0]  }
0x19: {  	v4 =	vld [tilespmem:s28+$0x0];
	_ =	sdelay $0x1  }
0x1a: {  	(xrf1) =	vsort.ascd.msk.f32 $0xffff, v1, v1  }
0x1b: {  	(xrf1) =	vsort.ascd.msk.f32 $0xffff, v2, v2  }
0x1c: {  	(xrf1) =	vsort.ascd.msk.f32 $0xffff, v3, v3  }
0x1d: {  	(xrf1) =	vsort.ascd.msk.f32 $0xffff, v4, v4  }
0x1e: {  	s29 =	simm.s32 $0x0  }
0x1f: {  	s20 =	sand.u32 $0x380, s20;
	s21 =	sand.u32 $0x6000, s29  }
0x20: {  	s20 =	sor.u32 s20, s21  }
0x21: {  	v1 =	vld [tilespmem:s20+$0x1810];
	_ =	sdelay $0x2  }
0x22: {  	v2 =	vld [tilespmem:s20+$0x1800]  }
0x23: {  	v3 =	vld [tilespmem:s20+$0x1000]  }
0x24: {  	v4 =	vld [tilespmem:s20+$0x0];
	(xrf1) =	vsort.ascd.msk.f32 $0xffff, v1, v1;
	_ =	sdelay $0x1  }
0x25: {  	s30 =	sor.u32 $0x1C20, s19;
	v1, _, _ =	vpop (xrf1)  }
0x26: {  	v5 =	vld [tilespmem:s30+$0x0];
	(xrf1) =	vsort.ascd.msk.f32 $0xffff, v2, v2;
	v1 =	vperm.xlane v1, v0;
	v2, _, _ =	vpop (xrf1)  }
0x27: {  	v6 =	vld [tilespmem:s20+$0x1820];
	(xrf1) =	vsort.ascd.msk.f32 $0xffff, v3, v3;
	v2 =	vperm.xlane v2, v0;
	v3, _, _ =	vpop (xrf1)  }
0x28: {  	s31 =	sor.u32 $0x1C30, s19;
	v7 =	vld [tilespmem:s20+$0x1840];
	(xrf1) =	vsort.ascd.msk.f32 $0xffff, v4, v4;
	v1 =	vmax.f32 v3, v1;
	v3, _, _ =	vpop (xrf1)  }
0x29: {  	v2 =	vmax.f32 v3, v2;
	v3 =	vld [tilespmem:s31+$0x0];
	(xrf1) =	vsort.ascd.msk.f32 $0xffff, v1, v1  }
0x2a: {  	v1 =	vld [tilespmem:s20+$0x1830];
	(xrf1) =	vsort.ascd.msk.f32 $0xffff, v2, v2  }
0x2b: {  	v2 =	vld [tilespmem:s20+$0x1850];
	(xrf1) =	vsort.ascd.msk.f32 $0xffff, v5, v5  }
0x2c: {  	v4 =	vld [tilespmem:s20+$0x1020];
	(xrf1) =	vsort.ascd.msk.f32 $0xffff, v6, v6  }
0x2d: {  	v5 =	vld [tilespmem:s20+$0x1030];
	(xrf1) =	vsort.ascd.msk.f32 $0xffff, v7, v7  }
0x2e: {  	v6 =	vld [tilespmem:s20+$0x1050];
	(xrf1) =	vsort.ascd.msk.f32 $0xffff, v3, v3  }
0x2f: {  	v3 =	vld [tilespmem:s20+$0x1040];
	(xrf1) =	vsort.ascd.msk.f32 $0xffff, v1, v1  }
0x30: {  	v1 =	vld [tilespmem:s20+$0x1410];
	(xrf1) =	vsort.ascd.msk.f32 $0xffff, v2, v2  }
0x31: {  	(xrf1) =	vsort.ascd.msk.f32 $0xffff, v4, v4;
	v4, _, _ =	vpop (xrf1)  }
0x32: {  	v2 =	vld [tilespmem:s20+$0x1400];
	(xrf1) =	vsort.ascd.msk.f32 $0xffff, v5, v5;
	v4 =	vperm.xlane v4, v0  }
0x33: {  	v5 =	vld [tilespmem:s20+$0x30];
	(xrf1) =	vsort.ascd.msk.f32 $0xffff, v6, v6  }
0x34: {  	v6 =	vld [tilespmem:s20+$0x50];
	(xrf1) =	vsort.ascd.msk.f32 $0xffff, v3, v3;
	v3, _, _ =	vpop (xrf1)  }
0x35: {  	v7 =	vld [tilespmem:s20+$0x20];
	v8 =	vmax.f32 v3, v4;
	v3, _, _ =	vpop (xrf1);
	(xrf1) =	vsort.ascd.msk.f32 $0xffff, v1, v1  }
0x36: {  	v9 =	vld [tilespmem:s20+$0x40];
	v4, _, _ =	vpop (xrf1);
	(xrf1) =	vsort.ascd.msk.f32 $0xffff, v8, v8  }
0x37: {  	v8 =	vld [tilespmem:s20+$0x1010];
	(xrf1) =	vsort.ascd.msk.f32 $0xffff, v2, v2;
	v1, _, _ =	vpop (xrf1)  }
0x38: {  	v10 =	vld [tilespmem:s20+$0x10];
	(xrf1) =	vsort.ascd.msk.f32 $0xffff, v5, v5;
	v2, _, _ =	vpop (xrf1)  }
0x39: {  	(xrf1) =	vsort.ascd.msk.f32 $0xffff, v6, v6;
	v6, _, _ =	vpop (xrf1)  }
0x3a: {  	(xrf1) =	vsort.ascd.msk.f32 $0xffff, v7, v7;
	v7, _, _ =	vpop (xrf1)  }
0x3b: {  	v5 =	vld [tilespmem:s20+$0x400];
	(xrf1) =	vsort.ascd.msk.f32 $0xffff, v9, v9;
	v9, _, _ =	vpop (xrf1)  }
0x3c: {  	(xrf1) =	vsort.ascd.msk.f32 $0xffff, v8, v8;
	v8, _, _ =	vpop (xrf1)  }
0x3d: {  	v11 =	vld [tilespmem:s20+$0x800];
	v8 =	vperm.xlane v8, v0;
	(xrf1) =	vsort.ascd.msk.f32 $0xffff, v10, v10;
	v10, _, _ =	vpop (xrf1)  }
0x3e: {  	v10 =	vperm.xlane v10, v0;
	_ =	sdelay $0x1  }
0x3f: {  	(xrf1) =	vsort.ascd.msk.f32 $0xffff, v5, v5;
	v5, _, _ =	vpop (xrf1)  }
0x40: {  	v5 =	vperm.xlane v5, v0;
	v6 =	vmax.f32 v6, v8;
	v8, _, _ =	vpop (xrf1)  }
0x41: {  	v12 =	vld [tilespmem:s20+$0x1860];
	(xrf1) =	vsort.ascd.msk.f32 $0xffff, v11, v11;
	v7 =	vmax.f32 v7, v10;
	v10, _, _ =	vpop (xrf1)  }
0x42: {  	(xrf1) =	vsort.ascd.msk.f32 $0xffff, v6, v6;
	v5 =	vmax.f32 v9, v5;
	v6 =	vperm.xlane v10, v0;
	v9, _, _ =	vpop (xrf1)  }
0x43: {  	(xrf1) =	vsort.ascd.msk.f32 $0xffff, v7, v7;
	v7 =	vperm.xlane v9, v0;
	v9, _, _ =	vpop (xrf1)  }
0x44: {  	v10 =	vld [tilespmem:s20+$0x1060];
	(xrf1) =	vsort.ascd.msk.f32 $0xffff, v5, v5;
	v5 =	vmax.f32 v8, v6;
	v8, _, _ =	vpop (xrf1)  }
0x45: {  	v7 =	vmax.f32 v9, v7;
	v8 =	vperm.xlane v8, v0  }
0x46: {  	(xrf1) =	vsort.ascd.msk.f32 $0xffff, v12, v12;
	v6 =	vld [tilespmem:s20+$0x1420]  }
0x47: {  	v9 =	vld [tilespmem:s20+$0x1440];
	(xrf1) =	vsort.ascd.msk.f32 $0xffff, v5, v5;
	v5, _, _ =	vpop (xrf1)  }
0x48: {  	(xrf1) =	vsort.ascd.msk.f32 $0xffff, v7, v7;
	v7, _, _ =	vpop (xrf1)  }
0x49: {  	v7 =	vmax.f32 v7, v8;
	v8, _, _ =	vpop (xrf1);
	(xrf1) =	vsort.ascd.msk.f32 $0xffff, v10, v10  }
0x4a: {  	v10 =	vld [tilespmem:s20+$0x60];
	v8 =	vperm.xlane v8, v0;
	v11, _, _ =	vpop (xrf1);
	(xrf1) =	vsort.ascd.msk.f32 $0xffff, v7, v7  }
0x4b: {  	v13 =	vld [tilespmem:s20+$0x410];
	v7 =	vperm.xlane v11, v0;
	v11, _, _ =	vpop (xrf1);
	(xrf1) =	vsort.ascd.msk.f32 $0xffff, v6, v6  }
0x4c: {  	v6 =	vmax.f32 v11, v8;
	v8 =	vld [tilespmem:s20+$0x420];
	v11, _, _ =	vpop (xrf1);
	(xrf1) =	vsort.ascd.msk.f32 $0xffff, v9, v9  }
0x4d: {  	v9 =	vld [tilespmem:s20+$0x440];
	v7 =	vmax.f32 v11, v7;
	(xrf1) =	vsort.ascd.msk.f32 $0xffff, v6, v6;
	v12, _, _ =	vpop (xrf1)  }
0x4e: {  	v6 =	vld [tilespmem:s20+$0x810];
	v11, _, _ =	vpop (xrf1);
	(xrf1) =	vsort.ascd.msk.f32 $0xffff, v7, v7  }
0x4f: {  	v7 =	vld [tilespmem:s20+$0x820];
	(xrf1) =	vsort.ascd.msk.f32 $0xffff, v10, v10;
	v17, _, _ =	vpop (xrf1)  }
0x50: {  	v10 =	vld [tilespmem:s20+$0x1870];
	(xrf1) =	vsort.ascd.msk.f32 $0xffff, v13, v13;
	v15, _, _ =	vpop (xrf1)  }
0x51: {  	v16 =	vld [tilespmem:s20+$0x1070];
	(xrf1) =	vsort.ascd.msk.f32 $0xffff, v8, v8;
	v13, _, _ =	vpop (xrf1)  }
0x52: {  	v18 =	vld [tilespmem:s20+$0x1430];
	(xrf1) =	vsort.ascd.msk.f32 $0xffff, v9, v9;
	v14, _, _ =	vpop (xrf1)  }
0x53: {  	v19 =	vld [tilespmem:s20+$0x1450];
	(xrf1) =	vsort.ascd.msk.f32 $0xffff, v6, v6;
	v8, _, _ =	vpop (xrf1)  }
0x54: {  	v20 =	vld [tilespmem:s20+$0x1460];
	(xrf1) =	vsort.ascd.msk.f32 $0xffff, v7, v7;
	v21, _, _ =	vpop (xrf1)  }
0x55: {  	v7 =	vld [tilespmem:s20+$0x70];
	v6, _, _ =	vpop (xrf1);
	(xrf1) =	vsort.ascd.msk.f32 $0xffff, v10, v10  }
0x56: {  	v22 =	vld [tilespmem:s20+$0x430];
	v9, _, _ =	vpop (xrf1);
	(xrf1) =	vsort.ascd.msk.f32 $0xffff, v16, v16  }
0x57: {  	v23 =	vld [tilespmem:s20+$0x450];
	v24, _, _ =	vpop (xrf1);
	(xrf1) =	vsort.ascd.msk.f32 $0xffff, v18, v18  }
0x58: {  	v18 =	vld [tilespmem:s20+$0x460];
	v10, _, _ =	vpop (xrf1);
	(xrf1) =	vsort.ascd.msk.f32 $0xffff, v19, v19  }
0x59: {  	v19 =	vld [tilespmem:s20+$0x830];
	v25, _, _ =	vpop (xrf1);
	(xrf1) =	vsort.ascd.msk.f32 $0xffff, v20, v20  }
0x5a: {  	v20 =	vld [tilespmem:s20+$0x850];
	(xrf1) =	vsort.ascd.msk.f32 $0xffff, v7, v7;
	v26, _, _ =	vpop (xrf1)  }
0x5b: {  	v27 =	vld [tilespmem:s20+$0x860];
	v7, _, _ =	vpop (xrf1);
	(xrf1) =	vsort.ascd.msk.f32 $0xffff, v22, v22  }
0x5c: {  	v22 =	vld [tilespmem:s20+$0xC10];
	v16, _, _ =	vpop (xrf1);
	(xrf1) =	vsort.ascd.msk.f32 $0xffff, v23, v23  }
0x5d: {  	v23 =	vld [tilespmem:s20+$0x1470];
	v28, _, _ =	vpop (xrf1);
	(xrf1) =	vsort.ascd.msk.f32 $0xffff, v18, v18  }
0x5e: {  	v18 =	vld [tilespmem:s20+$0x470];
	v29, _, _ =	vpop (xrf1);
	(xrf1) =	vsort.ascd.msk.f32 $0xffff, v19, v19  }
0x5f: {  	v19 =	vld [tilespmem:s20+$0x870];
	v30, _, _ =	vpop (xrf1);
	(xrf1) =	vsort.ascd.msk.f32 $0xffff, v20, v20  }
0x60: {  	v20 =	vld [tilespmem:s20+$0xC30];
	v31, _, _ =	vpop (xrf1);
	(xrf1) =	vsort.ascd.msk.f32 $0xffff, v27, v27  }
0x61: {  	v27 =	vld [tilespmem:s20+$0xC70];
	v32, _, _ =	vpop (xrf1);
	(xrf1) =	vsort.ascd.msk.f32 $0xffff, v22, v22  }
0x62: {  	v22 =	vld [tilespmem:s20+$0xC50];
	v33, _, _ =	vpop (xrf1);
	(xrf1) =	vsort.ascd.msk.f32 $0xffff, v23, v23  }
0x63: {  	v23 =	vld [tilespmem:s20+$0xC60];
	(xrf1) =	vsort.ascd.msk.f32 $0xffff, v18, v18  }
0x64: {  	v34 =	vld [tilespmem:s20+$0xC20];
	v18, _, _ =	vpop (xrf1);
	(xrf1) =	vsort.ascd.msk.f32 $0xffff, v19, v19  }
0x65: {  	v35 =	vld [tilespmem:s20+$0xC40];
	v19, _, _ =	vpop (xrf1);
	(xrf1) =	vsort.ascd.msk.f32 $0xffff, v20, v20  }
0x66: {  	v36 =	vld [tilespmem:s20+$0x840];
	v20, _, _ =	vpop (xrf1);
	(xrf1) =	vsort.ascd.msk.f32 $0xffff, v27, v27  }
0x67: {  	v37 =	vld [tilespmem:s20+$0xC00];
	v27, _, _ =	vpop (xrf1);
	(xrf1) =	vsort.ascd.msk.f32 $0xffff, v22, v22  }
0x68: {  	v22, _, _ =	vpop (xrf1);
	(xrf1) =	vsort.ascd.msk.f32 $0xffff, v23, v23  }
0x69: {  	v18 =	vperm.xlane v18, v0;
	v38, _, _ =	vpop (xrf1);
	(xrf1) =	vsort.ascd.msk.f32 $0xffff, v34, v34  }
0x6a: {  	v19 =	vperm.xlane v19, v0;
	v23, _, _ =	vpop (xrf1);
	(xrf1) =	vsort.ascd.msk.f32 $0xffff, v35, v35  }
0x6b: {  	v20 =	vperm.xlane v20, v0;
	v18 =	vmax.f32 v21, v18;
	v62, _, _ =	vpop (xrf1);
	(xrf1) =	vsort.ascd.msk.f32 $0xffff, v36, v36  }
0x6c: {  	v19 =	vmax.f32 v24, v19;
	v24 =	vperm.xlane v27, v0;
	v63, _, _ =	vpop (xrf1);
	(xrf1) =	vsort.ascd.msk.f32 $0xffff, v37, v37  }
0x6d: {  	v20 =	vmax.f32 v25, v20;
	v21, _, _ =	vpop (xrf1);
	(xrf1) =	vsort.ascd.msk.f32 $0xffff, v18, v18;
	v18 =	vperm.xlane v38, v0  }
0x6e: {  	v27, _, _ =	vpop (xrf1);
	(xrf1) =	vsort.ascd.msk.f32 $0xffff, v19, v19;
	v19 =	vperm.xlane v23, v0;
	v23 =	vmax.f32 v26, v24  }
0x6f: {  	v25, _, _ =	vpop (xrf1);
	(xrf1) =	vsort.ascd.msk.f32 $0xffff, v20, v20;
	v18 =	vmax.f32 v28, v18;
	v20 =	vperm.xlane v62, v0  }
0x70: {  	v21 =	vperm.xlane v21, v0;
	v24, _, _ =	vpop (xrf1);
	v19 =	vmax.f32 v30, v19  }
0x71: {  	(xrf1) =	vsort.ascd.msk.f32 $0xffff, v23, v23;
	v23, _, _ =	vpop (xrf1);
	v20 =	vmax.f32 v31, v20  }
0x72: {  	v21 =	vmax.f32 v33, v21;
	(xrf1) =	vsort.ascd.msk.f32 $0xffff, v18, v18;
	v18, _, _ =	vpop (xrf1);
	v23 =	vperm.xlane v23, v0  }
0x73: {  	(xrf1) =	vsort.ascd.msk.f32 $0xffff, v19, v19;
	v19, _, _ =	vpop (xrf1);
	v18 =	vperm.xlane v18, v0  }
0x74: {  	(xrf1) =	vsort.ascd.msk.f32 $0xffff, v20, v20;
	v20, _, _ =	vpop (xrf1);
	v19 =	vperm.xlane v19, v0  }
0x75: {  	(xrf1) =	vsort.ascd.msk.f32 $0xffff, v21, v21;
	v21, _, _ =	vpop (xrf1);
	v18 =	vmax.f32 v63, v18  }
0x76: {  	v22 =	vmax.f32 v22, v23;
	v20 =	vperm.xlane v20, v0;
	v23, _, _ =	vpop (xrf1);
	v19 =	vmax.f32 v25, v19  }
0x77: {  	(xrf1) =	vsort.ascd.msk.f32 $0xffff, v22, v22;
	v22 =	vperm.xlane v23, v0  }
0x78: {  	v21 =	vperm.xlane v21, v0;
	(xrf1) =	vsort.ascd.msk.f32 $0xffff, v18, v18;
	v18, _, _ =	vpop (xrf1)  }
0x79: {  	(xrf1) =	vsort.ascd.msk.f32 $0xffff, v19, v19;
	v19, _, _ =	vpop (xrf1)  }
0x7a: {  	v18 =	vmax.f32 v18, v21;
	v21 =	vperm.xlane v27, v0;
	v19 =	vmax.f32 v19, v20;
	v20, _, _ =	vpop (xrf1)  }
0x7b: {  	(xrf1) =	vsort.ascd.msk.f32 $0xffff, v18, v18;
	v18 =	vperm.xlane v24, v0;
	v20 =	vmax.f32 v20, v22;
	v22, _, _ =	vpop (xrf1)  }
0x7c: {  	(xrf1) =	vsort.ascd.msk.f32 $0xffff, v19, v19;
	v19 =	vperm.xlane v29, v0;
	v21 =	vmax.f32 v22, v21;
	v22, _, _ =	vpop (xrf1)  }
0x7d: {  	v12 =	vperm.xlane v12, v0;
	v18 =	vmax.f32 v22, v18  }
0x7e: {  	s19 =	sor.u32 $0x1C58, s19;
	v11 =	vperm.xlane v11, v0;
	(xrf1) =	vsort.ascd.msk.f32 $0xffff, v20, v20;
	v17 =	vmax.f32 v17, v19  }
0x7f: {  	v20 =	vperm.xlane v32, v0;
	v22 =	vld [tilespmem:s19+$0x0];
	(xrf1) =	vsort.ascd.msk.f32 $0xffff, v21, v21;
	v21, _, _ =	vpop (xrf1)  }
0x80: {  	v4 =	vmax.f32 v4, v11;
	(xrf1) =	vsort.ascd.msk.f32 $0xffff, v18, v18;
	v18, _, _ =	vpop (xrf1)  }
0x81: {  	v11 =	vperm.xlane v13, v0;
	v15 =	vmax.f32 v15, v20;
	(xrf1) =	vsort.ascd.msk.f32 $0xffff, v17, v17;
	v17, _, _ =	vpop (xrf1)  }
0x82: {  	v3 =	vmax.f32 v3, v12;
	(xrf1) =	vsort.ascd.msk.f32 $0xffff, v15, v15;
	v12, _, _ =	vpop (xrf1)  }
0x83: {  	(xrf1) =	vsort.ascd.msk.f32 $0xffff, v3, v3;
	v13, _, _ =	vpop (xrf1)  }
0x84: {  	v15 =	vperm.xlane v21, v0;
	v3 =	vperm.xlane v14, v0;
	v14 =	vsel vm0, $0xFF800000, v22;
	(xrf1) =	vsort.ascd.msk.f32 $0xffff, v4, v4;
	v4, _, _ =	vpop (xrf1)  }
0x85: {  	v2 =	vmax.f32 v2, v11;
	v11, _, _ =	vpop (xrf1);
	(xrf1) =	vsort.ascd.msk.f32 $0xffff, v14, v14  }
0x86: {  	v3 =	vmax.f32 v5, v3;
	v14 =	vperm.xlane v18, v0;
	v5, _, _ =	vpop (xrf1);
	(xrf1) =	vsort.ascd.msk.f32 $0xffff, v2, v2  }
0x87: {  	(xrf1) =	vsort.ascd.msk.f32 $0xffff, v3, v3;
	v3 =	vperm.xlane v13, v0  }
0x88: {  	v8 =	vmax.f32 v8, v15;
	v2 =	vperm.xlane v17, v0;
	v15, _, _ =	vpop (xrf1);
	v9 =	vmax.f32 v9, v14  }
0x89: {  	v13, _, _ =	vpop (xrf1);
	(xrf1) =	vsort.ascd.msk.f32 $0xffff, v8, v8;
	v8 =	vperm.xlane v15, v0;
	v3 =	vmax.f32 v16, v3  }
0x8a: {  	v2 =	vmax.f32 v10, v2;
	v10, _, _ =	vpop (xrf1);
	(xrf1) =	vsort.ascd.msk.f32 $0xffff, v9, v9;
	v9 =	vperm.xlane v13, v0  }
0x8b: {  	v13, _, _ =	vpop (xrf1);
	(xrf1) =	vsort.ascd.msk.f32 $0xffff, v2, v2;
	v8 =	vmax.f32 v12, v8  }
0x8c: {  	(xrf1) =	vsort.ascd.msk.f32 $0xffff, v3, v3;
	v9 =	vmax.f32 v11, v9;
	v3, _, _ =	vpop (xrf1)  }
0x8d: {  	v2 =	vperm.xlane v13, v0;
	v11, _, _ =	vpop (xrf1)  }
0x8e: {  	v4 =	vperm.xlane v4, v0;
	(xrf1) =	vsort.ascd.msk.f32 $0xffff, v8, v8;
	v8, _, _ =	vpop (xrf1)  }
0x8f: {  	v10 =	vperm.xlane v10, v0;
	(xrf1) =	vsort.ascd.msk.f32 $0xffff, v9, v9;
	v2 =	vmax.f32 v11, v2;
	v9, _, _ =	vpop (xrf1)  }
0x90: {  	v3 =	vperm.xlane v3, v0;
	(xrf1) =	vsort.ascd.msk.f32 $0xffff, v2, v2;
	v2 =	vperm.xlane v5, v0;
	v5, _, _ =	vpop (xrf1)  }
0x91: {  	v8 =	vmax.f32 v8, v10;
	v4 =	vmax.f32 v5, v4;
	v5 =	vperm.xlane v6, v0  }
0x92: {  	v3 =	vmax.f32 v9, v3;
	(xrf1) =	vsort.ascd.msk.f32 $0xffff, v8, v8  }
0x93: {  	v6, _, _ =	vpop (xrf1);
	(xrf1) =	vsort.ascd.msk.f32 $0xffff, v3, v3  }
0x94: {  	v3 =	vperm.xlane v7, v0;
	(xrf1) =	vsort.ascd.msk.f32 $0xffff, v4, v4;
	v4, _, _ =	vpop (xrf1)  }
0x95: {  	v2 =	vmax.f32 v6, v2;
	v4 =	vmax.f32 v4, v5;
	v5, _, _ =	vpop (xrf1)  }
0x96: {  	(xrf1) =	vsort.ascd.msk.f32 $0xffff, v2, v2;
	v2 =	vmax.f32 v5, v3  }
0x97: {  	v1 =	vperm.xlane v1, v0  }
0x98: {  	(xrf1) =	vsort.ascd.msk.f32 $0xffff, v4, v4;
	v3, _, _ =	vpop (xrf1)  }
0x99: {  	(xrf1) =	vsort.ascd.msk.f32 $0xffff, v2, v2;
	v1 =	vmax.f32 v3, v1;
	v2, _, _ =	vpop (xrf1)  }
0x9a: {  	v3, _, _ =	vpop (xrf1)  }
0x9b: {  	v4, _, _ =	vpop (xrf1)  }
0x9c: {  	(xrf1) =	vsort.ascd.msk.f32 $0xffff, v1, v1;
	v1, _, _ =	vpop (xrf1)  }
0x9d: {  	v5, _, _ =	vpop (xrf1)  }
0x9e: {  	v6, _, _ =	vpop (xrf1)  }
0x9f: {  	v4 =	vperm.xlane v4, v0;
	v7, _, _ =	vpop (xrf1)  }
0xa0: {  	v7 =	vperm.xlane v7, v0  }
0xa1: {  	v8, _, _ =	vpop (xrf1)  }
0xa2: {  	v9, _, _ =	vpop (xrf1)  }
0xa3: {  	v3 =	vmax.f32 v3, v4;
	v9 =	vperm.xlane v9, v0;
	v4, _, _ =	vpop (xrf1)  }
0xa4: {  	v8 =	vperm.xlane v8, v0;
	v5 =	vmax.f32 v5, v7;
	v7, _, _ =	vpop (xrf1)  }
0xa5: {  	(xrf1) =	vsort.ascd.msk.f32 $0xffff, v3, v3;
	v3 =	vperm.xlane v4, v0;
	v4 =	vmax.f32 v7, v9;
	v7, _, _ =	vpop (xrf1)  }
0xa6: {  	(xrf1) =	vsort.ascd.msk.f32 $0xffff, v5, v5;
	v5 =	vmax.f32 v7, v8;
	_ =	sdelay $0x1  }
0xa7: {  	v1 =	vperm.xlane v1, v0;
	v7, _, _ =	vpop (xrf1);
	(xrf1) =	vsort.ascd.msk.f32 $0xffff, v4, v4  }
0xa8: {  	v4 =	vperm.xlane v6, v0;
	v3 =	vmax.f32 v7, v3;
	(xrf1) =	vsort.ascd.msk.f32 $0xffff, v5, v5;
	v5, _, _ =	vpop (xrf1)  }
0xa9: {  	(xrf1) =	vsort.ascd.msk.f32 $0xffff, v3, v3;
	v1 =	vmax.f32 v5, v1;
	v5, _, _ =	vpop (xrf1)  }
0xaa: {  	v3 =	vmax.f32 v5, v4;
	(xrf1) =	vsort.ascd.msk.f32 $0xffff, v1, v1  }
0xab: {  	(xrf1) =	vsort.ascd.msk.f32 $0xffff, v3, v3  }
0xac: {  	v2 =	vperm.xlane v2, v0  }
0xad: {  	v1, _, _ =	vpop (xrf1)  }
0xae: {  	v1 =	vmax.f32 v1, v2  }
0xaf: {  	(xrf1) =	vsort.ascd.msk.f32 $0xffff, v1, v1;
	_ =	sdelay $0x3  }
0xb0: {  	v1, _, _ =	vpop (xrf1)  }
0xb1: {  	v2, _, _ =	vpop (xrf1)  }
0xb2: {  	v3, _, _ =	vpop (xrf1)  }
0xb3: {  	v3 =	vperm.xlane v3, v0;
	v4, _, _ =	vpop (xrf1)  }
0xb4: {  	v2 =	vperm.xlane v2, v0;
	v5, _, _ =	vpop (xrf1)  }
0xb5: {  	v4 =	vperm.xlane v4, v0;
	v3 =	vmax.f32 v5, v3;
	v5, _, _ =	vpop (xrf1)  }
0xb6: {  	(xrf1) =	vsort.ascd.msk.f32 $0xffff, v3, v3;
	v2 =	vmax.f32 v5, v2;
	v5, _, _ =	vpop (xrf1)  }
0xb7: {  	v3 =	vmax.f32 v5, v4;
	(xrf1) =	vsort.ascd.msk.f32 $0xffff, v2, v2  }
0xb8: {  	(xrf1) =	vsort.ascd.msk.f32 $0xffff, v3, v3  }
0xb9: {  	v1 =	vperm.xlane v1, v0  }
0xba: {  	v2, _, _ =	vpop (xrf1)  }
0xbb: {  	v1 =	vmax.f32 v2, v1  }
0xbc: {  	(xrf1) =	vsort.ascd.msk.f32 $0xffff, v1, v1;
	_ =	sdelay $0x7  }
0xbd: {  	v1, _, _ =	vpop (xrf1)  }
0xbe: {  	v1 =	vperm.xlane v1, v0;
	v2, _, _ =	vpop (xrf1)  }
0xbf: {  	v3, _, _ =	vpop (xrf1)  }
0xc0: {  	v1 =	vmax.f32 v3, v1;
	_ =	sdelay $0x1  }
0xc1: {  	v2 =	vperm.xlane v2, v0  }
0xc2: {  	(xrf1) =	vsort.ascd.msk.f32 $0xffff, v1, v1;
	v1, _, _ =	vpop (xrf1)  }
0xc3: {  	v1 =	vmax.f32 v1, v2  }
0xc4: {  	(xrf1) =	vsort.ascd.msk.f32 $0xffff, v1, v1;
	_ =	sdelay $0xb  }
0xc5: {  	v1, _, _ =	vpop (xrf1)  }
0xc6: {  	v1 =	vperm.xlane v1, v0  }
0xc7: {  	v2, _, _ =	vpop (xrf1)  }
0xc8: {  	v1 =	vmax.f32 v2, v1  }
0xc9: {  	(xrf1) =	vsort.ascd.msk.f32 $0xffff, v1, v1;
	_ =	sdelay $0xa  }
0xca: {  	s20 =	simm.s32 $0x1  }
0xcb: {  	s22 =	sand.u32 $0x7, s20  }
0xcc: {  	s23 =	sshll.u32 s22, $0x7  }
0xcd: {  	s21 =	sadd.s32 $0x400, s23;
	s19 =	simm.s32 $0x10000;
	v1, _, _ =	vpop (xrf1)  }
0xce: {  	s24 =	sor.u32 $0x1C50, s21;
	[tilespmem:s19+$0x0] =	vst v1  }
0xcf: {  	s23 =	sor.u32 $0x1C10, s21;
	v1 =	vld [tilespmem:s24+$0x0]  }
0xd0: {  	s25 =	sor.u32 $0x1C40, s21;
	v2 =	vld [tilespmem:s23+$0x0]  }
0xd1: {  	s26 =	sor.u32 $0x1C00, s21;
	v3 =	vld [tilespmem:s25+$0x0]  }
0xd2: {  	v4 =	vld [tilespmem:s26+$0x0];
	_ =	sdelay $0x1  }
0xd3: {  	(xrf1) =	vsort.ascd.msk.f32 $0xffff, v1, v1  }
0xd4: {  	(xrf1) =	vsort.ascd.msk.f32 $0xffff, v2, v2  }
0xd5: {  	(xrf1) =	vsort.ascd.msk.f32 $0xffff, v3, v3  }
0xd6: {  	(xrf1) =	vsort.ascd.msk.f32 $0xffff, v4, v4  }
0xd7: {  	s28 =	simm.s32 $0x80;
	s29 =	simm.s32 $0x400  }
0xd8: {  	s22 =	sand.u32 $0x380, s28;
	s23 =	sand.u32 $0x6000, s29  }
0xd9: {  	s25 =	sor.u32 s22, s23  }
0xda: {  	v1 =	vld [tilespmem:s25+$0x1810];
	_ =	sdelay $0x2  }
0xdb: {  	v2 =	vld [tilespmem:s25+$0x1800]  }
0xdc: {  	v3 =	vld [tilespmem:s25+$0x1000]  }
0xdd: {  	v4 =	vld [tilespmem:s25+$0x0];
	(xrf1) =	vsort.ascd.msk.f32 $0xffff, v1, v1;
	_ =	sdelay $0x1  }
0xde: {  	s30 =	sor.u32 $0x1C20, s21;
	v1, _, _ =	vpop (xrf1)  }
0xdf: {  	v5 =	vld [tilespmem:s30+$0x0];
	(xrf1) =	vsort.ascd.msk.f32 $0xffff, v2, v2;
	v1 =	vperm.xlane v1, v0;
	v2, _, _ =	vpop (xrf1)  }
0xe0: {  	v6 =	vld [tilespmem:s25+$0x1820];
	(xrf1) =	vsort.ascd.msk.f32 $0xffff, v3, v3;
	v2 =	vperm.xlane v2, v0;
	v3, _, _ =	vpop (xrf1)  }
0xe1: {  	s31 =	sor.u32 $0x1C30, s21;
	v7 =	vld [tilespmem:s25+$0x1840];
	(xrf1) =	vsort.ascd.msk.f32 $0xffff, v4, v4;
	v1 =	vmax.f32 v3, v1;
	v3, _, _ =	vpop (xrf1)  }
0xe2: {  	v2 =	vmax.f32 v3, v2;
	v3 =	vld [tilespmem:s31+$0x0];
	(xrf1) =	vsort.ascd.msk.f32 $0xffff, v1, v1  }
0xe3: {  	v1 =	vld [tilespmem:s25+$0x1830];
	(xrf1) =	vsort.ascd.msk.f32 $0xffff, v2, v2  }
0xe4: {  	v2 =	vld [tilespmem:s25+$0x1850];
	(xrf1) =	vsort.ascd.msk.f32 $0xffff, v5, v5  }
0xe5: {  	v4 =	vld [tilespmem:s25+$0x1020];
	(xrf1) =	vsort.ascd.msk.f32 $0xffff, v6, v6  }
0xe6: {  	v5 =	vld [tilespmem:s25+$0x1030];
	(xrf1) =	vsort.ascd.msk.f32 $0xffff, v7, v7  }
0xe7: {  	v6 =	vld [tilespmem:s25+$0x1050];
	(xrf1) =	vsort.ascd.msk.f32 $0xffff, v3, v3  }
0xe8: {  	v3 =	vld [tilespmem:s25+$0x1040];
	(xrf1) =	vsort.ascd.msk.f32 $0xffff, v1, v1  }
0xe9: {  	v1 =	vld [tilespmem:s25+$0x1410];
	(xrf1) =	vsort.ascd.msk.f32 $0xffff, v2, v2  }
0xea: {  	(xrf1) =	vsort.ascd.msk.f32 $0xffff, v4, v4;
	v4, _, _ =	vpop (xrf1)  }
0xeb: {  	v2 =	vld [tilespmem:s25+$0x1400];
	(xrf1) =	vsort.ascd.msk.f32 $0xffff, v5, v5;
	v4 =	vperm.xlane v4, v0  }
0xec: {  	v5 =	vld [tilespmem:s25+$0x30];
	(xrf1) =	vsort.ascd.msk.f32 $0xffff, v6, v6  }
0xed: {  	v6 =	vld [tilespmem:s25+$0x50];
	(xrf1) =	vsort.ascd.msk.f32 $0xffff, v3, v3;
	v3, _, _ =	vpop (xrf1)  }
0xee: {  	v7 =	vld [tilespmem:s25+$0x20];
	v8 =	vmax.f32 v3, v4;
	v3, _, _ =	vpop (xrf1);
	(xrf1) =	vsort.ascd.msk.f32 $0xffff, v1, v1  }
0xef: {  	v9 =	vld [tilespmem:s25+$0x40];
	v4, _, _ =	vpop (xrf1);
	(xrf1) =	vsort.ascd.msk.f32 $0xffff, v8, v8  }
0xf0: {  	v8 =	vld [tilespmem:s25+$0x1010];
	(xrf1) =	vsort.ascd.msk.f32 $0xffff, v2, v2;
	v1, _, _ =	vpop (xrf1)  }
0xf1: {  	v10 =	vld [tilespmem:s25+$0x10];
	(xrf1) =	vsort.ascd.msk.f32 $0xffff, v5, v5;
	v2, _, _ =	vpop (xrf1)  }
0xf2: {  	(xrf1) =	vsort.ascd.msk.f32 $0xffff, v6, v6;
	v6, _, _ =	vpop (xrf1)  }
0xf3: {  	(xrf1) =	vsort.ascd.msk.f32 $0xffff, v7, v7;
	v7, _, _ =	vpop (xrf1)  }
0xf4: {  	v5 =	vld [tilespmem:s25+$0x400];
	(xrf1) =	vsort.ascd.msk.f32 $0xffff, v9, v9;
	v9, _, _ =	vpop (xrf1)  }
0xf5: {  	(xrf1) =	vsort.ascd.msk.f32 $0xffff, v8, v8;
	v8, _, _ =	vpop (xrf1)  }
0xf6: {  	v11 =	vld [tilespmem:s25+$0x800];
	v8 =	vperm.xlane v8, v0;
	(xrf1) =	vsort.ascd.msk.f32 $0xffff, v10, v10;
	v10, _, _ =	vpop (xrf1)  }
0xf7: {  	v10 =	vperm.xlane v10, v0;
	_ =	sdelay $0x1  }
0xf8: {  	(xrf1) =	vsort.ascd.msk.f32 $0xffff, v5, v5;
	v5, _, _ =	vpop (xrf1)  }
0xf9: {  	v5 =	vperm.xlane v5, v0;
	v6 =	vmax.f32 v6, v8;
	v8, _, _ =	vpop (xrf1)  }
0xfa: {  	v12 =	vld [tilespmem:s25+$0x1860];
	(xrf1) =	vsort.ascd.msk.f32 $0xffff, v11, v11;
	v7 =	vmax.f32 v7, v10;
	v10, _, _ =	vpop (xrf1)  }
0xfb: {  	(xrf1) =	vsort.ascd.msk.f32 $0xffff, v6, v6;
	v5 =	vmax.f32 v9, v5;
	v6 =	vperm.xlane v10, v0;
	v9, _, _ =	vpop (xrf1)  }
0xfc: {  	(xrf1) =	vsort.ascd.msk.f32 $0xffff, v7, v7;
	v7 =	vperm.xlane v9, v0;
	v9, _, _ =	vpop (xrf1)  }
0xfd: {  	v10 =	vld [tilespmem:s25+$0x1060];
	(xrf1) =	vsort.ascd.msk.f32 $0xffff, v5, v5;
	v5 =	vmax.f32 v8, v6;
	v8, _, _ =	vpop (xrf1)  }
0xfe: {  	v7 =	vmax.f32 v9, v7;
	v8 =	vperm.xlane v8, v0  }
0xff: {  	v6 =	vld [tilespmem:s25+$0x1420];
	(xrf1) =	vsort.ascd.msk.f32 $0xffff, v12, v12  }
0x100: {  	v9 =	vld [tilespmem:s25+$0x1440];
	(xrf1) =	vsort.ascd.msk.f32 $0xffff, v5, v5;
	v5, _, _ =	vpop (xrf1)  }
0x101: {  	(xrf1) =	vsort.ascd.msk.f32 $0xffff, v7, v7;
	v7, _, _ =	vpop (xrf1)  }
0x102: {  	(xrf1) =	vsort.ascd.msk.f32 $0xffff, v10, v10;
	v7 =	vmax.f32 v7, v8;
	v8, _, _ =	vpop (xrf1)  }
0x103: {  	v11 =	vld [tilespmem:s25+$0x60];
	v8 =	vperm.xlane v8, v0;
	v10, _, _ =	vpop (xrf1);
	(xrf1) =	vsort.ascd.msk.f32 $0xffff, v7, v7  }
0x104: {  	v13 =	vld [tilespmem:s25+$0x410];
	v7 =	vperm.xlane v10, v0;
	v10, _, _ =	vpop (xrf1);
	(xrf1) =	vsort.ascd.msk.f32 $0xffff, v6, v6  }
0x105: {  	v6 =	vmax.f32 v10, v8;
	v8 =	vld [tilespmem:s25+$0x420];
	v10, _, _ =	vpop (xrf1);
	(xrf1) =	vsort.ascd.msk.f32 $0xffff, v9, v9  }
0x106: {  	v9 =	vld [tilespmem:s25+$0x440];
	v7 =	vmax.f32 v10, v7;
	(xrf1) =	vsort.ascd.msk.f32 $0xffff, v6, v6;
	v12, _, _ =	vpop (xrf1)  }
0x107: {  	v6 =	vld [tilespmem:s25+$0x810];
	v10, _, _ =	vpop (xrf1);
	(xrf1) =	vsort.ascd.msk.f32 $0xffff, v7, v7  }
0x108: {  	v7 =	vld [tilespmem:s25+$0x820];
	(xrf1) =	vsort.ascd.msk.f32 $0xffff, v11, v11;
	v16, _, _ =	vpop (xrf1)  }
0x109: {  	v11 =	vld [tilespmem:s25+$0x1870];
	(xrf1) =	vsort.ascd.msk.f32 $0xffff, v13, v13;
	v15, _, _ =	vpop (xrf1)  }
0x10a: {  	v17 =	vld [tilespmem:s25+$0x1070];
	(xrf1) =	vsort.ascd.msk.f32 $0xffff, v8, v8;
	v13, _, _ =	vpop (xrf1)  }
0x10b: {  	v18 =	vld [tilespmem:s25+$0x1430];
	(xrf1) =	vsort.ascd.msk.f32 $0xffff, v9, v9;
	v14, _, _ =	vpop (xrf1)  }
0x10c: {  	v21 =	vld [tilespmem:s25+$0x1450];
	(xrf1) =	vsort.ascd.msk.f32 $0xffff, v6, v6;
	v8, _, _ =	vpop (xrf1)  }
0x10d: {  	v22 =	vld [tilespmem:s25+$0x1460];
	(xrf1) =	vsort.ascd.msk.f32 $0xffff, v7, v7;
	v19, _, _ =	vpop (xrf1)  }
0x10e: {  	v7 =	vld [tilespmem:s25+$0x70];
	v6, _, _ =	vpop (xrf1);
	(xrf1) =	vsort.ascd.msk.f32 $0xffff, v11, v11  }
0x10f: {  	v23 =	vld [tilespmem:s25+$0x430];
	v9, _, _ =	vpop (xrf1);
	(xrf1) =	vsort.ascd.msk.f32 $0xffff, v17, v17  }
0x110: {  	v27 =	vld [tilespmem:s25+$0x450];
	v20, _, _ =	vpop (xrf1);
	(xrf1) =	vsort.ascd.msk.f32 $0xffff, v18, v18  }
0x111: {  	v18 =	vld [tilespmem:s25+$0x460];
	v11, _, _ =	vpop (xrf1);
	(xrf1) =	vsort.ascd.msk.f32 $0xffff, v21, v21  }
0x112: {  	v29 =	vld [tilespmem:s25+$0x830];
	v21, _, _ =	vpop (xrf1);
	(xrf1) =	vsort.ascd.msk.f32 $0xffff, v22, v22  }
0x113: {  	v24 =	vld [tilespmem:s25+$0x850];
	(xrf1) =	vsort.ascd.msk.f32 $0xffff, v7, v7;
	v22, _, _ =	vpop (xrf1)  }
0x114: {  	v25 =	vld [tilespmem:s25+$0x860];
	v7, _, _ =	vpop (xrf1);
	(xrf1) =	vsort.ascd.msk.f32 $0xffff, v23, v23  }
0x115: {  	v26 =	vld [tilespmem:s25+$0xC10];
	v17, _, _ =	vpop (xrf1);
	(xrf1) =	vsort.ascd.msk.f32 $0xffff, v27, v27  }
0x116: {  	v27 =	vld [tilespmem:s25+$0x1470];
	v23, _, _ =	vpop (xrf1);
	(xrf1) =	vsort.ascd.msk.f32 $0xffff, v18, v18  }
0x117: {  	s24 =	simm.s32 $0x100;
	s22 =	simm.s32 $0x400;
	s23 =	simm.s32 $0xFFFF8400;
	v28 =	vld [tilespmem:s25+$0x470];
	v18, _, _ =	vpop (xrf1);
	(xrf1) =	vsort.ascd.msk.f32 $0xffff, v29, v29  }
.LBB2_3:
0x118: {  	p0 =	sne.s32 s24, $0xF80;
	v29 =	vld [tilespmem:s25+$0x870];
	v30, _, _ =	vpop (xrf1);
	(xrf1) =	vsort.ascd.msk.f32 $0xffff, v24, v24  }
0x119: {  	v24 =	vld [tilespmem:s25+$0xC30];
	v31, _, _ =	vpop (xrf1);
	(xrf1) =	vsort.ascd.msk.f32 $0xffff, v25, v25  }
0x11a: {  	v25 =	vld [tilespmem:s25+$0xC70];
	v32, _, _ =	vpop (xrf1);
	(xrf1) =	vsort.ascd.msk.f32 $0xffff, v26, v26  }
0x11b: {  	v26 =	vld [tilespmem:s25+$0xC50];
	v33, _, _ =	vpop (xrf1);
	(xrf1) =	vsort.ascd.msk.f32 $0xffff, v27, v27  }
0x11c: {  	v27 =	vld [tilespmem:s25+$0xC60];
	(xrf1) =	vsort.ascd.msk.f32 $0xffff, v28, v28;
	v28, _, _ =	vpop (xrf1)  }
0x11d: {  	v34 =	vld [tilespmem:s25+$0xC20];
	(xrf1) =	vsort.ascd.msk.f32 $0xffff, v29, v29;
	v29, _, _ =	vpop (xrf1)  }
0x11e: {  	v35 =	vld [tilespmem:s25+$0xC40];
	(xrf1) =	vsort.ascd.msk.f32 $0xffff, v24, v24;
	v24, _, _ =	vpop (xrf1)  }
0x11f: {  	v36 =	vld [tilespmem:s25+$0x840];
	(xrf1) =	vsort.ascd.msk.f32 $0xffff, v25, v25;
	v25, _, _ =	vpop (xrf1)  }
0x120: {  	v37 =	vld [tilespmem:s25+$0xC00];
	(xrf1) =	vsort.ascd.msk.f32 $0xffff, v26, v26;
	v26, _, _ =	vpop (xrf1)  }
0x121: {  	v38, _, _ =	vpop (xrf1);
	(xrf1) =	vsort.ascd.msk.f32 $0xffff, v27, v27  }
0x122: {  	v27, _, _ =	vpop (xrf1);
	(xrf1) =	vsort.ascd.msk.f32 $0xffff, v34, v34  }
0x123: {  	v39 =	vperm.xlane v28, v0;
	v34, _, _ =	vpop (xrf1);
	(xrf1) =	vsort.ascd.msk.f32 $0xffff, v35, v35  }
0x124: {  	v40 =	vperm.xlane v29, v0;
	v35, _, _ =	vpop (xrf1);
	(xrf1) =	vsort.ascd.msk.f32 $0xffff, v36, v36  }
0x125: {  	v19 =	vmax.f32 v19, v39;
	v36 =	vperm.xlane v24, v0;
	v28, _, _ =	vpop (xrf1);
	(xrf1) =	vsort.ascd.msk.f32 $0xffff, v37, v37  }
0x126: {  	v20 =	vmax.f32 v20, v40;
	v37 =	vperm.xlane v25, v0;
	v29, _, _ =	vpop (xrf1);
	(xrf1) =	vsort.ascd.msk.f32 $0xffff, v19, v19  }
0x127: {  	v38 =	vperm.xlane v38, v0;
	v21 =	vmax.f32 v21, v36;
	v24, _, _ =	vpop (xrf1);
	(xrf1) =	vsort.ascd.msk.f32 $0xffff, v20, v20  }
0x128: {  	v39 =	vperm.xlane v27, v0;
	v27 =	vmax.f32 v22, v37;
	v25, _, _ =	vpop (xrf1);
	(xrf1) =	vsort.ascd.msk.f32 $0xffff, v21, v21  }
0x129: {  	v34 =	vperm.xlane v34, v0;
	v36 =	vmax.f32 v23, v38;
	(xrf1) =	vsort.ascd.msk.f32 $0xffff, v27, v27;
	v22, _, _ =	vpop (xrf1)  }
0x12a: {  	v27 =	vmax.f32 v30, v39;
	v30 =	vperm.xlane v28, v0;
	(xrf1) =	vsort.ascd.msk.f32 $0xffff, v36, v36;
	v19, _, _ =	vpop (xrf1)  }
0x12b: {  	v28 =	vmax.f32 v31, v34;
	v22 =	vperm.xlane v22, v0;
	(xrf1) =	vsort.ascd.msk.f32 $0xffff, v27, v27;
	v20, _, _ =	vpop (xrf1)  }
0x12c: {  	v31 =	vperm.xlane v19, v0;
	v27 =	vmax.f32 v33, v30;
	(xrf1) =	vsort.ascd.msk.f32 $0xffff, v28, v28;
	v21, _, _ =	vpop (xrf1)  }
0x12d: {  	v30 =	vperm.xlane v20, v0;
	v22 =	vmax.f32 v26, v22;
	(xrf1) =	vsort.ascd.msk.f32 $0xffff, v27, v27;
	v23, _, _ =	vpop (xrf1)  }
0x12e: {  	v27 =	vmax.f32 v35, v31;
	v23 =	vperm.xlane v23, v0;
	v26, _, _ =	vpop (xrf1);
	(xrf1) =	vsort.ascd.msk.f32 $0xffff, v22, v22  }
0x12f: {  	v28 =	vperm.xlane v21, v0;
	v24 =	vmax.f32 v24, v30;
	(xrf1) =	vsort.ascd.msk.f32 $0xffff, v27, v27;
	v19, _, _ =	vpop (xrf1)  }
0x130: {  	v26 =	vperm.xlane v26, v0;
	v19 =	vmax.f32 v19, v23;
	(xrf1) =	vsort.ascd.msk.f32 $0xffff, v24, v24;
	v20, _, _ =	vpop (xrf1)  }
0x131: {  	v23 =	vperm.xlane v29, v0;
	v20 =	vmax.f32 v20, v28;
	v21, _, _ =	vpop (xrf1);
	(xrf1) =	vsort.ascd.msk.f32 $0xffff, v19, v19  }
0x132: {  	v19 =	vperm.xlane v25, v0;
	v21 =	vmax.f32 v21, v26;
	v22, _, _ =	vpop (xrf1);
	(xrf1) =	vsort.ascd.msk.f32 $0xffff, v20, v20  }
0x133: {  	s21 =	sor.u32 $0x1C58, s21;
	v24 =	vperm.xlane v18, v0;
	v23 =	vmax.f32 v22, v23;
	v22, _, _ =	vpop (xrf1);
	(xrf1) =	vsort.ascd.msk.f32 $0xffff, v21, v21  }
0x134: {  	v21 =	vperm.xlane v32, v0;
	v19 =	vmax.f32 v22, v19;
	v22 =	vld [tilespmem:s21+$0x0];
	(xrf1) =	vsort.ascd.msk.f32 $0xffff, v23, v23;
	v20, _, _ =	vpop (xrf1)  }
0x135: {  	v23 =	vmax.f32 v16, v24;
	v24 =	vperm.xlane v12, v0;
	(xrf1) =	vsort.ascd.msk.f32 $0xffff, v19, v19;
	v18, _, _ =	vpop (xrf1)  }
0x136: {  	v10 =	vperm.xlane v10, v0;
	v15 =	vmax.f32 v15, v21;
	(xrf1) =	vsort.ascd.msk.f32 $0xffff, v23, v23;
	v16, _, _ =	vpop (xrf1)  }
0x137: {  	v3 =	vmax.f32 v3, v24;
	(xrf1) =	vsort.ascd.msk.f32 $0xffff, v15, v15;
	v12, _, _ =	vpop (xrf1)  }
0x138: {  	v19 =	vperm.xlane v13, v0;
	v15 =	vmax.f32 v4, v10;
	v13, _, _ =	vpop (xrf1);
	(xrf1) =	vsort.ascd.msk.f32 $0xffff, v3, v3  }
0x139: {  	v3 =	vperm.xlane v14, v0;
	v14 =	vsel vm0, $0xFF800000, v22;
	(xrf1) =	vsort.ascd.msk.f32 $0xffff, v15, v15;
	v4, _, _ =	vpop (xrf1)  }
0x13a: {  	v20 =	vperm.xlane v20, v0;
	v2 =	vmax.f32 v2, v19;
	v10, _, _ =	vpop (xrf1);
	(xrf1) =	vsort.ascd.msk.f32 $0xffff, v14, v14  }
0x13b: {  	v14 =	vperm.xlane v18, v0;
	v3 =	vmax.f32 v5, v3;
	v5, _, _ =	vpop (xrf1);
	(xrf1) =	vsort.ascd.msk.f32 $0xffff, v2, v2  }
0x13c: {  	v8 =	vmax.f32 v8, v20;
	v2 =	vperm.xlane v16, v0;
	v15, _, _ =	vpop (xrf1);
	(xrf1) =	vsort.ascd.msk.f32 $0xffff, v3, v3  }
0x13d: {  	v16 =	vperm.xlane v13, v0;
	v9 =	vmax.f32 v9, v14;
	v13, _, _ =	vpop (xrf1);
	(xrf1) =	vsort.ascd.msk.f32 $0xffff, v8, v8  }
0x13e: {  	v2 =	vmax.f32 v11, v2;
	v8 =	vperm.xlane v15, v0;
	v11, _, _ =	vpop (xrf1);
	(xrf1) =	vsort.ascd.msk.f32 $0xffff, v9, v9  }
0x13f: {  	v14 =	vmax.f32 v17, v16;
	v9 =	vperm.xlane v13, v0;
	v13, _, _ =	vpop (xrf1);
	(xrf1) =	vsort.ascd.msk.f32 $0xffff, v2, v2  }
0x140: {  	v12 =	vmax.f32 v12, v8;
	v2 =	vperm.xlane v13, v0;
	(xrf1) =	vsort.ascd.msk.f32 $0xffff, v14, v14;
	v3, _, _ =	vpop (xrf1)  }
0x141: {  	v13 =	vmax.f32 v10, v9;
	v10 =	vperm.xlane v11, v0;
	v11, _, _ =	vpop (xrf1);
	(xrf1) =	vsort.ascd.msk.f32 $0xffff, v12, v12  }
0x142: {  	v3 =	vperm.xlane v3, v0;
	v2 =	vmax.f32 v11, v2;
	(xrf1) =	vsort.ascd.msk.f32 $0xffff, v13, v13;
	v8, _, _ =	vpop (xrf1)  }
0x143: {  	v11 =	vperm.xlane v4, v0;
	v8 =	vmax.f32 v8, v10;
	v9, _, _ =	vpop (xrf1);
	(xrf1) =	vsort.ascd.msk.f32 $0xffff, v2, v2  }
0x144: {  	v2 =	vperm.xlane v5, v0;
	v3 =	vmax.f32 v9, v3;
	v5, _, _ =	vpop (xrf1);
	(xrf1) =	vsort.ascd.msk.f32 $0xffff, v8, v8  }
0x145: {  	v9 =	vperm.xlane v6, v0;
	v8 =	vmax.f32 v5, v11;
	v6, _, _ =	vpop (xrf1);
	(xrf1) =	vsort.ascd.msk.f32 $0xffff, v3, v3  }
0x146: {  	v7 =	vperm.xlane v7, v0;
	v2 =	vmax.f32 v6, v2;
	(xrf1) =	vsort.ascd.msk.f32 $0xffff, v8, v8;
	v4, _, _ =	vpop (xrf1)  }
0x147: {  	v4 =	vmax.f32 v4, v9;
	v5, _, _ =	vpop (xrf1);
	(xrf1) =	vsort.ascd.msk.f32 $0xffff, v2, v2  }
0x148: {  	v1 =	vperm.xlane v1, v0;
	v5 =	vmax.f32 v5, v7;
	(xrf1) =	vsort.ascd.msk.f32 $0xffff, v4, v4;
	v3, _, _ =	vpop (xrf1)  }
0x149: {  	(xrf1) =	vsort.ascd.msk.f32 $0xffff, v5, v5;
	v2, _, _ =	vpop (xrf1)  }
0x14a: {  	v5 =	vmax.f32 v3, v1;
	v3, _, _ =	vpop (xrf1)  }
0x14b: {  	v4, _, _ =	vpop (xrf1);
	(xrf1) =	vsort.ascd.msk.f32 $0xffff, v5, v5  }
0x14c: {  	v1, _, _ =	vpop (xrf1)  }
0x14d: {  	v5, _, _ =	vpop (xrf1)  }
0x14e: {  	v6, _, _ =	vpop (xrf1)  }
0x14f: {  	v7, _, _ =	vpop (xrf1)  }
0x150: {  	v10 =	vperm.xlane v4, v0;
	v8, _, _ =	vpop (xrf1)  }
0x151: {  	v11 =	vperm.xlane v7, v0;
	v9, _, _ =	vpop (xrf1)  }
0x152: {  	v3 =	vmax.f32 v3, v10;
	v9 =	vperm.xlane v9, v0;
	v4, _, _ =	vpop (xrf1)  }
0x153: {  	v8 =	vperm.xlane v8, v0;
	v5 =	vmax.f32 v5, v11;
	v7, _, _ =	vpop (xrf1);
	(xrf1) =	vsort.ascd.msk.f32 $0xffff, v3, v3  }
0x154: {  	v3 =	vperm.xlane v4, v0;
	v4 =	vmax.f32 v7, v9;
	v7, _, _ =	vpop (xrf1);
	(xrf1) =	vsort.ascd.msk.f32 $0xffff, v5, v5  }
0x155: {  	v1 =	vperm.xlane v1, v0;
	v8 =	vmax.f32 v7, v8;
	v7, _, _ =	vpop (xrf1);
	(xrf1) =	vsort.ascd.msk.f32 $0xffff, v4, v4  }
0x156: {  	v4 =	vperm.xlane v6, v0;
	v3 =	vmax.f32 v7, v3;
	(xrf1) =	vsort.ascd.msk.f32 $0xffff, v8, v8;
	v5, _, _ =	vpop (xrf1)  }
0x157: {  	v6 =	vmax.f32 v5, v1;
	v5, _, _ =	vpop (xrf1);
	(xrf1) =	vsort.ascd.msk.f32 $0xffff, v3, v3  }
0x158: {  	v2 =	vperm.xlane v2, v0;
	v3 =	vmax.f32 v5, v4;
	(xrf1) =	vsort.ascd.msk.f32 $0xffff, v6, v6  }
0x159: {  	(xrf1) =	vsort.ascd.msk.f32 $0xffff, v3, v3;
	v1, _, _ =	vpop (xrf1)  }
0x15a: {  	v1 =	vmax.f32 v1, v2  }
0x15b: {  	(xrf1) =	vsort.ascd.msk.f32 $0xffff, v1, v1;
	_ =	sdelay $0x5  }
0x15c: {  	v1, _, _ =	vpop (xrf1)  }
0x15d: {  	v2, _, _ =	vpop (xrf1)  }
0x15e: {  	v3, _, _ =	vpop (xrf1)  }
0x15f: {  	v3 =	vperm.xlane v3, v0;
	v4, _, _ =	vpop (xrf1)  }
0x160: {  	v2 =	vperm.xlane v2, v0;
	v5, _, _ =	vpop (xrf1)  }
0x161: {  	v4 =	vperm.xlane v4, v0;
	v3 =	vmax.f32 v5, v3;
	v5, _, _ =	vpop (xrf1)  }
0x162: {  	v6 =	vmax.f32 v5, v2;
	v5, _, _ =	vpop (xrf1);
	(xrf1) =	vsort.ascd.msk.f32 $0xffff, v3, v3  }
0x163: {  	v1 =	vperm.xlane v1, v0;
	v3 =	vmax.f32 v5, v4;
	(xrf1) =	vsort.ascd.msk.f32 $0xffff, v6, v6  }
0x164: {  	(xrf1) =	vsort.ascd.msk.f32 $0xffff, v3, v3;
	v2, _, _ =	vpop (xrf1)  }
0x165: {  	v1 =	vmax.f32 v2, v1  }
0x166: {  	(xrf1) =	vsort.ascd.msk.f32 $0xffff, v1, v1;
	_ =	sdelay $0x9  }
0x167: {  	v1, _, _ =	vpop (xrf1)  }
0x168: {  	v4 =	vperm.xlane v1, v0;
	v2, _, _ =	vpop (xrf1)  }
0x169: {  	v3, _, _ =	vpop (xrf1)  }
0x16a: {  	v2 =	vperm.xlane v2, v0;
	v3 =	vmax.f32 v3, v4  }
0x16b: {  	(xrf1) =	vsort.ascd.msk.f32 $0xffff, v3, v3;
	v1, _, _ =	vpop (xrf1)  }
0x16c: {  	v1 =	vmax.f32 v1, v2  }
0x16d: {  	(xrf1) =	vsort.ascd.msk.f32 $0xffff, v1, v1;
	_ =	sdelay $0xb  }
0x16e: {  	v1, _, _ =	vpop (xrf1)  }
0x16f: {  	v1 =	vperm.xlane v1, v0  }
0x170: {  	v2, _, _ =	vpop (xrf1)  }
0x171: {  	v1 =	vmax.f32 v2, v1  }
0x172: {  	(xrf1) =	vsort.ascd.msk.f32 $0xffff, v1, v1;
	_ =	sdelay $0xa  }
0x173: {  	s20 =	sadd.s32 $0x1, s20  }
0x174: {  	s21 =	sand.u32 $0x7, s20  }
0x175: {  	s22 =	sadd.s32 $0x400, s22;
	s21 =	sshll.u32 s21, $0x7  }
0x176: {  	s19 =	sadd.s32 $0x10, s19;
	s21 =	sadd.s32 s21, s22;
	v1, _, _ =	vpop (xrf1)  }
0x177: {  	s25 =	sor.u32 $0x1C50, s21;
	[tilespmem:s19+$0x0] =	vst v1  }
0x178: {  	s26 =	sor.u32 $0x1C10, s21;
	v1 =	vld [tilespmem:s25+$0x0]  }
0x179: {  	s25 =	sor.u32 $0x1C40, s21;
	v2 =	vld [tilespmem:s26+$0x0]  }
0x17a: {  	s26 =	sor.u32 $0x1C00, s21;
	v3 =	vld [tilespmem:s25+$0x0]  }
0x17b: {  	v4 =	vld [tilespmem:s26+$0x0];
	_ =	sdelay $0x1  }
0x17c: {  	(xrf1) =	vsort.ascd.msk.f32 $0xffff, v1, v1  }
0x17d: {  	(xrf1) =	vsort.ascd.msk.f32 $0xffff, v2, v2  }
0x17e: {  	(xrf1) =	vsort.ascd.msk.f32 $0xffff, v3, v3  }
0x17f: {  	(xrf1) =	vsort.ascd.msk.f32 $0xffff, v4, v4  }
0x180: {  	s23 =	sadd.s32 $0x400, s23  }
0x181: {  	s25 =	sadd.s32 $0x8000, s23  }
0x182: {  	s25 =	sand.u32 $0x6000, s25;
	s26 =	sand.u32 $0x380, s24  }
0x183: {  	s25 =	sor.u32 s26, s25  }
0x184: {  	v1 =	vld [tilespmem:s25+$0x1810];
	_ =	sdelay $0x1  }
0x185: {  	v2 =	vld [tilespmem:s25+$0x1800]  }
0x186: {  	v3 =	vld [tilespmem:s25+$0x1000]  }
0x187: {  	v4 =	vld [tilespmem:s25+$0x0]  }
0x188: {  	(xrf1) =	vsort.ascd.msk.f32 $0xffff, v1, v1  }
0x189: {  	s26 =	sor.u32 $0x1C20, s21;
	v1, _, _ =	vpop (xrf1)  }
0x18a: {  	v5 =	vld [tilespmem:s26+$0x0];
	v1 =	vperm.xlane v1, v0;
	(xrf1) =	vsort.ascd.msk.f32 $0xffff, v2, v2;
	v2, _, _ =	vpop (xrf1)  }
0x18b: {  	v6 =	vld [tilespmem:s25+$0x1820];
	v2 =	vperm.xlane v2, v0;
	(xrf1) =	vsort.ascd.msk.f32 $0xffff, v3, v3;
	v3, _, _ =	vpop (xrf1)  }
0x18c: {  	s26 =	sor.u32 $0x1C30, s21;
	v7 =	vld [tilespmem:s25+$0x1840];
	v1 =	vmax.f32 v3, v1;
	(xrf1) =	vsort.ascd.msk.f32 $0xffff, v4, v4;
	v3, _, _ =	vpop (xrf1)  }
0x18d: {  	v2 =	vmax.f32 v3, v2;
	v3 =	vld [tilespmem:s26+$0x0];
	(xrf1) =	vsort.ascd.msk.f32 $0xffff, v1, v1  }
0x18e: {  	v1 =	vld [tilespmem:s25+$0x1830];
	(xrf1) =	vsort.ascd.msk.f32 $0xffff, v2, v2  }
0x18f: {  	v2 =	vld [tilespmem:s25+$0x1850];
	(xrf1) =	vsort.ascd.msk.f32 $0xffff, v5, v5  }
0x190: {  	v4 =	vld [tilespmem:s25+$0x1020];
	(xrf1) =	vsort.ascd.msk.f32 $0xffff, v6, v6  }
0x191: {  	v5 =	vld [tilespmem:s25+$0x1030];
	(xrf1) =	vsort.ascd.msk.f32 $0xffff, v7, v7  }
0x192: {  	v6 =	vld [tilespmem:s25+$0x1050];
	(xrf1) =	vsort.ascd.msk.f32 $0xffff, v3, v3  }
0x193: {  	v3 =	vld [tilespmem:s25+$0x1040];
	(xrf1) =	vsort.ascd.msk.f32 $0xffff, v1, v1  }
0x194: {  	v1 =	vld [tilespmem:s25+$0x1410];
	(xrf1) =	vsort.ascd.msk.f32 $0xffff, v2, v2  }
0x195: {  	(xrf1) =	vsort.ascd.msk.f32 $0xffff, v4, v4  }
0x196: {  	v2 =	vld [tilespmem:s25+$0x1400];
	(xrf1) =	vsort.ascd.msk.f32 $0xffff, v5, v5;
	v4, _, _ =	vpop (xrf1)  }
0x197: {  	v5 =	vld [tilespmem:s25+$0x30];
	v10 =	vperm.xlane v4, v0;
	(xrf1) =	vsort.ascd.msk.f32 $0xffff, v6, v6  }
0x198: {  	v6 =	vld [tilespmem:s25+$0x50];
	(xrf1) =	vsort.ascd.msk.f32 $0xffff, v3, v3;
	v3, _, _ =	vpop (xrf1)  }
0x199: {  	v7 =	vld [tilespmem:s25+$0x20];
	v8 =	vmax.f32 v3, v10;
	v3, _, _ =	vpop (xrf1);
	(xrf1) =	vsort.ascd.msk.f32 $0xffff, v1, v1  }
0x19a: {  	v9 =	vld [tilespmem:s25+$0x40];
	v4, _, _ =	vpop (xrf1);
	(xrf1) =	vsort.ascd.msk.f32 $0xffff, v8, v8  }
0x19b: {  	v8 =	vld [tilespmem:s25+$0x1010];
	(xrf1) =	vsort.ascd.msk.f32 $0xffff, v2, v2;
	v1, _, _ =	vpop (xrf1)  }
0x19c: {  	v10 =	vld [tilespmem:s25+$0x10];
	(xrf1) =	vsort.ascd.msk.f32 $0xffff, v5, v5;
	v2, _, _ =	vpop (xrf1)  }
0x19d: {  	v5 =	vld [tilespmem:s25+$0x400];
	(xrf1) =	vsort.ascd.msk.f32 $0xffff, v6, v6;
	v6, _, _ =	vpop (xrf1)  }
0x19e: {  	v11 =	vld [tilespmem:s25+$0x800];
	(xrf1) =	vsort.ascd.msk.f32 $0xffff, v7, v7;
	v7, _, _ =	vpop (xrf1)  }
0x19f: {  	(xrf1) =	vsort.ascd.msk.f32 $0xffff, v9, v9;
	v9, _, _ =	vpop (xrf1)  }
0x1a0: {  	(xrf1) =	vsort.ascd.msk.f32 $0xffff, v8, v8;
	v8, _, _ =	vpop (xrf1)  }
0x1a1: {  	v13 =	vperm.xlane v8, v0;
	(xrf1) =	vsort.ascd.msk.f32 $0xffff, v10, v10;
	v10, _, _ =	vpop (xrf1)  }
0x1a2: {  	v14 =	vperm.xlane v10, v0;
	v12 =	vld [tilespmem:s25+$0x1860];
	(xrf1) =	vsort.ascd.msk.f32 $0xffff, v5, v5;
	v5, _, _ =	vpop (xrf1)  }
0x1a3: {  	v5 =	vperm.xlane v5, v0;
	v6 =	vmax.f32 v6, v13;
	(xrf1) =	vsort.ascd.msk.f32 $0xffff, v11, v11;
	v8, _, _ =	vpop (xrf1)  }
0x1a4: {  	v7 =	vmax.f32 v7, v14;
	v10, _, _ =	vpop (xrf1);
	(xrf1) =	vsort.ascd.msk.f32 $0xffff, v6, v6  }
0x1a5: {  	v6 =	vperm.xlane v10, v0;
	v10 =	vld [tilespmem:s25+$0x1060];
	v5 =	vmax.f32 v9, v5;
	v9, _, _ =	vpop (xrf1);
	(xrf1) =	vsort.ascd.msk.f32 $0xffff, v7, v7  }
0x1a6: {  	v14 =	vperm.xlane v9, v0;
	v9, _, _ =	vpop (xrf1);
	(xrf1) =	vsort.ascd.msk.f32 $0xffff, v5, v5  }
0x1a7: {  	v11 =	vmax.f32 v8, v6;
	v6 =	vld [tilespmem:s25+$0x1420];
	v8, _, _ =	vpop (xrf1);
	(xrf1) =	vsort.ascd.msk.f32 $0xffff, v12, v12  }
0x1a8: {  	v12 =	vmax.f32 v9, v14;
	v13 =	vperm.xlane v8, v0;
	v9 =	vld [tilespmem:s25+$0x1440];
	(xrf1) =	vsort.ascd.msk.f32 $0xffff, v11, v11;
	v5, _, _ =	vpop (xrf1)  }
0x1a9: {  	(xrf1) =	vsort.ascd.msk.f32 $0xffff, v12, v12;
	v7, _, _ =	vpop (xrf1)  }
0x1aa: {  	v7 =	vmax.f32 v7, v13;
	v8, _, _ =	vpop (xrf1);
	(xrf1) =	vsort.ascd.msk.f32 $0xffff, v10, v10  }
0x1ab: {  	v8 =	vperm.xlane v8, v0;
	v11 =	vld [tilespmem:s25+$0x60];
	v10, _, _ =	vpop (xrf1);
	(xrf1) =	vsort.ascd.msk.f32 $0xffff, v7, v7  }
0x1ac: {  	v7 =	vperm.xlane v10, v0;
	v13 =	vld [tilespmem:s25+$0x410];
	v10, _, _ =	vpop (xrf1);
	(xrf1) =	vsort.ascd.msk.f32 $0xffff, v6, v6  }
0x1ad: {  	v6 =	vmax.f32 v10, v8;
	v8 =	vld [tilespmem:s25+$0x420];
	v10, _, _ =	vpop (xrf1);
	(xrf1) =	vsort.ascd.msk.f32 $0xffff, v9, v9  }
0x1ae: {  	v7 =	vmax.f32 v10, v7;
	v9 =	vld [tilespmem:s25+$0x440];
	(xrf1) =	vsort.ascd.msk.f32 $0xffff, v6, v6;
	v12, _, _ =	vpop (xrf1)  }
0x1af: {  	v6 =	vld [tilespmem:s25+$0x810];
	v10, _, _ =	vpop (xrf1);
	(xrf1) =	vsort.ascd.msk.f32 $0xffff, v7, v7  }
0x1b0: {  	v7 =	vld [tilespmem:s25+$0x820];
	(xrf1) =	vsort.ascd.msk.f32 $0xffff, v11, v11;
	v16, _, _ =	vpop (xrf1)  }
0x1b1: {  	v11 =	vld [tilespmem:s25+$0x1870];
	(xrf1) =	vsort.ascd.msk.f32 $0xffff, v13, v13;
	v15, _, _ =	vpop (xrf1)  }
0x1b2: {  	v17 =	vld [tilespmem:s25+$0x1070];
	(xrf1) =	vsort.ascd.msk.f32 $0xffff, v8, v8;
	v13, _, _ =	vpop (xrf1)  }
0x1b3: {  	v18 =	vld [tilespmem:s25+$0x1430];
	(xrf1) =	vsort.ascd.msk.f32 $0xffff, v9, v9;
	v14, _, _ =	vpop (xrf1)  }
0x1b4: {  	v21 =	vld [tilespmem:s25+$0x1450];
	(xrf1) =	vsort.ascd.msk.f32 $0xffff, v6, v6;
	v8, _, _ =	vpop (xrf1)  }
0x1b5: {  	v22 =	vld [tilespmem:s25+$0x1460];
	(xrf1) =	vsort.ascd.msk.f32 $0xffff, v7, v7;
	v19, _, _ =	vpop (xrf1)  }
0x1b6: {  	v7 =	vld [tilespmem:s25+$0x70];
	v6, _, _ =	vpop (xrf1);
	(xrf1) =	vsort.ascd.msk.f32 $0xffff, v11, v11  }
0x1b7: {  	v23 =	vld [tilespmem:s25+$0x430];
	v9, _, _ =	vpop (xrf1);
	(xrf1) =	vsort.ascd.msk.f32 $0xffff, v17, v17  }
0x1b8: {  	v27 =	vld [tilespmem:s25+$0x450];
	v20, _, _ =	vpop (xrf1);
	(xrf1) =	vsort.ascd.msk.f32 $0xffff, v18, v18  }
0x1b9: {  	v18 =	vld [tilespmem:s25+$0x460];
	v11, _, _ =	vpop (xrf1);
	(xrf1) =	vsort.ascd.msk.f32 $0xffff, v21, v21  }
0x1ba: {  	v29 =	vld [tilespmem:s25+$0x830];
	v21, _, _ =	vpop (xrf1);
	(xrf1) =	vsort.ascd.msk.f32 $0xffff, v22, v22  }
.Ltmp0:
0x1bb: {  	v24 =	vld [tilespmem:s25+$0x850];
	(xrf1) =	vsort.ascd.msk.f32 $0xffff, v7, v7;
	v22, _, _ =	vpop (xrf1);
	(pc) =	sbr.rel @p0 .LBB2_3-.Ltmp0, $4  }
0x1bc: {  	v25 =	vld [tilespmem:s25+$0x860];
	v7, _, _ =	vpop (xrf1);
	(xrf1) =	vsort.ascd.msk.f32 $0xffff, v23, v23  }
0x1bd: {  	v26 =	vld [tilespmem:s25+$0xC10];
	v17, _, _ =	vpop (xrf1);
	(xrf1) =	vsort.ascd.msk.f32 $0xffff, v27, v27  }
0x1be: {  	v27 =	vld [tilespmem:s25+$0x1470];
	v23, _, _ =	vpop (xrf1);
	(xrf1) =	vsort.ascd.msk.f32 $0xffff, v18, v18  }
0x1bf: {  	s24 =	sadd.s32 $0x80, s24;
	v28 =	vld [tilespmem:s25+$0x470];
	v18, _, _ =	vpop (xrf1);
	(xrf1) =	vsort.ascd.msk.f32 $0xffff, v29, v29  }
0x1c0: {  	v29 =	vld [tilespmem:s25+$0x870];
	v30, _, _ =	vpop (xrf1);
	(xrf1) =	vsort.ascd.msk.f32 $0xffff, v24, v24  }
0x1c1: {  	v24 =	vld [tilespmem:s25+$0xC30];
	v31, _, _ =	vpop (xrf1);
	(xrf1) =	vsort.ascd.msk.f32 $0xffff, v25, v25  }
0x1c2: {  	v25 =	vld [tilespmem:s25+$0xC70];
	v32, _, _ =	vpop (xrf1);
	(xrf1) =	vsort.ascd.msk.f32 $0xffff, v26, v26  }
0x1c3: {  	v26 =	vld [tilespmem:s25+$0xC50];
	v33, _, _ =	vpop (xrf1);
	(xrf1) =	vsort.ascd.msk.f32 $0xffff, v27, v27  }
0x1c4: {  	v27 =	vld [tilespmem:s25+$0xC60];
	(xrf1) =	vsort.ascd.msk.f32 $0xffff, v28, v28;
	v28, _, _ =	vpop (xrf1)  }
0x1c5: {  	v34 =	vld [tilespmem:s25+$0xC20];
	(xrf1) =	vsort.ascd.msk.f32 $0xffff, v29, v29;
	v29, _, _ =	vpop (xrf1)  }
0x1c6: {  	v35 =	vld [tilespmem:s25+$0xC40];
	(xrf1) =	vsort.ascd.msk.f32 $0xffff, v24, v24;
	v24, _, _ =	vpop (xrf1)  }
0x1c7: {  	v36 =	vld [tilespmem:s25+$0x840];
	(xrf1) =	vsort.ascd.msk.f32 $0xffff, v25, v25;
	v25, _, _ =	vpop (xrf1)  }
0x1c8: {  	v37 =	vld [tilespmem:s25+$0xC00];
	(xrf1) =	vsort.ascd.msk.f32 $0xffff, v26, v26;
	v26, _, _ =	vpop (xrf1)  }
0x1c9: {  	v28 =	vperm.xlane v28, v0;
	v38, _, _ =	vpop (xrf1);
	(xrf1) =	vsort.ascd.msk.f32 $0xffff, v27, v27  }
0x1ca: {  	v29 =	vperm.xlane v29, v0;
	v27, _, _ =	vpop (xrf1);
	(xrf1) =	vsort.ascd.msk.f32 $0xffff, v34, v34  }
0x1cb: {  	v24 =	vperm.xlane v24, v0;
	v53, _, _ =	vpop (xrf1);
	(xrf1) =	vsort.ascd.msk.f32 $0xffff, v35, v35  }
0x1cc: {  	v25 =	vperm.xlane v25, v0;
	v54, _, _ =	vpop (xrf1);
	(xrf1) =	vsort.ascd.msk.f32 $0xffff, v36, v36  }
0x1cd: {  	v19 =	vmax.f32 v19, v28;
	v20 =	vmax.f32 v20, v29;
	v28, _, _ =	vpop (xrf1);
	(xrf1) =	vsort.ascd.msk.f32 $0xffff, v37, v37  }
0x1ce: {  	v21 =	vmax.f32 v21, v24;
	v29, _, _ =	vpop (xrf1);
	(xrf1) =	vsort.ascd.msk.f32 $0xffff, v19, v19;
	v19 =	vperm.xlane v38, v0  }
0x1cf: {  	v22 =	vmax.f32 v22, v25;
	v24, _, _ =	vpop (xrf1);
	(xrf1) =	vsort.ascd.msk.f32 $0xffff, v20, v20;
	v20 =	vperm.xlane v27, v0  }
0x1d0: {  	v25, _, _ =	vpop (xrf1);
	(xrf1) =	vsort.ascd.msk.f32 $0xffff, v21, v21;
	v19 =	vmax.f32 v23, v19;
	v21 =	vperm.xlane v53, v0  }
0x1d1: {  	v23 =	vperm.xlane v28, v0;
	v20 =	vmax.f32 v30, v20  }
0x1d2: {  	(xrf1) =	vsort.ascd.msk.f32 $0xffff, v22, v22;
	v22, _, _ =	vpop (xrf1);
	v21 =	vmax.f32 v31, v21  }
0x1d3: {  	(xrf1) =	vsort.ascd.msk.f32 $0xffff, v19, v19;
	v23 =	vmax.f32 v33, v23;
	v19, _, _ =	vpop (xrf1)  }
0x1d4: {  	(xrf1) =	vsort.ascd.msk.f32 $0xffff, v20, v20;
	v20, _, _ =	vpop (xrf1);
	v19 =	vperm.xlane v19, v0  }
0x1d5: {  	v22 =	vperm.xlane v22, v0;
	(xrf1) =	vsort.ascd.msk.f32 $0xffff, v21, v21;
	v21, _, _ =	vpop (xrf1);
	v20 =	vperm.xlane v20, v0  }
0x1d6: {  	(xrf1) =	vsort.ascd.msk.f32 $0xffff, v23, v23;
	v23, _, _ =	vpop (xrf1);
	v19 =	vmax.f32 v54, v19  }
0x1d7: {  	v22 =	vmax.f32 v26, v22;
	v21 =	vperm.xlane v21, v0;
	v26, _, _ =	vpop (xrf1);
	v20 =	vmax.f32 v24, v20  }
0x1d8: {  	(xrf1) =	vsort.ascd.msk.f32 $0xffff, v22, v22;
	v22 =	vperm.xlane v26, v0  }
0x1d9: {  	v23 =	vperm.xlane v23, v0;
	(xrf1) =	vsort.ascd.msk.f32 $0xffff, v19, v19;
	v19, _, _ =	vpop (xrf1)  }
0x1da: {  	(xrf1) =	vsort.ascd.msk.f32 $0xffff, v20, v20;
	v20, _, _ =	vpop (xrf1)  }
0x1db: {  	v19 =	vmax.f32 v19, v23;
	v23 =	vperm.xlane v29, v0;
	v20 =	vmax.f32 v20, v21;
	v21, _, _ =	vpop (xrf1)  }
0x1dc: {  	(xrf1) =	vsort.ascd.msk.f32 $0xffff, v19, v19;
	v21 =	vmax.f32 v21, v22;
	v22, _, _ =	vpop (xrf1)  }
0x1dd: {  	v18 =	vperm.xlane v18, v0;
	(xrf1) =	vsort.ascd.msk.f32 $0xffff, v20, v20;
	v20 =	vmax.f32 v22, v23  }
0x1de: {  	v12 =	vperm.xlane v12, v0;
	v19 =	vperm.xlane v25, v0  }
0x1df: {  	s20 =	sor.u32 $0x1C58, s21;
	v10 =	vperm.xlane v10, v0;
	v16 =	vmax.f32 v16, v18;
	v22, _, _ =	vpop (xrf1);
	(xrf1) =	vsort.ascd.msk.f32 $0xffff, v21, v21  }
0x1e0: {  	v21 =	vperm.xlane v32, v0;
	v19 =	vmax.f32 v22, v19;
	v22 =	vld [tilespmem:s20+$0x0];
	(xrf1) =	vsort.ascd.msk.f32 $0xffff, v20, v20;
	v20, _, _ =	vpop (xrf1)  }
0x1e1: {  	v4 =	vmax.f32 v4, v10;
	(xrf1) =	vsort.ascd.msk.f32 $0xffff, v19, v19;
	v18, _, _ =	vpop (xrf1)  }
0x1e2: {  	v10 =	vperm.xlane v13, v0;
	v15 =	vmax.f32 v15, v21;
	(xrf1) =	vsort.ascd.msk.f32 $0xffff, v16, v16;
	v16, _, _ =	vpop (xrf1)  }
0x1e3: {  	v3 =	vmax.f32 v3, v12;
	(xrf1) =	vsort.ascd.msk.f32 $0xffff, v15, v15;
	v12, _, _ =	vpop (xrf1)  }
0x1e4: {  	(xrf1) =	vsort.ascd.msk.f32 $0xffff, v3, v3;
	v13, _, _ =	vpop (xrf1)  }
0x1e5: {  	v15 =	vperm.xlane v20, v0;
	v3 =	vperm.xlane v14, v0;
	v14 =	vsel vm0, $0xFF800000, v22;
	(xrf1) =	vsort.ascd.msk.f32 $0xffff, v4, v4;
	v4, _, _ =	vpop (xrf1)  }
0x1e6: {  	v2 =	vmax.f32 v2, v10;
	v10, _, _ =	vpop (xrf1);
	(xrf1) =	vsort.ascd.msk.f32 $0xffff, v14, v14  }
0x1e7: {  	v3 =	vmax.f32 v5, v3;
	v14 =	vperm.xlane v18, v0;
	v5, _, _ =	vpop (xrf1);
	(xrf1) =	vsort.ascd.msk.f32 $0xffff, v2, v2  }
0x1e8: {  	(xrf1) =	vsort.ascd.msk.f32 $0xffff, v3, v3;
	v3 =	vperm.xlane v13, v0  }
0x1e9: {  	v8 =	vmax.f32 v8, v15;
	v2 =	vperm.xlane v16, v0;
	v15, _, _ =	vpop (xrf1);
	v9 =	vmax.f32 v9, v14  }
0x1ea: {  	v13, _, _ =	vpop (xrf1);
	(xrf1) =	vsort.ascd.msk.f32 $0xffff, v8, v8;
	v8 =	vperm.xlane v15, v0;
	v3 =	vmax.f32 v17, v3  }
0x1eb: {  	v2 =	vmax.f32 v11, v2;
	v11, _, _ =	vpop (xrf1);
	(xrf1) =	vsort.ascd.msk.f32 $0xffff, v9, v9;
	v9 =	vperm.xlane v13, v0  }
0x1ec: {  	v13, _, _ =	vpop (xrf1);
	(xrf1) =	vsort.ascd.msk.f32 $0xffff, v2, v2;
	v8 =	vmax.f32 v12, v8  }
0x1ed: {  	(xrf1) =	vsort.ascd.msk.f32 $0xffff, v3, v3;
	v9 =	vmax.f32 v10, v9;
	v3, _, _ =	vpop (xrf1)  }
0x1ee: {  	v2 =	vperm.xlane v13, v0;
	v10 =	vperm.xlane v11, v0;
	v11, _, _ =	vpop (xrf1)  }
0x1ef: {  	(xrf1) =	vsort.ascd.msk.f32 $0xffff, v8, v8;
	v8, _, _ =	vpop (xrf1)  }
0x1f0: {  	v4 =	vperm.xlane v4, v0;
	(xrf1) =	vsort.ascd.msk.f32 $0xffff, v9, v9;
	v2 =	vmax.f32 v11, v2;
	v9, _, _ =	vpop (xrf1)  }
0x1f1: {  	v3 =	vperm.xlane v3, v0;
	(xrf1) =	vsort.ascd.msk.f32 $0xffff, v2, v2;
	v2 =	vperm.xlane v5, v0;
	v5, _, _ =	vpop (xrf1)  }
0x1f2: {  	v8 =	vmax.f32 v8, v10;
	v4 =	vmax.f32 v5, v4;
	v5 =	vperm.xlane v6, v0  }
0x1f3: {  	v3 =	vmax.f32 v9, v3;
	(xrf1) =	vsort.ascd.msk.f32 $0xffff, v8, v8  }
0x1f4: {  	v6, _, _ =	vpop (xrf1);
	(xrf1) =	vsort.ascd.msk.f32 $0xffff, v3, v3  }
0x1f5: {  	v3 =	vperm.xlane v7, v0;
	(xrf1) =	vsort.ascd.msk.f32 $0xffff, v4, v4;
	v4, _, _ =	vpop (xrf1)  }
0x1f6: {  	v2 =	vmax.f32 v6, v2;
	v4 =	vmax.f32 v4, v5;
	v5, _, _ =	vpop (xrf1)  }
0x1f7: {  	(xrf1) =	vsort.ascd.msk.f32 $0xffff, v2, v2;
	v2 =	vmax.f32 v5, v3  }
0x1f8: {  	v1 =	vperm.xlane v1, v0  }
0x1f9: {  	(xrf1) =	vsort.ascd.msk.f32 $0xffff, v4, v4;
	v3, _, _ =	vpop (xrf1)  }
0x1fa: {  	(xrf1) =	vsort.ascd.msk.f32 $0xffff, v2, v2;
	v1 =	vmax.f32 v3, v1;
	v2, _, _ =	vpop (xrf1)  }
0x1fb: {  	v3, _, _ =	vpop (xrf1)  }
0x1fc: {  	v4, _, _ =	vpop (xrf1)  }
0x1fd: {  	(xrf1) =	vsort.ascd.msk.f32 $0xffff, v1, v1;
	v1, _, _ =	vpop (xrf1)  }
0x1fe: {  	v5, _, _ =	vpop (xrf1)  }
0x1ff: {  	v6, _, _ =	vpop (xrf1)  }
0x200: {  	v4 =	vperm.xlane v4, v0;
	v7, _, _ =	vpop (xrf1)  }
0x201: {  	v7 =	vperm.xlane v7, v0  }
0x202: {  	v8, _, _ =	vpop (xrf1)  }
0x203: {  	v9, _, _ =	vpop (xrf1)  }
0x204: {  	v3 =	vmax.f32 v3, v4;
	v9 =	vperm.xlane v9, v0;
	v4, _, _ =	vpop (xrf1)  }
0x205: {  	v8 =	vperm.xlane v8, v0;
	v5 =	vmax.f32 v5, v7;
	v7, _, _ =	vpop (xrf1)  }
0x206: {  	(xrf1) =	vsort.ascd.msk.f32 $0xffff, v3, v3;
	v3 =	vperm.xlane v4, v0;
	v4 =	vmax.f32 v7, v9;
	v7, _, _ =	vpop (xrf1)  }
0x207: {  	(xrf1) =	vsort.ascd.msk.f32 $0xffff, v5, v5;
	v5 =	vmax.f32 v7, v8;
	_ =	sdelay $0x1  }
0x208: {  	v1 =	vperm.xlane v1, v0;
	v7, _, _ =	vpop (xrf1);
	(xrf1) =	vsort.ascd.msk.f32 $0xffff, v4, v4  }
0x209: {  	v4 =	vperm.xlane v6, v0;
	v3 =	vmax.f32 v7, v3;
	(xrf1) =	vsort.ascd.msk.f32 $0xffff, v5, v5;
	v5, _, _ =	vpop (xrf1)  }
0x20a: {  	(xrf1) =	vsort.ascd.msk.f32 $0xffff, v3, v3;
	v1 =	vmax.f32 v5, v1;
	v5, _, _ =	vpop (xrf1)  }
0x20b: {  	v3 =	vmax.f32 v5, v4;
	(xrf1) =	vsort.ascd.msk.f32 $0xffff, v1, v1  }
0x20c: {  	(xrf1) =	vsort.ascd.msk.f32 $0xffff, v3, v3  }
0x20d: {  	v2 =	vperm.xlane v2, v0  }
0x20e: {  	v1, _, _ =	vpop (xrf1)  }
0x20f: {  	v1 =	vmax.f32 v1, v2  }
0x210: {  	(xrf1) =	vsort.ascd.msk.f32 $0xffff, v1, v1;
	_ =	sdelay $0x3  }
0x211: {  	v1, _, _ =	vpop (xrf1)  }
0x212: {  	v2, _, _ =	vpop (xrf1)  }
0x213: {  	v3, _, _ =	vpop (xrf1)  }
0x214: {  	v3 =	vperm.xlane v3, v0;
	v4, _, _ =	vpop (xrf1)  }
0x215: {  	v2 =	vperm.xlane v2, v0;
	v5, _, _ =	vpop (xrf1)  }
0x216: {  	v4 =	vperm.xlane v4, v0;
	v3 =	vmax.f32 v5, v3;
	v5, _, _ =	vpop (xrf1)  }
0x217: {  	(xrf1) =	vsort.ascd.msk.f32 $0xffff, v3, v3;
	v2 =	vmax.f32 v5, v2;
	v5, _, _ =	vpop (xrf1)  }
0x218: {  	v3 =	vmax.f32 v5, v4;
	(xrf1) =	vsort.ascd.msk.f32 $0xffff, v2, v2  }
0x219: {  	(xrf1) =	vsort.ascd.msk.f32 $0xffff, v3, v3  }
0x21a: {  	v1 =	vperm.xlane v1, v0  }
0x21b: {  	v2, _, _ =	vpop (xrf1)  }
0x21c: {  	v1 =	vmax.f32 v2, v1  }
0x21d: {  	(xrf1) =	vsort.ascd.msk.f32 $0xffff, v1, v1;
	_ =	sdelay $0x7  }
0x21e: {  	v1, _, _ =	vpop (xrf1)  }
0x21f: {  	v1 =	vperm.xlane v1, v0;
	v2, _, _ =	vpop (xrf1)  }
0x220: {  	v3, _, _ =	vpop (xrf1)  }
0x221: {  	v1 =	vmax.f32 v3, v1;
	_ =	sdelay $0x1  }
0x222: {  	v2 =	vperm.xlane v2, v0  }
0x223: {  	(xrf1) =	vsort.ascd.msk.f32 $0xffff, v1, v1;
	v1, _, _ =	vpop (xrf1)  }
0x224: {  	v1 =	vmax.f32 v1, v2  }
0x225: {  	(xrf1) =	vsort.ascd.msk.f32 $0xffff, v1, v1;
	_ =	sdelay $0xb  }
0x226: {  	v1, _, _ =	vpop (xrf1)  }
0x227: {  	v1 =	vperm.xlane v1, v0  }
0x228: {  	v2, _, _ =	vpop (xrf1)  }
0x229: {  	v1 =	vmax.f32 v2, v1  }
0x22a: {  	(xrf1) =	vsort.ascd.msk.f32 $0xffff, v1, v1;
	_ =	sdelay $0xd  }
0x22b: {  	s19 =	sadd.s32 $0x10, s19;
	s21 =	sshll.u32 s17, $0x7;
	v1, _, _ =	vpop (xrf1)  }
0x22c: {  	s22 =	sadd.s32 s21, s6;
	[tilespmem:s19+$0x0] =	vst v1  }
0x22d: {  	[hbm4b:s22+s2] =	stream.linear.scatter [tilespmem:s12], [sflag:$0x3], $0x200, $0x38;
	[tilespmem:$0x10200] =	vst v63  }
0x22e: {  	_ =	swait.ge [sflag:s13], $0x200  }
0x22f: {  	[sflag:s13] =	ssyncset.done $0x0  }
0x230: {  	p0 =	seq.s32 s17, $0x7;
	[sflag:s13] =	ssyncadd.s32 $0xFFFFFE00  }
0x231: {  	s23 =	simm.s32 $0x0;
	s18 =	sadd.s32 @!p0 s18, s7;
	_ =	swait.ge [sflag:s14], $0x8000  }
0x232: {  	s24 =	sand.u32 $0x7, s23;
	s18 =	sshll.u32 @!p0 s18, $0x7;
	[sflag:s14] =	ssyncset.done $0x0  }
0x233: {  	s18 =	sadd.s32 @!p0 s3, s18;
	s19 =	simm.s32 @!p0 $0x0;
	[sflag:s14] =	ssyncadd.s32 $0xFFFF8000  }
0x234: {  	[tilespmem:s19], [sflag:$0x1] =	stream.linear.gather @!p0 [hbm4b:s18+s19], $0x8000, $0x38;
	[tilespmem:$0x10200] =	vst v63  }
0x235: {  	s18 =	sshll.u32 s24, $0x7  }
0x236: {  	s18 =	sadd.s32 $0x0, s18  }
0x237: {  	s25 =	sor.u32 $0x1C50, s18  }
0x238: {  	s26 =	sor.u32 $0x1C10, s18;
	v1 =	vld [tilespmem:s25+$0x8000]  }
0x239: {  	s28 =	sor.u32 $0x1C40, s18;
	v2 =	vld [tilespmem:s26+$0x8000]  }
0x23a: {  	s29 =	sor.u32 $0x1C00, s18;
	v3 =	vld [tilespmem:s28+$0x8000]  }
0x23b: {  	v4 =	vld [tilespmem:s29+$0x8000];
	_ =	sdelay $0x1  }
0x23c: {  	(xrf1) =	vsort.ascd.msk.f32 $0xffff, v1, v1  }
0x23d: {  	(xrf1) =	vsort.ascd.msk.f32 $0xffff, v2, v2  }
0x23e: {  	(xrf1) =	vsort.ascd.msk.f32 $0xffff, v3, v3  }
0x23f: {  	(xrf1) =	vsort.ascd.msk.f32 $0xffff, v4, v4  }
0x240: {  	s30 =	simm.s32 $0x0  }
0x241: {  	s20 =	sand.u32 $0x6000, s30;
	s19 =	sand.u32 $0x380, s23  }
0x242: {  	s19 =	sor.u32 s19, s20  }
0x243: {  	v1 =	vld [tilespmem:s19+$0x9810];
	_ =	sdelay $0x2  }
0x244: {  	v2 =	vld [tilespmem:s19+$0x9800]  }
0x245: {  	v3 =	vld [tilespmem:s19+$0x9000]  }
0x246: {  	v4 =	vld [tilespmem:s19+$0x8000];
	(xrf1) =	vsort.ascd.msk.f32 $0xffff, v1, v1;
	_ =	sdelay $0x1  }
0x247: {  	s31 =	sor.u32 $0x1C20, s18;
	v1, _, _ =	vpop (xrf1)  }
0x248: {  	v5 =	vld [tilespmem:s31+$0x8000];
	(xrf1) =	vsort.ascd.msk.f32 $0xffff, v2, v2;
	v1 =	vperm.xlane v1, v0;
	v2, _, _ =	vpop (xrf1)  }
0x249: {  	v6 =	vld [tilespmem:s19+$0x9820];
	(xrf1) =	vsort.ascd.msk.f32 $0xffff, v3, v3;
	v2 =	vperm.xlane v2, v0;
	v3, _, _ =	vpop (xrf1)  }
0x24a: {  	v7 =	vld [tilespmem:s19+$0x9840];
	s21 =	sor.u32 $0x1C30, s18;
	(xrf1) =	vsort.ascd.msk.f32 $0xffff, v4, v4;
	v1 =	vmax.f32 v3, v1;
	v3, _, _ =	vpop (xrf1)  }
0x24b: {  	v2 =	vmax.f32 v3, v2;
	v3 =	vld [tilespmem:s21+$0x8000];
	(xrf1) =	vsort.ascd.msk.f32 $0xffff, v1, v1  }
0x24c: {  	v1 =	vld [tilespmem:s19+$0x9830];
	(xrf1) =	vsort.ascd.msk.f32 $0xffff, v2, v2  }
0x24d: {  	v2 =	vld [tilespmem:s19+$0x9850];
	(xrf1) =	vsort.ascd.msk.f32 $0xffff, v5, v5  }
0x24e: {  	v4 =	vld [tilespmem:s19+$0x9020];
	(xrf1) =	vsort.ascd.msk.f32 $0xffff, v6, v6  }
0x24f: {  	v5 =	vld [tilespmem:s19+$0x9030];
	(xrf1) =	vsort.ascd.msk.f32 $0xffff, v7, v7  }
0x250: {  	v6 =	vld [tilespmem:s19+$0x9050];
	(xrf1) =	vsort.ascd.msk.f32 $0xffff, v3, v3  }
0x251: {  	v3 =	vld [tilespmem:s19+$0x9040];
	(xrf1) =	vsort.ascd.msk.f32 $0xffff, v1, v1  }
0x252: {  	v1 =	vld [tilespmem:s19+$0x9410];
	(xrf1) =	vsort.ascd.msk.f32 $0xffff, v2, v2  }
0x253: {  	(xrf1) =	vsort.ascd.msk.f32 $0xffff, v4, v4;
	v4, _, _ =	vpop (xrf1)  }
0x254: {  	v2 =	vld [tilespmem:s19+$0x9400];
	(xrf1) =	vsort.ascd.msk.f32 $0xffff, v5, v5;
	v4 =	vperm.xlane v4, v0  }
0x255: {  	v5 =	vld [tilespmem:s19+$0x8030];
	(xrf1) =	vsort.ascd.msk.f32 $0xffff, v6, v6  }
0x256: {  	v6 =	vld [tilespmem:s19+$0x8050];
	(xrf1) =	vsort.ascd.msk.f32 $0xffff, v3, v3;
	v3, _, _ =	vpop (xrf1)  }
0x257: {  	v7 =	vld [tilespmem:s19+$0x8020];
	v8 =	vmax.f32 v3, v4;
	v3, _, _ =	vpop (xrf1);
	(xrf1) =	vsort.ascd.msk.f32 $0xffff, v1, v1  }
0x258: {  	v9 =	vld [tilespmem:s19+$0x8040];
	v4, _, _ =	vpop (xrf1);
	(xrf1) =	vsort.ascd.msk.f32 $0xffff, v8, v8  }
0x259: {  	v8 =	vld [tilespmem:s19+$0x9010];
	(xrf1) =	vsort.ascd.msk.f32 $0xffff, v2, v2;
	v1, _, _ =	vpop (xrf1)  }
0x25a: {  	v10 =	vld [tilespmem:s19+$0x8010];
	(xrf1) =	vsort.ascd.msk.f32 $0xffff, v5, v5;
	v2, _, _ =	vpop (xrf1)  }
0x25b: {  	(xrf1) =	vsort.ascd.msk.f32 $0xffff, v6, v6;
	v6, _, _ =	vpop (xrf1)  }
0x25c: {  	(xrf1) =	vsort.ascd.msk.f32 $0xffff, v7, v7;
	v7, _, _ =	vpop (xrf1)  }
0x25d: {  	v5 =	vld [tilespmem:s19+$0x8400];
	(xrf1) =	vsort.ascd.msk.f32 $0xffff, v9, v9;
	v9, _, _ =	vpop (xrf1)  }
0x25e: {  	(xrf1) =	vsort.ascd.msk.f32 $0xffff, v8, v8;
	v8, _, _ =	vpop (xrf1)  }
0x25f: {  	v11 =	vld [tilespmem:s19+$0x8800];
	v8 =	vperm.xlane v8, v0;
	(xrf1) =	vsort.ascd.msk.f32 $0xffff, v10, v10;
	v10, _, _ =	vpop (xrf1)  }
0x260: {  	v10 =	vperm.xlane v10, v0;
	_ =	sdelay $0x1  }
0x261: {  	(xrf1) =	vsort.ascd.msk.f32 $0xffff, v5, v5;
	v5, _, _ =	vpop (xrf1)  }
0x262: {  	v5 =	vperm.xlane v5, v0;
	v6 =	vmax.f32 v6, v8;
	v8, _, _ =	vpop (xrf1)  }
0x263: {  	v12 =	vld [tilespmem:s19+$0x9860];
	(xrf1) =	vsort.ascd.msk.f32 $0xffff, v11, v11;
	v7 =	vmax.f32 v7, v10;
	v10, _, _ =	vpop (xrf1)  }
0x264: {  	v5 =	vmax.f32 v9, v5;
	(xrf1) =	vsort.ascd.msk.f32 $0xffff, v6, v6;
	v6 =	vperm.xlane v10, v0;
	v9, _, _ =	vpop (xrf1)  }
0x265: {  	(xrf1) =	vsort.ascd.msk.f32 $0xffff, v7, v7;
	v7 =	vperm.xlane v9, v0;
	v9, _, _ =	vpop (xrf1)  }
0x266: {  	v10 =	vld [tilespmem:s19+$0x9060];
	(xrf1) =	vsort.ascd.msk.f32 $0xffff, v5, v5;
	v5 =	vmax.f32 v8, v6;
	v8, _, _ =	vpop (xrf1)  }
0x267: {  	v7 =	vmax.f32 v9, v7;
	v8 =	vperm.xlane v8, v0  }
0x268: {  	v6 =	vld [tilespmem:s19+$0x9420];
	(xrf1) =	vsort.ascd.msk.f32 $0xffff, v12, v12  }
0x269: {  	v9 =	vld [tilespmem:s19+$0x9440];
	(xrf1) =	vsort.ascd.msk.f32 $0xffff, v5, v5;
	v5, _, _ =	vpop (xrf1)  }
0x26a: {  	(xrf1) =	vsort.ascd.msk.f32 $0xffff, v7, v7;
	v7, _, _ =	vpop (xrf1)  }
0x26b: {  	v7 =	vmax.f32 v7, v8;
	v8, _, _ =	vpop (xrf1);
	(xrf1) =	vsort.ascd.msk.f32 $0xffff, v10, v10  }
0x26c: {  	v10 =	vld [tilespmem:s19+$0x8060];
	v8 =	vperm.xlane v8, v0;
	v11, _, _ =	vpop (xrf1);
	(xrf1) =	vsort.ascd.msk.f32 $0xffff, v7, v7  }
0x26d: {  	v13 =	vld [tilespmem:s19+$0x8410];
	v7 =	vperm.xlane v11, v0;
	v11, _, _ =	vpop (xrf1);
	(xrf1) =	vsort.ascd.msk.f32 $0xffff, v6, v6  }
0x26e: {  	v6 =	vmax.f32 v11, v8;
	v8 =	vld [tilespmem:s19+$0x8420];
	v11, _, _ =	vpop (xrf1);
	(xrf1) =	vsort.ascd.msk.f32 $0xffff, v9, v9  }
0x26f: {  	v9 =	vld [tilespmem:s19+$0x8440];
	v7 =	vmax.f32 v11, v7;
	(xrf1) =	vsort.ascd.msk.f32 $0xffff, v6, v6;
	v12, _, _ =	vpop (xrf1)  }
0x270: {  	v6 =	vld [tilespmem:s19+$0x8810];
	v11, _, _ =	vpop (xrf1);
	(xrf1) =	vsort.ascd.msk.f32 $0xffff, v7, v7  }
0x271: {  	v7 =	vld [tilespmem:s19+$0x8820];
	(xrf1) =	vsort.ascd.msk.f32 $0xffff, v10, v10;
	v17, _, _ =	vpop (xrf1)  }
0x272: {  	v10 =	vld [tilespmem:s19+$0x9870];
	(xrf1) =	vsort.ascd.msk.f32 $0xffff, v13, v13;
	v15, _, _ =	vpop (xrf1)  }
0x273: {  	v16 =	vld [tilespmem:s19+$0x9070];
	(xrf1) =	vsort.ascd.msk.f32 $0xffff, v8, v8;
	v13, _, _ =	vpop (xrf1)  }
0x274: {  	v18 =	vld [tilespmem:s19+$0x9430];
	(xrf1) =	vsort.ascd.msk.f32 $0xffff, v9, v9;
	v14, _, _ =	vpop (xrf1)  }
0x275: {  	v19 =	vld [tilespmem:s19+$0x9450];
	(xrf1) =	vsort.ascd.msk.f32 $0xffff, v6, v6;
	v8, _, _ =	vpop (xrf1)  }
0x276: {  	v20 =	vld [tilespmem:s19+$0x9460];
	(xrf1) =	vsort.ascd.msk.f32 $0xffff, v7, v7;
	v21, _, _ =	vpop (xrf1)  }
0x277: {  	v7 =	vld [tilespmem:s19+$0x8070];
	v6, _, _ =	vpop (xrf1);
	(xrf1) =	vsort.ascd.msk.f32 $0xffff, v10, v10  }
0x278: {  	v22 =	vld [tilespmem:s19+$0x8430];
	v9, _, _ =	vpop (xrf1);
	(xrf1) =	vsort.ascd.msk.f32 $0xffff, v16, v16  }
0x279: {  	v23 =	vld [tilespmem:s19+$0x8450];
	v24, _, _ =	vpop (xrf1);
	(xrf1) =	vsort.ascd.msk.f32 $0xffff, v18, v18  }
0x27a: {  	v18 =	vld [tilespmem:s19+$0x8460];
	v10, _, _ =	vpop (xrf1);
	(xrf1) =	vsort.ascd.msk.f32 $0xffff, v19, v19  }
0x27b: {  	v19 =	vld [tilespmem:s19+$0x8830];
	v25, _, _ =	vpop (xrf1);
	(xrf1) =	vsort.ascd.msk.f32 $0xffff, v20, v20  }
0x27c: {  	v20 =	vld [tilespmem:s19+$0x8850];
	(xrf1) =	vsort.ascd.msk.f32 $0xffff, v7, v7;
	v26, _, _ =	vpop (xrf1)  }
0x27d: {  	v27 =	vld [tilespmem:s19+$0x8860];
	v7, _, _ =	vpop (xrf1);
	(xrf1) =	vsort.ascd.msk.f32 $0xffff, v22, v22  }
0x27e: {  	v22 =	vld [tilespmem:s19+$0x8C10];
	v16, _, _ =	vpop (xrf1);
	(xrf1) =	vsort.ascd.msk.f32 $0xffff, v23, v23  }
0x27f: {  	v23 =	vld [tilespmem:s19+$0x9470];
	v28, _, _ =	vpop (xrf1);
	(xrf1) =	vsort.ascd.msk.f32 $0xffff, v18, v18  }
0x280: {  	v18 =	vld [tilespmem:s19+$0x8470];
	v29, _, _ =	vpop (xrf1);
	(xrf1) =	vsort.ascd.msk.f32 $0xffff, v19, v19  }
0x281: {  	v19 =	vld [tilespmem:s19+$0x8870];
	v30, _, _ =	vpop (xrf1);
	(xrf1) =	vsort.ascd.msk.f32 $0xffff, v20, v20  }
0x282: {  	v20 =	vld [tilespmem:s19+$0x8C30];
	v31, _, _ =	vpop (xrf1);
	(xrf1) =	vsort.ascd.msk.f32 $0xffff, v27, v27  }
0x283: {  	v27 =	vld [tilespmem:s19+$0x8C70];
	v55, _, _ =	vpop (xrf1);
	(xrf1) =	vsort.ascd.msk.f32 $0xffff, v22, v22  }
0x284: {  	v22 =	vld [tilespmem:s19+$0x8C50];
	v56, _, _ =	vpop (xrf1);
	(xrf1) =	vsort.ascd.msk.f32 $0xffff, v23, v23  }
0x285: {  	v23 =	vld [tilespmem:s19+$0x8C60];
	(xrf1) =	vsort.ascd.msk.f32 $0xffff, v18, v18  }
0x286: {  	v57 =	vld [tilespmem:s19+$0x8C20];
	v18, _, _ =	vpop (xrf1);
	(xrf1) =	vsort.ascd.msk.f32 $0xffff, v19, v19  }
0x287: {  	v58 =	vld [tilespmem:s19+$0x8C40];
	v19, _, _ =	vpop (xrf1);
	(xrf1) =	vsort.ascd.msk.f32 $0xffff, v20, v20  }
0x288: {  	v59 =	vld [tilespmem:s19+$0x8840];
	v20, _, _ =	vpop (xrf1);
	(xrf1) =	vsort.ascd.msk.f32 $0xffff, v27, v27  }
0x289: {  	v60 =	vld [tilespmem:s19+$0x8C00];
	v27, _, _ =	vpop (xrf1);
	(xrf1) =	vsort.ascd.msk.f32 $0xffff, v22, v22  }
0x28a: {  	v22, _, _ =	vpop (xrf1);
	(xrf1) =	vsort.ascd.msk.f32 $0xffff, v23, v23  }
0x28b: {  	v18 =	vperm.xlane v18, v0;
	v61, _, _ =	vpop (xrf1);
	(xrf1) =	vsort.ascd.msk.f32 $0xffff, v57, v57  }
0x28c: {  	v19 =	vperm.xlane v19, v0;
	v23, _, _ =	vpop (xrf1);
	(xrf1) =	vsort.ascd.msk.f32 $0xffff, v58, v58  }
0x28d: {  	v20 =	vperm.xlane v20, v0;
	v18 =	vmax.f32 v21, v18;
	v62, _, _ =	vpop (xrf1);
	(xrf1) =	vsort.ascd.msk.f32 $0xffff, v59, v59  }
0x28e: {  	v19 =	vmax.f32 v24, v19;
	v24 =	vperm.xlane v27, v0;
	v63, _, _ =	vpop (xrf1);
	(xrf1) =	vsort.ascd.msk.f32 $0xffff, v60, v60  }
0x28f: {  	v20 =	vmax.f32 v25, v20;
	v21, _, _ =	vpop (xrf1);
	(xrf1) =	vsort.ascd.msk.f32 $0xffff, v18, v18;
	v18 =	vperm.xlane v61, v0  }
0x290: {  	v27, _, _ =	vpop (xrf1);
	(xrf1) =	vsort.ascd.msk.f32 $0xffff, v19, v19;
	v19 =	vperm.xlane v23, v0;
	v23 =	vmax.f32 v26, v24  }
0x291: {  	v25, _, _ =	vpop (xrf1);
	(xrf1) =	vsort.ascd.msk.f32 $0xffff, v20, v20;
	v18 =	vmax.f32 v28, v18;
	v20 =	vperm.xlane v62, v0  }
0x292: {  	v21 =	vperm.xlane v21, v0;
	v24, _, _ =	vpop (xrf1);
	v19 =	vmax.f32 v30, v19  }
0x293: {  	(xrf1) =	vsort.ascd.msk.f32 $0xffff, v23, v23;
	v23, _, _ =	vpop (xrf1);
	v20 =	vmax.f32 v31, v20  }
0x294: {  	v21 =	vmax.f32 v56, v21;
	(xrf1) =	vsort.ascd.msk.f32 $0xffff, v18, v18;
	v18, _, _ =	vpop (xrf1);
	v23 =	vperm.xlane v23, v0  }
0x295: {  	(xrf1) =	vsort.ascd.msk.f32 $0xffff, v19, v19;
	v19, _, _ =	vpop (xrf1);
	v18 =	vperm.xlane v18, v0  }
0x296: {  	(xrf1) =	vsort.ascd.msk.f32 $0xffff, v20, v20;
	v20, _, _ =	vpop (xrf1);
	v19 =	vperm.xlane v19, v0  }
0x297: {  	(xrf1) =	vsort.ascd.msk.f32 $0xffff, v21, v21;
	v21, _, _ =	vpop (xrf1);
	v18 =	vmax.f32 v63, v18  }
0x298: {  	v22 =	vmax.f32 v22, v23;
	v20 =	vperm.xlane v20, v0;
	v23, _, _ =	vpop (xrf1);
	v19 =	vmax.f32 v25, v19  }
0x299: {  	(xrf1) =	vsort.ascd.msk.f32 $0xffff, v22, v22;
	v22 =	vperm.xlane v23, v0  }
0x29a: {  	v21 =	vperm.xlane v21, v0;
	(xrf1) =	vsort.ascd.msk.f32 $0xffff, v18, v18;
	v18, _, _ =	vpop (xrf1)  }
0x29b: {  	(xrf1) =	vsort.ascd.msk.f32 $0xffff, v19, v19;
	v19, _, _ =	vpop (xrf1)  }
0x29c: {  	v18 =	vmax.f32 v18, v21;
	v21 =	vperm.xlane v27, v0;
	v19 =	vmax.f32 v19, v20;
	v20, _, _ =	vpop (xrf1)  }
0x29d: {  	(xrf1) =	vsort.ascd.msk.f32 $0xffff, v18, v18;
	v18 =	vperm.xlane v24, v0;
	v20 =	vmax.f32 v20, v22;
	v22, _, _ =	vpop (xrf1)  }
0x29e: {  	(xrf1) =	vsort.ascd.msk.f32 $0xffff, v19, v19;
	v19 =	vperm.xlane v29, v0;
	v21 =	vmax.f32 v22, v21;
	v22, _, _ =	vpop (xrf1)  }
0x29f: {  	v12 =	vperm.xlane v12, v0;
	v18 =	vmax.f32 v22, v18  }
0x2a0: {  	s18 =	sor.u32 $0x1C58, s18;
	v11 =	vperm.xlane v11, v0;
	(xrf1) =	vsort.ascd.msk.f32 $0xffff, v20, v20;
	v17 =	vmax.f32 v17, v19  }
0x2a1: {  	v20 =	vperm.xlane v55, v0;
	v22 =	vld [tilespmem:s18+$0x8000];
	(xrf1) =	vsort.ascd.msk.f32 $0xffff, v21, v21;
	v21, _, _ =	vpop (xrf1)  }
0x2a2: {  	v4 =	vmax.f32 v4, v11;
	(xrf1) =	vsort.ascd.msk.f32 $0xffff, v18, v18;
	v18, _, _ =	vpop (xrf1)  }
0x2a3: {  	v11 =	vperm.xlane v13, v0;
	v15 =	vmax.f32 v15, v20;
	(xrf1) =	vsort.ascd.msk.f32 $0xffff, v17, v17;
	v17, _, _ =	vpop (xrf1)  }
0x2a4: {  	v3 =	vmax.f32 v3, v12;
	(xrf1) =	vsort.ascd.msk.f32 $0xffff, v15, v15;
	v12, _, _ =	vpop (xrf1)  }
0x2a5: {  	(xrf1) =	vsort.ascd.msk.f32 $0xffff, v3, v3;
	v13, _, _ =	vpop (xrf1)  }
0x2a6: {  	v15 =	vperm.xlane v21, v0;
	v3 =	vperm.xlane v14, v0;
	v14 =	vsel vm0, $0xFF800000, v22;
	(xrf1) =	vsort.ascd.msk.f32 $0xffff, v4, v4;
	v4, _, _ =	vpop (xrf1)  }
0x2a7: {  	v2 =	vmax.f32 v2, v11;
	v11, _, _ =	vpop (xrf1);
	(xrf1) =	vsort.ascd.msk.f32 $0xffff, v14, v14  }
0x2a8: {  	v3 =	vmax.f32 v5, v3;
	v14 =	vperm.xlane v18, v0;
	v5, _, _ =	vpop (xrf1);
	(xrf1) =	vsort.ascd.msk.f32 $0xffff, v2, v2  }
0x2a9: {  	(xrf1) =	vsort.ascd.msk.f32 $0xffff, v3, v3;
	v3 =	vperm.xlane v13, v0  }
0x2aa: {  	v8 =	vmax.f32 v8, v15;
	v2 =	vperm.xlane v17, v0;
	v15, _, _ =	vpop (xrf1);
	v9 =	vmax.f32 v9, v14  }
0x2ab: {  	v13, _, _ =	vpop (xrf1);
	(xrf1) =	vsort.ascd.msk.f32 $0xffff, v8, v8;
	v8 =	vperm.xlane v15, v0;
	v3 =	vmax.f32 v16, v3  }
0x2ac: {  	v2 =	vmax.f32 v10, v2;
	v10, _, _ =	vpop (xrf1);
	(xrf1) =	vsort.ascd.msk.f32 $0xffff, v9, v9;
	v9 =	vperm.xlane v13, v0  }
0x2ad: {  	v13, _, _ =	vpop (xrf1);
	(xrf1) =	vsort.ascd.msk.f32 $0xffff, v2, v2;
	v8 =	vmax.f32 v12, v8  }
0x2ae: {  	(xrf1) =	vsort.ascd.msk.f32 $0xffff, v3, v3;
	v9 =	vmax.f32 v11, v9;
	v3, _, _ =	vpop (xrf1)  }
0x2af: {  	v2 =	vperm.xlane v13, v0;
	v11, _, _ =	vpop (xrf1)  }
0x2b0: {  	v4 =	vperm.xlane v4, v0;
	(xrf1) =	vsort.ascd.msk.f32 $0xffff, v8, v8;
	v8, _, _ =	vpop (xrf1)  }
0x2b1: {  	v10 =	vperm.xlane v10, v0;
	(xrf1) =	vsort.ascd.msk.f32 $0xffff, v9, v9;
	v2 =	vmax.f32 v11, v2;
	v9, _, _ =	vpop (xrf1)  }
0x2b2: {  	v3 =	vperm.xlane v3, v0;
	(xrf1) =	vsort.ascd.msk.f32 $0xffff, v2, v2;
	v2 =	vperm.xlane v5, v0;
	v5, _, _ =	vpop (xrf1)  }
0x2b3: {  	v8 =	vmax.f32 v8, v10;
	v4 =	vmax.f32 v5, v4;
	v5 =	vperm.xlane v6, v0  }
0x2b4: {  	v3 =	vmax.f32 v9, v3;
	(xrf1) =	vsort.ascd.msk.f32 $0xffff, v8, v8  }
0x2b5: {  	v6, _, _ =	vpop (xrf1);
	(xrf1) =	vsort.ascd.msk.f32 $0xffff, v3, v3  }
0x2b6: {  	v3 =	vperm.xlane v7, v0;
	(xrf1) =	vsort.ascd.msk.f32 $0xffff, v4, v4;
	v4, _, _ =	vpop (xrf1)  }
0x2b7: {  	v2 =	vmax.f32 v6, v2;
	v4 =	vmax.f32 v4, v5;
	v5, _, _ =	vpop (xrf1)  }
0x2b8: {  	(xrf1) =	vsort.ascd.msk.f32 $0xffff, v2, v2;
	v2 =	vmax.f32 v5, v3  }
0x2b9: {  	v1 =	vperm.xlane v1, v0  }
0x2ba: {  	(xrf1) =	vsort.ascd.msk.f32 $0xffff, v4, v4;
	v3, _, _ =	vpop (xrf1)  }
0x2bb: {  	(xrf1) =	vsort.ascd.msk.f32 $0xffff, v2, v2;
	v1 =	vmax.f32 v3, v1;
	v2, _, _ =	vpop (xrf1)  }
0x2bc: {  	v3, _, _ =	vpop (xrf1)  }
0x2bd: {  	v4, _, _ =	vpop (xrf1)  }
0x2be: {  	(xrf1) =	vsort.ascd.msk.f32 $0xffff, v1, v1;
	v1, _, _ =	vpop (xrf1)  }
0x2bf: {  	v5, _, _ =	vpop (xrf1)  }
0x2c0: {  	v6, _, _ =	vpop (xrf1)  }
0x2c1: {  	v4 =	vperm.xlane v4, v0;
	v7, _, _ =	vpop (xrf1)  }
0x2c2: {  	v7 =	vperm.xlane v7, v0  }
0x2c3: {  	v8, _, _ =	vpop (xrf1)  }
0x2c4: {  	v9, _, _ =	vpop (xrf1)  }
0x2c5: {  	v3 =	vmax.f32 v3, v4;
	v9 =	vperm.xlane v9, v0;
	v4, _, _ =	vpop (xrf1)  }
0x2c6: {  	v8 =	vperm.xlane v8, v0;
	v5 =	vmax.f32 v5, v7;
	v7, _, _ =	vpop (xrf1)  }
0x2c7: {  	(xrf1) =	vsort.ascd.msk.f32 $0xffff, v3, v3;
	v3 =	vperm.xlane v4, v0;
	v4 =	vmax.f32 v7, v9;
	v7, _, _ =	vpop (xrf1)  }
0x2c8: {  	(xrf1) =	vsort.ascd.msk.f32 $0xffff, v5, v5;
	v5 =	vmax.f32 v7, v8;
	_ =	sdelay $0x1  }
0x2c9: {  	v1 =	vperm.xlane v1, v0;
	v7, _, _ =	vpop (xrf1);
	(xrf1) =	vsort.ascd.msk.f32 $0xffff, v4, v4  }
0x2ca: {  	v4 =	vperm.xlane v6, v0;
	v3 =	vmax.f32 v7, v3;
	(xrf1) =	vsort.ascd.msk.f32 $0xffff, v5, v5;
	v5, _, _ =	vpop (xrf1)  }
0x2cb: {  	(xrf1) =	vsort.ascd.msk.f32 $0xffff, v3, v3;
	v1 =	vmax.f32 v5, v1;
	v5, _, _ =	vpop (xrf1)  }
0x2cc: {  	v3 =	vmax.f32 v5, v4;
	(xrf1) =	vsort.ascd.msk.f32 $0xffff, v1, v1  }
0x2cd: {  	(xrf1) =	vsort.ascd.msk.f32 $0xffff, v3, v3  }
0x2ce: {  	v2 =	vperm.xlane v2, v0  }
0x2cf: {  	v1, _, _ =	vpop (xrf1)  }
0x2d0: {  	v1 =	vmax.f32 v1, v2  }
0x2d1: {  	(xrf1) =	vsort.ascd.msk.f32 $0xffff, v1, v1;
	_ =	sdelay $0x3  }
0x2d2: {  	v1, _, _ =	vpop (xrf1)  }
0x2d3: {  	v2, _, _ =	vpop (xrf1)  }
0x2d4: {  	v3, _, _ =	vpop (xrf1)  }
0x2d5: {  	v3 =	vperm.xlane v3, v0;
	v4, _, _ =	vpop (xrf1)  }
0x2d6: {  	v2 =	vperm.xlane v2, v0;
	v5, _, _ =	vpop (xrf1)  }
0x2d7: {  	v4 =	vperm.xlane v4, v0;
	v3 =	vmax.f32 v5, v3;
	v5, _, _ =	vpop (xrf1)  }
0x2d8: {  	(xrf1) =	vsort.ascd.msk.f32 $0xffff, v3, v3;
	v2 =	vmax.f32 v5, v2;
	v5, _, _ =	vpop (xrf1)  }
0x2d9: {  	v3 =	vmax.f32 v5, v4;
	(xrf1) =	vsort.ascd.msk.f32 $0xffff, v2, v2  }
0x2da: {  	(xrf1) =	vsort.ascd.msk.f32 $0xffff, v3, v3  }
0x2db: {  	v1 =	vperm.xlane v1, v0  }
0x2dc: {  	v2, _, _ =	vpop (xrf1)  }
0x2dd: {  	v1 =	vmax.f32 v2, v1  }
0x2de: {  	(xrf1) =	vsort.ascd.msk.f32 $0xffff, v1, v1;
	_ =	sdelay $0x7  }
0x2df: {  	v1, _, _ =	vpop (xrf1)  }
0x2e0: {  	v1 =	vperm.xlane v1, v0;
	v2, _, _ =	vpop (xrf1)  }
0x2e1: {  	v3, _, _ =	vpop (xrf1)  }
0x2e2: {  	v1 =	vmax.f32 v3, v1;
	_ =	sdelay $0x1  }
0x2e3: {  	v2 =	vperm.xlane v2, v0  }
0x2e4: {  	(xrf1) =	vsort.ascd.msk.f32 $0xffff, v1, v1;
	v1, _, _ =	vpop (xrf1)  }
0x2e5: {  	v1 =	vmax.f32 v1, v2  }
0x2e6: {  	(xrf1) =	vsort.ascd.msk.f32 $0xffff, v1, v1;
	_ =	sdelay $0xb  }
0x2e7: {  	v1, _, _ =	vpop (xrf1)  }
0x2e8: {  	v1 =	vperm.xlane v1, v0  }
0x2e9: {  	v2, _, _ =	vpop (xrf1)  }
0x2ea: {  	v1 =	vmax.f32 v2, v1  }
0x2eb: {  	(xrf1) =	vsort.ascd.msk.f32 $0xffff, v1, v1;
	_ =	sdelay $0xa  }
0x2ec: {  	s19 =	simm.s32 $0x1  }
0x2ed: {  	s22 =	sand.u32 $0x7, s19  }
0x2ee: {  	s23 =	sshll.u32 s22, $0x7  }
0x2ef: {  	s20 =	sadd.s32 $0x400, s23;
	s18 =	simm.s32 $0x10000;
	v1, _, _ =	vpop (xrf1)  }
0x2f0: {  	s24 =	sor.u32 $0x1C50, s20;
	[tilespmem:s18+$0x0] =	vst v1  }
0x2f1: {  	s22 =	sor.u32 $0x1C10, s20;
	v1 =	vld [tilespmem:s24+$0x8000]  }
0x2f2: {  	s25 =	sor.u32 $0x1C40, s20;
	v2 =	vld [tilespmem:s22+$0x8000]  }
0x2f3: {  	s26 =	sor.u32 $0x1C00, s20;
	v3 =	vld [tilespmem:s25+$0x8000]  }
0x2f4: {  	v4 =	vld [tilespmem:s26+$0x8000];
	_ =	sdelay $0x1  }
0x2f5: {  	(xrf1) =	vsort.ascd.msk.f32 $0xffff, v1, v1  }
0x2f6: {  	(xrf1) =	vsort.ascd.msk.f32 $0xffff, v2, v2  }
0x2f7: {  	(xrf1) =	vsort.ascd.msk.f32 $0xffff, v3, v3  }
0x2f8: {  	(xrf1) =	vsort.ascd.msk.f32 $0xffff, v4, v4  }
0x2f9: {  	s28 =	simm.s32 $0x80;
	s29 =	simm.s32 $0x400  }
0x2fa: {  	s21 =	sand.u32 $0x380, s28;
	s22 =	sand.u32 $0x6000, s29  }
0x2fb: {  	s24 =	sor.u32 s21, s22  }
0x2fc: {  	v1 =	vld [tilespmem:s24+$0x9810];
	_ =	sdelay $0x2  }
0x2fd: {  	v2 =	vld [tilespmem:s24+$0x9800]  }
0x2fe: {  	v3 =	vld [tilespmem:s24+$0x9000]  }
0x2ff: {  	v4 =	vld [tilespmem:s24+$0x8000];
	(xrf1) =	vsort.ascd.msk.f32 $0xffff, v1, v1;
	_ =	sdelay $0x1  }
0x300: {  	s30 =	sor.u32 $0x1C20, s20;
	v1, _, _ =	vpop (xrf1)  }
0x301: {  	v5 =	vld [tilespmem:s30+$0x8000];
	(xrf1) =	vsort.ascd.msk.f32 $0xffff, v2, v2;
	v1 =	vperm.xlane v1, v0;
	v2, _, _ =	vpop (xrf1)  }
0x302: {  	v6 =	vld [tilespmem:s24+$0x9820];
	(xrf1) =	vsort.ascd.msk.f32 $0xffff, v3, v3;
	v2 =	vperm.xlane v2, v0;
	v3, _, _ =	vpop (xrf1)  }
0x303: {  	s31 =	sor.u32 $0x1C30, s20;
	v7 =	vld [tilespmem:s24+$0x9840];
	(xrf1) =	vsort.ascd.msk.f32 $0xffff, v4, v4;
	v1 =	vmax.f32 v3, v1;
	v3, _, _ =	vpop (xrf1)  }
0x304: {  	v2 =	vmax.f32 v3, v2;
	v3 =	vld [tilespmem:s31+$0x8000];
	(xrf1) =	vsort.ascd.msk.f32 $0xffff, v1, v1  }
0x305: {  	v1 =	vld [tilespmem:s24+$0x9830];
	(xrf1) =	vsort.ascd.msk.f32 $0xffff, v2, v2  }
0x306: {  	v2 =	vld [tilespmem:s24+$0x9850];
	(xrf1) =	vsort.ascd.msk.f32 $0xffff, v5, v5  }
0x307: {  	v4 =	vld [tilespmem:s24+$0x9020];
	(xrf1) =	vsort.ascd.msk.f32 $0xffff, v6, v6  }
0x308: {  	v5 =	vld [tilespmem:s24+$0x9030];
	(xrf1) =	vsort.ascd.msk.f32 $0xffff, v7, v7  }
0x309: {  	v6 =	vld [tilespmem:s24+$0x9050];
	(xrf1) =	vsort.ascd.msk.f32 $0xffff, v3, v3  }
0x30a: {  	v3 =	vld [tilespmem:s24+$0x9040];
	(xrf1) =	vsort.ascd.msk.f32 $0xffff, v1, v1  }
0x30b: {  	v1 =	vld [tilespmem:s24+$0x9410];
	(xrf1) =	vsort.ascd.msk.f32 $0xffff, v2, v2  }
0x30c: {  	(xrf1) =	vsort.ascd.msk.f32 $0xffff, v4, v4;
	v4, _, _ =	vpop (xrf1)  }
0x30d: {  	v2 =	vld [tilespmem:s24+$0x9400];
	(xrf1) =	vsort.ascd.msk.f32 $0xffff, v5, v5;
	v4 =	vperm.xlane v4, v0  }
0x30e: {  	v5 =	vld [tilespmem:s24+$0x8030];
	(xrf1) =	vsort.ascd.msk.f32 $0xffff, v6, v6  }
0x30f: {  	v6 =	vld [tilespmem:s24+$0x8050];
	(xrf1) =	vsort.ascd.msk.f32 $0xffff, v3, v3;
	v3, _, _ =	vpop (xrf1)  }
0x310: {  	v7 =	vld [tilespmem:s24+$0x8020];
	v8 =	vmax.f32 v3, v4;
	v3, _, _ =	vpop (xrf1);
	(xrf1) =	vsort.ascd.msk.f32 $0xffff, v1, v1  }
0x311: {  	v9 =	vld [tilespmem:s24+$0x8040];
	v4, _, _ =	vpop (xrf1);
	(xrf1) =	vsort.ascd.msk.f32 $0xffff, v8, v8  }
0x312: {  	v8 =	vld [tilespmem:s24+$0x9010];
	(xrf1) =	vsort.ascd.msk.f32 $0xffff, v2, v2;
	v1, _, _ =	vpop (xrf1)  }
0x313: {  	v10 =	vld [tilespmem:s24+$0x8010];
	(xrf1) =	vsort.ascd.msk.f32 $0xffff, v5, v5;
	v2, _, _ =	vpop (xrf1)  }
0x314: {  	(xrf1) =	vsort.ascd.msk.f32 $0xffff, v6, v6;
	v6, _, _ =	vpop (xrf1)  }
0x315: {  	(xrf1) =	vsort.ascd.msk.f32 $0xffff, v7, v7;
	v7, _, _ =	vpop (xrf1)  }
0x316: {  	v5 =	vld [tilespmem:s24+$0x8400];
	(xrf1) =	vsort.ascd.msk.f32 $0xffff, v9, v9;
	v9, _, _ =	vpop (xrf1)  }
0x317: {  	(xrf1) =	vsort.ascd.msk.f32 $0xffff, v8, v8;
	v8, _, _ =	vpop (xrf1)  }
0x318: {  	v11 =	vld [tilespmem:s24+$0x8800];
	v8 =	vperm.xlane v8, v0;
	(xrf1) =	vsort.ascd.msk.f32 $0xffff, v10, v10;
	v10, _, _ =	vpop (xrf1)  }
0x319: {  	v10 =	vperm.xlane v10, v0;
	_ =	sdelay $0x1  }
0x31a: {  	(xrf1) =	vsort.ascd.msk.f32 $0xffff, v5, v5;
	v5, _, _ =	vpop (xrf1)  }
0x31b: {  	v5 =	vperm.xlane v5, v0;
	v6 =	vmax.f32 v6, v8;
	v8, _, _ =	vpop (xrf1)  }
0x31c: {  	v12 =	vld [tilespmem:s24+$0x9860];
	(xrf1) =	vsort.ascd.msk.f32 $0xffff, v11, v11;
	v7 =	vmax.f32 v7, v10;
	v10, _, _ =	vpop (xrf1)  }
0x31d: {  	(xrf1) =	vsort.ascd.msk.f32 $0xffff, v6, v6;
	v5 =	vmax.f32 v9, v5;
	v6 =	vperm.xlane v10, v0;
	v9, _, _ =	vpop (xrf1)  }
0x31e: {  	(xrf1) =	vsort.ascd.msk.f32 $0xffff, v7, v7;
	v7 =	vperm.xlane v9, v0;
	v9, _, _ =	vpop (xrf1)  }
0x31f: {  	v10 =	vld [tilespmem:s24+$0x9060];
	(xrf1) =	vsort.ascd.msk.f32 $0xffff, v5, v5;
	v5 =	vmax.f32 v8, v6;
	v8, _, _ =	vpop (xrf1)  }
0x320: {  	v7 =	vmax.f32 v9, v7;
	v8 =	vperm.xlane v8, v0  }
0x321: {  	v6 =	vld [tilespmem:s24+$0x9420];
	(xrf1) =	vsort.ascd.msk.f32 $0xffff, v12, v12  }
0x322: {  	v9 =	vld [tilespmem:s24+$0x9440];
	(xrf1) =	vsort.ascd.msk.f32 $0xffff, v5, v5;
	v5, _, _ =	vpop (xrf1)  }
0x323: {  	(xrf1) =	vsort.ascd.msk.f32 $0xffff, v7, v7;
	v7, _, _ =	vpop (xrf1)  }
0x324: {  	(xrf1) =	vsort.ascd.msk.f32 $0xffff, v10, v10;
	v7 =	vmax.f32 v7, v8;
	v8, _, _ =	vpop (xrf1)  }
0x325: {  	v11 =	vld [tilespmem:s24+$0x8060];
	v8 =	vperm.xlane v8, v0;
	v10, _, _ =	vpop (xrf1);
	(xrf1) =	vsort.ascd.msk.f32 $0xffff, v7, v7  }
0x326: {  	v13 =	vld [tilespmem:s24+$0x8410];
	v7 =	vperm.xlane v10, v0;
	v10, _, _ =	vpop (xrf1);
	(xrf1) =	vsort.ascd.msk.f32 $0xffff, v6, v6  }
0x327: {  	v6 =	vmax.f32 v10, v8;
	v8 =	vld [tilespmem:s24+$0x8420];
	v10, _, _ =	vpop (xrf1);
	(xrf1) =	vsort.ascd.msk.f32 $0xffff, v9, v9  }
0x328: {  	v9 =	vld [tilespmem:s24+$0x8440];
	v7 =	vmax.f32 v10, v7;
	(xrf1) =	vsort.ascd.msk.f32 $0xffff, v6, v6;
	v12, _, _ =	vpop (xrf1)  }
0x329: {  	v6 =	vld [tilespmem:s24+$0x8810];
	v10, _, _ =	vpop (xrf1);
	(xrf1) =	vsort.ascd.msk.f32 $0xffff, v7, v7  }
0x32a: {  	v7 =	vld [tilespmem:s24+$0x8820];
	(xrf1) =	vsort.ascd.msk.f32 $0xffff, v11, v11;
	v16, _, _ =	vpop (xrf1)  }
0x32b: {  	v11 =	vld [tilespmem:s24+$0x9870];
	(xrf1) =	vsort.ascd.msk.f32 $0xffff, v13, v13;
	v15, _, _ =	vpop (xrf1)  }
0x32c: {  	v17 =	vld [tilespmem:s24+$0x9070];
	(xrf1) =	vsort.ascd.msk.f32 $0xffff, v8, v8;
	v13, _, _ =	vpop (xrf1)  }
0x32d: {  	v18 =	vld [tilespmem:s24+$0x9430];
	(xrf1) =	vsort.ascd.msk.f32 $0xffff, v9, v9;
	v14, _, _ =	vpop (xrf1)  }
0x32e: {  	v21 =	vld [tilespmem:s24+$0x9450];
	(xrf1) =	vsort.ascd.msk.f32 $0xffff, v6, v6;
	v8, _, _ =	vpop (xrf1)  }
0x32f: {  	v22 =	vld [tilespmem:s24+$0x9460];
	(xrf1) =	vsort.ascd.msk.f32 $0xffff, v7, v7;
	v19, _, _ =	vpop (xrf1)  }
0x330: {  	v7 =	vld [tilespmem:s24+$0x8070];
	v6, _, _ =	vpop (xrf1);
	(xrf1) =	vsort.ascd.msk.f32 $0xffff, v11, v11  }
0x331: {  	v23 =	vld [tilespmem:s24+$0x8430];
	v9, _, _ =	vpop (xrf1);
	(xrf1) =	vsort.ascd.msk.f32 $0xffff, v17, v17  }
0x332: {  	v27 =	vld [tilespmem:s24+$0x8450];
	v20, _, _ =	vpop (xrf1);
	(xrf1) =	vsort.ascd.msk.f32 $0xffff, v18, v18  }
0x333: {  	v18 =	vld [tilespmem:s24+$0x8460];
	v11, _, _ =	vpop (xrf1);
	(xrf1) =	vsort.ascd.msk.f32 $0xffff, v21, v21  }
0x334: {  	v29 =	vld [tilespmem:s24+$0x8830];
	v21, _, _ =	vpop (xrf1);
	(xrf1) =	vsort.ascd.msk.f32 $0xffff, v22, v22  }
0x335: {  	v24 =	vld [tilespmem:s24+$0x8850];
	(xrf1) =	vsort.ascd.msk.f32 $0xffff, v7, v7;
	v22, _, _ =	vpop (xrf1)  }
0x336: {  	v25 =	vld [tilespmem:s24+$0x8860];
	v7, _, _ =	vpop (xrf1);
	(xrf1) =	vsort.ascd.msk.f32 $0xffff, v23, v23  }
0x337: {  	v26 =	vld [tilespmem:s24+$0x8C10];
	v17, _, _ =	vpop (xrf1);
	(xrf1) =	vsort.ascd.msk.f32 $0xffff, v27, v27  }
0x338: {  	s17 =	sadd.s32 $0x1, s17;
	v27 =	vld [tilespmem:s24+$0x9470];
	v23, _, _ =	vpop (xrf1);
	(xrf1) =	vsort.ascd.msk.f32 $0xffff, v18, v18  }
0x339: {  	s23 =	simm.s32 $0x100;
	s21 =	simm.s32 $0x400;
	s22 =	simm.s32 $0xFFFF8400;
	v28 =	vld [tilespmem:s24+$0x8470];
	v18, _, _ =	vpop (xrf1);
	(xrf1) =	vsort.ascd.msk.f32 $0xffff, v29, v29  }
.LBB2_5:
0x33a: {  	p0 =	sne.s32 s23, $0xF80;
	v29 =	vld [tilespmem:s24+$0x8870];
	v30, _, _ =	vpop (xrf1);
	(xrf1) =	vsort.ascd.msk.f32 $0xffff, v24, v24  }
0x33b: {  	v24 =	vld [tilespmem:s24+$0x8C30];
	v31, _, _ =	vpop (xrf1);
	(xrf1) =	vsort.ascd.msk.f32 $0xffff, v25, v25  }
0x33c: {  	v25 =	vld [tilespmem:s24+$0x8C70];
	v32, _, _ =	vpop (xrf1);
	(xrf1) =	vsort.ascd.msk.f32 $0xffff, v26, v26  }
0x33d: {  	v26 =	vld [tilespmem:s24+$0x8C50];
	v33, _, _ =	vpop (xrf1);
	(xrf1) =	vsort.ascd.msk.f32 $0xffff, v27, v27  }
0x33e: {  	v27 =	vld [tilespmem:s24+$0x8C60];
	(xrf1) =	vsort.ascd.msk.f32 $0xffff, v28, v28;
	v28, _, _ =	vpop (xrf1)  }
0x33f: {  	v34 =	vld [tilespmem:s24+$0x8C20];
	(xrf1) =	vsort.ascd.msk.f32 $0xffff, v29, v29;
	v29, _, _ =	vpop (xrf1)  }
0x340: {  	v35 =	vld [tilespmem:s24+$0x8C40];
	(xrf1) =	vsort.ascd.msk.f32 $0xffff, v24, v24;
	v24, _, _ =	vpop (xrf1)  }
0x341: {  	v36 =	vld [tilespmem:s24+$0x8840];
	(xrf1) =	vsort.ascd.msk.f32 $0xffff, v25, v25;
	v25, _, _ =	vpop (xrf1)  }
0x342: {  	v37 =	vld [tilespmem:s24+$0x8C00];
	(xrf1) =	vsort.ascd.msk.f32 $0xffff, v26, v26;
	v26, _, _ =	vpop (xrf1)  }
0x343: {  	v38, _, _ =	vpop (xrf1);
	(xrf1) =	vsort.ascd.msk.f32 $0xffff, v27, v27  }
0x344: {  	v27, _, _ =	vpop (xrf1);
	(xrf1) =	vsort.ascd.msk.f32 $0xffff, v34, v34  }
0x345: {  	v39 =	vperm.xlane v28, v0;
	v34, _, _ =	vpop (xrf1);
	(xrf1) =	vsort.ascd.msk.f32 $0xffff, v35, v35  }
0x346: {  	v40 =	vperm.xlane v29, v0;
	v35, _, _ =	vpop (xrf1);
	(xrf1) =	vsort.ascd.msk.f32 $0xffff, v36, v36  }
0x347: {  	v19 =	vmax.f32 v19, v39;
	v36 =	vperm.xlane v24, v0;
	v28, _, _ =	vpop (xrf1);
	(xrf1) =	vsort.ascd.msk.f32 $0xffff, v37, v37  }
0x348: {  	v20 =	vmax.f32 v20, v40;
	v37 =	vperm.xlane v25, v0;
	v29, _, _ =	vpop (xrf1);
	(xrf1) =	vsort.ascd.msk.f32 $0xffff, v19, v19  }
0x349: {  	v38 =	vperm.xlane v38, v0;
	v21 =	vmax.f32 v21, v36;
	v24, _, _ =	vpop (xrf1);
	(xrf1) =	vsort.ascd.msk.f32 $0xffff, v20, v20  }
0x34a: {  	v39 =	vperm.xlane v27, v0;
	v27 =	vmax.f32 v22, v37;
	v25, _, _ =	vpop (xrf1);
	(xrf1) =	vsort.ascd.msk.f32 $0xffff, v21, v21  }
0x34b: {  	v34 =	vperm.xlane v34, v0;
	v36 =	vmax.f32 v23, v38;
	(xrf1) =	vsort.ascd.msk.f32 $0xffff, v27, v27;
	v22, _, _ =	vpop (xrf1)  }
0x34c: {  	v27 =	vmax.f32 v30, v39;
	v30 =	vperm.xlane v28, v0;
	(xrf1) =	vsort.ascd.msk.f32 $0xffff, v36, v36;
	v19, _, _ =	vpop (xrf1)  }
0x34d: {  	v28 =	vmax.f32 v31, v34;
	v22 =	vperm.xlane v22, v0;
	(xrf1) =	vsort.ascd.msk.f32 $0xffff, v27, v27;
	v20, _, _ =	vpop (xrf1)  }
0x34e: {  	v31 =	vperm.xlane v19, v0;
	v27 =	vmax.f32 v33, v30;
	(xrf1) =	vsort.ascd.msk.f32 $0xffff, v28, v28;
	v21, _, _ =	vpop (xrf1)  }
0x34f: {  	v30 =	vperm.xlane v20, v0;
	v22 =	vmax.f32 v26, v22;
	(xrf1) =	vsort.ascd.msk.f32 $0xffff, v27, v27;
	v23, _, _ =	vpop (xrf1)  }
0x350: {  	v27 =	vmax.f32 v35, v31;
	v23 =	vperm.xlane v23, v0;
	v26, _, _ =	vpop (xrf1);
	(xrf1) =	vsort.ascd.msk.f32 $0xffff, v22, v22  }
0x351: {  	v28 =	vperm.xlane v21, v0;
	v24 =	vmax.f32 v24, v30;
	(xrf1) =	vsort.ascd.msk.f32 $0xffff, v27, v27;
	v19, _, _ =	vpop (xrf1)  }
0x352: {  	v26 =	vperm.xlane v26, v0;
	v19 =	vmax.f32 v19, v23;
	(xrf1) =	vsort.ascd.msk.f32 $0xffff, v24, v24;
	v20, _, _ =	vpop (xrf1)  }
0x353: {  	v23 =	vperm.xlane v29, v0;
	v20 =	vmax.f32 v20, v28;
	v21, _, _ =	vpop (xrf1);
	(xrf1) =	vsort.ascd.msk.f32 $0xffff, v19, v19  }
0x354: {  	v19 =	vperm.xlane v25, v0;
	v21 =	vmax.f32 v21, v26;
	v22, _, _ =	vpop (xrf1);
	(xrf1) =	vsort.ascd.msk.f32 $0xffff, v20, v20  }
0x355: {  	s20 =	sor.u32 $0x1C58, s20;
	v24 =	vperm.xlane v18, v0;
	v23 =	vmax.f32 v22, v23;
	v22, _, _ =	vpop (xrf1);
	(xrf1) =	vsort.ascd.msk.f32 $0xffff, v21, v21  }
0x356: {  	v21 =	vperm.xlane v32, v0;
	v19 =	vmax.f32 v22, v19;
	v22 =	vld [tilespmem:s20+$0x8000];
	(xrf1) =	vsort.ascd.msk.f32 $0xffff, v23, v23;
	v20, _, _ =	vpop (xrf1)  }
0x357: {  	v23 =	vmax.f32 v16, v24;
	v24 =	vperm.xlane v12, v0;
	(xrf1) =	vsort.ascd.msk.f32 $0xffff, v19, v19;
	v18, _, _ =	vpop (xrf1)  }
0x358: {  	v10 =	vperm.xlane v10, v0;
	v15 =	vmax.f32 v15, v21;
	(xrf1) =	vsort.ascd.msk.f32 $0xffff, v23, v23;
	v16, _, _ =	vpop (xrf1)  }
0x359: {  	v3 =	vmax.f32 v3, v24;
	(xrf1) =	vsort.ascd.msk.f32 $0xffff, v15, v15;
	v12, _, _ =	vpop (xrf1)  }
0x35a: {  	v19 =	vperm.xlane v13, v0;
	v15 =	vmax.f32 v4, v10;
	v13, _, _ =	vpop (xrf1);
	(xrf1) =	vsort.ascd.msk.f32 $0xffff, v3, v3  }
0x35b: {  	v3 =	vperm.xlane v14, v0;
	v14 =	vsel vm0, $0xFF800000, v22;
	(xrf1) =	vsort.ascd.msk.f32 $0xffff, v15, v15;
	v4, _, _ =	vpop (xrf1)  }
0x35c: {  	v20 =	vperm.xlane v20, v0;
	v2 =	vmax.f32 v2, v19;
	v10, _, _ =	vpop (xrf1);
	(xrf1) =	vsort.ascd.msk.f32 $0xffff, v14, v14  }
0x35d: {  	v14 =	vperm.xlane v18, v0;
	v3 =	vmax.f32 v5, v3;
	v5, _, _ =	vpop (xrf1);
	(xrf1) =	vsort.ascd.msk.f32 $0xffff, v2, v2  }
0x35e: {  	v8 =	vmax.f32 v8, v20;
	v2 =	vperm.xlane v16, v0;
	v15, _, _ =	vpop (xrf1);
	(xrf1) =	vsort.ascd.msk.f32 $0xffff, v3, v3  }
0x35f: {  	v16 =	vperm.xlane v13, v0;
	v9 =	vmax.f32 v9, v14;
	v13, _, _ =	vpop (xrf1);
	(xrf1) =	vsort.ascd.msk.f32 $0xffff, v8, v8  }
0x360: {  	v2 =	vmax.f32 v11, v2;
	v8 =	vperm.xlane v15, v0;
	v11, _, _ =	vpop (xrf1);
	(xrf1) =	vsort.ascd.msk.f32 $0xffff, v9, v9  }
0x361: {  	v14 =	vmax.f32 v17, v16;
	v9 =	vperm.xlane v13, v0;
	v13, _, _ =	vpop (xrf1);
	(xrf1) =	vsort.ascd.msk.f32 $0xffff, v2, v2  }
0x362: {  	v12 =	vmax.f32 v12, v8;
	v2 =	vperm.xlane v13, v0;
	(xrf1) =	vsort.ascd.msk.f32 $0xffff, v14, v14;
	v3, _, _ =	vpop (xrf1)  }
0x363: {  	v13 =	vmax.f32 v10, v9;
	v10 =	vperm.xlane v11, v0;
	v11, _, _ =	vpop (xrf1);
	(xrf1) =	vsort.ascd.msk.f32 $0xffff, v12, v12  }
0x364: {  	v3 =	vperm.xlane v3, v0;
	v2 =	vmax.f32 v11, v2;
	(xrf1) =	vsort.ascd.msk.f32 $0xffff, v13, v13;
	v8, _, _ =	vpop (xrf1)  }
0x365: {  	v11 =	vperm.xlane v4, v0;
	v8 =	vmax.f32 v8, v10;
	v9, _, _ =	vpop (xrf1);
	(xrf1) =	vsort.ascd.msk.f32 $0xffff, v2, v2  }
0x366: {  	v2 =	vperm.xlane v5, v0;
	v3 =	vmax.f32 v9, v3;
	v5, _, _ =	vpop (xrf1);
	(xrf1) =	vsort.ascd.msk.f32 $0xffff, v8, v8  }
0x367: {  	v9 =	vperm.xlane v6, v0;
	v8 =	vmax.f32 v5, v11;
	v6, _, _ =	vpop (xrf1);
	(xrf1) =	vsort.ascd.msk.f32 $0xffff, v3, v3  }
0x368: {  	v7 =	vperm.xlane v7, v0;
	v2 =	vmax.f32 v6, v2;
	(xrf1) =	vsort.ascd.msk.f32 $0xffff, v8, v8;
	v4, _, _ =	vpop (xrf1)  }
0x369: {  	v4 =	vmax.f32 v4, v9;
	v5, _, _ =	vpop (xrf1);
	(xrf1) =	vsort.ascd.msk.f32 $0xffff, v2, v2  }
0x36a: {  	v1 =	vperm.xlane v1, v0;
	v5 =	vmax.f32 v5, v7;
	(xrf1) =	vsort.ascd.msk.f32 $0xffff, v4, v4;
	v3, _, _ =	vpop (xrf1)  }
0x36b: {  	(xrf1) =	vsort.ascd.msk.f32 $0xffff, v5, v5;
	v2, _, _ =	vpop (xrf1)  }
0x36c: {  	v5 =	vmax.f32 v3, v1;
	v3, _, _ =	vpop (xrf1)  }
0x36d: {  	v4, _, _ =	vpop (xrf1);
	(xrf1) =	vsort.ascd.msk.f32 $0xffff, v5, v5  }
0x36e: {  	v1, _, _ =	vpop (xrf1)  }
0x36f: {  	v5, _, _ =	vpop (xrf1)  }
0x370: {  	v6, _, _ =	vpop (xrf1)  }
0x371: {  	v7, _, _ =	vpop (xrf1)  }
0x372: {  	v10 =	vperm.xlane v4, v0;
	v8, _, _ =	vpop (xrf1)  }
0x373: {  	v11 =	vperm.xlane v7, v0;
	v9, _, _ =	vpop (xrf1)  }
0x374: {  	v3 =	vmax.f32 v3, v10;
	v9 =	vperm.xlane v9, v0;
	v4, _, _ =	vpop (xrf1)  }
0x375: {  	v8 =	vperm.xlane v8, v0;
	v5 =	vmax.f32 v5, v11;
	v7, _, _ =	vpop (xrf1);
	(xrf1) =	vsort.ascd.msk.f32 $0xffff, v3, v3  }
0x376: {  	v3 =	vperm.xlane v4, v0;
	v4 =	vmax.f32 v7, v9;
	v7, _, _ =	vpop (xrf1);
	(xrf1) =	vsort.ascd.msk.f32 $0xffff, v5, v5  }
0x377: {  	v1 =	vperm.xlane v1, v0;
	v8 =	vmax.f32 v7, v8;
	v7, _, _ =	vpop (xrf1);
	(xrf1) =	vsort.ascd.msk.f32 $0xffff, v4, v4  }
0x378: {  	v4 =	vperm.xlane v6, v0;
	v3 =	vmax.f32 v7, v3;
	(xrf1) =	vsort.ascd.msk.f32 $0xffff, v8, v8;
	v5, _, _ =	vpop (xrf1)  }
0x379: {  	v6 =	vmax.f32 v5, v1;
	v5, _, _ =	vpop (xrf1);
	(xrf1) =	vsort.ascd.msk.f32 $0xffff, v3, v3  }
0x37a: {  	v2 =	vperm.xlane v2, v0;
	v3 =	vmax.f32 v5, v4;
	(xrf1) =	vsort.ascd.msk.f32 $0xffff, v6, v6  }
0x37b: {  	(xrf1) =	vsort.ascd.msk.f32 $0xffff, v3, v3;
	v1, _, _ =	vpop (xrf1)  }
0x37c: {  	v1 =	vmax.f32 v1, v2  }
0x37d: {  	(xrf1) =	vsort.ascd.msk.f32 $0xffff, v1, v1;
	_ =	sdelay $0x5  }
0x37e: {  	v1, _, _ =	vpop (xrf1)  }
0x37f: {  	v2, _, _ =	vpop (xrf1)  }
0x380: {  	v3, _, _ =	vpop (xrf1)  }
0x381: {  	v3 =	vperm.xlane v3, v0;
	v4, _, _ =	vpop (xrf1)  }
0x382: {  	v2 =	vperm.xlane v2, v0;
	v5, _, _ =	vpop (xrf1)  }
0x383: {  	v4 =	vperm.xlane v4, v0;
	v3 =	vmax.f32 v5, v3;
	v5, _, _ =	vpop (xrf1)  }
0x384: {  	v6 =	vmax.f32 v5, v2;
	v5, _, _ =	vpop (xrf1);
	(xrf1) =	vsort.ascd.msk.f32 $0xffff, v3, v3  }
0x385: {  	v1 =	vperm.xlane v1, v0;
	v3 =	vmax.f32 v5, v4;
	(xrf1) =	vsort.ascd.msk.f32 $0xffff, v6, v6  }
0x386: {  	(xrf1) =	vsort.ascd.msk.f32 $0xffff, v3, v3;
	v2, _, _ =	vpop (xrf1)  }
0x387: {  	v1 =	vmax.f32 v2, v1  }
0x388: {  	(xrf1) =	vsort.ascd.msk.f32 $0xffff, v1, v1;
	_ =	sdelay $0x9  }
0x389: {  	v1, _, _ =	vpop (xrf1)  }
0x38a: {  	v4 =	vperm.xlane v1, v0;
	v2, _, _ =	vpop (xrf1)  }
0x38b: {  	v3, _, _ =	vpop (xrf1)  }
0x38c: {  	v2 =	vperm.xlane v2, v0;
	v3 =	vmax.f32 v3, v4  }
0x38d: {  	(xrf1) =	vsort.ascd.msk.f32 $0xffff, v3, v3;
	v1, _, _ =	vpop (xrf1)  }
0x38e: {  	v1 =	vmax.f32 v1, v2  }
0x38f: {  	(xrf1) =	vsort.ascd.msk.f32 $0xffff, v1, v1;
	_ =	sdelay $0xb  }
0x390: {  	v1, _, _ =	vpop (xrf1)  }
0x391: {  	v1 =	vperm.xlane v1, v0  }
0x392: {  	v2, _, _ =	vpop (xrf1)  }
0x393: {  	v1 =	vmax.f32 v2, v1  }
0x394: {  	(xrf1) =	vsort.ascd.msk.f32 $0xffff, v1, v1;
	_ =	sdelay $0xa  }
0x395: {  	s19 =	sadd.s32 $0x1, s19  }
0x396: {  	s20 =	sand.u32 $0x7, s19  }
0x397: {  	s21 =	sadd.s32 $0x400, s21;
	s20 =	sshll.u32 s20, $0x7  }
0x398: {  	s18 =	sadd.s32 $0x10, s18;
	s20 =	sadd.s32 s20, s21;
	v1, _, _ =	vpop (xrf1)  }
0x399: {  	s24 =	sor.u32 $0x1C50, s20;
	[tilespmem:s18+$0x0] =	vst v1  }
0x39a: {  	s25 =	sor.u32 $0x1C10, s20;
	v1 =	vld [tilespmem:s24+$0x8000]  }
0x39b: {  	s24 =	sor.u32 $0x1C40, s20;
	v2 =	vld [tilespmem:s25+$0x8000]  }
0x39c: {  	s25 =	sor.u32 $0x1C00, s20;
	v3 =	vld [tilespmem:s24+$0x8000]  }
0x39d: {  	v4 =	vld [tilespmem:s25+$0x8000];
	_ =	sdelay $0x1  }
0x39e: {  	(xrf1) =	vsort.ascd.msk.f32 $0xffff, v1, v1  }
0x39f: {  	(xrf1) =	vsort.ascd.msk.f32 $0xffff, v2, v2  }
0x3a0: {  	(xrf1) =	vsort.ascd.msk.f32 $0xffff, v3, v3  }
0x3a1: {  	(xrf1) =	vsort.ascd.msk.f32 $0xffff, v4, v4  }
0x3a2: {  	s22 =	sadd.s32 $0x400, s22  }
0x3a3: {  	s24 =	sadd.s32 $0x8000, s22  }
0x3a4: {  	s24 =	sand.u32 $0x6000, s24;
	s25 =	sand.u32 $0x380, s23  }
0x3a5: {  	s24 =	sor.u32 s25, s24  }
0x3a6: {  	v1 =	vld [tilespmem:s24+$0x9810];
	_ =	sdelay $0x1  }
0x3a7: {  	v2 =	vld [tilespmem:s24+$0x9800]  }
0x3a8: {  	v3 =	vld [tilespmem:s24+$0x9000]  }
0x3a9: {  	v4 =	vld [tilespmem:s24+$0x8000]  }
0x3aa: {  	(xrf1) =	vsort.ascd.msk.f32 $0xffff, v1, v1  }
0x3ab: {  	s25 =	sor.u32 $0x1C20, s20;
	v1, _, _ =	vpop (xrf1)  }
0x3ac: {  	v5 =	vld [tilespmem:s25+$0x8000];
	v1 =	vperm.xlane v1, v0;
	(xrf1) =	vsort.ascd.msk.f32 $0xffff, v2, v2;
	v2, _, _ =	vpop (xrf1)  }
0x3ad: {  	v6 =	vld [tilespmem:s24+$0x9820];
	v2 =	vperm.xlane v2, v0;
	(xrf1) =	vsort.ascd.msk.f32 $0xffff, v3, v3;
	v3, _, _ =	vpop (xrf1)  }
0x3ae: {  	s25 =	sor.u32 $0x1C30, s20;
	v7 =	vld [tilespmem:s24+$0x9840];
	v1 =	vmax.f32 v3, v1;
	(xrf1) =	vsort.ascd.msk.f32 $0xffff, v4, v4;
	v3, _, _ =	vpop (xrf1)  }
0x3af: {  	v2 =	vmax.f32 v3, v2;
	v3 =	vld [tilespmem:s25+$0x8000];
	(xrf1) =	vsort.ascd.msk.f32 $0xffff, v1, v1  }
0x3b0: {  	v1 =	vld [tilespmem:s24+$0x9830];
	(xrf1) =	vsort.ascd.msk.f32 $0xffff, v2, v2  }
0x3b1: {  	v2 =	vld [tilespmem:s24+$0x9850];
	(xrf1) =	vsort.ascd.msk.f32 $0xffff, v5, v5  }
0x3b2: {  	v4 =	vld [tilespmem:s24+$0x9020];
	(xrf1) =	vsort.ascd.msk.f32 $0xffff, v6, v6  }
0x3b3: {  	v5 =	vld [tilespmem:s24+$0x9030];
	(xrf1) =	vsort.ascd.msk.f32 $0xffff, v7, v7  }
0x3b4: {  	v6 =	vld [tilespmem:s24+$0x9050];
	(xrf1) =	vsort.ascd.msk.f32 $0xffff, v3, v3  }
0x3b5: {  	v3 =	vld [tilespmem:s24+$0x9040];
	(xrf1) =	vsort.ascd.msk.f32 $0xffff, v1, v1  }
0x3b6: {  	v1 =	vld [tilespmem:s24+$0x9410];
	(xrf1) =	vsort.ascd.msk.f32 $0xffff, v2, v2  }
0x3b7: {  	(xrf1) =	vsort.ascd.msk.f32 $0xffff, v4, v4  }
0x3b8: {  	v2 =	vld [tilespmem:s24+$0x9400];
	(xrf1) =	vsort.ascd.msk.f32 $0xffff, v5, v5;
	v4, _, _ =	vpop (xrf1)  }
0x3b9: {  	v5 =	vld [tilespmem:s24+$0x8030];
	v10 =	vperm.xlane v4, v0;
	(xrf1) =	vsort.ascd.msk.f32 $0xffff, v6, v6  }
0x3ba: {  	v6 =	vld [tilespmem:s24+$0x8050];
	(xrf1) =	vsort.ascd.msk.f32 $0xffff, v3, v3;
	v3, _, _ =	vpop (xrf1)  }
0x3bb: {  	v7 =	vld [tilespmem:s24+$0x8020];
	v8 =	vmax.f32 v3, v10;
	v3, _, _ =	vpop (xrf1);
	(xrf1) =	vsort.ascd.msk.f32 $0xffff, v1, v1  }
0x3bc: {  	v9 =	vld [tilespmem:s24+$0x8040];
	v4, _, _ =	vpop (xrf1);
	(xrf1) =	vsort.ascd.msk.f32 $0xffff, v8, v8  }
0x3bd: {  	v8 =	vld [tilespmem:s24+$0x9010];
	(xrf1) =	vsort.ascd.msk.f32 $0xffff, v2, v2;
	v1, _, _ =	vpop (xrf1)  }
0x3be: {  	v10 =	vld [tilespmem:s24+$0x8010];
	(xrf1) =	vsort.ascd.msk.f32 $0xffff, v5, v5;
	v2, _, _ =	vpop (xrf1)  }
0x3bf: {  	v5 =	vld [tilespmem:s24+$0x8400];
	(xrf1) =	vsort.ascd.msk.f32 $0xffff, v6, v6;
	v6, _, _ =	vpop (xrf1)  }
0x3c0: {  	v11 =	vld [tilespmem:s24+$0x8800];
	(xrf1) =	vsort.ascd.msk.f32 $0xffff, v7, v7;
	v7, _, _ =	vpop (xrf1)  }
0x3c1: {  	(xrf1) =	vsort.ascd.msk.f32 $0xffff, v9, v9;
	v9, _, _ =	vpop (xrf1)  }
0x3c2: {  	(xrf1) =	vsort.ascd.msk.f32 $0xffff, v8, v8;
	v8, _, _ =	vpop (xrf1)  }
0x3c3: {  	v13 =	vperm.xlane v8, v0;
	(xrf1) =	vsort.ascd.msk.f32 $0xffff, v10, v10;
	v10, _, _ =	vpop (xrf1)  }
0x3c4: {  	v14 =	vperm.xlane v10, v0;
	v12 =	vld [tilespmem:s24+$0x9860];
	(xrf1) =	vsort.ascd.msk.f32 $0xffff, v5, v5;
	v5, _, _ =	vpop (xrf1)  }
0x3c5: {  	v5 =	vperm.xlane v5, v0;
	v6 =	vmax.f32 v6, v13;
	(xrf1) =	vsort.ascd.msk.f32 $0xffff, v11, v11;
	v8, _, _ =	vpop (xrf1)  }
0x3c6: {  	v7 =	vmax.f32 v7, v14;
	v10, _, _ =	vpop (xrf1);
	(xrf1) =	vsort.ascd.msk.f32 $0xffff, v6, v6  }
0x3c7: {  	v6 =	vperm.xlane v10, v0;
	v10 =	vld [tilespmem:s24+$0x9060];
	v5 =	vmax.f32 v9, v5;
	v9, _, _ =	vpop (xrf1);
	(xrf1) =	vsort.ascd.msk.f32 $0xffff, v7, v7  }
0x3c8: {  	v14 =	vperm.xlane v9, v0;
	v9, _, _ =	vpop (xrf1);
	(xrf1) =	vsort.ascd.msk.f32 $0xffff, v5, v5  }
0x3c9: {  	v11 =	vmax.f32 v8, v6;
	v6 =	vld [tilespmem:s24+$0x9420];
	v8, _, _ =	vpop (xrf1);
	(xrf1) =	vsort.ascd.msk.f32 $0xffff, v12, v12  }
0x3ca: {  	v12 =	vmax.f32 v9, v14;
	v13 =	vperm.xlane v8, v0;
	v9 =	vld [tilespmem:s24+$0x9440];
	(xrf1) =	vsort.ascd.msk.f32 $0xffff, v11, v11;
	v5, _, _ =	vpop (xrf1)  }
0x3cb: {  	(xrf1) =	vsort.ascd.msk.f32 $0xffff, v12, v12;
	v7, _, _ =	vpop (xrf1)  }
0x3cc: {  	v7 =	vmax.f32 v7, v13;
	v8, _, _ =	vpop (xrf1);
	(xrf1) =	vsort.ascd.msk.f32 $0xffff, v10, v10  }
0x3cd: {  	v8 =	vperm.xlane v8, v0;
	v11 =	vld [tilespmem:s24+$0x8060];
	v10, _, _ =	vpop (xrf1);
	(xrf1) =	vsort.ascd.msk.f32 $0xffff, v7, v7  }
0x3ce: {  	v7 =	vperm.xlane v10, v0;
	v13 =	vld [tilespmem:s24+$0x8410];
	v10, _, _ =	vpop (xrf1);
	(xrf1) =	vsort.ascd.msk.f32 $0xffff, v6, v6  }
0x3cf: {  	v6 =	vmax.f32 v10, v8;
	v8 =	vld [tilespmem:s24+$0x8420];
	v10, _, _ =	vpop (xrf1);
	(xrf1) =	vsort.ascd.msk.f32 $0xffff, v9, v9  }
0x3d0: {  	v7 =	vmax.f32 v10, v7;
	v9 =	vld [tilespmem:s24+$0x8440];
	(xrf1) =	vsort.ascd.msk.f32 $0xffff, v6, v6;
	v12, _, _ =	vpop (xrf1)  }
0x3d1: {  	v6 =	vld [tilespmem:s24+$0x8810];
	v10, _, _ =	vpop (xrf1);
	(xrf1) =	vsort.ascd.msk.f32 $0xffff, v7, v7  }
0x3d2: {  	v7 =	vld [tilespmem:s24+$0x8820];
	(xrf1) =	vsort.ascd.msk.f32 $0xffff, v11, v11;
	v16, _, _ =	vpop (xrf1)  }
0x3d3: {  	v11 =	vld [tilespmem:s24+$0x9870];
	(xrf1) =	vsort.ascd.msk.f32 $0xffff, v13, v13;
	v15, _, _ =	vpop (xrf1)  }
0x3d4: {  	v17 =	vld [tilespmem:s24+$0x9070];
	(xrf1) =	vsort.ascd.msk.f32 $0xffff, v8, v8;
	v13, _, _ =	vpop (xrf1)  }
0x3d5: {  	v18 =	vld [tilespmem:s24+$0x9430];
	(xrf1) =	vsort.ascd.msk.f32 $0xffff, v9, v9;
	v14, _, _ =	vpop (xrf1)  }
0x3d6: {  	v21 =	vld [tilespmem:s24+$0x9450];
	(xrf1) =	vsort.ascd.msk.f32 $0xffff, v6, v6;
	v8, _, _ =	vpop (xrf1)  }
0x3d7: {  	v22 =	vld [tilespmem:s24+$0x9460];
	(xrf1) =	vsort.ascd.msk.f32 $0xffff, v7, v7;
	v19, _, _ =	vpop (xrf1)  }
0x3d8: {  	v7 =	vld [tilespmem:s24+$0x8070];
	v6, _, _ =	vpop (xrf1);
	(xrf1) =	vsort.ascd.msk.f32 $0xffff, v11, v11  }
0x3d9: {  	v23 =	vld [tilespmem:s24+$0x8430];
	v9, _, _ =	vpop (xrf1);
	(xrf1) =	vsort.ascd.msk.f32 $0xffff, v17, v17  }
0x3da: {  	v27 =	vld [tilespmem:s24+$0x8450];
	v20, _, _ =	vpop (xrf1);
	(xrf1) =	vsort.ascd.msk.f32 $0xffff, v18, v18  }
0x3db: {  	v18 =	vld [tilespmem:s24+$0x8460];
	v11, _, _ =	vpop (xrf1);
	(xrf1) =	vsort.ascd.msk.f32 $0xffff, v21, v21  }
0x3dc: {  	v29 =	vld [tilespmem:s24+$0x8830];
	v21, _, _ =	vpop (xrf1);
	(xrf1) =	vsort.ascd.msk.f32 $0xffff, v22, v22  }
.Ltmp1:
0x3dd: {  	v24 =	vld [tilespmem:s24+$0x8850];
	(xrf1) =	vsort.ascd.msk.f32 $0xffff, v7, v7;
	v22, _, _ =	vpop (xrf1);
	(pc) =	sbr.rel @p0 .LBB2_5-.Ltmp1, $4  }
0x3de: {  	v25 =	vld [tilespmem:s24+$0x8860];
	v7, _, _ =	vpop (xrf1);
	(xrf1) =	vsort.ascd.msk.f32 $0xffff, v23, v23  }
0x3df: {  	v26 =	vld [tilespmem:s24+$0x8C10];
	v17, _, _ =	vpop (xrf1);
	(xrf1) =	vsort.ascd.msk.f32 $0xffff, v27, v27  }
0x3e0: {  	v27 =	vld [tilespmem:s24+$0x9470];
	v23, _, _ =	vpop (xrf1);
	(xrf1) =	vsort.ascd.msk.f32 $0xffff, v18, v18  }
0x3e1: {  	s23 =	sadd.s32 $0x80, s23;
	v28 =	vld [tilespmem:s24+$0x8470];
	v18, _, _ =	vpop (xrf1);
	(xrf1) =	vsort.ascd.msk.f32 $0xffff, v29, v29  }
0x3e2: {  	v29 =	vld [tilespmem:s24+$0x8870];
	v30, _, _ =	vpop (xrf1);
	(xrf1) =	vsort.ascd.msk.f32 $0xffff, v24, v24  }
0x3e3: {  	v52 =	vld [tilespmem:s24+$0x8C30];
	v31, _, _ =	vpop (xrf1);
	(xrf1) =	vsort.ascd.msk.f32 $0xffff, v25, v25  }
0x3e4: {  	v53 =	vld [tilespmem:s24+$0x8C70];
	v32, _, _ =	vpop (xrf1);
	(xrf1) =	vsort.ascd.msk.f32 $0xffff, v26, v26  }
0x3e5: {  	v54 =	vld [tilespmem:s24+$0x8C50];
	v33, _, _ =	vpop (xrf1);
	(xrf1) =	vsort.ascd.msk.f32 $0xffff, v27, v27  }
0x3e6: {  	v55 =	vld [tilespmem:s24+$0x8C60];
	(xrf1) =	vsort.ascd.msk.f32 $0xffff, v28, v28;
	v56, _, _ =	vpop (xrf1)  }
0x3e7: {  	v34 =	vld [tilespmem:s24+$0x8C20];
	(xrf1) =	vsort.ascd.msk.f32 $0xffff, v29, v29;
	v57, _, _ =	vpop (xrf1)  }
0x3e8: {  	v35 =	vld [tilespmem:s24+$0x8C40];
	(xrf1) =	vsort.ascd.msk.f32 $0xffff, v52, v52;
	v58, _, _ =	vpop (xrf1)  }
0x3e9: {  	v36 =	vld [tilespmem:s24+$0x8840];
	(xrf1) =	vsort.ascd.msk.f32 $0xffff, v53, v53;
	v59, _, _ =	vpop (xrf1)  }
0x3ea: {  	v37 =	vld [tilespmem:s24+$0x8C00];
	(xrf1) =	vsort.ascd.msk.f32 $0xffff, v54, v54;
	v60, _, _ =	vpop (xrf1)  }
0x3eb: {  	v38, _, _ =	vpop (xrf1);
	(xrf1) =	vsort.ascd.msk.f32 $0xffff, v55, v55  }
0x3ec: {  	v61, _, _ =	vpop (xrf1);
	(xrf1) =	vsort.ascd.msk.f32 $0xffff, v34, v34  }
0x3ed: {  	v28 =	vperm.xlane v56, v0;
	v62, _, _ =	vpop (xrf1);
	(xrf1) =	vsort.ascd.msk.f32 $0xffff, v35, v35  }
0x3ee: {  	v29 =	vperm.xlane v57, v0;
	v63, _, _ =	vpop (xrf1);
	(xrf1) =	vsort.ascd.msk.f32 $0xffff, v36, v36  }
0x3ef: {  	v24 =	vperm.xlane v58, v0;
	v19 =	vmax.f32 v19, v28;
	v36, _, _ =	vpop (xrf1);
	(xrf1) =	vsort.ascd.msk.f32 $0xffff, v37, v37  }
0x3f0: {  	v20 =	vmax.f32 v20, v29;
	v25 =	vperm.xlane v59, v0;
	v37, _, _ =	vpop (xrf1);
	(xrf1) =	vsort.ascd.msk.f32 $0xffff, v19, v19  }
0x3f1: {  	v21 =	vmax.f32 v21, v24;
	v38 =	vperm.xlane v38, v0;
	v39, _, _ =	vpop (xrf1);
	(xrf1) =	vsort.ascd.msk.f32 $0xffff, v20, v20  }
0x3f2: {  	v22 =	vmax.f32 v22, v25;
	v40 =	vperm.xlane v61, v0;
	v41, _, _ =	vpop (xrf1);
	(xrf1) =	vsort.ascd.msk.f32 $0xffff, v21, v21  }
0x3f3: {  	v42 =	vperm.xlane v62, v0;
	v19 =	vmax.f32 v23, v38;
	(xrf1) =	vsort.ascd.msk.f32 $0xffff, v22, v22;
	v43, _, _ =	vpop (xrf1)  }
0x3f4: {  	v44 =	vperm.xlane v36, v0;
	v20 =	vmax.f32 v30, v40;
	(xrf1) =	vsort.ascd.msk.f32 $0xffff, v19, v19;
	v45, _, _ =	vpop (xrf1)  }
0x3f5: {  	v21 =	vmax.f32 v31, v42;
	v22 =	vperm.xlane v43, v0;
	(xrf1) =	vsort.ascd.msk.f32 $0xffff, v20, v20;
	v46, _, _ =	vpop (xrf1)  }
0x3f6: {  	v23 =	vmax.f32 v33, v44;
	v19 =	vperm.xlane v45, v0;
	(xrf1) =	vsort.ascd.msk.f32 $0xffff, v21, v21;
	v47, _, _ =	vpop (xrf1)  }
0x3f7: {  	v20 =	vperm.xlane v46, v0;
	v22 =	vmax.f32 v60, v22;
	(xrf1) =	vsort.ascd.msk.f32 $0xffff, v23, v23;
	v48, _, _ =	vpop (xrf1)  }
0x3f8: {  	v19 =	vmax.f32 v63, v19;
	v23 =	vperm.xlane v48, v0;
	v49, _, _ =	vpop (xrf1);
	(xrf1) =	vsort.ascd.msk.f32 $0xffff, v22, v22  }
0x3f9: {  	v21 =	vperm.xlane v47, v0;
	v20 =	vmax.f32 v39, v20;
	(xrf1) =	vsort.ascd.msk.f32 $0xffff, v19, v19;
	v50, _, _ =	vpop (xrf1)  }
0x3fa: {  	v51 =	vperm.xlane v49, v0;
	v19 =	vmax.f32 v50, v23;
	(xrf1) =	vsort.ascd.msk.f32 $0xffff, v20, v20;
	v52, _, _ =	vpop (xrf1)  }
0x3fb: {  	v53 =	vperm.xlane v37, v0;
	v20 =	vmax.f32 v52, v21;
	v54, _, _ =	vpop (xrf1);
	(xrf1) =	vsort.ascd.msk.f32 $0xffff, v19, v19  }
0x3fc: {  	v55 =	vperm.xlane v41, v0;
	v21 =	vmax.f32 v54, v51;
	v56, _, _ =	vpop (xrf1);
	(xrf1) =	vsort.ascd.msk.f32 $0xffff, v20, v20  }
0x3fd: {  	v18 =	vperm.xlane v18, v0;
	s19 =	sor.u32 $0x1C58, s20;
	v57 =	vmax.f32 v56, v53;
	v58, _, _ =	vpop (xrf1);
	(xrf1) =	vsort.ascd.msk.f32 $0xffff, v21, v21  }
0x3fe: {  	v59 =	vperm.xlane v32, v0;
	v60 =	vld [tilespmem:s19+$0x8000];
	v19 =	vmax.f32 v58, v55;
	(xrf1) =	vsort.ascd.msk.f32 $0xffff, v57, v57;
	v61, _, _ =	vpop (xrf1)  }
0x3ff: {  	v12 =	vperm.xlane v12, v0;
	v16 =	vmax.f32 v16, v18;
	(xrf1) =	vsort.ascd.msk.f32 $0xffff, v19, v19;
	v62, _, _ =	vpop (xrf1)  }
0x400: {  	v10 =	vperm.xlane v10, v0;
	v15 =	vmax.f32 v15, v59;
	(xrf1) =	vsort.ascd.msk.f32 $0xffff, v16, v16;
	v63, _, _ =	vpop (xrf1)  }
0x401: {  	v3 =	vmax.f32 v3, v12;
	(xrf1) =	vsort.ascd.msk.f32 $0xffff, v15, v15;
	v19, _, _ =	vpop (xrf1)  }
0x402: {  	v4 =	vmax.f32 v4, v10;
	v21 =	vperm.xlane v13, v0;
	v23, _, _ =	vpop (xrf1);
	(xrf1) =	vsort.ascd.msk.f32 $0xffff, v3, v3  }
0x403: {  	v24 =	vsel vm0, $0xFF800000, v60;
	v3 =	vperm.xlane v14, v0;
	(xrf1) =	vsort.ascd.msk.f32 $0xffff, v4, v4;
	v25, _, _ =	vpop (xrf1)  }
0x404: {  	v2 =	vmax.f32 v2, v21;
	v27, _, _ =	vpop (xrf1);
	(xrf1) =	vsort.ascd.msk.f32 $0xffff, v24, v24  }
0x405: {  	v26 =	vperm.xlane v61, v0;
	v3 =	vmax.f32 v5, v3;
	v29, _, _ =	vpop (xrf1);
	(xrf1) =	vsort.ascd.msk.f32 $0xffff, v2, v2  }
0x406: {  	v28 =	vperm.xlane v62, v0;
	v30, _, _ =	vpop (xrf1);
	(xrf1) =	vsort.ascd.msk.f32 $0xffff, v3, v3;
	v3 =	vperm.xlane v23, v0  }
0x407: {  	v8 =	vmax.f32 v8, v26;
	v2 =	vperm.xlane v63, v0  }
0x408: {  	v9 =	vmax.f32 v9, v28;
	v31, _, _ =	vpop (xrf1);
	(xrf1) =	vsort.ascd.msk.f32 $0xffff, v8, v8;
	v3 =	vmax.f32 v17, v3  }
0x409: {  	v2 =	vmax.f32 v11, v2;
	v33, _, _ =	vpop (xrf1);
	(xrf1) =	vsort.ascd.msk.f32 $0xffff, v9, v9  }
0x40a: {  	v32 =	vperm.xlane v30, v0;
	v35, _, _ =	vpop (xrf1);
	(xrf1) =	vsort.ascd.msk.f32 $0xffff, v2, v2  }
0x40b: {  	v34 =	vperm.xlane v31, v0;
	(xrf1) =	vsort.ascd.msk.f32 $0xffff, v3, v3;
	v3, _, _ =	vpop (xrf1)  }
0x40c: {  	v8 =	vmax.f32 v19, v32;
	v2 =	vperm.xlane v35, v0;
	v37, _, _ =	vpop (xrf1)  }
0x40d: {  	v36 =	vperm.xlane v33, v0;
	v9 =	vmax.f32 v27, v34;
	(xrf1) =	vsort.ascd.msk.f32 $0xffff, v8, v8;
	v38, _, _ =	vpop (xrf1)  }
0x40e: {  	v3 =	vperm.xlane v3, v0;
	(xrf1) =	vsort.ascd.msk.f32 $0xffff, v9, v9;
	v2 =	vmax.f32 v37, v2;
	v39, _, _ =	vpop (xrf1)  }
0x40f: {  	v4 =	vperm.xlane v25, v0;
	v8 =	vmax.f32 v38, v36;
	(xrf1) =	vsort.ascd.msk.f32 $0xffff, v2, v2;
	v40, _, _ =	vpop (xrf1)  }
0x410: {  	v2 =	vperm.xlane v29, v0;
	v3 =	vmax.f32 v39, v3;
	(xrf1) =	vsort.ascd.msk.f32 $0xffff, v8, v8;
	v42, _, _ =	vpop (xrf1)  }
0x411: {  	v4 =	vmax.f32 v40, v4;
	(xrf1) =	vsort.ascd.msk.f32 $0xffff, v3, v3;
	v3 =	vperm.xlane v7, v0;
	v43, _, _ =	vpop (xrf1)  }
0x412: {  	v41 =	vperm.xlane v6, v0;
	v2 =	vmax.f32 v42, v2;
	(xrf1) =	vsort.ascd.msk.f32 $0xffff, v4, v4;
	v44, _, _ =	vpop (xrf1)  }
0x413: {  	(xrf1) =	vsort.ascd.msk.f32 $0xffff, v2, v2;
	v2 =	vmax.f32 v44, v3  }
0x414: {  	v1 =	vperm.xlane v1, v0;
	v4 =	vmax.f32 v43, v41  }
0x415: {  	(xrf1) =	vsort.ascd.msk.f32 $0xffff, v4, v4;
	v3, _, _ =	vpop (xrf1)  }
0x416: {  	(xrf1) =	vsort.ascd.msk.f32 $0xffff, v2, v2;
	v1 =	vmax.f32 v3, v1;
	v2, _, _ =	vpop (xrf1)  }
0x417: {  	v3, _, _ =	vpop (xrf1)  }
0x418: {  	v45, _, _ =	vpop (xrf1)  }
0x419: {  	(xrf1) =	vsort.ascd.msk.f32 $0xffff, v1, v1;
	v1, _, _ =	vpop (xrf1)  }
0x41a: {  	v46, _, _ =	vpop (xrf1)  }
0x41b: {  	v47, _, _ =	vpop (xrf1)  }
0x41c: {  	v48, _, _ =	vpop (xrf1)  }
0x41d: {  	v4 =	vperm.xlane v45, v0;
	v49, _, _ =	vpop (xrf1)  }
0x41e: {  	v7 =	vperm.xlane v48, v0;
	v50, _, _ =	vpop (xrf1)  }
0x41f: {  	v3 =	vmax.f32 v3, v4;
	v9 =	vperm.xlane v50, v0;
	v51, _, _ =	vpop (xrf1)  }
0x420: {  	v8 =	vperm.xlane v49, v0;
	(xrf1) =	vsort.ascd.msk.f32 $0xffff, v3, v3;
	v5 =	vmax.f32 v46, v7;
	v52, _, _ =	vpop (xrf1)  }
0x421: {  	v3 =	vperm.xlane v51, v0;
	(xrf1) =	vsort.ascd.msk.f32 $0xffff, v5, v5;
	v53 =	vmax.f32 v52, v9;
	v54, _, _ =	vpop (xrf1)  }
0x422: {  	v1 =	vperm.xlane v1, v0;
	v55 =	vmax.f32 v54, v8;
	v56, _, _ =	vpop (xrf1);
	(xrf1) =	vsort.ascd.msk.f32 $0xffff, v53, v53  }
0x423: {  	v57 =	vperm.xlane v47, v0;
	v3 =	vmax.f32 v56, v3;
	(xrf1) =	vsort.ascd.msk.f32 $0xffff, v55, v55;
	v58, _, _ =	vpop (xrf1)  }
0x424: {  	v1 =	vmax.f32 v58, v1;
	v59, _, _ =	vpop (xrf1);
	(xrf1) =	vsort.ascd.msk.f32 $0xffff, v3, v3  }
0x425: {  	v3 =	vmax.f32 v59, v57;
	(xrf1) =	vsort.ascd.msk.f32 $0xffff, v1, v1  }
0x426: {  	(xrf1) =	vsort.ascd.msk.f32 $0xffff, v3, v3  }
0x427: {  	v2 =	vperm.xlane v2, v0  }
0x428: {  	v1, _, _ =	vpop (xrf1)  }
0x429: {  	v1 =	vmax.f32 v1, v2  }
0x42a: {  	(xrf1) =	vsort.ascd.msk.f32 $0xffff, v1, v1;
	_ =	sdelay $0x3  }
0x42b: {  	v1, _, _ =	vpop (xrf1)  }
0x42c: {  	v2, _, _ =	vpop (xrf1)  }
0x42d: {  	v3, _, _ =	vpop (xrf1)  }
0x42e: {  	v3 =	vperm.xlane v3, v0;
	v60, _, _ =	vpop (xrf1)  }
0x42f: {  	v2 =	vperm.xlane v2, v0;
	v61, _, _ =	vpop (xrf1)  }
0x430: {  	v4 =	vperm.xlane v60, v0;
	v3 =	vmax.f32 v61, v3;
	v62, _, _ =	vpop (xrf1)  }
0x431: {  	v2 =	vmax.f32 v62, v2;
	v63, _, _ =	vpop (xrf1);
	(xrf1) =	vsort.ascd.msk.f32 $0xffff, v3, v3  }
0x432: {  	v3 =	vmax.f32 v63, v4;
	(xrf1) =	vsort.ascd.msk.f32 $0xffff, v2, v2  }
0x433: {  	(xrf1) =	vsort.ascd.msk.f32 $0xffff, v3, v3  }
0x434: {  	v1 =	vperm.xlane v1, v0  }
0x435: {  	v2, _, _ =	vpop (xrf1)  }
0x436: {  	v1 =	vmax.f32 v2, v1  }
0x437: {  	(xrf1) =	vsort.ascd.msk.f32 $0xffff, v1, v1;
	_ =	sdelay $0x7  }
0x438: {  	v1, _, _ =	vpop (xrf1)  }
0x439: {  	v1 =	vperm.xlane v1, v0;
	v2, _, _ =	vpop (xrf1)  }
0x43a: {  	v3, _, _ =	vpop (xrf1)  }
0x43b: {  	v1 =	vmax.f32 v3, v1;
	_ =	sdelay $0x1  }
0x43c: {  	v2 =	vperm.xlane v2, v0  }
0x43d: {  	(xrf1) =	vsort.ascd.msk.f32 $0xffff, v1, v1;
	v1, _, _ =	vpop (xrf1)  }
0x43e: {  	v1 =	vmax.f32 v1, v2  }
0x43f: {  	(xrf1) =	vsort.ascd.msk.f32 $0xffff, v1, v1;
	_ =	sdelay $0xb  }
0x440: {  	v1, _, _ =	vpop (xrf1)  }
0x441: {  	v1 =	vperm.xlane v1, v0  }
0x442: {  	v2, _, _ =	vpop (xrf1)  }
0x443: {  	v1 =	vmax.f32 v2, v1  }
0x444: {  	(xrf1) =	vsort.ascd.msk.f32 $0xffff, v1, v1;
	_ =	sdelay $0xd  }
0x445: {  	s18 =	sadd.s32 $0x10, s18;
	s16 =	sshll.u32 s16, $0x1;
	p0 =	sne.s32 s17, $0x8;
	v1, _, _ =	vpop (xrf1)  }
.Ltmp2:
0x446: {  	s16 =	sadd.s32 s4, s16;
	[tilespmem:s18+$0x0] =	vst v1;
	(pc) =	sbr.rel @p0 .LBB2_2-.Ltmp2, $4  }
0x447: {  	[hbm4b:s16+s2] =	stream.linear.scatter [tilespmem:s12], [sflag:$0x3], $0x200, $0x38;
	[tilespmem:$0x10200] =	vst v63  }
0x448: {  	_ =	swait.ge [sflag:s13], $0x200  }
0x449: {  	[sflag:s13] =	ssyncset.done $0x0  }
0x44a: {  	[sflag:s13] =	ssyncadd.s32 $0xFFFFFE00  }
0x44b: {  	s15 =	sadd.s32 $0x1, s15  }
0x44c: {  	p0 =	sne.s32 s15, s8  }
.Ltmp3:
0x44d: {  	_ = 	snop;
	(pc) =	sbr.rel @p0 .LBB2_1-.Ltmp3, $1  }
0x44e: {  	_ =	sdelay $0x3  }
0x44f: {  	_ =	sfence.sel $0x180000  }
0x450: {  	[bflag:$0x0] =	sbarrier.arrive $0xFFFF  }
0x451: {  	p0 =	sne.s32 s1, $0x0;
	_ =	strace $0x90000047  }
0x452: {  	s0 =	sadd.s32 @!p0 $0x100000, s0;
	[bflag:$0x2] =	sbarrier.arrive $0xFFFF  }
0x453: {  	[sflag:s0] =	ssyncadd.tile.s32 @!p0 $0x1;
	_ =	shalt  }
.Lfunc_end2:
_tile_overlayer_lowered:
.L_overlay_start_2:
0x454: {  	(tag) =	ssettag $0x2  }
0x455: {  	s0 =	rddreg [dreg:$0x0];
	s2 =	stileid.u32  }
0x456: {  	s1 =	rddreg [dreg:$0x1];
	p0 =	sne.s32 s2, $0x0  }
0x457: {  	s3 =	rddreg [dreg:$0x2];
	[bflag:$0x3] =	sbarrier.arrive $0xFFFF;
	s2 =	simm.s32 @!p0 $0x1C03  }
0x458: {  	[timem:s3], [sflag:s2] =	dma.local @!p0 [hbm:s0], s1  }
0x459: {  	s0 =	simm.s32 @!p0 $0x3  }
0x45a: {  	_ =	swait.ge @!p0 [sflag:s0], s1  }
0x45b: {  	s1 =	ssub.s32 @!p0 $0x0, s1;
	[sflag:s0] =	ssyncset.done @!p0 $0x0  }
0x45c: {  	[sflag:s0] =	ssyncadd.s32 @!p0 s1  }
0x45d: {  	[bflag:$0x3] =	sbarrier.arrive $0xFFFF  }
0x45e: {  	_ =	shalt  }

</sc_bundles>
